<compile_context>
chip_gen: v7x
topology: tpu7x:2x2x1
jax: 0.10.2.dev20260603
libtpu: 0.0.44.dev20260713+nightly
codegen_flags: <defaults>
</compile_context>

<pallas_src>
import jax
import jax.numpy as jnp
from jax import lax
from jax.experimental import pallas as pl
from jax.experimental.pallas import tpu as pltpu
from jax.experimental.pallas import tpu_sc as plsc

IN_DIM = 3
EMB = 32
STEPS_PER_DAY = 288
NC = 2
NS = 16
NW = NC * NS
L = 16

B, S, V = 64, 12, 1024
BT, BR = 8, 8
VT, VC = 8, 128
DT, DR = 12, 8
SLABS = S * BT
SLABS_PER_W = SLABS // NW


def _tec_body(x6, wb_hbm, bb_hbm, todf_hbm, dowf_hbm, out6,
              xb0, xb1, xb2, tmap, dmap, blk0, blk1, blk2,
              wv, bv, todv, dowv, semx, semt, sem0, sem1, sem2):
    wid = lax.axis_index("s") * NC + lax.axis_index("c")

    cp_tab = [
        pltpu.async_copy(wb_hbm, wv, semt),
        pltpu.async_copy(bb_hbm, bv, semt),
        pltpu.async_copy(todf_hbm, todv, semt),
        pltpu.async_copy(dowf_hbm, dowv, semt),
    ]
    for cp in cp_tab:
        cp.wait()

    blks = [blk0, blk1, blk2]
    sems = [sem0, sem1, sem2]

    def slab_body(k, carry):
        slab = wid * SLABS_PER_W + k
        s = slab // BT
        bt = slab % BT

        cpx = [
            pltpu.async_copy(x6.at[s, 0, bt], xb0, semx),
            pltpu.async_copy(x6.at[s, 1, bt], xb1, semx),
            pltpu.async_copy(x6.at[s, 2, bt], xb2, semx),
        ]
        for cp in cpx:
            cp.wait()

        def br_body(br, carry):
            b = bt * BR + br
            not_first = (k * BR + br) > 0

            @plsc.parallel_loop(0, VT * 8, unroll=2)
            def idx_body(g2):
                vt = g2 // 8
                g = g2 % 8
                x1v = xb1[vt, br, pl.ds(g * L, L)]
                x2v = xb2[vt, br, pl.ds(g * L, L)]
                tmap[pl.ds(g2 * L, L)] = (x1v * float(STEPS_PER_DAY)).astype(jnp.int32)
                dmap[pl.ds(g2 * L, L)] = x2v.astype(jnp.int32)

            for dt in range(DT):
                blk = blks[dt % 3]
                if dt >= 3:
                    pltpu.make_async_copy(blk, out6.at[b, s, dt - 3],
                                          sems[dt % 3]).wait()
                else:
                    @pl.when(not_first)
                    def _():
                        pltpu.make_async_copy(blk, out6.at[b, s, dt],
                                              sems[dt % 3]).wait()
                if dt < 4:
                    wrows = [[wv[dt * DR + dr, j] for j in range(IN_DIM)]
                             for dr in range(DR)]
                    brows = [bv[dt * DR + dr] for dr in range(DR)]

                    @plsc.parallel_loop(0, VT * 8, unroll=2)
                    def feat_body(g2):
                        vt = g2 // 8
                        g = g2 % 8
                        x0v = xb0[vt, br, pl.ds(g * L, L)]
                        x1v = xb1[vt, br, pl.ds(g * L, L)]
                        x2v = xb2[vt, br, pl.ds(g * L, L)]
                        fs = [w[0] * x0v + w[1] * x1v + w[2] * x2v + bd
                              for w, bd in zip(wrows, brows)]
                        for dr in range(DR):
                            blk[vt, dr, pl.ds(g * L, L)] = fs[dr]
                elif dt < 8:
                    dbase = (dt - 4) * DR
                    tabs = [todv.at[pl.ds((dbase + dr) * STEPS_PER_DAY,
                                          STEPS_PER_DAY)]
                            for dr in range(DR)]

                    @plsc.parallel_loop(0, VT * 8, unroll=2)
                    def gat_body(g2):
                        vt = g2 // 8
                        g = g2 % 8
                        iv = tmap[pl.ds(g2 * L, L)]
                        rs = [plsc.load_gather(tabs[dr], [iv])
                              for dr in range(DR)]
                        for dr in range(DR):
                            blk[vt, dr, pl.ds(g * L, L)] = rs[dr]
                else:
                    dbase = (dt - 8) * DR
                    rowregs = [dowv[pl.ds((dbase + dr) * 8, L)]
                               for dr in range(DR)]
                    dnums = lax.GatherDimensionNumbers(
                        offset_dims=(), collapsed_slice_dims=(0,),
                        start_index_map=(0,))

                    @plsc.parallel_loop(0, VT * 8, unroll=2)
                    def dow_body(g2):
                        vt = g2 // 8
                        g = g2 % 8
                        iv = dmap[pl.ds(g2 * L, L)]
                        rs = [lax.gather(
                                  rowregs[dr], iv[:, None], dnums, (1,),
                                  mode=lax.GatherScatterMode.PROMISE_IN_BOUNDS)
                              for dr in range(DR)]
                        for dr in range(DR):
                            blk[vt, dr, pl.ds(g * L, L)] = rs[dr]

                pltpu.async_copy(blk, out6.at[b, s, dt], sems[dt % 3])
            return carry
        lax.fori_loop(0, BR, br_body, 0)
        return carry

    lax.fori_loop(0, SLABS_PER_W, slab_body, 0)

    for j in range(3):
        pltpu.make_async_copy(blks[j], out6.at[0, 0, DT - 3 + j], sems[j]).wait()


def kernel(x, W, b, tod_table, dow_table):
    x6 = (x.transpose(1, 3, 0, 2)
           .reshape(S, IN_DIM, BT, BR, VT, VC)
           .transpose(0, 1, 2, 4, 3, 5))
    wb = jnp.broadcast_to(W[:, :, None], (EMB, IN_DIM, L))
    bb = jnp.broadcast_to(b[:, None], (EMB, L))
    todf = tod_table.T.reshape(STEPS_PER_DAY * EMB)
    dowf = jnp.pad(dow_table.T, ((0, 0), (0, 1))).reshape(8 * EMB)
    dowf = jnp.pad(dowf, (0, L))

    mesh = plsc.VectorSubcoreMesh(core_axis_name="c", subcore_axis_name="s")
    run = pl.kernel(
        _tec_body,
        out_type=jax.ShapeDtypeStruct((B, S, DT, VT, DR, VC), jnp.float32),
        mesh=mesh,
        compiler_params=pltpu.CompilerParams(needs_layout_passes=False,
                                             use_tc_tiling_on_sc=False),
        scratch_types=[
            pltpu.VMEM((VT, BR, VC), jnp.float32),
            pltpu.VMEM((VT, BR, VC), jnp.float32),
            pltpu.VMEM((VT, BR, VC), jnp.float32),
            pltpu.VMEM((V,), jnp.int32),
            pltpu.VMEM((V,), jnp.int32),
            pltpu.VMEM((VT, DR, VC), jnp.float32),
            pltpu.VMEM((VT, DR, VC), jnp.float32),
            pltpu.VMEM((VT, DR, VC), jnp.float32),
            pltpu.VMEM((EMB, IN_DIM, L), jnp.float32),
            pltpu.VMEM((EMB, L), jnp.float32),
            pltpu.VMEM((STEPS_PER_DAY * EMB,), jnp.float32),
            pltpu.VMEM((8 * EMB + L,), jnp.float32),
            pltpu.SemaphoreType.DMA,
            pltpu.SemaphoreType.DMA,
            pltpu.SemaphoreType.DMA,
            pltpu.SemaphoreType.DMA,
            pltpu.SemaphoreType.DMA,
        ],
    )
    out6 = run(x6, wb, bb, todf, dowf)
    return (out6.transpose(0, 1, 3, 5, 2, 4)
                .reshape(B, S, V, IN_DIM * EMB))

# --- scband reference (transcript-rebuilt; emitter-appended) ---
"""Pipeline reference for scband-temporal-embedding-25555055411711 (READ-ONLY COPY).

The authoritative reference and input builder live on the scoring server;
editing this copy changes nothing except your own understanding.
"""

import jax, jax.numpy as jnp
import numpy as np

IN_DIM = 3
EMB_DIM = 32
STEPS_PER_DAY = 288

def setup_inputs(seed: int = 0) -> dict:
    key = jax.random.key(seed)
    k1, k2, k3, k4, k5 = jax.random.split(key, 5)
    x = jax.random.uniform(k1, (64, 12, 1024, 3), dtype=jnp.float32)
    W = jax.random.normal(k2, (EMB_DIM, IN_DIM), dtype=jnp.float32) * (1.0 / np.sqrt(IN_DIM))
    b = jnp.zeros((EMB_DIM,), dtype=jnp.float32)
    tod_table = jax.random.normal(k3, (STEPS_PER_DAY, EMB_DIM), dtype=jnp.float32)
    dow_table = jax.random.normal(k4, (7, EMB_DIM), dtype=jnp.float32)
    return {"x": x, "W": W, "b": b, "tod_table": tod_table, "dow_table": dow_table}

def reference(x, W, b, tod_table, dow_table):
    feat = x[..., :IN_DIM]
    feat_emb = jnp.einsum('...i,oi->...o', feat, W) + b
    tod_idx = (x[..., 1] * STEPS_PER_DAY).astype(jnp.int32)
    tod_emb = jnp.take(tod_table, tod_idx, axis=0)
    dow_idx = x[..., 2].astype(jnp.int32)
    dow_emb = jnp.take(dow_table, dow_idx, axis=0)
    return jnp.concatenate([feat_emb, tod_emb, dow_emb], axis=-1)

if __name__ == "__main__":
    import jax
    _d = setup_inputs()
    print(jax.jit(kernel)(*tuple(_d.values())))

</pallas_src>

<mosaic_0001>
#map = affine_map<(d0, d1) -> (0, 0, 0, 0, 0, 0)>
#map1 = affine_map<(d0, d1) -> (0, 0, 0)>
#map2 = affine_map<(d0, d1) -> (0, 0)>
#map3 = affine_map<(d0, d1) -> (0)>
module attributes {stable_mosaic.version = 14 : i64} {
  func.func @_tec_body(%arg0: i32, %arg1: i32, %arg2: memref<12x3x8x8x8x128xf32, #tpu.memory_space<hbm>>, %arg3: memref<32x3x16xf32, #tpu.memory_space<hbm>>, %arg4: memref<32x16xf32, #tpu.memory_space<hbm>>, %arg5: memref<9216xf32, #tpu.memory_space<hbm>>, %arg6: memref<272xf32, #tpu.memory_space<hbm>>, %arg7: memref<64x12x12x8x8x128xf32, #tpu.memory_space<hbm>>, %arg8: memref<8x8x128xf32, #tpu.memory_space<vmem>>, %arg9: memref<8x8x128xf32, #tpu.memory_space<vmem>>, %arg10: memref<8x8x128xf32, #tpu.memory_space<vmem>>, %arg11: memref<1024xi32, #tpu.memory_space<vmem>>, %arg12: memref<1024xi32, #tpu.memory_space<vmem>>, %arg13: memref<8x8x128xf32, #tpu.memory_space<vmem>>, %arg14: memref<8x8x128xf32, #tpu.memory_space<vmem>>, %arg15: memref<8x8x128xf32, #tpu.memory_space<vmem>>, %arg16: memref<32x3x16xf32, #tpu.memory_space<vmem>>, %arg17: memref<32x16xf32, #tpu.memory_space<vmem>>, %arg18: memref<9216xf32, #tpu.memory_space<vmem>>, %arg19: memref<272xf32, #tpu.memory_space<vmem>>, %arg20: memref<!tpu.dma_semaphore, #tpu.memory_space<semaphore_mem>>, %arg21: memref<!tpu.dma_semaphore, #tpu.memory_space<semaphore_mem>>, %arg22: memref<!tpu.dma_semaphore, #tpu.memory_space<semaphore_mem>>, %arg23: memref<!tpu.dma_semaphore, #tpu.memory_space<semaphore_mem>>, %arg24: memref<!tpu.dma_semaphore, #tpu.memory_space<semaphore_mem>>) attributes {dimension_semantics = [#tpu.dimension_semantics<core_parallel>, #tpu.dimension_semantics<subcore_parallel>], iteration_bounds = array<i64: 2, 16>, scalar_prefetch = 0 : i64, scratch_operands = 17 : i64, tpu.core_type = #tpu.core_type<sc_vector_subcore>, window_params = [{transform_indices = #map}, {transform_indices = #map1}, {transform_indices = #map2}, {transform_indices = #map3}, {transform_indices = #map3}, {transform_indices = #map}]} {
    %mul3A = arith.constant 2 : i32
    %mul3A_0 = arith.muli %arg1, %mul3A : i32
    %add3A = arith.addi %mul3A_0, %arg0 : i32
    tpu.enqueue_dma source(%arg3 : memref<32x3x16xf32, #tpu.memory_space<hbm>>) target(%arg16 : memref<32x3x16xf32, #tpu.memory_space<vmem>>) target_semaphore(%arg21 : memref<!tpu.dma_semaphore, #tpu.memory_space<semaphore_mem>>)
    tpu.enqueue_dma source(%arg4 : memref<32x16xf32, #tpu.memory_space<hbm>>) target(%arg17 : memref<32x16xf32, #tpu.memory_space<vmem>>) target_semaphore(%arg21 : memref<!tpu.dma_semaphore, #tpu.memory_space<semaphore_mem>>)
    tpu.enqueue_dma source(%arg5 : memref<9216xf32, #tpu.memory_space<hbm>>) target(%arg18 : memref<9216xf32, #tpu.memory_space<vmem>>) target_semaphore(%arg21 : memref<!tpu.dma_semaphore, #tpu.memory_space<semaphore_mem>>)
    tpu.enqueue_dma source(%arg6 : memref<272xf32, #tpu.memory_space<hbm>>) target(%arg19 : memref<272xf32, #tpu.memory_space<vmem>>) target_semaphore(%arg21 : memref<!tpu.dma_semaphore, #tpu.memory_space<semaphore_mem>>)
    tpu.wait_dma2 semaphore(%arg21 : memref<!tpu.dma_semaphore, #tpu.memory_space<semaphore_mem>>) src(%arg3 : memref<32x3x16xf32, #tpu.memory_space<hbm>>) dst(%arg16 : memref<32x3x16xf32, #tpu.memory_space<vmem>>)
    tpu.wait_dma2 semaphore(%arg21 : memref<!tpu.dma_semaphore, #tpu.memory_space<semaphore_mem>>) src(%arg4 : memref<32x16xf32, #tpu.memory_space<hbm>>) dst(%arg17 : memref<32x16xf32, #tpu.memory_space<vmem>>)
    tpu.wait_dma2 semaphore(%arg21 : memref<!tpu.dma_semaphore, #tpu.memory_space<semaphore_mem>>) src(%arg5 : memref<9216xf32, #tpu.memory_space<hbm>>) dst(%arg18 : memref<9216xf32, #tpu.memory_space<vmem>>)
    tpu.wait_dma2 semaphore(%arg21 : memref<!tpu.dma_semaphore, #tpu.memory_space<semaphore_mem>>) src(%arg6 : memref<272xf32, #tpu.memory_space<hbm>>) dst(%arg19 : memref<272xf32, #tpu.memory_space<vmem>>)
    %scan3A = arith.constant 0 : i32
    %scan3A_1 = arith.constant 0 : i32
    %scan3A_2 = arith.constant 3 : i32
    %scan3A_3 = arith.addi %scan3A_1, %scan3A_2 : i32
    %scan3A_4 = arith.constant 1 : i32
    scf.for %scan3A_44 = %scan3A_1 to %scan3A_3 step %scan3A_4  : i32 {
      %mul3A_45 = arith.constant 3 : i32
      %mul3A_46 = arith.muli %add3A, %mul3A_45 : i32
      %add3A_47 = arith.addi %mul3A_46, %scan3A_44 : i32
      %jit3A = arith.constant 8 : i32
      %div3A = arith.divsi %add3A_47, %jit3A : i32
      %sign3A = arith.constant 0 : i32
      %sign3A_48 = arith.cmpi sgt, %add3A_47, %sign3A : i32
      %sign3A_49 = arith.extui %sign3A_48 : i1 to i32
      %sign3A_50 = arith.constant 0 : i32
      %sign3A_51 = arith.cmpi slt, %add3A_47, %sign3A_50 : i32
      %sign3A_52 = arith.extui %sign3A_51 : i1 to i32
      %sign3A_53 = arith.subi %sign3A_49, %sign3A_52 : i32
      %sign3A_54 = arith.constant 0 : i32
      %sign3A_55 = arith.cmpi sgt, %jit3A, %sign3A_54 : i32
      %sign3A_56 = arith.extui %sign3A_55 : i1 to i32
      %sign3A_57 = arith.constant 0 : i32
      %sign3A_58 = arith.cmpi slt, %jit3A, %sign3A_57 : i32
      %sign3A_59 = arith.extui %sign3A_58 : i1 to i32
      %sign3A_60 = arith.subi %sign3A_56, %sign3A_59 : i32
      %ne3A = arith.cmpi ne, %sign3A_53, %sign3A_60 : i32
      %rem3A = arith.remsi %add3A_47, %jit3A : i32
      %ne3A_61 = arith.constant 0 : i32
      %ne3A_62 = arith.cmpi ne, %rem3A, %ne3A_61 : i32
      %and3A = arith.andi %ne3A, %ne3A_62 : i1
      %sub3A = arith.constant 1 : i32
      %sub3A_63 = arith.subi %div3A, %sub3A : i32
      %select_n3A = arith.select %and3A, %sub3A_63, %div3A : i32
      %jit3A_64 = arith.constant 8 : i32
      %eq3A = arith.constant 0 : i32
      %eq3A_65 = arith.cmpi eq, %jit3A_64, %eq3A : i32
      %jit3A_66 = arith.constant 1 : i32
      %select_n3A_67 = arith.select %eq3A_65, %jit3A_66, %jit3A_64 : i32
      %rem3A_68 = arith.remsi %add3A_47, %select_n3A_67 : i32
      %ne3A_69 = arith.constant 0 : i32
      %ne3A_70 = arith.cmpi ne, %rem3A_68, %ne3A_69 : i32
      %lt3A = arith.constant 0 : i32
      %lt3A_71 = arith.cmpi slt, %rem3A_68, %lt3A : i32
      %lt3A_72 = arith.constant 0 : i32
      %lt3A_73 = arith.cmpi slt, %select_n3A_67, %lt3A_72 : i32
      %ne3A_74 = arith.xori %lt3A_71, %lt3A_73 : i1
      %and3A_75 = arith.andi %ne3A_74, %ne3A_70 : i1
      %add3A_76 = arith.addi %rem3A_68, %select_n3A_67 : i32
      %select_n3A_77 = arith.select %and3A_75, %add3A_76, %rem3A_68 : i32
      %dma_start3A = arith.constant 0 : i32
      %dma_start3A_78 = arith.constant 0 : i32
      %dma_start3A_79 = arith.constant 0 : i32
      %dma_start3A_80 = arith.constant 0 : i32
      %dma_start3A_81 = tpu.memref_slice %arg2[%select_n3A, %dma_start3A, %select_n3A_77, %dma_start3A_78, %dma_start3A_79, %dma_start3A_80] : memref<12x3x8x8x8x128xf32, #tpu.memory_space<hbm>> -> memref<1x1x1x8x8x128xf32, #tpu.memory_space<hbm>>
      %dma_start3A_82 = tpu.memref_squeeze %dma_start3A_81 : memref<1x1x1x8x8x128xf32, #tpu.memory_space<hbm>> -> memref<8x8x128xf32, #tpu.memory_space<hbm>>
      %dma_start3A_83 = arith.constant 0 : i32
      %dma_start3A_84 = arith.constant 0 : i32
      %dma_start3A_85 = arith.constant 0 : i32
      %dma_start3A_86 = tpu.memref_slice %arg2[%select_n3A, %dma_start3A, %select_n3A_77, %dma_start3A_83, %dma_start3A_84, %dma_start3A_85] : memref<12x3x8x8x8x128xf32, #tpu.memory_space<hbm>> -> memref<1x1x1x8x8x128xf32, #tpu.memory_space<hbm>>
      %dma_start3A_87 = tpu.memref_squeeze %dma_start3A_86 : memref<1x1x1x8x8x128xf32, #tpu.memory_space<hbm>> -> memref<8x8x128xf32, #tpu.memory_space<hbm>>
      tpu.enqueue_dma source(%dma_start3A_87 : memref<8x8x128xf32, #tpu.memory_space<hbm>>) target(%arg8 : memref<8x8x128xf32, #tpu.memory_space<vmem>>) target_semaphore(%arg20 : memref<!tpu.dma_semaphore, #tpu.memory_space<semaphore_mem>>)
      %dma_start3A_88 = arith.constant 1 : i32
      %dma_start3A_89 = arith.constant 0 : i32
      %dma_start3A_90 = arith.constant 0 : i32
      %dma_start3A_91 = arith.constant 0 : i32
      %dma_start3A_92 = tpu.memref_slice %arg2[%select_n3A, %dma_start3A_88, %select_n3A_77, %dma_start3A_89, %dma_start3A_90, %dma_start3A_91] : memref<12x3x8x8x8x128xf32, #tpu.memory_space<hbm>> -> memref<1x1x1x8x8x128xf32, #tpu.memory_space<hbm>>
      %dma_start3A_93 = tpu.memref_squeeze %dma_start3A_92 : memref<1x1x1x8x8x128xf32, #tpu.memory_space<hbm>> -> memref<8x8x128xf32, #tpu.memory_space<hbm>>
      %dma_start3A_94 = arith.constant 0 : i32
      %dma_start3A_95 = arith.constant 0 : i32
      %dma_start3A_96 = arith.constant 0 : i32
      %dma_start3A_97 = tpu.memref_slice %arg2[%select_n3A, %dma_start3A_88, %select_n3A_77, %dma_start3A_94, %dma_start3A_95, %dma_start3A_96] : memref<12x3x8x8x8x128xf32, #tpu.memory_space<hbm>> -> memref<1x1x1x8x8x128xf32, #tpu.memory_space<hbm>>
      %dma_start3A_98 = tpu.memref_squeeze %dma_start3A_97 : memref<1x1x1x8x8x128xf32, #tpu.memory_space<hbm>> -> memref<8x8x128xf32, #tpu.memory_space<hbm>>
      tpu.enqueue_dma source(%dma_start3A_98 : memref<8x8x128xf32, #tpu.memory_space<hbm>>) target(%arg9 : memref<8x8x128xf32, #tpu.memory_space<vmem>>) target_semaphore(%arg20 : memref<!tpu.dma_semaphore, #tpu.memory_space<semaphore_mem>>)
      %dma_start3A_99 = arith.constant 2 : i32
      %dma_start3A_100 = arith.constant 0 : i32
      %dma_start3A_101 = arith.constant 0 : i32
      %dma_start3A_102 = arith.constant 0 : i32
      %dma_start3A_103 = tpu.memref_slice %arg2[%select_n3A, %dma_start3A_99, %select_n3A_77, %dma_start3A_100, %dma_start3A_101, %dma_start3A_102] : memref<12x3x8x8x8x128xf32, #tpu.memory_space<hbm>> -> memref<1x1x1x8x8x128xf32, #tpu.memory_space<hbm>>
      %dma_start3A_104 = tpu.memref_squeeze %dma_start3A_103 : memref<1x1x1x8x8x128xf32, #tpu.memory_space<hbm>> -> memref<8x8x128xf32, #tpu.memory_space<hbm>>
      %dma_start3A_105 = arith.constant 0 : i32
      %dma_start3A_106 = arith.constant 0 : i32
      %dma_start3A_107 = arith.constant 0 : i32
      %dma_start3A_108 = tpu.memref_slice %arg2[%select_n3A, %dma_start3A_99, %select_n3A_77, %dma_start3A_105, %dma_start3A_106, %dma_start3A_107] : memref<12x3x8x8x8x128xf32, #tpu.memory_space<hbm>> -> memref<1x1x1x8x8x128xf32, #tpu.memory_space<hbm>>
      %dma_start3A_109 = tpu.memref_squeeze %dma_start3A_108 : memref<1x1x1x8x8x128xf32, #tpu.memory_space<hbm>> -> memref<8x8x128xf32, #tpu.memory_space<hbm>>
      tpu.enqueue_dma source(%dma_start3A_109 : memref<8x8x128xf32, #tpu.memory_space<hbm>>) target(%arg10 : memref<8x8x128xf32, #tpu.memory_space<vmem>>) target_semaphore(%arg20 : memref<!tpu.dma_semaphore, #tpu.memory_space<semaphore_mem>>)
      %dma_wait3A_110 = arith.constant 0 : i32
      %dma_wait3A_111 = arith.constant 0 : i32
      %dma_wait3A_112 = arith.constant 0 : i32
      %dma_wait3A_113 = arith.constant 0 : i32
      %dma_wait3A_114 = tpu.memref_slice %arg2[%select_n3A, %dma_wait3A_110, %select_n3A_77, %dma_wait3A_111, %dma_wait3A_112, %dma_wait3A_113] : memref<12x3x8x8x8x128xf32, #tpu.memory_space<hbm>> -> memref<1x1x1x8x8x128xf32, #tpu.memory_space<hbm>>
      %dma_wait3A_115 = tpu.memref_squeeze %dma_wait3A_114 : memref<1x1x1x8x8x128xf32, #tpu.memory_space<hbm>> -> memref<8x8x128xf32, #tpu.memory_space<hbm>>
      %dma_wait3A_116 = arith.constant 0 : i32
      %dma_wait3A_117 = arith.constant 0 : i32
      %dma_wait3A_118 = arith.constant 0 : i32
      %dma_wait3A_119 = tpu.memref_slice %arg2[%select_n3A, %dma_wait3A_110, %select_n3A_77, %dma_wait3A_116, %dma_wait3A_117, %dma_wait3A_118] : memref<12x3x8x8x8x128xf32, #tpu.memory_space<hbm>> -> memref<1x1x1x8x8x128xf32, #tpu.memory_space<hbm>>
      %dma_wait3A_120 = tpu.memref_squeeze %dma_wait3A_119 : memref<1x1x1x8x8x128xf32, #tpu.memory_space<hbm>> -> memref<8x8x128xf32, #tpu.memory_space<hbm>>
      tpu.wait_dma2 semaphore(%arg20 : memref<!tpu.dma_semaphore, #tpu.memory_space<semaphore_mem>>) src(%dma_wait3A_120 : memref<8x8x128xf32, #tpu.memory_space<hbm>>) dst(%arg8 : memref<8x8x128xf32, #tpu.memory_space<vmem>>)
      %dma_wait3A_121 = arith.constant 1 : i32
      %dma_wait3A_122 = arith.constant 0 : i32
      %dma_wait3A_123 = arith.constant 0 : i32
      %dma_wait3A_124 = arith.constant 0 : i32
      %dma_wait3A_125 = tpu.memref_slice %arg2[%select_n3A, %dma_wait3A_121, %select_n3A_77, %dma_wait3A_122, %dma_wait3A_123, %dma_wait3A_124] : memref<12x3x8x8x8x128xf32, #tpu.memory_space<hbm>> -> memref<1x1x1x8x8x128xf32, #tpu.memory_space<hbm>>
      %dma_wait3A_126 = tpu.memref_squeeze %dma_wait3A_125 : memref<1x1x1x8x8x128xf32, #tpu.memory_space<hbm>> -> memref<8x8x128xf32, #tpu.memory_space<hbm>>
      %dma_wait3A_127 = arith.constant 0 : i32
      %dma_wait3A_128 = arith.constant 0 : i32
      %dma_wait3A_129 = arith.constant 0 : i32
      %dma_wait3A_130 = tpu.memref_slice %arg2[%select_n3A, %dma_wait3A_121, %select_n3A_77, %dma_wait3A_127, %dma_wait3A_128, %dma_wait3A_129] : memref<12x3x8x8x8x128xf32, #tpu.memory_space<hbm>> -> memref<1x1x1x8x8x128xf32, #tpu.memory_space<hbm>>
      %dma_wait3A_131 = tpu.memref_squeeze %dma_wait3A_130 : memref<1x1x1x8x8x128xf32, #tpu.memory_space<hbm>> -> memref<8x8x128xf32, #tpu.memory_space<hbm>>
      tpu.wait_dma2 semaphore(%arg20 : memref<!tpu.dma_semaphore, #tpu.memory_space<semaphore_mem>>) src(%dma_wait3A_131 : memref<8x8x128xf32, #tpu.memory_space<hbm>>) dst(%arg9 : memref<8x8x128xf32, #tpu.memory_space<vmem>>)
      %dma_wait3A_132 = arith.constant 2 : i32
      %dma_wait3A_133 = arith.constant 0 : i32
      %dma_wait3A_134 = arith.constant 0 : i32
      %dma_wait3A_135 = arith.constant 0 : i32
      %dma_wait3A_136 = tpu.memref_slice %arg2[%select_n3A, %dma_wait3A_132, %select_n3A_77, %dma_wait3A_133, %dma_wait3A_134, %dma_wait3A_135] : memref<12x3x8x8x8x128xf32, #tpu.memory_space<hbm>> -> memref<1x1x1x8x8x128xf32, #tpu.memory_space<hbm>>
      %dma_wait3A_137 = tpu.memref_squeeze %dma_wait3A_136 : memref<1x1x1x8x8x128xf32, #tpu.memory_space<hbm>> -> memref<8x8x128xf32, #tpu.memory_space<hbm>>
      %dma_wait3A_138 = arith.constant 0 : i32
      %dma_wait3A_139 = arith.constant 0 : i32
      %dma_wait3A_140 = arith.constant 0 : i32
      %dma_wait3A_141 = tpu.memref_slice %arg2[%select_n3A, %dma_wait3A_132, %select_n3A_77, %dma_wait3A_138, %dma_wait3A_139, %dma_wait3A_140] : memref<12x3x8x8x8x128xf32, #tpu.memory_space<hbm>> -> memref<1x1x1x8x8x128xf32, #tpu.memory_space<hbm>>
      %dma_wait3A_142 = tpu.memref_squeeze %dma_wait3A_141 : memref<1x1x1x8x8x128xf32, #tpu.memory_space<hbm>> -> memref<8x8x128xf32, #tpu.memory_space<hbm>>
      tpu.wait_dma2 semaphore(%arg20 : memref<!tpu.dma_semaphore, #tpu.memory_space<semaphore_mem>>) src(%dma_wait3A_142 : memref<8x8x128xf32, #tpu.memory_space<hbm>>) dst(%arg10 : memref<8x8x128xf32, #tpu.memory_space<vmem>>)
      %scan3A_143 = arith.constant 0 : i32
      %scan3A_144 = arith.constant 0 : i32
      %scan3A_145 = arith.constant 8 : i32
      %scan3A_146 = arith.addi %scan3A_144, %scan3A_145 : i32
      %scan3A_147 = arith.constant 1 : i32
      scf.for %scan3A_149 = %scan3A_144 to %scan3A_146 step %scan3A_147  : i32 {
        %mul3A_150 = arith.constant 8 : i32
        %mul3A_151 = arith.muli %select_n3A_77, %mul3A_150 : i32
        %add3A_152 = arith.addi %mul3A_151, %scan3A_149 : i32
        %mul3A_153 = arith.constant 8 : i32
        %mul3A_154 = arith.muli %scan3A_44, %mul3A_153 : i32
        %add3A_155 = arith.addi %mul3A_154, %scan3A_149 : i32
        %gt3A = arith.constant 0 : i32
        %gt3A_156 = arith.cmpi sgt, %add3A_155, %gt3A : i32
        %parallel_loop3A = arith.constant 0 : i32
        %parallel_loop3A_157 = arith.constant 64 : i32
        %parallel_loop3A_158 = arith.constant 1 : i32
        scf.for %parallel_loop3A_1200 = %parallel_loop3A to %parallel_loop3A_157 step %parallel_loop3A_158  : i32 {
          %parallel_loop3A_1201 = arith.constant 8 : i32
          %parallel_loop3A_1202 = arith.divsi %parallel_loop3A_1200, %parallel_loop3A_1201 : i32
          %parallel_loop3A_1203 = arith.constant 0 : i32
          %parallel_loop3A_1204 = arith.cmpi sgt, %parallel_loop3A_1200, %parallel_loop3A_1203 : i32
          %parallel_loop3A_1205 = arith.extui %parallel_loop3A_1204 : i1 to i32
          %parallel_loop3A_1206 = arith.constant 0 : i32
          %parallel_loop3A_1207 = arith.cmpi slt, %parallel_loop3A_1200, %parallel_loop3A_1206 : i32
          %parallel_loop3A_1208 = arith.extui %parallel_loop3A_1207 : i1 to i32
          %parallel_loop3A_1209 = arith.subi %parallel_loop3A_1205, %parallel_loop3A_1208 : i32
          %parallel_loop3A_1210 = arith.constant 0 : i32
          %parallel_loop3A_1211 = arith.cmpi sgt, %parallel_loop3A_1201, %parallel_loop3A_1210 : i32
          %parallel_loop3A_1212 = arith.extui %parallel_loop3A_1211 : i1 to i32
          %parallel_loop3A_1213 = arith.constant 0 : i32
          %parallel_loop3A_1214 = arith.cmpi slt, %parallel_loop3A_1201, %parallel_loop3A_1213 : i32
          %parallel_loop3A_1215 = arith.extui %parallel_loop3A_1214 : i1 to i32
          %parallel_loop3A_1216 = arith.subi %parallel_loop3A_1212, %parallel_loop3A_1215 : i32
          %parallel_loop3A_1217 = arith.cmpi ne, %parallel_loop3A_1209, %parallel_loop3A_1216 : i32
          %parallel_loop3A_1218 = arith.remsi %parallel_loop3A_1200, %parallel_loop3A_1201 : i32
          %parallel_loop3A_1219 = arith.constant 0 : i32
          %parallel_loop3A_1220 = arith.cmpi ne, %parallel_loop3A_1218, %parallel_loop3A_1219 : i32
          %parallel_loop3A_1221 = arith.andi %parallel_loop3A_1217, %parallel_loop3A_1220 : i1
          %parallel_loop3A_1222 = arith.constant 1 : i32
          %parallel_loop3A_1223 = arith.subi %parallel_loop3A_1202, %parallel_loop3A_1222 : i32
          %parallel_loop3A_1224 = arith.select %parallel_loop3A_1221, %parallel_loop3A_1223, %parallel_loop3A_1202 : i32
          %parallel_loop3A_1225 = arith.constant 8 : i32
          %parallel_loop3A_1226 = arith.constant 0 : i32
          %parallel_loop3A_1227 = arith.cmpi eq, %parallel_loop3A_1225, %parallel_loop3A_1226 : i32
          %parallel_loop3A_1228 = arith.constant 1 : i32
          %parallel_loop3A_1229 = arith.select %parallel_loop3A_1227, %parallel_loop3A_1228, %parallel_loop3A_1225 : i32
          %parallel_loop3A_1230 = arith.remsi %parallel_loop3A_1200, %parallel_loop3A_1229 : i32
          %parallel_loop3A_1231 = arith.constant 0 : i32
          %parallel_loop3A_1232 = arith.cmpi ne, %parallel_loop3A_1230, %parallel_loop3A_1231 : i32
          %parallel_loop3A_1233 = arith.constant 0 : i32
          %parallel_loop3A_1234 = arith.cmpi slt, %parallel_loop3A_1230, %parallel_loop3A_1233 : i32
          %parallel_loop3A_1235 = arith.constant 0 : i32
          %parallel_loop3A_1236 = arith.cmpi slt, %parallel_loop3A_1229, %parallel_loop3A_1235 : i32
          %parallel_loop3A_1237 = arith.xori %parallel_loop3A_1234, %parallel_loop3A_1236 : i1
          %parallel_loop3A_1238 = arith.andi %parallel_loop3A_1237, %parallel_loop3A_1232 : i1
          %parallel_loop3A_1239 = arith.addi %parallel_loop3A_1230, %parallel_loop3A_1229 : i32
          %parallel_loop3A_1240 = arith.select %parallel_loop3A_1238, %parallel_loop3A_1239, %parallel_loop3A_1230 : i32
          %parallel_loop3A_1241 = arith.constant 16 : i32
          %parallel_loop3A_1242 = arith.muli %parallel_loop3A_1240, %parallel_loop3A_1241 : i32
          %parallel_loop3A_1243 = arith.index_cast %parallel_loop3A_1224 : i32 to index
          %parallel_loop3A_1244 = arith.index_cast %scan3A_149 : i32 to index
          %parallel_loop3A_1245 = arith.index_cast %parallel_loop3A_1242 : i32 to index
          %parallel_loop3A_1246 = tpu.vector_load %arg9[%parallel_loop3A_1243, %parallel_loop3A_1244, %parallel_loop3A_1245] {strides = array<i32>} : memref<8x8x128xf32, #tpu.memory_space<vmem>>, vector<16xf32>,
          %parallel_loop3A_1247 = arith.constant 16 : i32
          %parallel_loop3A_1248 = arith.muli %parallel_loop3A_1240, %parallel_loop3A_1247 : i32
          %parallel_loop3A_1249 = arith.index_cast %parallel_loop3A_1224 : i32 to index
          %parallel_loop3A_1250 = arith.index_cast %scan3A_149 : i32 to index
          %parallel_loop3A_1251 = arith.index_cast %parallel_loop3A_1248 : i32 to index
          %parallel_loop3A_1252 = tpu.vector_load %arg10[%parallel_loop3A_1249, %parallel_loop3A_1250, %parallel_loop3A_1251] {strides = array<i32>} : memref<8x8x128xf32, #tpu.memory_space<vmem>>, vector<16xf32>,
          %parallel_loop3A_1253 = arith.constant 2.880000e+02 : f32
          %parallel_loop3A_1254 = vector.broadcast %parallel_loop3A_1253 : f32 to vector<16xf32>
          %parallel_loop3A_1255 = arith.mulf %parallel_loop3A_1246, %parallel_loop3A_1254 : vector<16xf32>
          %parallel_loop3A_1256 = arith.fptosi %parallel_loop3A_1255 : vector<16xf32> to vector<16xi32>
          %parallel_loop3A_1257 = arith.constant 16 : i32
          %parallel_loop3A_1258 = arith.muli %parallel_loop3A_1200, %parallel_loop3A_1257 : i32
          %parallel_loop3A_1259 = arith.index_cast %parallel_loop3A_1258 : i32 to index
          %parallel_loop3A_1260 = tpu.vector_load %arg11[%parallel_loop3A_1259] {strides = array<i32>} : memref<1024xi32, #tpu.memory_space<vmem>>, vector<16xi32>,
          tpu.vector_store %arg11[%parallel_loop3A_1259], %parallel_loop3A_1256 {strides = array<i32>} : memref<1024xi32, #tpu.memory_space<vmem>>, vector<16xi32>,
          %parallel_loop3A_1261 = arith.fptosi %parallel_loop3A_1252 : vector<16xf32> to vector<16xi32>
          %parallel_loop3A_1262 = arith.constant 16 : i32
          %parallel_loop3A_1263 = arith.muli %parallel_loop3A_1200, %parallel_loop3A_1262 : i32
          %parallel_loop3A_1264 = arith.index_cast %parallel_loop3A_1263 : i32 to index
          %parallel_loop3A_1265 = tpu.vector_load %arg12[%parallel_loop3A_1264] {strides = array<i32>} : memref<1024xi32, #tpu.memory_space<vmem>>, vector<16xi32>,
          tpu.vector_store %arg12[%parallel_loop3A_1264], %parallel_loop3A_1261 {strides = array<i32>} : memref<1024xi32, #tpu.memory_space<vmem>>, vector<16xi32>,
        } {sc.loop_unroll_factor = 2 : i64, sc.parallel_access}
        %convert_element_type3A = arith.extui %gt3A_156 : i1 to i32
        %cond3A = arith.constant 0 : i32
        %cond3A_159 = arith.cmpi ne, %convert_element_type3A, %cond3A : i32
        scf.if %cond3A_159 {
          %dma_wait3A_1200 = arith.constant 0 : i32
          %dma_wait3A_1201 = arith.constant 0 : i32
          %dma_wait3A_1202 = arith.constant 0 : i32
          %dma_wait3A_1203 = arith.constant 0 : i32
          %dma_wait3A_1204 = tpu.memref_slice %arg7[%add3A_152, %select_n3A, %dma_wait3A_1200, %dma_wait3A_1201, %dma_wait3A_1202, %dma_wait3A_1203] : memref<64x12x12x8x8x128xf32, #tpu.memory_space<hbm>> -> memref<1x1x1x8x8x128xf32, #tpu.memory_space<hbm>>
          %dma_wait3A_1205 = tpu.memref_squeeze %dma_wait3A_1204 : memref<1x1x1x8x8x128xf32, #tpu.memory_space<hbm>> -> memref<8x8x128xf32, #tpu.memory_space<hbm>>
          %dma_wait3A_1206 = arith.constant 0 : i32
          %dma_wait3A_1207 = arith.constant 0 : i32
          %dma_wait3A_1208 = arith.constant 0 : i32
          %dma_wait3A_1209 = tpu.memref_slice %arg7[%add3A_152, %select_n3A, %dma_wait3A_1200, %dma_wait3A_1206, %dma_wait3A_1207, %dma_wait3A_1208] : memref<64x12x12x8x8x128xf32, #tpu.memory_space<hbm>> -> memref<1x1x1x8x8x128xf32, #tpu.memory_space<hbm>>
          %dma_wait3A_1210 = tpu.memref_squeeze %dma_wait3A_1209 : memref<1x1x1x8x8x128xf32, #tpu.memory_space<hbm>> -> memref<8x8x128xf32, #tpu.memory_space<hbm>>
          tpu.wait_dma2 semaphore(%arg22 : memref<!tpu.dma_semaphore, #tpu.memory_space<semaphore_mem>>) src(%arg13 : memref<8x8x128xf32, #tpu.memory_space<vmem>>) dst(%dma_wait3A_1210 : memref<8x8x128xf32, #tpu.memory_space<hbm>>)
        } else {
        }
        %get3A = arith.constant 0 : i32
        %get3A_160 = arith.constant 0 : i32
        %get3A_161 = arith.index_cast %get3A : i32 to index
        %get3A_162 = arith.index_cast %get3A_160 : i32 to index
        %get3A_163 = arith.constant 0 : index
        %get3A_164 = tpu.vector_load %arg16[%get3A_161, %get3A_162, %get3A_163] {strides = array<i32>} : memref<32x3x16xf32, #tpu.memory_space<vmem>>, vector<16xf32>,
        %get3A_165 = arith.constant 0 : i32
        %get3A_166 = arith.constant 1 : i32
        %get3A_167 = arith.index_cast %get3A_165 : i32 to index
        %get3A_168 = arith.index_cast %get3A_166 : i32 to index
        %get3A_169 = arith.constant 0 : index
        %get3A_170 = tpu.vector_load %arg16[%get3A_167, %get3A_168, %get3A_169] {strides = array<i32>} : memref<32x3x16xf32, #tpu.memory_space<vmem>>, vector<16xf32>,
        %get3A_171 = arith.constant 0 : i32
        %get3A_172 = arith.constant 2 : i32
        %get3A_173 = arith.index_cast %get3A_171 : i32 to index
        %get3A_174 = arith.index_cast %get3A_172 : i32 to index
        %get3A_175 = arith.constant 0 : index
        %get3A_176 = tpu.vector_load %arg16[%get3A_173, %get3A_174, %get3A_175] {strides = array<i32>} : memref<32x3x16xf32, #tpu.memory_space<vmem>>, vector<16xf32>,
        %get3A_177 = arith.constant 1 : i32
        %get3A_178 = arith.constant 0 : i32
        %get3A_179 = arith.index_cast %get3A_177 : i32 to index
        %get3A_180 = arith.index_cast %get3A_178 : i32 to index
        %get3A_181 = arith.constant 0 : index
        %get3A_182 = tpu.vector_load %arg16[%get3A_179, %get3A_180, %get3A_181] {strides = array<i32>} : memref<32x3x16xf32, #tpu.memory_space<vmem>>, vector<16xf32>,
        %get3A_183 = arith.constant 1 : i32
        %get3A_184 = arith.constant 1 : i32
        %get3A_185 = arith.index_cast %get3A_183 : i32 to index
        %get3A_186 = arith.index_cast %get3A_184 : i32 to index
        %get3A_187 = arith.constant 0 : index
        %get3A_188 = tpu.vector_load %arg16[%get3A_185, %get3A_186, %get3A_187] {strides = array<i32>} : memref<32x3x16xf32, #tpu.memory_space<vmem>>, vector<16xf32>,
        %get3A_189 = arith.constant 1 : i32
        %get3A_190 = arith.constant 2 : i32
        %get3A_191 = arith.index_cast %get3A_189 : i32 to index
        %get3A_192 = arith.index_cast %get3A_190 : i32 to index
        %get3A_193 = arith.constant 0 : index
        %get3A_194 = tpu.vector_load %arg16[%get3A_191, %get3A_192, %get3A_193] {strides = array<i32>} : memref<32x3x16xf32, #tpu.memory_space<vmem>>, vector<16xf32>,
        %get3A_195 = arith.constant 2 : i32
        %get3A_196 = arith.constant 0 : i32
        %get3A_197 = arith.index_cast %get3A_195 : i32 to index
        %get3A_198 = arith.index_cast %get3A_196 : i32 to index
        %get3A_199 = arith.constant 0 : index
        %get3A_200 = tpu.vector_load %arg16[%get3A_197, %get3A_198, %get3A_199] {strides = array<i32>} : memref<32x3x16xf32, #tpu.memory_space<vmem>>, vector<16xf32>,
        %get3A_201 = arith.constant 2 : i32
        %get3A_202 = arith.constant 1 : i32
        %get3A_203 = arith.index_cast %get3A_201 : i32 to index
        %get3A_204 = arith.index_cast %get3A_202 : i32 to index
        %get3A_205 = arith.constant 0 : index
        %get3A_206 = tpu.vector_load %arg16[%get3A_203, %get3A_204, %get3A_205] {strides = array<i32>} : memref<32x3x16xf32, #tpu.memory_space<vmem>>, vector<16xf32>,
        %get3A_207 = arith.constant 2 : i32
        %get3A_208 = arith.constant 2 : i32
        %get3A_209 = arith.index_cast %get3A_207 : i32 to index
        %get3A_210 = arith.index_cast %get3A_208 : i32 to index
        %get3A_211 = arith.constant 0 : index
        %get3A_212 = tpu.vector_load %arg16[%get3A_209, %get3A_210, %get3A_211] {strides = array<i32>} : memref<32x3x16xf32, #tpu.memory_space<vmem>>, vector<16xf32>,
        %get3A_213 = arith.constant 3 : i32
        %get3A_214 = arith.constant 0 : i32
        %get3A_215 = arith.index_cast %get3A_213 : i32 to index
        %get3A_216 = arith.index_cast %get3A_214 : i32 to index
        %get3A_217 = arith.constant 0 : index
        %get3A_218 = tpu.vector_load %arg16[%get3A_215, %get3A_216, %get3A_217] {strides = array<i32>} : memref<32x3x16xf32, #tpu.memory_space<vmem>>, vector<16xf32>,
        %get3A_219 = arith.constant 3 : i32
        %get3A_220 = arith.constant 1 : i32
        %get3A_221 = arith.index_cast %get3A_219 : i32 to index
        %get3A_222 = arith.index_cast %get3A_220 : i32 to index
        %get3A_223 = arith.constant 0 : index
        %get3A_224 = tpu.vector_load %arg16[%get3A_221, %get3A_222, %get3A_223] {strides = array<i32>} : memref<32x3x16xf32, #tpu.memory_space<vmem>>, vector<16xf32>,
        %get3A_225 = arith.constant 3 : i32
        %get3A_226 = arith.constant 2 : i32
        %get3A_227 = arith.index_cast %get3A_225 : i32 to index
        %get3A_228 = arith.index_cast %get3A_226 : i32 to index
        %get3A_229 = arith.constant 0 : index
        %get3A_230 = tpu.vector_load %arg16[%get3A_227, %get3A_228, %get3A_229] {strides = array<i32>} : memref<32x3x16xf32, #tpu.memory_space<vmem>>, vector<16xf32>,
        %get3A_231 = arith.constant 4 : i32
        %get3A_232 = arith.constant 0 : i32
        %get3A_233 = arith.index_cast %get3A_231 : i32 to index
        %get3A_234 = arith.index_cast %get3A_232 : i32 to index
        %get3A_235 = arith.constant 0 : index
        %get3A_236 = tpu.vector_load %arg16[%get3A_233, %get3A_234, %get3A_235] {strides = array<i32>} : memref<32x3x16xf32, #tpu.memory_space<vmem>>, vector<16xf32>,
        %get3A_237 = arith.constant 4 : i32
        %get3A_238 = arith.constant 1 : i32
        %get3A_239 = arith.index_cast %get3A_237 : i32 to index
        %get3A_240 = arith.index_cast %get3A_238 : i32 to index
        %get3A_241 = arith.constant 0 : index
        %get3A_242 = tpu.vector_load %arg16[%get3A_239, %get3A_240, %get3A_241] {strides = array<i32>} : memref<32x3x16xf32, #tpu.memory_space<vmem>>, vector<16xf32>,
        %get3A_243 = arith.constant 4 : i32
        %get3A_244 = arith.constant 2 : i32
        %get3A_245 = arith.index_cast %get3A_243 : i32 to index
        %get3A_246 = arith.index_cast %get3A_244 : i32 to index
        %get3A_247 = arith.constant 0 : index
        %get3A_248 = tpu.vector_load %arg16[%get3A_245, %get3A_246, %get3A_247] {strides = array<i32>} : memref<32x3x16xf32, #tpu.memory_space<vmem>>, vector<16xf32>,
        %get3A_249 = arith.constant 5 : i32
        %get3A_250 = arith.constant 0 : i32
        %get3A_251 = arith.index_cast %get3A_249 : i32 to index
        %get3A_252 = arith.index_cast %get3A_250 : i32 to index
        %get3A_253 = arith.constant 0 : index
        %get3A_254 = tpu.vector_load %arg16[%get3A_251, %get3A_252, %get3A_253] {strides = array<i32>} : memref<32x3x16xf32, #tpu.memory_space<vmem>>, vector<16xf32>,
        %get3A_255 = arith.constant 5 : i32
        %get3A_256 = arith.constant 1 : i32
        %get3A_257 = arith.index_cast %get3A_255 : i32 to index
        %get3A_258 = arith.index_cast %get3A_256 : i32 to index
        %get3A_259 = arith.constant 0 : index
        %get3A_260 = tpu.vector_load %arg16[%get3A_257, %get3A_258, %get3A_259] {strides = array<i32>} : memref<32x3x16xf32, #tpu.memory_space<vmem>>, vector<16xf32>,
        %get3A_261 = arith.constant 5 : i32
        %get3A_262 = arith.constant 2 : i32
        %get3A_263 = arith.index_cast %get3A_261 : i32 to index
        %get3A_264 = arith.index_cast %get3A_262 : i32 to index
        %get3A_265 = arith.constant 0 : index
        %get3A_266 = tpu.vector_load %arg16[%get3A_263, %get3A_264, %get3A_265] {strides = array<i32>} : memref<32x3x16xf32, #tpu.memory_space<vmem>>, vector<16xf32>,
        %get3A_267 = arith.constant 6 : i32
        %get3A_268 = arith.constant 0 : i32
        %get3A_269 = arith.index_cast %get3A_267 : i32 to index
        %get3A_270 = arith.index_cast %get3A_268 : i32 to index
        %get3A_271 = arith.constant 0 : index
        %get3A_272 = tpu.vector_load %arg16[%get3A_269, %get3A_270, %get3A_271] {strides = array<i32>} : memref<32x3x16xf32, #tpu.memory_space<vmem>>, vector<16xf32>,
        %get3A_273 = arith.constant 6 : i32
        %get3A_274 = arith.constant 1 : i32
        %get3A_275 = arith.index_cast %get3A_273 : i32 to index
        %get3A_276 = arith.index_cast %get3A_274 : i32 to index
        %get3A_277 = arith.constant 0 : index
        %get3A_278 = tpu.vector_load %arg16[%get3A_275, %get3A_276, %get3A_277] {strides = array<i32>} : memref<32x3x16xf32, #tpu.memory_space<vmem>>, vector<16xf32>,
        %get3A_279 = arith.constant 6 : i32
        %get3A_280 = arith.constant 2 : i32
        %get3A_281 = arith.index_cast %get3A_279 : i32 to index
        %get3A_282 = arith.index_cast %get3A_280 : i32 to index
        %get3A_283 = arith.constant 0 : index
        %get3A_284 = tpu.vector_load %arg16[%get3A_281, %get3A_282, %get3A_283] {strides = array<i32>} : memref<32x3x16xf32, #tpu.memory_space<vmem>>, vector<16xf32>,
        %get3A_285 = arith.constant 7 : i32
        %get3A_286 = arith.constant 0 : i32
        %get3A_287 = arith.index_cast %get3A_285 : i32 to index
        %get3A_288 = arith.index_cast %get3A_286 : i32 to index
        %get3A_289 = arith.constant 0 : index
        %get3A_290 = tpu.vector_load %arg16[%get3A_287, %get3A_288, %get3A_289] {strides = array<i32>} : memref<32x3x16xf32, #tpu.memory_space<vmem>>, vector<16xf32>,
        %get3A_291 = arith.constant 7 : i32
        %get3A_292 = arith.constant 1 : i32
        %get3A_293 = arith.index_cast %get3A_291 : i32 to index
        %get3A_294 = arith.index_cast %get3A_292 : i32 to index
        %get3A_295 = arith.constant 0 : index
        %get3A_296 = tpu.vector_load %arg16[%get3A_293, %get3A_294, %get3A_295] {strides = array<i32>} : memref<32x3x16xf32, #tpu.memory_space<vmem>>, vector<16xf32>,
        %get3A_297 = arith.constant 7 : i32
        %get3A_298 = arith.constant 2 : i32
        %get3A_299 = arith.index_cast %get3A_297 : i32 to index
        %get3A_300 = arith.index_cast %get3A_298 : i32 to index
        %get3A_301 = arith.constant 0 : index
        %get3A_302 = tpu.vector_load %arg16[%get3A_299, %get3A_300, %get3A_301] {strides = array<i32>} : memref<32x3x16xf32, #tpu.memory_space<vmem>>, vector<16xf32>,
        %get3A_303 = arith.constant 0 : i32
        %get3A_304 = arith.index_cast %get3A_303 : i32 to index
        %get3A_305 = arith.constant 0 : index
        %get3A_306 = tpu.vector_load %arg17[%get3A_304, %get3A_305] {strides = array<i32>} : memref<32x16xf32, #tpu.memory_space<vmem>>, vector<16xf32>,
        %get3A_307 = arith.constant 1 : i32
        %get3A_308 = arith.index_cast %get3A_307 : i32 to index
        %get3A_309 = arith.constant 0 : index
        %get3A_310 = tpu.vector_load %arg17[%get3A_308, %get3A_309] {strides = array<i32>} : memref<32x16xf32, #tpu.memory_space<vmem>>, vector<16xf32>,
        %get3A_311 = arith.constant 2 : i32
        %get3A_312 = arith.index_cast %get3A_311 : i32 to index
        %get3A_313 = arith.constant 0 : index
        %get3A_314 = tpu.vector_load %arg17[%get3A_312, %get3A_313] {strides = array<i32>} : memref<32x16xf32, #tpu.memory_space<vmem>>, vector<16xf32>,
        %get3A_315 = arith.constant 3 : i32
        %get3A_316 = arith.index_cast %get3A_315 : i32 to index
        %get3A_317 = arith.constant 0 : index
        %get3A_318 = tpu.vector_load %arg17[%get3A_316, %get3A_317] {strides = array<i32>} : memref<32x16xf32, #tpu.memory_space<vmem>>, vector<16xf32>,
        %get3A_319 = arith.constant 4 : i32
        %get3A_320 = arith.index_cast %get3A_319 : i32 to index
        %get3A_321 = arith.constant 0 : index
        %get3A_322 = tpu.vector_load %arg17[%get3A_320, %get3A_321] {strides = array<i32>} : memref<32x16xf32, #tpu.memory_space<vmem>>, vector<16xf32>,
        %get3A_323 = arith.constant 5 : i32
        %get3A_324 = arith.index_cast %get3A_323 : i32 to index
        %get3A_325 = arith.constant 0 : index
        %get3A_326 = tpu.vector_load %arg17[%get3A_324, %get3A_325] {strides = array<i32>} : memref<32x16xf32, #tpu.memory_space<vmem>>, vector<16xf32>,
        %get3A_327 = arith.constant 6 : i32
        %get3A_328 = arith.index_cast %get3A_327 : i32 to index
        %get3A_329 = arith.constant 0 : index
        %get3A_330 = tpu.vector_load %arg17[%get3A_328, %get3A_329] {strides = array<i32>} : memref<32x16xf32, #tpu.memory_space<vmem>>, vector<16xf32>,
        %get3A_331 = arith.constant 7 : i32
        %get3A_332 = arith.index_cast %get3A_331 : i32 to index
        %get3A_333 = arith.constant 0 : index
        %get3A_334 = tpu.vector_load %arg17[%get3A_332, %get3A_333] {strides = array<i32>} : memref<32x16xf32, #tpu.memory_space<vmem>>, vector<16xf32>,
        %parallel_loop3A_335 = arith.constant 0 : i32
        %parallel_loop3A_336 = arith.constant 64 : i32
        %parallel_loop3A_337 = arith.constant 1 : i32
        scf.for %parallel_loop3A_1200 = %parallel_loop3A_335 to %parallel_loop3A_336 step %parallel_loop3A_337  : i32 {
          %parallel_loop3A_1201 = arith.constant 8 : i32
          %parallel_loop3A_1202 = arith.divsi %parallel_loop3A_1200, %parallel_loop3A_1201 : i32
          %parallel_loop3A_1203 = arith.constant 0 : i32
          %parallel_loop3A_1204 = arith.cmpi sgt, %parallel_loop3A_1200, %parallel_loop3A_1203 : i32
          %parallel_loop3A_1205 = arith.extui %parallel_loop3A_1204 : i1 to i32
          %parallel_loop3A_1206 = arith.constant 0 : i32
          %parallel_loop3A_1207 = arith.cmpi slt, %parallel_loop3A_1200, %parallel_loop3A_1206 : i32
          %parallel_loop3A_1208 = arith.extui %parallel_loop3A_1207 : i1 to i32
          %parallel_loop3A_1209 = arith.subi %parallel_loop3A_1205, %parallel_loop3A_1208 : i32
          %parallel_loop3A_1210 = arith.constant 0 : i32
          %parallel_loop3A_1211 = arith.cmpi sgt, %parallel_loop3A_1201, %parallel_loop3A_1210 : i32
          %parallel_loop3A_1212 = arith.extui %parallel_loop3A_1211 : i1 to i32
          %parallel_loop3A_1213 = arith.constant 0 : i32
          %parallel_loop3A_1214 = arith.cmpi slt, %parallel_loop3A_1201, %parallel_loop3A_1213 : i32
          %parallel_loop3A_1215 = arith.extui %parallel_loop3A_1214 : i1 to i32
          %parallel_loop3A_1216 = arith.subi %parallel_loop3A_1212, %parallel_loop3A_1215 : i32
          %parallel_loop3A_1217 = arith.cmpi ne, %parallel_loop3A_1209, %parallel_loop3A_1216 : i32
          %parallel_loop3A_1218 = arith.remsi %parallel_loop3A_1200, %parallel_loop3A_1201 : i32
          %parallel_loop3A_1219 = arith.constant 0 : i32
          %parallel_loop3A_1220 = arith.cmpi ne, %parallel_loop3A_1218, %parallel_loop3A_1219 : i32
          %parallel_loop3A_1221 = arith.andi %parallel_loop3A_1217, %parallel_loop3A_1220 : i1
          %parallel_loop3A_1222 = arith.constant 1 : i32
          %parallel_loop3A_1223 = arith.subi %parallel_loop3A_1202, %parallel_loop3A_1222 : i32
          %parallel_loop3A_1224 = arith.select %parallel_loop3A_1221, %parallel_loop3A_1223, %parallel_loop3A_1202 : i32
          %parallel_loop3A_1225 = arith.constant 8 : i32
          %parallel_loop3A_1226 = arith.constant 0 : i32
          %parallel_loop3A_1227 = arith.cmpi eq, %parallel_loop3A_1225, %parallel_loop3A_1226 : i32
          %parallel_loop3A_1228 = arith.constant 1 : i32
          %parallel_loop3A_1229 = arith.select %parallel_loop3A_1227, %parallel_loop3A_1228, %parallel_loop3A_1225 : i32
          %parallel_loop3A_1230 = arith.remsi %parallel_loop3A_1200, %parallel_loop3A_1229 : i32
          %parallel_loop3A_1231 = arith.constant 0 : i32
          %parallel_loop3A_1232 = arith.cmpi ne, %parallel_loop3A_1230, %parallel_loop3A_1231 : i32
          %parallel_loop3A_1233 = arith.constant 0 : i32
          %parallel_loop3A_1234 = arith.cmpi slt, %parallel_loop3A_1230, %parallel_loop3A_1233 : i32
          %parallel_loop3A_1235 = arith.constant 0 : i32
          %parallel_loop3A_1236 = arith.cmpi slt, %parallel_loop3A_1229, %parallel_loop3A_1235 : i32
          %parallel_loop3A_1237 = arith.xori %parallel_loop3A_1234, %parallel_loop3A_1236 : i1
          %parallel_loop3A_1238 = arith.andi %parallel_loop3A_1237, %parallel_loop3A_1232 : i1
          %parallel_loop3A_1239 = arith.addi %parallel_loop3A_1230, %parallel_loop3A_1229 : i32
          %parallel_loop3A_1240 = arith.select %parallel_loop3A_1238, %parallel_loop3A_1239, %parallel_loop3A_1230 : i32
          %parallel_loop3A_1241 = arith.constant 16 : i32
          %parallel_loop3A_1242 = arith.muli %parallel_loop3A_1240, %parallel_loop3A_1241 : i32
          %parallel_loop3A_1243 = arith.index_cast %parallel_loop3A_1224 : i32 to index
          %parallel_loop3A_1244 = arith.index_cast %scan3A_149 : i32 to index
          %parallel_loop3A_1245 = arith.index_cast %parallel_loop3A_1242 : i32 to index
          %parallel_loop3A_1246 = tpu.vector_load %arg8[%parallel_loop3A_1243, %parallel_loop3A_1244, %parallel_loop3A_1245] {strides = array<i32>} : memref<8x8x128xf32, #tpu.memory_space<vmem>>, vector<16xf32>,
          %parallel_loop3A_1247 = arith.constant 16 : i32
          %parallel_loop3A_1248 = arith.muli %parallel_loop3A_1240, %parallel_loop3A_1247 : i32
          %parallel_loop3A_1249 = arith.index_cast %parallel_loop3A_1224 : i32 to index
          %parallel_loop3A_1250 = arith.index_cast %scan3A_149 : i32 to index
          %parallel_loop3A_1251 = arith.index_cast %parallel_loop3A_1248 : i32 to index
          %parallel_loop3A_1252 = tpu.vector_load %arg9[%parallel_loop3A_1249, %parallel_loop3A_1250, %parallel_loop3A_1251] {strides = array<i32>} : memref<8x8x128xf32, #tpu.memory_space<vmem>>, vector<16xf32>,
          %parallel_loop3A_1253 = arith.constant 16 : i32
          %parallel_loop3A_1254 = arith.muli %parallel_loop3A_1240, %parallel_loop3A_1253 : i32
          %parallel_loop3A_1255 = arith.index_cast %parallel_loop3A_1224 : i32 to index
          %parallel_loop3A_1256 = arith.index_cast %scan3A_149 : i32 to index
          %parallel_loop3A_1257 = arith.index_cast %parallel_loop3A_1254 : i32 to index
          %parallel_loop3A_1258 = tpu.vector_load %arg10[%parallel_loop3A_1255, %parallel_loop3A_1256, %parallel_loop3A_1257] {strides = array<i32>} : memref<8x8x128xf32, #tpu.memory_space<vmem>>, vector<16xf32>,
          %parallel_loop3A_1259 = arith.mulf %get3A_164, %parallel_loop3A_1246 : vector<16xf32>
          %parallel_loop3A_1260 = arith.mulf %get3A_170, %parallel_loop3A_1252 : vector<16xf32>
          %parallel_loop3A_1261 = arith.addf %parallel_loop3A_1259, %parallel_loop3A_1260 : vector<16xf32>
          %parallel_loop3A_1262 = arith.mulf %get3A_176, %parallel_loop3A_1258 : vector<16xf32>
          %parallel_loop3A_1263 = arith.addf %parallel_loop3A_1261, %parallel_loop3A_1262 : vector<16xf32>
          %parallel_loop3A_1264 = arith.addf %parallel_loop3A_1263, %get3A_306 : vector<16xf32>
          %parallel_loop3A_1265 = arith.mulf %get3A_182, %parallel_loop3A_1246 : vector<16xf32>
          %parallel_loop3A_1266 = arith.mulf %get3A_188, %parallel_loop3A_1252 : vector<16xf32>
          %parallel_loop3A_1267 = arith.addf %parallel_loop3A_1265, %parallel_loop3A_1266 : vector<16xf32>
          %parallel_loop3A_1268 = arith.mulf %get3A_194, %parallel_loop3A_1258 : vector<16xf32>
          %parallel_loop3A_1269 = arith.addf %parallel_loop3A_1267, %parallel_loop3A_1268 : vector<16xf32>
          %parallel_loop3A_1270 = arith.addf %parallel_loop3A_1269, %get3A_310 : vector<16xf32>
          %parallel_loop3A_1271 = arith.mulf %get3A_200, %parallel_loop3A_1246 : vector<16xf32>
          %parallel_loop3A_1272 = arith.mulf %get3A_206, %parallel_loop3A_1252 : vector<16xf32>
          %parallel_loop3A_1273 = arith.addf %parallel_loop3A_1271, %parallel_loop3A_1272 : vector<16xf32>
          %parallel_loop3A_1274 = arith.mulf %get3A_212, %parallel_loop3A_1258 : vector<16xf32>
          %parallel_loop3A_1275 = arith.addf %parallel_loop3A_1273, %parallel_loop3A_1274 : vector<16xf32>
          %parallel_loop3A_1276 = arith.addf %parallel_loop3A_1275, %get3A_314 : vector<16xf32>
          %parallel_loop3A_1277 = arith.mulf %get3A_218, %parallel_loop3A_1246 : vector<16xf32>
          %parallel_loop3A_1278 = arith.mulf %get3A_224, %parallel_loop3A_1252 : vector<16xf32>
          %parallel_loop3A_1279 = arith.addf %parallel_loop3A_1277, %parallel_loop3A_1278 : vector<16xf32>
          %parallel_loop3A_1280 = arith.mulf %get3A_230, %parallel_loop3A_1258 : vector<16xf32>
          %parallel_loop3A_1281 = arith.addf %parallel_loop3A_1279, %parallel_loop3A_1280 : vector<16xf32>
          %parallel_loop3A_1282 = arith.addf %parallel_loop3A_1281, %get3A_318 : vector<16xf32>
          %parallel_loop3A_1283 = arith.mulf %get3A_236, %parallel_loop3A_1246 : vector<16xf32>
          %parallel_loop3A_1284 = arith.mulf %get3A_242, %parallel_loop3A_1252 : vector<16xf32>
          %parallel_loop3A_1285 = arith.addf %parallel_loop3A_1283, %parallel_loop3A_1284 : vector<16xf32>
          %parallel_loop3A_1286 = arith.mulf %get3A_248, %parallel_loop3A_1258 : vector<16xf32>
          %parallel_loop3A_1287 = arith.addf %parallel_loop3A_1285, %parallel_loop3A_1286 : vector<16xf32>
          %parallel_loop3A_1288 = arith.addf %parallel_loop3A_1287, %get3A_322 : vector<16xf32>
          %parallel_loop3A_1289 = arith.mulf %get3A_254, %parallel_loop3A_1246 : vector<16xf32>
          %parallel_loop3A_1290 = arith.mulf %get3A_260, %parallel_loop3A_1252 : vector<16xf32>
          %parallel_loop3A_1291 = arith.addf %parallel_loop3A_1289, %parallel_loop3A_1290 : vector<16xf32>
          %parallel_loop3A_1292 = arith.mulf %get3A_266, %parallel_loop3A_1258 : vector<16xf32>
          %parallel_loop3A_1293 = arith.addf %parallel_loop3A_1291, %parallel_loop3A_1292 : vector<16xf32>
          %parallel_loop3A_1294 = arith.addf %parallel_loop3A_1293, %get3A_326 : vector<16xf32>
          %parallel_loop3A_1295 = arith.mulf %get3A_272, %parallel_loop3A_1246 : vector<16xf32>
          %parallel_loop3A_1296 = arith.mulf %get3A_278, %parallel_loop3A_1252 : vector<16xf32>
          %parallel_loop3A_1297 = arith.addf %parallel_loop3A_1295, %parallel_loop3A_1296 : vector<16xf32>
          %parallel_loop3A_1298 = arith.mulf %get3A_284, %parallel_loop3A_1258 : vector<16xf32>
          %parallel_loop3A_1299 = arith.addf %parallel_loop3A_1297, %parallel_loop3A_1298 : vector<16xf32>
          %parallel_loop3A_1300 = arith.addf %parallel_loop3A_1299, %get3A_330 : vector<16xf32>
          %parallel_loop3A_1301 = arith.mulf %get3A_290, %parallel_loop3A_1246 : vector<16xf32>
          %parallel_loop3A_1302 = arith.mulf %get3A_296, %parallel_loop3A_1252 : vector<16xf32>
          %parallel_loop3A_1303 = arith.addf %parallel_loop3A_1301, %parallel_loop3A_1302 : vector<16xf32>
          %parallel_loop3A_1304 = arith.mulf %get3A_302, %parallel_loop3A_1258 : vector<16xf32>
          %parallel_loop3A_1305 = arith.addf %parallel_loop3A_1303, %parallel_loop3A_1304 : vector<16xf32>
          %parallel_loop3A_1306 = arith.addf %parallel_loop3A_1305, %get3A_334 : vector<16xf32>
          %parallel_loop3A_1307 = arith.constant 16 : i32
          %parallel_loop3A_1308 = arith.muli %parallel_loop3A_1240, %parallel_loop3A_1307 : i32
          %parallel_loop3A_1309 = arith.constant 0 : i32
          %parallel_loop3A_1310 = arith.index_cast %parallel_loop3A_1224 : i32 to index
          %parallel_loop3A_1311 = arith.index_cast %parallel_loop3A_1309 : i32 to index
          %parallel_loop3A_1312 = arith.index_cast %parallel_loop3A_1308 : i32 to index
          %parallel_loop3A_1313 = tpu.vector_load %arg13[%parallel_loop3A_1310, %parallel_loop3A_1311, %parallel_loop3A_1312] {strides = array<i32>} : memref<8x8x128xf32, #tpu.memory_space<vmem>>, vector<16xf32>,
          tpu.vector_store %arg13[%parallel_loop3A_1310, %parallel_loop3A_1311, %parallel_loop3A_1312], %parallel_loop3A_1264 {strides = array<i32>} : memref<8x8x128xf32, #tpu.memory_space<vmem>>, vector<16xf32>,
          %parallel_loop3A_1314 = arith.constant 16 : i32
          %parallel_loop3A_1315 = arith.muli %parallel_loop3A_1240, %parallel_loop3A_1314 : i32
          %parallel_loop3A_1316 = arith.constant 1 : i32
          %parallel_loop3A_1317 = arith.index_cast %parallel_loop3A_1224 : i32 to index
          %parallel_loop3A_1318 = arith.index_cast %parallel_loop3A_1316 : i32 to index
          %parallel_loop3A_1319 = arith.index_cast %parallel_loop3A_1315 : i32 to index
          %parallel_loop3A_1320 = tpu.vector_load %arg13[%parallel_loop3A_1317, %parallel_loop3A_1318, %parallel_loop3A_1319] {strides = array<i32>} : memref<8x8x128xf32, #tpu.memory_space<vmem>>, vector<16xf32>,
          tpu.vector_store %arg13[%parallel_loop3A_1317, %parallel_loop3A_1318, %parallel_loop3A_1319], %parallel_loop3A_1270 {strides = array<i32>} : memref<8x8x128xf32, #tpu.memory_space<vmem>>, vector<16xf32>,
          %parallel_loop3A_1321 = arith.constant 16 : i32
          %parallel_loop3A_1322 = arith.muli %parallel_loop3A_1240, %parallel_loop3A_1321 : i32
          %parallel_loop3A_1323 = arith.constant 2 : i32
          %parallel_loop3A_1324 = arith.index_cast %parallel_loop3A_1224 : i32 to index
          %parallel_loop3A_1325 = arith.index_cast %parallel_loop3A_1323 : i32 to index
          %parallel_loop3A_1326 = arith.index_cast %parallel_loop3A_1322 : i32 to index
          %parallel_loop3A_1327 = tpu.vector_load %arg13[%parallel_loop3A_1324, %parallel_loop3A_1325, %parallel_loop3A_1326] {strides = array<i32>} : memref<8x8x128xf32, #tpu.memory_space<vmem>>, vector<16xf32>,
          tpu.vector_store %arg13[%parallel_loop3A_1324, %parallel_loop3A_1325, %parallel_loop3A_1326], %parallel_loop3A_1276 {strides = array<i32>} : memref<8x8x128xf32, #tpu.memory_space<vmem>>, vector<16xf32>,
          %parallel_loop3A_1328 = arith.constant 16 : i32
          %parallel_loop3A_1329 = arith.muli %parallel_loop3A_1240, %parallel_loop3A_1328 : i32
          %parallel_loop3A_1330 = arith.constant 3 : i32
          %parallel_loop3A_1331 = arith.index_cast %parallel_loop3A_1224 : i32 to index
          %parallel_loop3A_1332 = arith.index_cast %parallel_loop3A_1330 : i32 to index
          %parallel_loop3A_1333 = arith.index_cast %parallel_loop3A_1329 : i32 to index
          %parallel_loop3A_1334 = tpu.vector_load %arg13[%parallel_loop3A_1331, %parallel_loop3A_1332, %parallel_loop3A_1333] {strides = array<i32>} : memref<8x8x128xf32, #tpu.memory_space<vmem>>, vector<16xf32>,
          tpu.vector_store %arg13[%parallel_loop3A_1331, %parallel_loop3A_1332, %parallel_loop3A_1333], %parallel_loop3A_1282 {strides = array<i32>} : memref<8x8x128xf32, #tpu.memory_space<vmem>>, vector<16xf32>,
          %parallel_loop3A_1335 = arith.constant 16 : i32
          %parallel_loop3A_1336 = arith.muli %parallel_loop3A_1240, %parallel_loop3A_1335 : i32
          %parallel_loop3A_1337 = arith.constant 4 : i32
          %parallel_loop3A_1338 = arith.index_cast %parallel_loop3A_1224 : i32 to index
          %parallel_loop3A_1339 = arith.index_cast %parallel_loop3A_1337 : i32 to index
          %parallel_loop3A_1340 = arith.index_cast %parallel_loop3A_1336 : i32 to index
          %parallel_loop3A_1341 = tpu.vector_load %arg13[%parallel_loop3A_1338, %parallel_loop3A_1339, %parallel_loop3A_1340] {strides = array<i32>} : memref<8x8x128xf32, #tpu.memory_space<vmem>>, vector<16xf32>,
          tpu.vector_store %arg13[%parallel_loop3A_1338, %parallel_loop3A_1339, %parallel_loop3A_1340], %parallel_loop3A_1288 {strides = array<i32>} : memref<8x8x128xf32, #tpu.memory_space<vmem>>, vector<16xf32>,
          %parallel_loop3A_1342 = arith.constant 16 : i32
          %parallel_loop3A_1343 = arith.muli %parallel_loop3A_1240, %parallel_loop3A_1342 : i32
          %parallel_loop3A_1344 = arith.constant 5 : i32
          %parallel_loop3A_1345 = arith.index_cast %parallel_loop3A_1224 : i32 to index
          %parallel_loop3A_1346 = arith.index_cast %parallel_loop3A_1344 : i32 to index
          %parallel_loop3A_1347 = arith.index_cast %parallel_loop3A_1343 : i32 to index
          %parallel_loop3A_1348 = tpu.vector_load %arg13[%parallel_loop3A_1345, %parallel_loop3A_1346, %parallel_loop3A_1347] {strides = array<i32>} : memref<8x8x128xf32, #tpu.memory_space<vmem>>, vector<16xf32>,
          tpu.vector_store %arg13[%parallel_loop3A_1345, %parallel_loop3A_1346, %parallel_loop3A_1347], %parallel_loop3A_1294 {strides = array<i32>} : memref<8x8x128xf32, #tpu.memory_space<vmem>>, vector<16xf32>,
          %parallel_loop3A_1349 = arith.constant 16 : i32
          %parallel_loop3A_1350 = arith.muli %parallel_loop3A_1240, %parallel_loop3A_1349 : i32
          %parallel_loop3A_1351 = arith.constant 6 : i32
          %parallel_loop3A_1352 = arith.index_cast %parallel_loop3A_1224 : i32 to index
          %parallel_loop3A_1353 = arith.index_cast %parallel_loop3A_1351 : i32 to index
          %parallel_loop3A_1354 = arith.index_cast %parallel_loop3A_1350 : i32 to index
          %parallel_loop3A_1355 = tpu.vector_load %arg13[%parallel_loop3A_1352, %parallel_loop3A_1353, %parallel_loop3A_1354] {strides = array<i32>} : memref<8x8x128xf32, #tpu.memory_space<vmem>>, vector<16xf32>,
          tpu.vector_store %arg13[%parallel_loop3A_1352, %parallel_loop3A_1353, %parallel_loop3A_1354], %parallel_loop3A_1300 {strides = array<i32>} : memref<8x8x128xf32, #tpu.memory_space<vmem>>, vector<16xf32>,
          %parallel_loop3A_1356 = arith.constant 16 : i32
          %parallel_loop3A_1357 = arith.muli %parallel_loop3A_1240, %parallel_loop3A_1356 : i32
          %parallel_loop3A_1358 = arith.constant 7 : i32
          %parallel_loop3A_1359 = arith.index_cast %parallel_loop3A_1224 : i32 to index
          %parallel_loop3A_1360 = arith.index_cast %parallel_loop3A_1358 : i32 to index
          %parallel_loop3A_1361 = arith.index_cast %parallel_loop3A_1357 : i32 to index
          %parallel_loop3A_1362 = tpu.vector_load %arg13[%parallel_loop3A_1359, %parallel_loop3A_1360, %parallel_loop3A_1361] {strides = array<i32>} : memref<8x8x128xf32, #tpu.memory_space<vmem>>, vector<16xf32>,
          tpu.vector_store %arg13[%parallel_loop3A_1359, %parallel_loop3A_1360, %parallel_loop3A_1361], %parallel_loop3A_1306 {strides = array<i32>} : memref<8x8x128xf32, #tpu.memory_space<vmem>>, vector<16xf32>,
        } {sc.loop_unroll_factor = 2 : i64, sc.parallel_access}
        %dma_start3A_338 = arith.constant 0 : i32
        %dma_start3A_339 = arith.constant 0 : i32
        %dma_start3A_340 = arith.constant 0 : i32
        %dma_start3A_341 = arith.constant 0 : i32
        %dma_start3A_342 = tpu.memref_slice %arg7[%add3A_152, %select_n3A, %dma_start3A_338, %dma_start3A_339, %dma_start3A_340, %dma_start3A_341] : memref<64x12x12x8x8x128xf32, #tpu.memory_space<hbm>> -> memref<1x1x1x8x8x128xf32, #tpu.memory_space<hbm>>
        %dma_start3A_343 = tpu.memref_squeeze %dma_start3A_342 : memref<1x1x1x8x8x128xf32, #tpu.memory_space<hbm>> -> memref<8x8x128xf32, #tpu.memory_space<hbm>>
        %dma_start3A_344 = arith.constant 0 : i32
        %dma_start3A_345 = arith.constant 0 : i32
        %dma_start3A_346 = arith.constant 0 : i32
        %dma_start3A_347 = tpu.memref_slice %arg7[%add3A_152, %select_n3A, %dma_start3A_338, %dma_start3A_344, %dma_start3A_345, %dma_start3A_346] : memref<64x12x12x8x8x128xf32, #tpu.memory_space<hbm>> -> memref<1x1x1x8x8x128xf32, #tpu.memory_space<hbm>>
        %dma_start3A_348 = tpu.memref_squeeze %dma_start3A_347 : memref<1x1x1x8x8x128xf32, #tpu.memory_space<hbm>> -> memref<8x8x128xf32, #tpu.memory_space<hbm>>
        tpu.enqueue_dma source(%arg13 : memref<8x8x128xf32, #tpu.memory_space<vmem>>) target(%dma_start3A_348 : memref<8x8x128xf32, #tpu.memory_space<hbm>>) target_semaphore(%arg22 : memref<!tpu.dma_semaphore, #tpu.memory_space<semaphore_mem>>)
        %convert_element_type3A_349 = arith.extui %gt3A_156 : i1 to i32
        %cond3A_350 = arith.constant 0 : i32
        %cond3A_351 = arith.cmpi ne, %convert_element_type3A_349, %cond3A_350 : i32
        scf.if %cond3A_351 {
          %dma_wait3A_1200 = arith.constant 1 : i32
          %dma_wait3A_1201 = arith.constant 0 : i32
          %dma_wait3A_1202 = arith.constant 0 : i32
          %dma_wait3A_1203 = arith.constant 0 : i32
          %dma_wait3A_1204 = tpu.memref_slice %arg7[%add3A_152, %select_n3A, %dma_wait3A_1200, %dma_wait3A_1201, %dma_wait3A_1202, %dma_wait3A_1203] : memref<64x12x12x8x8x128xf32, #tpu.memory_space<hbm>> -> memref<1x1x1x8x8x128xf32, #tpu.memory_space<hbm>>
          %dma_wait3A_1205 = tpu.memref_squeeze %dma_wait3A_1204 : memref<1x1x1x8x8x128xf32, #tpu.memory_space<hbm>> -> memref<8x8x128xf32, #tpu.memory_space<hbm>>
          %dma_wait3A_1206 = arith.constant 0 : i32
          %dma_wait3A_1207 = arith.constant 0 : i32
          %dma_wait3A_1208 = arith.constant 0 : i32
          %dma_wait3A_1209 = tpu.memref_slice %arg7[%add3A_152, %select_n3A, %dma_wait3A_1200, %dma_wait3A_1206, %dma_wait3A_1207, %dma_wait3A_1208] : memref<64x12x12x8x8x128xf32, #tpu.memory_space<hbm>> -> memref<1x1x1x8x8x128xf32, #tpu.memory_space<hbm>>
          %dma_wait3A_1210 = tpu.memref_squeeze %dma_wait3A_1209 : memref<1x1x1x8x8x128xf32, #tpu.memory_space<hbm>> -> memref<8x8x128xf32, #tpu.memory_space<hbm>>
          tpu.wait_dma2 semaphore(%arg23 : memref<!tpu.dma_semaphore, #tpu.memory_space<semaphore_mem>>) src(%arg14 : memref<8x8x128xf32, #tpu.memory_space<vmem>>) dst(%dma_wait3A_1210 : memref<8x8x128xf32, #tpu.memory_space<hbm>>)
        } else {
        }
        %get3A_352 = arith.constant 8 : i32
        %get3A_353 = arith.constant 0 : i32
        %get3A_354 = arith.index_cast %get3A_352 : i32 to index
        %get3A_355 = arith.index_cast %get3A_353 : i32 to index
        %get3A_356 = arith.constant 0 : index
        %get3A_357 = tpu.vector_load %arg16[%get3A_354, %get3A_355, %get3A_356] {strides = array<i32>} : memref<32x3x16xf32, #tpu.memory_space<vmem>>, vector<16xf32>,
        %get3A_358 = arith.constant 8 : i32
        %get3A_359 = arith.constant 1 : i32
        %get3A_360 = arith.index_cast %get3A_358 : i32 to index
        %get3A_361 = arith.index_cast %get3A_359 : i32 to index
        %get3A_362 = arith.constant 0 : index
        %get3A_363 = tpu.vector_load %arg16[%get3A_360, %get3A_361, %get3A_362] {strides = array<i32>} : memref<32x3x16xf32, #tpu.memory_space<vmem>>, vector<16xf32>,
        %get3A_364 = arith.constant 8 : i32
        %get3A_365 = arith.constant 2 : i32
        %get3A_366 = arith.index_cast %get3A_364 : i32 to index
        %get3A_367 = arith.index_cast %get3A_365 : i32 to index
        %get3A_368 = arith.constant 0 : index
        %get3A_369 = tpu.vector_load %arg16[%get3A_366, %get3A_367, %get3A_368] {strides = array<i32>} : memref<32x3x16xf32, #tpu.memory_space<vmem>>, vector<16xf32>,
        %get3A_370 = arith.constant 9 : i32
        %get3A_371 = arith.constant 0 : i32
        %get3A_372 = arith.index_cast %get3A_370 : i32 to index
        %get3A_373 = arith.index_cast %get3A_371 : i32 to index
        %get3A_374 = arith.constant 0 : index
        %get3A_375 = tpu.vector_load %arg16[%get3A_372, %get3A_373, %get3A_374] {strides = array<i32>} : memref<32x3x16xf32, #tpu.memory_space<vmem>>, vector<16xf32>,
        %get3A_376 = arith.constant 9 : i32
        %get3A_377 = arith.constant 1 : i32
        %get3A_378 = arith.index_cast %get3A_376 : i32 to index
        %get3A_379 = arith.index_cast %get3A_377 : i32 to index
        %get3A_380 = arith.constant 0 : index
        %get3A_381 = tpu.vector_load %arg16[%get3A_378, %get3A_379, %get3A_380] {strides = array<i32>} : memref<32x3x16xf32, #tpu.memory_space<vmem>>, vector<16xf32>,
        %get3A_382 = arith.constant 9 : i32
        %get3A_383 = arith.constant 2 : i32
        %get3A_384 = arith.index_cast %get3A_382 : i32 to index
        %get3A_385 = arith.index_cast %get3A_383 : i32 to index
        %get3A_386 = arith.constant 0 : index
        %get3A_387 = tpu.vector_load %arg16[%get3A_384, %get3A_385, %get3A_386] {strides = array<i32>} : memref<32x3x16xf32, #tpu.memory_space<vmem>>, vector<16xf32>,
        %get3A_388 = arith.constant 10 : i32
        %get3A_389 = arith.constant 0 : i32
        %get3A_390 = arith.index_cast %get3A_388 : i32 to index
        %get3A_391 = arith.index_cast %get3A_389 : i32 to index
        %get3A_392 = arith.constant 0 : index
        %get3A_393 = tpu.vector_load %arg16[%get3A_390, %get3A_391, %get3A_392] {strides = array<i32>} : memref<32x3x16xf32, #tpu.memory_space<vmem>>, vector<16xf32>,
        %get3A_394 = arith.constant 10 : i32
        %get3A_395 = arith.constant 1 : i32
        %get3A_396 = arith.index_cast %get3A_394 : i32 to index
        %get3A_397 = arith.index_cast %get3A_395 : i32 to index
        %get3A_398 = arith.constant 0 : index
        %get3A_399 = tpu.vector_load %arg16[%get3A_396, %get3A_397, %get3A_398] {strides = array<i32>} : memref<32x3x16xf32, #tpu.memory_space<vmem>>, vector<16xf32>,
        %get3A_400 = arith.constant 10 : i32
        %get3A_401 = arith.constant 2 : i32
        %get3A_402 = arith.index_cast %get3A_400 : i32 to index
        %get3A_403 = arith.index_cast %get3A_401 : i32 to index
        %get3A_404 = arith.constant 0 : index
        %get3A_405 = tpu.vector_load %arg16[%get3A_402, %get3A_403, %get3A_404] {strides = array<i32>} : memref<32x3x16xf32, #tpu.memory_space<vmem>>, vector<16xf32>,
        %get3A_406 = arith.constant 11 : i32
        %get3A_407 = arith.constant 0 : i32
        %get3A_408 = arith.index_cast %get3A_406 : i32 to index
        %get3A_409 = arith.index_cast %get3A_407 : i32 to index
        %get3A_410 = arith.constant 0 : index
        %get3A_411 = tpu.vector_load %arg16[%get3A_408, %get3A_409, %get3A_410] {strides = array<i32>} : memref<32x3x16xf32, #tpu.memory_space<vmem>>, vector<16xf32>,
        %get3A_412 = arith.constant 11 : i32
        %get3A_413 = arith.constant 1 : i32
        %get3A_414 = arith.index_cast %get3A_412 : i32 to index
        %get3A_415 = arith.index_cast %get3A_413 : i32 to index
        %get3A_416 = arith.constant 0 : index
        %get3A_417 = tpu.vector_load %arg16[%get3A_414, %get3A_415, %get3A_416] {strides = array<i32>} : memref<32x3x16xf32, #tpu.memory_space<vmem>>, vector<16xf32>,
        %get3A_418 = arith.constant 11 : i32
        %get3A_419 = arith.constant 2 : i32
        %get3A_420 = arith.index_cast %get3A_418 : i32 to index
        %get3A_421 = arith.index_cast %get3A_419 : i32 to index
        %get3A_422 = arith.constant 0 : index
        %get3A_423 = tpu.vector_load %arg16[%get3A_420, %get3A_421, %get3A_422] {strides = array<i32>} : memref<32x3x16xf32, #tpu.memory_space<vmem>>, vector<16xf32>,
        %get3A_424 = arith.constant 12 : i32
        %get3A_425 = arith.constant 0 : i32
        %get3A_426 = arith.index_cast %get3A_424 : i32 to index
        %get3A_427 = arith.index_cast %get3A_425 : i32 to index
        %get3A_428 = arith.constant 0 : index
        %get3A_429 = tpu.vector_load %arg16[%get3A_426, %get3A_427, %get3A_428] {strides = array<i32>} : memref<32x3x16xf32, #tpu.memory_space<vmem>>, vector<16xf32>,
        %get3A_430 = arith.constant 12 : i32
        %get3A_431 = arith.constant 1 : i32
        %get3A_432 = arith.index_cast %get3A_430 : i32 to index
        %get3A_433 = arith.index_cast %get3A_431 : i32 to index
        %get3A_434 = arith.constant 0 : index
        %get3A_435 = tpu.vector_load %arg16[%get3A_432, %get3A_433, %get3A_434] {strides = array<i32>} : memref<32x3x16xf32, #tpu.memory_space<vmem>>, vector<16xf32>,
        %get3A_436 = arith.constant 12 : i32
        %get3A_437 = arith.constant 2 : i32
        %get3A_438 = arith.index_cast %get3A_436 : i32 to index
        %get3A_439 = arith.index_cast %get3A_437 : i32 to index
        %get3A_440 = arith.constant 0 : index
        %get3A_441 = tpu.vector_load %arg16[%get3A_438, %get3A_439, %get3A_440] {strides = array<i32>} : memref<32x3x16xf32, #tpu.memory_space<vmem>>, vector<16xf32>,
        %get3A_442 = arith.constant 13 : i32
        %get3A_443 = arith.constant 0 : i32
        %get3A_444 = arith.index_cast %get3A_442 : i32 to index
        %get3A_445 = arith.index_cast %get3A_443 : i32 to index
        %get3A_446 = arith.constant 0 : index
        %get3A_447 = tpu.vector_load %arg16[%get3A_444, %get3A_445, %get3A_446] {strides = array<i32>} : memref<32x3x16xf32, #tpu.memory_space<vmem>>, vector<16xf32>,
        %get3A_448 = arith.constant 13 : i32
        %get3A_449 = arith.constant 1 : i32
        %get3A_450 = arith.index_cast %get3A_448 : i32 to index
        %get3A_451 = arith.index_cast %get3A_449 : i32 to index
        %get3A_452 = arith.constant 0 : index
        %get3A_453 = tpu.vector_load %arg16[%get3A_450, %get3A_451, %get3A_452] {strides = array<i32>} : memref<32x3x16xf32, #tpu.memory_space<vmem>>, vector<16xf32>,
        %get3A_454 = arith.constant 13 : i32
        %get3A_455 = arith.constant 2 : i32
        %get3A_456 = arith.index_cast %get3A_454 : i32 to index
        %get3A_457 = arith.index_cast %get3A_455 : i32 to index
        %get3A_458 = arith.constant 0 : index
        %get3A_459 = tpu.vector_load %arg16[%get3A_456, %get3A_457, %get3A_458] {strides = array<i32>} : memref<32x3x16xf32, #tpu.memory_space<vmem>>, vector<16xf32>,
        %get3A_460 = arith.constant 14 : i32
        %get3A_461 = arith.constant 0 : i32
        %get3A_462 = arith.index_cast %get3A_460 : i32 to index
        %get3A_463 = arith.index_cast %get3A_461 : i32 to index
        %get3A_464 = arith.constant 0 : index
        %get3A_465 = tpu.vector_load %arg16[%get3A_462, %get3A_463, %get3A_464] {strides = array<i32>} : memref<32x3x16xf32, #tpu.memory_space<vmem>>, vector<16xf32>,
        %get3A_466 = arith.constant 14 : i32
        %get3A_467 = arith.constant 1 : i32
        %get3A_468 = arith.index_cast %get3A_466 : i32 to index
        %get3A_469 = arith.index_cast %get3A_467 : i32 to index
        %get3A_470 = arith.constant 0 : index
        %get3A_471 = tpu.vector_load %arg16[%get3A_468, %get3A_469, %get3A_470] {strides = array<i32>} : memref<32x3x16xf32, #tpu.memory_space<vmem>>, vector<16xf32>,
        %get3A_472 = arith.constant 14 : i32
        %get3A_473 = arith.constant 2 : i32
        %get3A_474 = arith.index_cast %get3A_472 : i32 to index
        %get3A_475 = arith.index_cast %get3A_473 : i32 to index
        %get3A_476 = arith.constant 0 : index
        %get3A_477 = tpu.vector_load %arg16[%get3A_474, %get3A_475, %get3A_476] {strides = array<i32>} : memref<32x3x16xf32, #tpu.memory_space<vmem>>, vector<16xf32>,
        %get3A_478 = arith.constant 15 : i32
        %get3A_479 = arith.constant 0 : i32
        %get3A_480 = arith.index_cast %get3A_478 : i32 to index
        %get3A_481 = arith.index_cast %get3A_479 : i32 to index
        %get3A_482 = arith.constant 0 : index
        %get3A_483 = tpu.vector_load %arg16[%get3A_480, %get3A_481, %get3A_482] {strides = array<i32>} : memref<32x3x16xf32, #tpu.memory_space<vmem>>, vector<16xf32>,
        %get3A_484 = arith.constant 15 : i32
        %get3A_485 = arith.constant 1 : i32
        %get3A_486 = arith.index_cast %get3A_484 : i32 to index
        %get3A_487 = arith.index_cast %get3A_485 : i32 to index
        %get3A_488 = arith.constant 0 : index
        %get3A_489 = tpu.vector_load %arg16[%get3A_486, %get3A_487, %get3A_488] {strides = array<i32>} : memref<32x3x16xf32, #tpu.memory_space<vmem>>, vector<16xf32>,
        %get3A_490 = arith.constant 15 : i32
        %get3A_491 = arith.constant 2 : i32
        %get3A_492 = arith.index_cast %get3A_490 : i32 to index
        %get3A_493 = arith.index_cast %get3A_491 : i32 to index
        %get3A_494 = arith.constant 0 : index
        %get3A_495 = tpu.vector_load %arg16[%get3A_492, %get3A_493, %get3A_494] {strides = array<i32>} : memref<32x3x16xf32, #tpu.memory_space<vmem>>, vector<16xf32>,
        %get3A_496 = arith.constant 8 : i32
        %get3A_497 = arith.index_cast %get3A_496 : i32 to index
        %get3A_498 = arith.constant 0 : index
        %get3A_499 = tpu.vector_load %arg17[%get3A_497, %get3A_498] {strides = array<i32>} : memref<32x16xf32, #tpu.memory_space<vmem>>, vector<16xf32>,
        %get3A_500 = arith.constant 9 : i32
        %get3A_501 = arith.index_cast %get3A_500 : i32 to index
        %get3A_502 = arith.constant 0 : index
        %get3A_503 = tpu.vector_load %arg17[%get3A_501, %get3A_502] {strides = array<i32>} : memref<32x16xf32, #tpu.memory_space<vmem>>, vector<16xf32>,
        %get3A_504 = arith.constant 10 : i32
        %get3A_505 = arith.index_cast %get3A_504 : i32 to index
        %get3A_506 = arith.constant 0 : index
        %get3A_507 = tpu.vector_load %arg17[%get3A_505, %get3A_506] {strides = array<i32>} : memref<32x16xf32, #tpu.memory_space<vmem>>, vector<16xf32>,
        %get3A_508 = arith.constant 11 : i32
        %get3A_509 = arith.index_cast %get3A_508 : i32 to index
        %get3A_510 = arith.constant 0 : index
        %get3A_511 = tpu.vector_load %arg17[%get3A_509, %get3A_510] {strides = array<i32>} : memref<32x16xf32, #tpu.memory_space<vmem>>, vector<16xf32>,
        %get3A_512 = arith.constant 12 : i32
        %get3A_513 = arith.index_cast %get3A_512 : i32 to index
        %get3A_514 = arith.constant 0 : index
        %get3A_515 = tpu.vector_load %arg17[%get3A_513, %get3A_514] {strides = array<i32>} : memref<32x16xf32, #tpu.memory_space<vmem>>, vector<16xf32>,
        %get3A_516 = arith.constant 13 : i32
        %get3A_517 = arith.index_cast %get3A_516 : i32 to index
        %get3A_518 = arith.constant 0 : index
        %get3A_519 = tpu.vector_load %arg17[%get3A_517, %get3A_518] {strides = array<i32>} : memref<32x16xf32, #tpu.memory_space<vmem>>, vector<16xf32>,
        %get3A_520 = arith.constant 14 : i32
        %get3A_521 = arith.index_cast %get3A_520 : i32 to index
        %get3A_522 = arith.constant 0 : index
        %get3A_523 = tpu.vector_load %arg17[%get3A_521, %get3A_522] {strides = array<i32>} : memref<32x16xf32, #tpu.memory_space<vmem>>, vector<16xf32>,
        %get3A_524 = arith.constant 15 : i32
        %get3A_525 = arith.index_cast %get3A_524 : i32 to index
        %get3A_526 = arith.constant 0 : index
        %get3A_527 = tpu.vector_load %arg17[%get3A_525, %get3A_526] {strides = array<i32>} : memref<32x16xf32, #tpu.memory_space<vmem>>, vector<16xf32>,
        %parallel_loop3A_528 = arith.constant 0 : i32
        %parallel_loop3A_529 = arith.constant 64 : i32
        %parallel_loop3A_530 = arith.constant 1 : i32
        scf.for %parallel_loop3A_1200 = %parallel_loop3A_528 to %parallel_loop3A_529 step %parallel_loop3A_530  : i32 {
          %parallel_loop3A_1201 = arith.constant 8 : i32
          %parallel_loop3A_1202 = arith.divsi %parallel_loop3A_1200, %parallel_loop3A_1201 : i32
          %parallel_loop3A_1203 = arith.constant 0 : i32
          %parallel_loop3A_1204 = arith.cmpi sgt, %parallel_loop3A_1200, %parallel_loop3A_1203 : i32
          %parallel_loop3A_1205 = arith.extui %parallel_loop3A_1204 : i1 to i32
          %parallel_loop3A_1206 = arith.constant 0 : i32
          %parallel_loop3A_1207 = arith.cmpi slt, %parallel_loop3A_1200, %parallel_loop3A_1206 : i32
          %parallel_loop3A_1208 = arith.extui %parallel_loop3A_1207 : i1 to i32
          %parallel_loop3A_1209 = arith.subi %parallel_loop3A_1205, %parallel_loop3A_1208 : i32
          %parallel_loop3A_1210 = arith.constant 0 : i32
          %parallel_loop3A_1211 = arith.cmpi sgt, %parallel_loop3A_1201, %parallel_loop3A_1210 : i32
          %parallel_loop3A_1212 = arith.extui %parallel_loop3A_1211 : i1 to i32
          %parallel_loop3A_1213 = arith.constant 0 : i32
          %parallel_loop3A_1214 = arith.cmpi slt, %parallel_loop3A_1201, %parallel_loop3A_1213 : i32
          %parallel_loop3A_1215 = arith.extui %parallel_loop3A_1214 : i1 to i32
          %parallel_loop3A_1216 = arith.subi %parallel_loop3A_1212, %parallel_loop3A_1215 : i32
          %parallel_loop3A_1217 = arith.cmpi ne, %parallel_loop3A_1209, %parallel_loop3A_1216 : i32
          %parallel_loop3A_1218 = arith.remsi %parallel_loop3A_1200, %parallel_loop3A_1201 : i32
          %parallel_loop3A_1219 = arith.constant 0 : i32
          %parallel_loop3A_1220 = arith.cmpi ne, %parallel_loop3A_1218, %parallel_loop3A_1219 : i32
          %parallel_loop3A_1221 = arith.andi %parallel_loop3A_1217, %parallel_loop3A_1220 : i1
          %parallel_loop3A_1222 = arith.constant 1 : i32
          %parallel_loop3A_1223 = arith.subi %parallel_loop3A_1202, %parallel_loop3A_1222 : i32
          %parallel_loop3A_1224 = arith.select %parallel_loop3A_1221, %parallel_loop3A_1223, %parallel_loop3A_1202 : i32
          %parallel_loop3A_1225 = arith.constant 8 : i32
          %parallel_loop3A_1226 = arith.constant 0 : i32
          %parallel_loop3A_1227 = arith.cmpi eq, %parallel_loop3A_1225, %parallel_loop3A_1226 : i32
          %parallel_loop3A_1228 = arith.constant 1 : i32
          %parallel_loop3A_1229 = arith.select %parallel_loop3A_1227, %parallel_loop3A_1228, %parallel_loop3A_1225 : i32
          %parallel_loop3A_1230 = arith.remsi %parallel_loop3A_1200, %parallel_loop3A_1229 : i32
          %parallel_loop3A_1231 = arith.constant 0 : i32
          %parallel_loop3A_1232 = arith.cmpi ne, %parallel_loop3A_1230, %parallel_loop3A_1231 : i32
          %parallel_loop3A_1233 = arith.constant 0 : i32
          %parallel_loop3A_1234 = arith.cmpi slt, %parallel_loop3A_1230, %parallel_loop3A_1233 : i32
          %parallel_loop3A_1235 = arith.constant 0 : i32
          %parallel_loop3A_1236 = arith.cmpi slt, %parallel_loop3A_1229, %parallel_loop3A_1235 : i32
          %parallel_loop3A_1237 = arith.xori %parallel_loop3A_1234, %parallel_loop3A_1236 : i1
          %parallel_loop3A_1238 = arith.andi %parallel_loop3A_1237, %parallel_loop3A_1232 : i1
          %parallel_loop3A_1239 = arith.addi %parallel_loop3A_1230, %parallel_loop3A_1229 : i32
          %parallel_loop3A_1240 = arith.select %parallel_loop3A_1238, %parallel_loop3A_1239, %parallel_loop3A_1230 : i32
          %parallel_loop3A_1241 = arith.constant 16 : i32
          %parallel_loop3A_1242 = arith.muli %parallel_loop3A_1240, %parallel_loop3A_1241 : i32
          %parallel_loop3A_1243 = arith.index_cast %parallel_loop3A_1224 : i32 to index
          %parallel_loop3A_1244 = arith.index_cast %scan3A_149 : i32 to index
          %parallel_loop3A_1245 = arith.index_cast %parallel_loop3A_1242 : i32 to index
          %parallel_loop3A_1246 = tpu.vector_load %arg8[%parallel_loop3A_1243, %parallel_loop3A_1244, %parallel_loop3A_1245] {strides = array<i32>} : memref<8x8x128xf32, #tpu.memory_space<vmem>>, vector<16xf32>,
          %parallel_loop3A_1247 = arith.constant 16 : i32
          %parallel_loop3A_1248 = arith.muli %parallel_loop3A_1240, %parallel_loop3A_1247 : i32
          %parallel_loop3A_1249 = arith.index_cast %parallel_loop3A_1224 : i32 to index
          %parallel_loop3A_1250 = arith.index_cast %scan3A_149 : i32 to index
          %parallel_loop3A_1251 = arith.index_cast %parallel_loop3A_1248 : i32 to index
          %parallel_loop3A_1252 = tpu.vector_load %arg9[%parallel_loop3A_1249, %parallel_loop3A_1250, %parallel_loop3A_1251] {strides = array<i32>} : memref<8x8x128xf32, #tpu.memory_space<vmem>>, vector<16xf32>,
          %parallel_loop3A_1253 = arith.constant 16 : i32
          %parallel_loop3A_1254 = arith.muli %parallel_loop3A_1240, %parallel_loop3A_1253 : i32
          %parallel_loop3A_1255 = arith.index_cast %parallel_loop3A_1224 : i32 to index
          %parallel_loop3A_1256 = arith.index_cast %scan3A_149 : i32 to index
          %parallel_loop3A_1257 = arith.index_cast %parallel_loop3A_1254 : i32 to index
          %parallel_loop3A_1258 = tpu.vector_load %arg10[%parallel_loop3A_1255, %parallel_loop3A_1256, %parallel_loop3A_1257] {strides = array<i32>} : memref<8x8x128xf32, #tpu.memory_space<vmem>>, vector<16xf32>,
          %parallel_loop3A_1259 = arith.mulf %get3A_357, %parallel_loop3A_1246 : vector<16xf32>
          %parallel_loop3A_1260 = arith.mulf %get3A_363, %parallel_loop3A_1252 : vector<16xf32>
          %parallel_loop3A_1261 = arith.addf %parallel_loop3A_1259, %parallel_loop3A_1260 : vector<16xf32>
          %parallel_loop3A_1262 = arith.mulf %get3A_369, %parallel_loop3A_1258 : vector<16xf32>
          %parallel_loop3A_1263 = arith.addf %parallel_loop3A_1261, %parallel_loop3A_1262 : vector<16xf32>
          %parallel_loop3A_1264 = arith.addf %parallel_loop3A_1263, %get3A_499 : vector<16xf32>
          %parallel_loop3A_1265 = arith.mulf %get3A_375, %parallel_loop3A_1246 : vector<16xf32>
          %parallel_loop3A_1266 = arith.mulf %get3A_381, %parallel_loop3A_1252 : vector<16xf32>
          %parallel_loop3A_1267 = arith.addf %parallel_loop3A_1265, %parallel_loop3A_1266 : vector<16xf32>
          %parallel_loop3A_1268 = arith.mulf %get3A_387, %parallel_loop3A_1258 : vector<16xf32>
          %parallel_loop3A_1269 = arith.addf %parallel_loop3A_1267, %parallel_loop3A_1268 : vector<16xf32>
          %parallel_loop3A_1270 = arith.addf %parallel_loop3A_1269, %get3A_503 : vector<16xf32>
          %parallel_loop3A_1271 = arith.mulf %get3A_393, %parallel_loop3A_1246 : vector<16xf32>
          %parallel_loop3A_1272 = arith.mulf %get3A_399, %parallel_loop3A_1252 : vector<16xf32>
          %parallel_loop3A_1273 = arith.addf %parallel_loop3A_1271, %parallel_loop3A_1272 : vector<16xf32>
          %parallel_loop3A_1274 = arith.mulf %get3A_405, %parallel_loop3A_1258 : vector<16xf32>
          %parallel_loop3A_1275 = arith.addf %parallel_loop3A_1273, %parallel_loop3A_1274 : vector<16xf32>
          %parallel_loop3A_1276 = arith.addf %parallel_loop3A_1275, %get3A_507 : vector<16xf32>
          %parallel_loop3A_1277 = arith.mulf %get3A_411, %parallel_loop3A_1246 : vector<16xf32>
          %parallel_loop3A_1278 = arith.mulf %get3A_417, %parallel_loop3A_1252 : vector<16xf32>
          %parallel_loop3A_1279 = arith.addf %parallel_loop3A_1277, %parallel_loop3A_1278 : vector<16xf32>
          %parallel_loop3A_1280 = arith.mulf %get3A_423, %parallel_loop3A_1258 : vector<16xf32>
          %parallel_loop3A_1281 = arith.addf %parallel_loop3A_1279, %parallel_loop3A_1280 : vector<16xf32>
          %parallel_loop3A_1282 = arith.addf %parallel_loop3A_1281, %get3A_511 : vector<16xf32>
          %parallel_loop3A_1283 = arith.mulf %get3A_429, %parallel_loop3A_1246 : vector<16xf32>
          %parallel_loop3A_1284 = arith.mulf %get3A_435, %parallel_loop3A_1252 : vector<16xf32>
          %parallel_loop3A_1285 = arith.addf %parallel_loop3A_1283, %parallel_loop3A_1284 : vector<16xf32>
          %parallel_loop3A_1286 = arith.mulf %get3A_441, %parallel_loop3A_1258 : vector<16xf32>
          %parallel_loop3A_1287 = arith.addf %parallel_loop3A_1285, %parallel_loop3A_1286 : vector<16xf32>
          %parallel_loop3A_1288 = arith.addf %parallel_loop3A_1287, %get3A_515 : vector<16xf32>
          %parallel_loop3A_1289 = arith.mulf %get3A_447, %parallel_loop3A_1246 : vector<16xf32>
          %parallel_loop3A_1290 = arith.mulf %get3A_453, %parallel_loop3A_1252 : vector<16xf32>
          %parallel_loop3A_1291 = arith.addf %parallel_loop3A_1289, %parallel_loop3A_1290 : vector<16xf32>
          %parallel_loop3A_1292 = arith.mulf %get3A_459, %parallel_loop3A_1258 : vector<16xf32>
          %parallel_loop3A_1293 = arith.addf %parallel_loop3A_1291, %parallel_loop3A_1292 : vector<16xf32>
          %parallel_loop3A_1294 = arith.addf %parallel_loop3A_1293, %get3A_519 : vector<16xf32>
          %parallel_loop3A_1295 = arith.mulf %get3A_465, %parallel_loop3A_1246 : vector<16xf32>
          %parallel_loop3A_1296 = arith.mulf %get3A_471, %parallel_loop3A_1252 : vector<16xf32>
          %parallel_loop3A_1297 = arith.addf %parallel_loop3A_1295, %parallel_loop3A_1296 : vector<16xf32>
          %parallel_loop3A_1298 = arith.mulf %get3A_477, %parallel_loop3A_1258 : vector<16xf32>
          %parallel_loop3A_1299 = arith.addf %parallel_loop3A_1297, %parallel_loop3A_1298 : vector<16xf32>
          %parallel_loop3A_1300 = arith.addf %parallel_loop3A_1299, %get3A_523 : vector<16xf32>
          %parallel_loop3A_1301 = arith.mulf %get3A_483, %parallel_loop3A_1246 : vector<16xf32>
          %parallel_loop3A_1302 = arith.mulf %get3A_489, %parallel_loop3A_1252 : vector<16xf32>
          %parallel_loop3A_1303 = arith.addf %parallel_loop3A_1301, %parallel_loop3A_1302 : vector<16xf32>
          %parallel_loop3A_1304 = arith.mulf %get3A_495, %parallel_loop3A_1258 : vector<16xf32>
          %parallel_loop3A_1305 = arith.addf %parallel_loop3A_1303, %parallel_loop3A_1304 : vector<16xf32>
          %parallel_loop3A_1306 = arith.addf %parallel_loop3A_1305, %get3A_527 : vector<16xf32>
          %parallel_loop3A_1307 = arith.constant 16 : i32
          %parallel_loop3A_1308 = arith.muli %parallel_loop3A_1240, %parallel_loop3A_1307 : i32
          %parallel_loop3A_1309 = arith.constant 0 : i32
          %parallel_loop3A_1310 = arith.index_cast %parallel_loop3A_1224 : i32 to index
          %parallel_loop3A_1311 = arith.index_cast %parallel_loop3A_1309 : i32 to index
          %parallel_loop3A_1312 = arith.index_cast %parallel_loop3A_1308 : i32 to index
          %parallel_loop3A_1313 = tpu.vector_load %arg14[%parallel_loop3A_1310, %parallel_loop3A_1311, %parallel_loop3A_1312] {strides = array<i32>} : memref<8x8x128xf32, #tpu.memory_space<vmem>>, vector<16xf32>,
          tpu.vector_store %arg14[%parallel_loop3A_1310, %parallel_loop3A_1311, %parallel_loop3A_1312], %parallel_loop3A_1264 {strides = array<i32>} : memref<8x8x128xf32, #tpu.memory_space<vmem>>, vector<16xf32>,
          %parallel_loop3A_1314 = arith.constant 16 : i32
          %parallel_loop3A_1315 = arith.muli %parallel_loop3A_1240, %parallel_loop3A_1314 : i32
          %parallel_loop3A_1316 = arith.constant 1 : i32
          %parallel_loop3A_1317 = arith.index_cast %parallel_loop3A_1224 : i32 to index
          %parallel_loop3A_1318 = arith.index_cast %parallel_loop3A_1316 : i32 to index
          %parallel_loop3A_1319 = arith.index_cast %parallel_loop3A_1315 : i32 to index
          %parallel_loop3A_1320 = tpu.vector_load %arg14[%parallel_loop3A_1317, %parallel_loop3A_1318, %parallel_loop3A_1319] {strides = array<i32>} : memref<8x8x128xf32, #tpu.memory_space<vmem>>, vector<16xf32>,
          tpu.vector_store %arg14[%parallel_loop3A_1317, %parallel_loop3A_1318, %parallel_loop3A_1319], %parallel_loop3A_1270 {strides = array<i32>} : memref<8x8x128xf32, #tpu.memory_space<vmem>>, vector<16xf32>,
          %parallel_loop3A_1321 = arith.constant 16 : i32
          %parallel_loop3A_1322 = arith.muli %parallel_loop3A_1240, %parallel_loop3A_1321 : i32
          %parallel_loop3A_1323 = arith.constant 2 : i32
          %parallel_loop3A_1324 = arith.index_cast %parallel_loop3A_1224 : i32 to index
          %parallel_loop3A_1325 = arith.index_cast %parallel_loop3A_1323 : i32 to index
          %parallel_loop3A_1326 = arith.index_cast %parallel_loop3A_1322 : i32 to index
          %parallel_loop3A_1327 = tpu.vector_load %arg14[%parallel_loop3A_1324, %parallel_loop3A_1325, %parallel_loop3A_1326] {strides = array<i32>} : memref<8x8x128xf32, #tpu.memory_space<vmem>>, vector<16xf32>,
          tpu.vector_store %arg14[%parallel_loop3A_1324, %parallel_loop3A_1325, %parallel_loop3A_1326], %parallel_loop3A_1276 {strides = array<i32>} : memref<8x8x128xf32, #tpu.memory_space<vmem>>, vector<16xf32>,
          %parallel_loop3A_1328 = arith.constant 16 : i32
          %parallel_loop3A_1329 = arith.muli %parallel_loop3A_1240, %parallel_loop3A_1328 : i32
          %parallel_loop3A_1330 = arith.constant 3 : i32
          %parallel_loop3A_1331 = arith.index_cast %parallel_loop3A_1224 : i32 to index
          %parallel_loop3A_1332 = arith.index_cast %parallel_loop3A_1330 : i32 to index
          %parallel_loop3A_1333 = arith.index_cast %parallel_loop3A_1329 : i32 to index
          %parallel_loop3A_1334 = tpu.vector_load %arg14[%parallel_loop3A_1331, %parallel_loop3A_1332, %parallel_loop3A_1333] {strides = array<i32>} : memref<8x8x128xf32, #tpu.memory_space<vmem>>, vector<16xf32>,
          tpu.vector_store %arg14[%parallel_loop3A_1331, %parallel_loop3A_1332, %parallel_loop3A_1333], %parallel_loop3A_1282 {strides = array<i32>} : memref<8x8x128xf32, #tpu.memory_space<vmem>>, vector<16xf32>,
          %parallel_loop3A_1335 = arith.constant 16 : i32
          %parallel_loop3A_1336 = arith.muli %parallel_loop3A_1240, %parallel_loop3A_1335 : i32
          %parallel_loop3A_1337 = arith.constant 4 : i32
          %parallel_loop3A_1338 = arith.index_cast %parallel_loop3A_1224 : i32 to index
          %parallel_loop3A_1339 = arith.index_cast %parallel_loop3A_1337 : i32 to index
          %parallel_loop3A_1340 = arith.index_cast %parallel_loop3A_1336 : i32 to index
          %parallel_loop3A_1341 = tpu.vector_load %arg14[%parallel_loop3A_1338, %parallel_loop3A_1339, %parallel_loop3A_1340] {strides = array<i32>} : memref<8x8x128xf32, #tpu.memory_space<vmem>>, vector<16xf32>,
          tpu.vector_store %arg14[%parallel_loop3A_1338, %parallel_loop3A_1339, %parallel_loop3A_1340], %parallel_loop3A_1288 {strides = array<i32>} : memref<8x8x128xf32, #tpu.memory_space<vmem>>, vector<16xf32>,
          %parallel_loop3A_1342 = arith.constant 16 : i32
          %parallel_loop3A_1343 = arith.muli %parallel_loop3A_1240, %parallel_loop3A_1342 : i32
          %parallel_loop3A_1344 = arith.constant 5 : i32
          %parallel_loop3A_1345 = arith.index_cast %parallel_loop3A_1224 : i32 to index
          %parallel_loop3A_1346 = arith.index_cast %parallel_loop3A_1344 : i32 to index
          %parallel_loop3A_1347 = arith.index_cast %parallel_loop3A_1343 : i32 to index
          %parallel_loop3A_1348 = tpu.vector_load %arg14[%parallel_loop3A_1345, %parallel_loop3A_1346, %parallel_loop3A_1347] {strides = array<i32>} : memref<8x8x128xf32, #tpu.memory_space<vmem>>, vector<16xf32>,
          tpu.vector_store %arg14[%parallel_loop3A_1345, %parallel_loop3A_1346, %parallel_loop3A_1347], %parallel_loop3A_1294 {strides = array<i32>} : memref<8x8x128xf32, #tpu.memory_space<vmem>>, vector<16xf32>,
          %parallel_loop3A_1349 = arith.constant 16 : i32
          %parallel_loop3A_1350 = arith.muli %parallel_loop3A_1240, %parallel_loop3A_1349 : i32
          %parallel_loop3A_1351 = arith.constant 6 : i32
          %parallel_loop3A_1352 = arith.index_cast %parallel_loop3A_1224 : i32 to index
          %parallel_loop3A_1353 = arith.index_cast %parallel_loop3A_1351 : i32 to index
          %parallel_loop3A_1354 = arith.index_cast %parallel_loop3A_1350 : i32 to index
          %parallel_loop3A_1355 = tpu.vector_load %arg14[%parallel_loop3A_1352, %parallel_loop3A_1353, %parallel_loop3A_1354] {strides = array<i32>} : memref<8x8x128xf32, #tpu.memory_space<vmem>>, vector<16xf32>,
          tpu.vector_store %arg14[%parallel_loop3A_1352, %parallel_loop3A_1353, %parallel_loop3A_1354], %parallel_loop3A_1300 {strides = array<i32>} : memref<8x8x128xf32, #tpu.memory_space<vmem>>, vector<16xf32>,
          %parallel_loop3A_1356 = arith.constant 16 : i32
          %parallel_loop3A_1357 = arith.muli %parallel_loop3A_1240, %parallel_loop3A_1356 : i32
          %parallel_loop3A_1358 = arith.constant 7 : i32
          %parallel_loop3A_1359 = arith.index_cast %parallel_loop3A_1224 : i32 to index
          %parallel_loop3A_1360 = arith.index_cast %parallel_loop3A_1358 : i32 to index
          %parallel_loop3A_1361 = arith.index_cast %parallel_loop3A_1357 : i32 to index
          %parallel_loop3A_1362 = tpu.vector_load %arg14[%parallel_loop3A_1359, %parallel_loop3A_1360, %parallel_loop3A_1361] {strides = array<i32>} : memref<8x8x128xf32, #tpu.memory_space<vmem>>, vector<16xf32>,
          tpu.vector_store %arg14[%parallel_loop3A_1359, %parallel_loop3A_1360, %parallel_loop3A_1361], %parallel_loop3A_1306 {strides = array<i32>} : memref<8x8x128xf32, #tpu.memory_space<vmem>>, vector<16xf32>,
        } {sc.loop_unroll_factor = 2 : i64, sc.parallel_access}
        %dma_start3A_531 = arith.constant 1 : i32
        %dma_start3A_532 = arith.constant 0 : i32
        %dma_start3A_533 = arith.constant 0 : i32
        %dma_start3A_534 = arith.constant 0 : i32
        %dma_start3A_535 = tpu.memref_slice %arg7[%add3A_152, %select_n3A, %dma_start3A_531, %dma_start3A_532, %dma_start3A_533, %dma_start3A_534] : memref<64x12x12x8x8x128xf32, #tpu.memory_space<hbm>> -> memref<1x1x1x8x8x128xf32, #tpu.memory_space<hbm>>
        %dma_start3A_536 = tpu.memref_squeeze %dma_start3A_535 : memref<1x1x1x8x8x128xf32, #tpu.memory_space<hbm>> -> memref<8x8x128xf32, #tpu.memory_space<hbm>>
        %dma_start3A_537 = arith.constant 0 : i32
        %dma_start3A_538 = arith.constant 0 : i32
        %dma_start3A_539 = arith.constant 0 : i32
        %dma_start3A_540 = tpu.memref_slice %arg7[%add3A_152, %select_n3A, %dma_start3A_531, %dma_start3A_537, %dma_start3A_538, %dma_start3A_539] : memref<64x12x12x8x8x128xf32, #tpu.memory_space<hbm>> -> memref<1x1x1x8x8x128xf32, #tpu.memory_space<hbm>>
        %dma_start3A_541 = tpu.memref_squeeze %dma_start3A_540 : memref<1x1x1x8x8x128xf32, #tpu.memory_space<hbm>> -> memref<8x8x128xf32, #tpu.memory_space<hbm>>
        tpu.enqueue_dma source(%arg14 : memref<8x8x128xf32, #tpu.memory_space<vmem>>) target(%dma_start3A_541 : memref<8x8x128xf32, #tpu.memory_space<hbm>>) target_semaphore(%arg23 : memref<!tpu.dma_semaphore, #tpu.memory_space<semaphore_mem>>)
        %convert_element_type3A_542 = arith.extui %gt3A_156 : i1 to i32
        %cond3A_543 = arith.constant 0 : i32
        %cond3A_544 = arith.cmpi ne, %convert_element_type3A_542, %cond3A_543 : i32
        scf.if %cond3A_544 {
          %dma_wait3A_1200 = arith.constant 2 : i32
          %dma_wait3A_1201 = arith.constant 0 : i32
          %dma_wait3A_1202 = arith.constant 0 : i32
          %dma_wait3A_1203 = arith.constant 0 : i32
          %dma_wait3A_1204 = tpu.memref_slice %arg7[%add3A_152, %select_n3A, %dma_wait3A_1200, %dma_wait3A_1201, %dma_wait3A_1202, %dma_wait3A_1203] : memref<64x12x12x8x8x128xf32, #tpu.memory_space<hbm>> -> memref<1x1x1x8x8x128xf32, #tpu.memory_space<hbm>>
          %dma_wait3A_1205 = tpu.memref_squeeze %dma_wait3A_1204 : memref<1x1x1x8x8x128xf32, #tpu.memory_space<hbm>> -> memref<8x8x128xf32, #tpu.memory_space<hbm>>
          %dma_wait3A_1206 = arith.constant 0 : i32
          %dma_wait3A_1207 = arith.constant 0 : i32
          %dma_wait3A_1208 = arith.constant 0 : i32
          %dma_wait3A_1209 = tpu.memref_slice %arg7[%add3A_152, %select_n3A, %dma_wait3A_1200, %dma_wait3A_1206, %dma_wait3A_1207, %dma_wait3A_1208] : memref<64x12x12x8x8x128xf32, #tpu.memory_space<hbm>> -> memref<1x1x1x8x8x128xf32, #tpu.memory_space<hbm>>
          %dma_wait3A_1210 = tpu.memref_squeeze %dma_wait3A_1209 : memref<1x1x1x8x8x128xf32, #tpu.memory_space<hbm>> -> memref<8x8x128xf32, #tpu.memory_space<hbm>>
          tpu.wait_dma2 semaphore(%arg24 : memref<!tpu.dma_semaphore, #tpu.memory_space<semaphore_mem>>) src(%arg15 : memref<8x8x128xf32, #tpu.memory_space<vmem>>) dst(%dma_wait3A_1210 : memref<8x8x128xf32, #tpu.memory_space<hbm>>)
        } else {
        }
        %get3A_545 = arith.constant 16 : i32
        %get3A_546 = arith.constant 0 : i32
        %get3A_547 = arith.index_cast %get3A_545 : i32 to index
        %get3A_548 = arith.index_cast %get3A_546 : i32 to index
        %get3A_549 = arith.constant 0 : index
        %get3A_550 = tpu.vector_load %arg16[%get3A_547, %get3A_548, %get3A_549] {strides = array<i32>} : memref<32x3x16xf32, #tpu.memory_space<vmem>>, vector<16xf32>,
        %get3A_551 = arith.constant 16 : i32
        %get3A_552 = arith.constant 1 : i32
        %get3A_553 = arith.index_cast %get3A_551 : i32 to index
        %get3A_554 = arith.index_cast %get3A_552 : i32 to index
        %get3A_555 = arith.constant 0 : index
        %get3A_556 = tpu.vector_load %arg16[%get3A_553, %get3A_554, %get3A_555] {strides = array<i32>} : memref<32x3x16xf32, #tpu.memory_space<vmem>>, vector<16xf32>,
        %get3A_557 = arith.constant 16 : i32
        %get3A_558 = arith.constant 2 : i32
        %get3A_559 = arith.index_cast %get3A_557 : i32 to index
        %get3A_560 = arith.index_cast %get3A_558 : i32 to index
        %get3A_561 = arith.constant 0 : index
        %get3A_562 = tpu.vector_load %arg16[%get3A_559, %get3A_560, %get3A_561] {strides = array<i32>} : memref<32x3x16xf32, #tpu.memory_space<vmem>>, vector<16xf32>,
        %get3A_563 = arith.constant 17 : i32
        %get3A_564 = arith.constant 0 : i32
        %get3A_565 = arith.index_cast %get3A_563 : i32 to index
        %get3A_566 = arith.index_cast %get3A_564 : i32 to index
        %get3A_567 = arith.constant 0 : index
        %get3A_568 = tpu.vector_load %arg16[%get3A_565, %get3A_566, %get3A_567] {strides = array<i32>} : memref<32x3x16xf32, #tpu.memory_space<vmem>>, vector<16xf32>,
        %get3A_569 = arith.constant 17 : i32
        %get3A_570 = arith.constant 1 : i32
        %get3A_571 = arith.index_cast %get3A_569 : i32 to index
        %get3A_572 = arith.index_cast %get3A_570 : i32 to index
        %get3A_573 = arith.constant 0 : index
        %get3A_574 = tpu.vector_load %arg16[%get3A_571, %get3A_572, %get3A_573] {strides = array<i32>} : memref<32x3x16xf32, #tpu.memory_space<vmem>>, vector<16xf32>,
        %get3A_575 = arith.constant 17 : i32
        %get3A_576 = arith.constant 2 : i32
        %get3A_577 = arith.index_cast %get3A_575 : i32 to index
        %get3A_578 = arith.index_cast %get3A_576 : i32 to index
        %get3A_579 = arith.constant 0 : index
        %get3A_580 = tpu.vector_load %arg16[%get3A_577, %get3A_578, %get3A_579] {strides = array<i32>} : memref<32x3x16xf32, #tpu.memory_space<vmem>>, vector<16xf32>,
        %get3A_581 = arith.constant 18 : i32
        %get3A_582 = arith.constant 0 : i32
        %get3A_583 = arith.index_cast %get3A_581 : i32 to index
        %get3A_584 = arith.index_cast %get3A_582 : i32 to index
        %get3A_585 = arith.constant 0 : index
        %get3A_586 = tpu.vector_load %arg16[%get3A_583, %get3A_584, %get3A_585] {strides = array<i32>} : memref<32x3x16xf32, #tpu.memory_space<vmem>>, vector<16xf32>,
        %get3A_587 = arith.constant 18 : i32
        %get3A_588 = arith.constant 1 : i32
        %get3A_589 = arith.index_cast %get3A_587 : i32 to index
        %get3A_590 = arith.index_cast %get3A_588 : i32 to index
        %get3A_591 = arith.constant 0 : index
        %get3A_592 = tpu.vector_load %arg16[%get3A_589, %get3A_590, %get3A_591] {strides = array<i32>} : memref<32x3x16xf32, #tpu.memory_space<vmem>>, vector<16xf32>,
        %get3A_593 = arith.constant 18 : i32
        %get3A_594 = arith.constant 2 : i32
        %get3A_595 = arith.index_cast %get3A_593 : i32 to index
        %get3A_596 = arith.index_cast %get3A_594 : i32 to index
        %get3A_597 = arith.constant 0 : index
        %get3A_598 = tpu.vector_load %arg16[%get3A_595, %get3A_596, %get3A_597] {strides = array<i32>} : memref<32x3x16xf32, #tpu.memory_space<vmem>>, vector<16xf32>,
        %get3A_599 = arith.constant 19 : i32
        %get3A_600 = arith.constant 0 : i32
        %get3A_601 = arith.index_cast %get3A_599 : i32 to index
        %get3A_602 = arith.index_cast %get3A_600 : i32 to index
        %get3A_603 = arith.constant 0 : index
        %get3A_604 = tpu.vector_load %arg16[%get3A_601, %get3A_602, %get3A_603] {strides = array<i32>} : memref<32x3x16xf32, #tpu.memory_space<vmem>>, vector<16xf32>,
        %get3A_605 = arith.constant 19 : i32
        %get3A_606 = arith.constant 1 : i32
        %get3A_607 = arith.index_cast %get3A_605 : i32 to index
        %get3A_608 = arith.index_cast %get3A_606 : i32 to index
        %get3A_609 = arith.constant 0 : index
        %get3A_610 = tpu.vector_load %arg16[%get3A_607, %get3A_608, %get3A_609] {strides = array<i32>} : memref<32x3x16xf32, #tpu.memory_space<vmem>>, vector<16xf32>,
        %get3A_611 = arith.constant 19 : i32
        %get3A_612 = arith.constant 2 : i32
        %get3A_613 = arith.index_cast %get3A_611 : i32 to index
        %get3A_614 = arith.index_cast %get3A_612 : i32 to index
        %get3A_615 = arith.constant 0 : index
        %get3A_616 = tpu.vector_load %arg16[%get3A_613, %get3A_614, %get3A_615] {strides = array<i32>} : memref<32x3x16xf32, #tpu.memory_space<vmem>>, vector<16xf32>,
        %get3A_617 = arith.constant 20 : i32
        %get3A_618 = arith.constant 0 : i32
        %get3A_619 = arith.index_cast %get3A_617 : i32 to index
        %get3A_620 = arith.index_cast %get3A_618 : i32 to index
        %get3A_621 = arith.constant 0 : index
        %get3A_622 = tpu.vector_load %arg16[%get3A_619, %get3A_620, %get3A_621] {strides = array<i32>} : memref<32x3x16xf32, #tpu.memory_space<vmem>>, vector<16xf32>,
        %get3A_623 = arith.constant 20 : i32
        %get3A_624 = arith.constant 1 : i32
        %get3A_625 = arith.index_cast %get3A_623 : i32 to index
        %get3A_626 = arith.index_cast %get3A_624 : i32 to index
        %get3A_627 = arith.constant 0 : index
        %get3A_628 = tpu.vector_load %arg16[%get3A_625, %get3A_626, %get3A_627] {strides = array<i32>} : memref<32x3x16xf32, #tpu.memory_space<vmem>>, vector<16xf32>,
        %get3A_629 = arith.constant 20 : i32
        %get3A_630 = arith.constant 2 : i32
        %get3A_631 = arith.index_cast %get3A_629 : i32 to index
        %get3A_632 = arith.index_cast %get3A_630 : i32 to index
        %get3A_633 = arith.constant 0 : index
        %get3A_634 = tpu.vector_load %arg16[%get3A_631, %get3A_632, %get3A_633] {strides = array<i32>} : memref<32x3x16xf32, #tpu.memory_space<vmem>>, vector<16xf32>,
        %get3A_635 = arith.constant 21 : i32
        %get3A_636 = arith.constant 0 : i32
        %get3A_637 = arith.index_cast %get3A_635 : i32 to index
        %get3A_638 = arith.index_cast %get3A_636 : i32 to index
        %get3A_639 = arith.constant 0 : index
        %get3A_640 = tpu.vector_load %arg16[%get3A_637, %get3A_638, %get3A_639] {strides = array<i32>} : memref<32x3x16xf32, #tpu.memory_space<vmem>>, vector<16xf32>,
        %get3A_641 = arith.constant 21 : i32
        %get3A_642 = arith.constant 1 : i32
        %get3A_643 = arith.index_cast %get3A_641 : i32 to index
        %get3A_644 = arith.index_cast %get3A_642 : i32 to index
        %get3A_645 = arith.constant 0 : index
        %get3A_646 = tpu.vector_load %arg16[%get3A_643, %get3A_644, %get3A_645] {strides = array<i32>} : memref<32x3x16xf32, #tpu.memory_space<vmem>>, vector<16xf32>,
        %get3A_647 = arith.constant 21 : i32
        %get3A_648 = arith.constant 2 : i32
        %get3A_649 = arith.index_cast %get3A_647 : i32 to index
        %get3A_650 = arith.index_cast %get3A_648 : i32 to index
        %get3A_651 = arith.constant 0 : index
        %get3A_652 = tpu.vector_load %arg16[%get3A_649, %get3A_650, %get3A_651] {strides = array<i32>} : memref<32x3x16xf32, #tpu.memory_space<vmem>>, vector<16xf32>,
        %get3A_653 = arith.constant 22 : i32
        %get3A_654 = arith.constant 0 : i32
        %get3A_655 = arith.index_cast %get3A_653 : i32 to index
        %get3A_656 = arith.index_cast %get3A_654 : i32 to index
        %get3A_657 = arith.constant 0 : index
        %get3A_658 = tpu.vector_load %arg16[%get3A_655, %get3A_656, %get3A_657] {strides = array<i32>} : memref<32x3x16xf32, #tpu.memory_space<vmem>>, vector<16xf32>,
        %get3A_659 = arith.constant 22 : i32
        %get3A_660 = arith.constant 1 : i32
        %get3A_661 = arith.index_cast %get3A_659 : i32 to index
        %get3A_662 = arith.index_cast %get3A_660 : i32 to index
        %get3A_663 = arith.constant 0 : index
        %get3A_664 = tpu.vector_load %arg16[%get3A_661, %get3A_662, %get3A_663] {strides = array<i32>} : memref<32x3x16xf32, #tpu.memory_space<vmem>>, vector<16xf32>,
        %get3A_665 = arith.constant 22 : i32
        %get3A_666 = arith.constant 2 : i32
        %get3A_667 = arith.index_cast %get3A_665 : i32 to index
        %get3A_668 = arith.index_cast %get3A_666 : i32 to index
        %get3A_669 = arith.constant 0 : index
        %get3A_670 = tpu.vector_load %arg16[%get3A_667, %get3A_668, %get3A_669] {strides = array<i32>} : memref<32x3x16xf32, #tpu.memory_space<vmem>>, vector<16xf32>,
        %get3A_671 = arith.constant 23 : i32
        %get3A_672 = arith.constant 0 : i32
        %get3A_673 = arith.index_cast %get3A_671 : i32 to index
        %get3A_674 = arith.index_cast %get3A_672 : i32 to index
        %get3A_675 = arith.constant 0 : index
        %get3A_676 = tpu.vector_load %arg16[%get3A_673, %get3A_674, %get3A_675] {strides = array<i32>} : memref<32x3x16xf32, #tpu.memory_space<vmem>>, vector<16xf32>,
        %get3A_677 = arith.constant 23 : i32
        %get3A_678 = arith.constant 1 : i32
        %get3A_679 = arith.index_cast %get3A_677 : i32 to index
        %get3A_680 = arith.index_cast %get3A_678 : i32 to index
        %get3A_681 = arith.constant 0 : index
        %get3A_682 = tpu.vector_load %arg16[%get3A_679, %get3A_680, %get3A_681] {strides = array<i32>} : memref<32x3x16xf32, #tpu.memory_space<vmem>>, vector<16xf32>,
        %get3A_683 = arith.constant 23 : i32
        %get3A_684 = arith.constant 2 : i32
        %get3A_685 = arith.index_cast %get3A_683 : i32 to index
        %get3A_686 = arith.index_cast %get3A_684 : i32 to index
        %get3A_687 = arith.constant 0 : index
        %get3A_688 = tpu.vector_load %arg16[%get3A_685, %get3A_686, %get3A_687] {strides = array<i32>} : memref<32x3x16xf32, #tpu.memory_space<vmem>>, vector<16xf32>,
        %get3A_689 = arith.constant 16 : i32
        %get3A_690 = arith.index_cast %get3A_689 : i32 to index
        %get3A_691 = arith.constant 0 : index
        %get3A_692 = tpu.vector_load %arg17[%get3A_690, %get3A_691] {strides = array<i32>} : memref<32x16xf32, #tpu.memory_space<vmem>>, vector<16xf32>,
        %get3A_693 = arith.constant 17 : i32
        %get3A_694 = arith.index_cast %get3A_693 : i32 to index
        %get3A_695 = arith.constant 0 : index
        %get3A_696 = tpu.vector_load %arg17[%get3A_694, %get3A_695] {strides = array<i32>} : memref<32x16xf32, #tpu.memory_space<vmem>>, vector<16xf32>,
        %get3A_697 = arith.constant 18 : i32
        %get3A_698 = arith.index_cast %get3A_697 : i32 to index
        %get3A_699 = arith.constant 0 : index
        %get3A_700 = tpu.vector_load %arg17[%get3A_698, %get3A_699] {strides = array<i32>} : memref<32x16xf32, #tpu.memory_space<vmem>>, vector<16xf32>,
        %get3A_701 = arith.constant 19 : i32
        %get3A_702 = arith.index_cast %get3A_701 : i32 to index
        %get3A_703 = arith.constant 0 : index
        %get3A_704 = tpu.vector_load %arg17[%get3A_702, %get3A_703] {strides = array<i32>} : memref<32x16xf32, #tpu.memory_space<vmem>>, vector<16xf32>,
        %get3A_705 = arith.constant 20 : i32
        %get3A_706 = arith.index_cast %get3A_705 : i32 to index
        %get3A_707 = arith.constant 0 : index
        %get3A_708 = tpu.vector_load %arg17[%get3A_706, %get3A_707] {strides = array<i32>} : memref<32x16xf32, #tpu.memory_space<vmem>>, vector<16xf32>,
        %get3A_709 = arith.constant 21 : i32
        %get3A_710 = arith.index_cast %get3A_709 : i32 to index
        %get3A_711 = arith.constant 0 : index
        %get3A_712 = tpu.vector_load %arg17[%get3A_710, %get3A_711] {strides = array<i32>} : memref<32x16xf32, #tpu.memory_space<vmem>>, vector<16xf32>,
        %get3A_713 = arith.constant 22 : i32
        %get3A_714 = arith.index_cast %get3A_713 : i32 to index
        %get3A_715 = arith.constant 0 : index
        %get3A_716 = tpu.vector_load %arg17[%get3A_714, %get3A_715] {strides = array<i32>} : memref<32x16xf32, #tpu.memory_space<vmem>>, vector<16xf32>,
        %get3A_717 = arith.constant 23 : i32
        %get3A_718 = arith.index_cast %get3A_717 : i32 to index
        %get3A_719 = arith.constant 0 : index
        %get3A_720 = tpu.vector_load %arg17[%get3A_718, %get3A_719] {strides = array<i32>} : memref<32x16xf32, #tpu.memory_space<vmem>>, vector<16xf32>,
        %parallel_loop3A_721 = arith.constant 0 : i32
        %parallel_loop3A_722 = arith.constant 64 : i32
        %parallel_loop3A_723 = arith.constant 1 : i32
        scf.for %parallel_loop3A_1200 = %parallel_loop3A_721 to %parallel_loop3A_722 step %parallel_loop3A_723  : i32 {
          %parallel_loop3A_1201 = arith.constant 8 : i32
          %parallel_loop3A_1202 = arith.divsi %parallel_loop3A_1200, %parallel_loop3A_1201 : i32
          %parallel_loop3A_1203 = arith.constant 0 : i32
          %parallel_loop3A_1204 = arith.cmpi sgt, %parallel_loop3A_1200, %parallel_loop3A_1203 : i32
          %parallel_loop3A_1205 = arith.extui %parallel_loop3A_1204 : i1 to i32
          %parallel_loop3A_1206 = arith.constant 0 : i32
          %parallel_loop3A_1207 = arith.cmpi slt, %parallel_loop3A_1200, %parallel_loop3A_1206 : i32
          %parallel_loop3A_1208 = arith.extui %parallel_loop3A_1207 : i1 to i32
          %parallel_loop3A_1209 = arith.subi %parallel_loop3A_1205, %parallel_loop3A_1208 : i32
          %parallel_loop3A_1210 = arith.constant 0 : i32
          %parallel_loop3A_1211 = arith.cmpi sgt, %parallel_loop3A_1201, %parallel_loop3A_1210 : i32
          %parallel_loop3A_1212 = arith.extui %parallel_loop3A_1211 : i1 to i32
          %parallel_loop3A_1213 = arith.constant 0 : i32
          %parallel_loop3A_1214 = arith.cmpi slt, %parallel_loop3A_1201, %parallel_loop3A_1213 : i32
          %parallel_loop3A_1215 = arith.extui %parallel_loop3A_1214 : i1 to i32
          %parallel_loop3A_1216 = arith.subi %parallel_loop3A_1212, %parallel_loop3A_1215 : i32
          %parallel_loop3A_1217 = arith.cmpi ne, %parallel_loop3A_1209, %parallel_loop3A_1216 : i32
          %parallel_loop3A_1218 = arith.remsi %parallel_loop3A_1200, %parallel_loop3A_1201 : i32
          %parallel_loop3A_1219 = arith.constant 0 : i32
          %parallel_loop3A_1220 = arith.cmpi ne, %parallel_loop3A_1218, %parallel_loop3A_1219 : i32
          %parallel_loop3A_1221 = arith.andi %parallel_loop3A_1217, %parallel_loop3A_1220 : i1
          %parallel_loop3A_1222 = arith.constant 1 : i32
          %parallel_loop3A_1223 = arith.subi %parallel_loop3A_1202, %parallel_loop3A_1222 : i32
          %parallel_loop3A_1224 = arith.select %parallel_loop3A_1221, %parallel_loop3A_1223, %parallel_loop3A_1202 : i32
          %parallel_loop3A_1225 = arith.constant 8 : i32
          %parallel_loop3A_1226 = arith.constant 0 : i32
          %parallel_loop3A_1227 = arith.cmpi eq, %parallel_loop3A_1225, %parallel_loop3A_1226 : i32
          %parallel_loop3A_1228 = arith.constant 1 : i32
          %parallel_loop3A_1229 = arith.select %parallel_loop3A_1227, %parallel_loop3A_1228, %parallel_loop3A_1225 : i32
          %parallel_loop3A_1230 = arith.remsi %parallel_loop3A_1200, %parallel_loop3A_1229 : i32
          %parallel_loop3A_1231 = arith.constant 0 : i32
          %parallel_loop3A_1232 = arith.cmpi ne, %parallel_loop3A_1230, %parallel_loop3A_1231 : i32
          %parallel_loop3A_1233 = arith.constant 0 : i32
          %parallel_loop3A_1234 = arith.cmpi slt, %parallel_loop3A_1230, %parallel_loop3A_1233 : i32
          %parallel_loop3A_1235 = arith.constant 0 : i32
          %parallel_loop3A_1236 = arith.cmpi slt, %parallel_loop3A_1229, %parallel_loop3A_1235 : i32
          %parallel_loop3A_1237 = arith.xori %parallel_loop3A_1234, %parallel_loop3A_1236 : i1
          %parallel_loop3A_1238 = arith.andi %parallel_loop3A_1237, %parallel_loop3A_1232 : i1
          %parallel_loop3A_1239 = arith.addi %parallel_loop3A_1230, %parallel_loop3A_1229 : i32
          %parallel_loop3A_1240 = arith.select %parallel_loop3A_1238, %parallel_loop3A_1239, %parallel_loop3A_1230 : i32
          %parallel_loop3A_1241 = arith.constant 16 : i32
          %parallel_loop3A_1242 = arith.muli %parallel_loop3A_1240, %parallel_loop3A_1241 : i32
          %parallel_loop3A_1243 = arith.index_cast %parallel_loop3A_1224 : i32 to index
          %parallel_loop3A_1244 = arith.index_cast %scan3A_149 : i32 to index
          %parallel_loop3A_1245 = arith.index_cast %parallel_loop3A_1242 : i32 to index
          %parallel_loop3A_1246 = tpu.vector_load %arg8[%parallel_loop3A_1243, %parallel_loop3A_1244, %parallel_loop3A_1245] {strides = array<i32>} : memref<8x8x128xf32, #tpu.memory_space<vmem>>, vector<16xf32>,
          %parallel_loop3A_1247 = arith.constant 16 : i32
          %parallel_loop3A_1248 = arith.muli %parallel_loop3A_1240, %parallel_loop3A_1247 : i32
          %parallel_loop3A_1249 = arith.index_cast %parallel_loop3A_1224 : i32 to index
          %parallel_loop3A_1250 = arith.index_cast %scan3A_149 : i32 to index
          %parallel_loop3A_1251 = arith.index_cast %parallel_loop3A_1248 : i32 to index
          %parallel_loop3A_1252 = tpu.vector_load %arg9[%parallel_loop3A_1249, %parallel_loop3A_1250, %parallel_loop3A_1251] {strides = array<i32>} : memref<8x8x128xf32, #tpu.memory_space<vmem>>, vector<16xf32>,
          %parallel_loop3A_1253 = arith.constant 16 : i32
          %parallel_loop3A_1254 = arith.muli %parallel_loop3A_1240, %parallel_loop3A_1253 : i32
          %parallel_loop3A_1255 = arith.index_cast %parallel_loop3A_1224 : i32 to index
          %parallel_loop3A_1256 = arith.index_cast %scan3A_149 : i32 to index
          %parallel_loop3A_1257 = arith.index_cast %parallel_loop3A_1254 : i32 to index
          %parallel_loop3A_1258 = tpu.vector_load %arg10[%parallel_loop3A_1255, %parallel_loop3A_1256, %parallel_loop3A_1257] {strides = array<i32>} : memref<8x8x128xf32, #tpu.memory_space<vmem>>, vector<16xf32>,
          %parallel_loop3A_1259 = arith.mulf %get3A_550, %parallel_loop3A_1246 : vector<16xf32>
          %parallel_loop3A_1260 = arith.mulf %get3A_556, %parallel_loop3A_1252 : vector<16xf32>
          %parallel_loop3A_1261 = arith.addf %parallel_loop3A_1259, %parallel_loop3A_1260 : vector<16xf32>
          %parallel_loop3A_1262 = arith.mulf %get3A_562, %parallel_loop3A_1258 : vector<16xf32>
          %parallel_loop3A_1263 = arith.addf %parallel_loop3A_1261, %parallel_loop3A_1262 : vector<16xf32>
          %parallel_loop3A_1264 = arith.addf %parallel_loop3A_1263, %get3A_692 : vector<16xf32>
          %parallel_loop3A_1265 = arith.mulf %get3A_568, %parallel_loop3A_1246 : vector<16xf32>
          %parallel_loop3A_1266 = arith.mulf %get3A_574, %parallel_loop3A_1252 : vector<16xf32>
          %parallel_loop3A_1267 = arith.addf %parallel_loop3A_1265, %parallel_loop3A_1266 : vector<16xf32>
          %parallel_loop3A_1268 = arith.mulf %get3A_580, %parallel_loop3A_1258 : vector<16xf32>
          %parallel_loop3A_1269 = arith.addf %parallel_loop3A_1267, %parallel_loop3A_1268 : vector<16xf32>
          %parallel_loop3A_1270 = arith.addf %parallel_loop3A_1269, %get3A_696 : vector<16xf32>
          %parallel_loop3A_1271 = arith.mulf %get3A_586, %parallel_loop3A_1246 : vector<16xf32>
          %parallel_loop3A_1272 = arith.mulf %get3A_592, %parallel_loop3A_1252 : vector<16xf32>
          %parallel_loop3A_1273 = arith.addf %parallel_loop3A_1271, %parallel_loop3A_1272 : vector<16xf32>
          %parallel_loop3A_1274 = arith.mulf %get3A_598, %parallel_loop3A_1258 : vector<16xf32>
          %parallel_loop3A_1275 = arith.addf %parallel_loop3A_1273, %parallel_loop3A_1274 : vector<16xf32>
          %parallel_loop3A_1276 = arith.addf %parallel_loop3A_1275, %get3A_700 : vector<16xf32>
          %parallel_loop3A_1277 = arith.mulf %get3A_604, %parallel_loop3A_1246 : vector<16xf32>
          %parallel_loop3A_1278 = arith.mulf %get3A_610, %parallel_loop3A_1252 : vector<16xf32>
          %parallel_loop3A_1279 = arith.addf %parallel_loop3A_1277, %parallel_loop3A_1278 : vector<16xf32>
          %parallel_loop3A_1280 = arith.mulf %get3A_616, %parallel_loop3A_1258 : vector<16xf32>
          %parallel_loop3A_1281 = arith.addf %parallel_loop3A_1279, %parallel_loop3A_1280 : vector<16xf32>
          %parallel_loop3A_1282 = arith.addf %parallel_loop3A_1281, %get3A_704 : vector<16xf32>
          %parallel_loop3A_1283 = arith.mulf %get3A_622, %parallel_loop3A_1246 : vector<16xf32>
          %parallel_loop3A_1284 = arith.mulf %get3A_628, %parallel_loop3A_1252 : vector<16xf32>
          %parallel_loop3A_1285 = arith.addf %parallel_loop3A_1283, %parallel_loop3A_1284 : vector<16xf32>
          %parallel_loop3A_1286 = arith.mulf %get3A_634, %parallel_loop3A_1258 : vector<16xf32>
          %parallel_loop3A_1287 = arith.addf %parallel_loop3A_1285, %parallel_loop3A_1286 : vector<16xf32>
          %parallel_loop3A_1288 = arith.addf %parallel_loop3A_1287, %get3A_708 : vector<16xf32>
          %parallel_loop3A_1289 = arith.mulf %get3A_640, %parallel_loop3A_1246 : vector<16xf32>
          %parallel_loop3A_1290 = arith.mulf %get3A_646, %parallel_loop3A_1252 : vector<16xf32>
          %parallel_loop3A_1291 = arith.addf %parallel_loop3A_1289, %parallel_loop3A_1290 : vector<16xf32>
          %parallel_loop3A_1292 = arith.mulf %get3A_652, %parallel_loop3A_1258 : vector<16xf32>
          %parallel_loop3A_1293 = arith.addf %parallel_loop3A_1291, %parallel_loop3A_1292 : vector<16xf32>
          %parallel_loop3A_1294 = arith.addf %parallel_loop3A_1293, %get3A_712 : vector<16xf32>
          %parallel_loop3A_1295 = arith.mulf %get3A_658, %parallel_loop3A_1246 : vector<16xf32>
          %parallel_loop3A_1296 = arith.mulf %get3A_664, %parallel_loop3A_1252 : vector<16xf32>
          %parallel_loop3A_1297 = arith.addf %parallel_loop3A_1295, %parallel_loop3A_1296 : vector<16xf32>
          %parallel_loop3A_1298 = arith.mulf %get3A_670, %parallel_loop3A_1258 : vector<16xf32>
          %parallel_loop3A_1299 = arith.addf %parallel_loop3A_1297, %parallel_loop3A_1298 : vector<16xf32>
          %parallel_loop3A_1300 = arith.addf %parallel_loop3A_1299, %get3A_716 : vector<16xf32>
          %parallel_loop3A_1301 = arith.mulf %get3A_676, %parallel_loop3A_1246 : vector<16xf32>
          %parallel_loop3A_1302 = arith.mulf %get3A_682, %parallel_loop3A_1252 : vector<16xf32>
          %parallel_loop3A_1303 = arith.addf %parallel_loop3A_1301, %parallel_loop3A_1302 : vector<16xf32>
          %parallel_loop3A_1304 = arith.mulf %get3A_688, %parallel_loop3A_1258 : vector<16xf32>
          %parallel_loop3A_1305 = arith.addf %parallel_loop3A_1303, %parallel_loop3A_1304 : vector<16xf32>
          %parallel_loop3A_1306 = arith.addf %parallel_loop3A_1305, %get3A_720 : vector<16xf32>
          %parallel_loop3A_1307 = arith.constant 16 : i32
          %parallel_loop3A_1308 = arith.muli %parallel_loop3A_1240, %parallel_loop3A_1307 : i32
          %parallel_loop3A_1309 = arith.constant 0 : i32
          %parallel_loop3A_1310 = arith.index_cast %parallel_loop3A_1224 : i32 to index
          %parallel_loop3A_1311 = arith.index_cast %parallel_loop3A_1309 : i32 to index
          %parallel_loop3A_1312 = arith.index_cast %parallel_loop3A_1308 : i32 to index
          %parallel_loop3A_1313 = tpu.vector_load %arg15[%parallel_loop3A_1310, %parallel_loop3A_1311, %parallel_loop3A_1312] {strides = array<i32>} : memref<8x8x128xf32, #tpu.memory_space<vmem>>, vector<16xf32>,
          tpu.vector_store %arg15[%parallel_loop3A_1310, %parallel_loop3A_1311, %parallel_loop3A_1312], %parallel_loop3A_1264 {strides = array<i32>} : memref<8x8x128xf32, #tpu.memory_space<vmem>>, vector<16xf32>,
          %parallel_loop3A_1314 = arith.constant 16 : i32
          %parallel_loop3A_1315 = arith.muli %parallel_loop3A_1240, %parallel_loop3A_1314 : i32
          %parallel_loop3A_1316 = arith.constant 1 : i32
          %parallel_loop3A_1317 = arith.index_cast %parallel_loop3A_1224 : i32 to index
          %parallel_loop3A_1318 = arith.index_cast %parallel_loop3A_1316 : i32 to index
          %parallel_loop3A_1319 = arith.index_cast %parallel_loop3A_1315 : i32 to index
          %parallel_loop3A_1320 = tpu.vector_load %arg15[%parallel_loop3A_1317, %parallel_loop3A_1318, %parallel_loop3A_1319] {strides = array<i32>} : memref<8x8x128xf32, #tpu.memory_space<vmem>>, vector<16xf32>,
          tpu.vector_store %arg15[%parallel_loop3A_1317, %parallel_loop3A_1318, %parallel_loop3A_1319], %parallel_loop3A_1270 {strides = array<i32>} : memref<8x8x128xf32, #tpu.memory_space<vmem>>, vector<16xf32>,
          %parallel_loop3A_1321 = arith.constant 16 : i32
          %parallel_loop3A_1322 = arith.muli %parallel_loop3A_1240, %parallel_loop3A_1321 : i32
          %parallel_loop3A_1323 = arith.constant 2 : i32
          %parallel_loop3A_1324 = arith.index_cast %parallel_loop3A_1224 : i32 to index
          %parallel_loop3A_1325 = arith.index_cast %parallel_loop3A_1323 : i32 to index
          %parallel_loop3A_1326 = arith.index_cast %parallel_loop3A_1322 : i32 to index
          %parallel_loop3A_1327 = tpu.vector_load %arg15[%parallel_loop3A_1324, %parallel_loop3A_1325, %parallel_loop3A_1326] {strides = array<i32>} : memref<8x8x128xf32, #tpu.memory_space<vmem>>, vector<16xf32>,
          tpu.vector_store %arg15[%parallel_loop3A_1324, %parallel_loop3A_1325, %parallel_loop3A_1326], %parallel_loop3A_1276 {strides = array<i32>} : memref<8x8x128xf32, #tpu.memory_space<vmem>>, vector<16xf32>,
          %parallel_loop3A_1328 = arith.constant 16 : i32
          %parallel_loop3A_1329 = arith.muli %parallel_loop3A_1240, %parallel_loop3A_1328 : i32
          %parallel_loop3A_1330 = arith.constant 3 : i32
          %parallel_loop3A_1331 = arith.index_cast %parallel_loop3A_1224 : i32 to index
          %parallel_loop3A_1332 = arith.index_cast %parallel_loop3A_1330 : i32 to index
          %parallel_loop3A_1333 = arith.index_cast %parallel_loop3A_1329 : i32 to index
          %parallel_loop3A_1334 = tpu.vector_load %arg15[%parallel_loop3A_1331, %parallel_loop3A_1332, %parallel_loop3A_1333] {strides = array<i32>} : memref<8x8x128xf32, #tpu.memory_space<vmem>>, vector<16xf32>,
          tpu.vector_store %arg15[%parallel_loop3A_1331, %parallel_loop3A_1332, %parallel_loop3A_1333], %parallel_loop3A_1282 {strides = array<i32>} : memref<8x8x128xf32, #tpu.memory_space<vmem>>, vector<16xf32>,
          %parallel_loop3A_1335 = arith.constant 16 : i32
          %parallel_loop3A_1336 = arith.muli %parallel_loop3A_1240, %parallel_loop3A_1335 : i32
          %parallel_loop3A_1337 = arith.constant 4 : i32
          %parallel_loop3A_1338 = arith.index_cast %parallel_loop3A_1224 : i32 to index
          %parallel_loop3A_1339 = arith.index_cast %parallel_loop3A_1337 : i32 to index
          %parallel_loop3A_1340 = arith.index_cast %parallel_loop3A_1336 : i32 to index
          %parallel_loop3A_1341 = tpu.vector_load %arg15[%parallel_loop3A_1338, %parallel_loop3A_1339, %parallel_loop3A_1340] {strides = array<i32>} : memref<8x8x128xf32, #tpu.memory_space<vmem>>, vector<16xf32>,
          tpu.vector_store %arg15[%parallel_loop3A_1338, %parallel_loop3A_1339, %parallel_loop3A_1340], %parallel_loop3A_1288 {strides = array<i32>} : memref<8x8x128xf32, #tpu.memory_space<vmem>>, vector<16xf32>,
          %parallel_loop3A_1342 = arith.constant 16 : i32
          %parallel_loop3A_1343 = arith.muli %parallel_loop3A_1240, %parallel_loop3A_1342 : i32
          %parallel_loop3A_1344 = arith.constant 5 : i32
          %parallel_loop3A_1345 = arith.index_cast %parallel_loop3A_1224 : i32 to index
          %parallel_loop3A_1346 = arith.index_cast %parallel_loop3A_1344 : i32 to index
          %parallel_loop3A_1347 = arith.index_cast %parallel_loop3A_1343 : i32 to index
          %parallel_loop3A_1348 = tpu.vector_load %arg15[%parallel_loop3A_1345, %parallel_loop3A_1346, %parallel_loop3A_1347] {strides = array<i32>} : memref<8x8x128xf32, #tpu.memory_space<vmem>>, vector<16xf32>,
          tpu.vector_store %arg15[%parallel_loop3A_1345, %parallel_loop3A_1346, %parallel_loop3A_1347], %parallel_loop3A_1294 {strides = array<i32>} : memref<8x8x128xf32, #tpu.memory_space<vmem>>, vector<16xf32>,
          %parallel_loop3A_1349 = arith.constant 16 : i32
          %parallel_loop3A_1350 = arith.muli %parallel_loop3A_1240, %parallel_loop3A_1349 : i32
          %parallel_loop3A_1351 = arith.constant 6 : i32
          %parallel_loop3A_1352 = arith.index_cast %parallel_loop3A_1224 : i32 to index
          %parallel_loop3A_1353 = arith.index_cast %parallel_loop3A_1351 : i32 to index
          %parallel_loop3A_1354 = arith.index_cast %parallel_loop3A_1350 : i32 to index
          %parallel_loop3A_1355 = tpu.vector_load %arg15[%parallel_loop3A_1352, %parallel_loop3A_1353, %parallel_loop3A_1354] {strides = array<i32>} : memref<8x8x128xf32, #tpu.memory_space<vmem>>, vector<16xf32>,
          tpu.vector_store %arg15[%parallel_loop3A_1352, %parallel_loop3A_1353, %parallel_loop3A_1354], %parallel_loop3A_1300 {strides = array<i32>} : memref<8x8x128xf32, #tpu.memory_space<vmem>>, vector<16xf32>,
          %parallel_loop3A_1356 = arith.constant 16 : i32
          %parallel_loop3A_1357 = arith.muli %parallel_loop3A_1240, %parallel_loop3A_1356 : i32
          %parallel_loop3A_1358 = arith.constant 7 : i32
          %parallel_loop3A_1359 = arith.index_cast %parallel_loop3A_1224 : i32 to index
          %parallel_loop3A_1360 = arith.index_cast %parallel_loop3A_1358 : i32 to index
          %parallel_loop3A_1361 = arith.index_cast %parallel_loop3A_1357 : i32 to index
          %parallel_loop3A_1362 = tpu.vector_load %arg15[%parallel_loop3A_1359, %parallel_loop3A_1360, %parallel_loop3A_1361] {strides = array<i32>} : memref<8x8x128xf32, #tpu.memory_space<vmem>>, vector<16xf32>,
          tpu.vector_store %arg15[%parallel_loop3A_1359, %parallel_loop3A_1360, %parallel_loop3A_1361], %parallel_loop3A_1306 {strides = array<i32>} : memref<8x8x128xf32, #tpu.memory_space<vmem>>, vector<16xf32>,
        } {sc.loop_unroll_factor = 2 : i64, sc.parallel_access}
        %dma_start3A_724 = arith.constant 2 : i32
        %dma_start3A_725 = arith.constant 0 : i32
        %dma_start3A_726 = arith.constant 0 : i32
        %dma_start3A_727 = arith.constant 0 : i32
        %dma_start3A_728 = tpu.memref_slice %arg7[%add3A_152, %select_n3A, %dma_start3A_724, %dma_start3A_725, %dma_start3A_726, %dma_start3A_727] : memref<64x12x12x8x8x128xf32, #tpu.memory_space<hbm>> -> memref<1x1x1x8x8x128xf32, #tpu.memory_space<hbm>>
        %dma_start3A_729 = tpu.memref_squeeze %dma_start3A_728 : memref<1x1x1x8x8x128xf32, #tpu.memory_space<hbm>> -> memref<8x8x128xf32, #tpu.memory_space<hbm>>
        %dma_start3A_730 = arith.constant 0 : i32
        %dma_start3A_731 = arith.constant 0 : i32
        %dma_start3A_732 = arith.constant 0 : i32
        %dma_start3A_733 = tpu.memref_slice %arg7[%add3A_152, %select_n3A, %dma_start3A_724, %dma_start3A_730, %dma_start3A_731, %dma_start3A_732] : memref<64x12x12x8x8x128xf32, #tpu.memory_space<hbm>> -> memref<1x1x1x8x8x128xf32, #tpu.memory_space<hbm>>
        %dma_start3A_734 = tpu.memref_squeeze %dma_start3A_733 : memref<1x1x1x8x8x128xf32, #tpu.memory_space<hbm>> -> memref<8x8x128xf32, #tpu.memory_space<hbm>>
        tpu.enqueue_dma source(%arg15 : memref<8x8x128xf32, #tpu.memory_space<vmem>>) target(%dma_start3A_734 : memref<8x8x128xf32, #tpu.memory_space<hbm>>) target_semaphore(%arg24 : memref<!tpu.dma_semaphore, #tpu.memory_space<semaphore_mem>>)
        %dma_wait3A_735 = arith.constant 0 : i32
        %dma_wait3A_736 = arith.constant 0 : i32
        %dma_wait3A_737 = arith.constant 0 : i32
        %dma_wait3A_738 = arith.constant 0 : i32
        %dma_wait3A_739 = tpu.memref_slice %arg7[%add3A_152, %select_n3A, %dma_wait3A_735, %dma_wait3A_736, %dma_wait3A_737, %dma_wait3A_738] : memref<64x12x12x8x8x128xf32, #tpu.memory_space<hbm>> -> memref<1x1x1x8x8x128xf32, #tpu.memory_space<hbm>>
        %dma_wait3A_740 = tpu.memref_squeeze %dma_wait3A_739 : memref<1x1x1x8x8x128xf32, #tpu.memory_space<hbm>> -> memref<8x8x128xf32, #tpu.memory_space<hbm>>
        %dma_wait3A_741 = arith.constant 0 : i32
        %dma_wait3A_742 = arith.constant 0 : i32
        %dma_wait3A_743 = arith.constant 0 : i32
        %dma_wait3A_744 = tpu.memref_slice %arg7[%add3A_152, %select_n3A, %dma_wait3A_735, %dma_wait3A_741, %dma_wait3A_742, %dma_wait3A_743] : memref<64x12x12x8x8x128xf32, #tpu.memory_space<hbm>> -> memref<1x1x1x8x8x128xf32, #tpu.memory_space<hbm>>
        %dma_wait3A_745 = tpu.memref_squeeze %dma_wait3A_744 : memref<1x1x1x8x8x128xf32, #tpu.memory_space<hbm>> -> memref<8x8x128xf32, #tpu.memory_space<hbm>>
        tpu.wait_dma2 semaphore(%arg22 : memref<!tpu.dma_semaphore, #tpu.memory_space<semaphore_mem>>) src(%arg13 : memref<8x8x128xf32, #tpu.memory_space<vmem>>) dst(%dma_wait3A_745 : memref<8x8x128xf32, #tpu.memory_space<hbm>>)
        %get3A_746 = arith.constant 24 : i32
        %get3A_747 = arith.constant 0 : i32
        %get3A_748 = arith.index_cast %get3A_746 : i32 to index
        %get3A_749 = arith.index_cast %get3A_747 : i32 to index
        %get3A_750 = arith.constant 0 : index
        %get3A_751 = tpu.vector_load %arg16[%get3A_748, %get3A_749, %get3A_750] {strides = array<i32>} : memref<32x3x16xf32, #tpu.memory_space<vmem>>, vector<16xf32>,
        %get3A_752 = arith.constant 24 : i32
        %get3A_753 = arith.constant 1 : i32
        %get3A_754 = arith.index_cast %get3A_752 : i32 to index
        %get3A_755 = arith.index_cast %get3A_753 : i32 to index
        %get3A_756 = arith.constant 0 : index
        %get3A_757 = tpu.vector_load %arg16[%get3A_754, %get3A_755, %get3A_756] {strides = array<i32>} : memref<32x3x16xf32, #tpu.memory_space<vmem>>, vector<16xf32>,
        %get3A_758 = arith.constant 24 : i32
        %get3A_759 = arith.constant 2 : i32
        %get3A_760 = arith.index_cast %get3A_758 : i32 to index
        %get3A_761 = arith.index_cast %get3A_759 : i32 to index
        %get3A_762 = arith.constant 0 : index
        %get3A_763 = tpu.vector_load %arg16[%get3A_760, %get3A_761, %get3A_762] {strides = array<i32>} : memref<32x3x16xf32, #tpu.memory_space<vmem>>, vector<16xf32>,
        %get3A_764 = arith.constant 25 : i32
        %get3A_765 = arith.constant 0 : i32
        %get3A_766 = arith.index_cast %get3A_764 : i32 to index
        %get3A_767 = arith.index_cast %get3A_765 : i32 to index
        %get3A_768 = arith.constant 0 : index
        %get3A_769 = tpu.vector_load %arg16[%get3A_766, %get3A_767, %get3A_768] {strides = array<i32>} : memref<32x3x16xf32, #tpu.memory_space<vmem>>, vector<16xf32>,
        %get3A_770 = arith.constant 25 : i32
        %get3A_771 = arith.constant 1 : i32
        %get3A_772 = arith.index_cast %get3A_770 : i32 to index
        %get3A_773 = arith.index_cast %get3A_771 : i32 to index
        %get3A_774 = arith.constant 0 : index
        %get3A_775 = tpu.vector_load %arg16[%get3A_772, %get3A_773, %get3A_774] {strides = array<i32>} : memref<32x3x16xf32, #tpu.memory_space<vmem>>, vector<16xf32>,
        %get3A_776 = arith.constant 25 : i32
        %get3A_777 = arith.constant 2 : i32
        %get3A_778 = arith.index_cast %get3A_776 : i32 to index
        %get3A_779 = arith.index_cast %get3A_777 : i32 to index
        %get3A_780 = arith.constant 0 : index
        %get3A_781 = tpu.vector_load %arg16[%get3A_778, %get3A_779, %get3A_780] {strides = array<i32>} : memref<32x3x16xf32, #tpu.memory_space<vmem>>, vector<16xf32>,
        %get3A_782 = arith.constant 26 : i32
        %get3A_783 = arith.constant 0 : i32
        %get3A_784 = arith.index_cast %get3A_782 : i32 to index
        %get3A_785 = arith.index_cast %get3A_783 : i32 to index
        %get3A_786 = arith.constant 0 : index
        %get3A_787 = tpu.vector_load %arg16[%get3A_784, %get3A_785, %get3A_786] {strides = array<i32>} : memref<32x3x16xf32, #tpu.memory_space<vmem>>, vector<16xf32>,
        %get3A_788 = arith.constant 26 : i32
        %get3A_789 = arith.constant 1 : i32
        %get3A_790 = arith.index_cast %get3A_788 : i32 to index
        %get3A_791 = arith.index_cast %get3A_789 : i32 to index
        %get3A_792 = arith.constant 0 : index
        %get3A_793 = tpu.vector_load %arg16[%get3A_790, %get3A_791, %get3A_792] {strides = array<i32>} : memref<32x3x16xf32, #tpu.memory_space<vmem>>, vector<16xf32>,
        %get3A_794 = arith.constant 26 : i32
        %get3A_795 = arith.constant 2 : i32
        %get3A_796 = arith.index_cast %get3A_794 : i32 to index
        %get3A_797 = arith.index_cast %get3A_795 : i32 to index
        %get3A_798 = arith.constant 0 : index
        %get3A_799 = tpu.vector_load %arg16[%get3A_796, %get3A_797, %get3A_798] {strides = array<i32>} : memref<32x3x16xf32, #tpu.memory_space<vmem>>, vector<16xf32>,
        %get3A_800 = arith.constant 27 : i32
        %get3A_801 = arith.constant 0 : i32
        %get3A_802 = arith.index_cast %get3A_800 : i32 to index
        %get3A_803 = arith.index_cast %get3A_801 : i32 to index
        %get3A_804 = arith.constant 0 : index
        %get3A_805 = tpu.vector_load %arg16[%get3A_802, %get3A_803, %get3A_804] {strides = array<i32>} : memref<32x3x16xf32, #tpu.memory_space<vmem>>, vector<16xf32>,
        %get3A_806 = arith.constant 27 : i32
        %get3A_807 = arith.constant 1 : i32
        %get3A_808 = arith.index_cast %get3A_806 : i32 to index
        %get3A_809 = arith.index_cast %get3A_807 : i32 to index
        %get3A_810 = arith.constant 0 : index
        %get3A_811 = tpu.vector_load %arg16[%get3A_808, %get3A_809, %get3A_810] {strides = array<i32>} : memref<32x3x16xf32, #tpu.memory_space<vmem>>, vector<16xf32>,
        %get3A_812 = arith.constant 27 : i32
        %get3A_813 = arith.constant 2 : i32
        %get3A_814 = arith.index_cast %get3A_812 : i32 to index
        %get3A_815 = arith.index_cast %get3A_813 : i32 to index
        %get3A_816 = arith.constant 0 : index
        %get3A_817 = tpu.vector_load %arg16[%get3A_814, %get3A_815, %get3A_816] {strides = array<i32>} : memref<32x3x16xf32, #tpu.memory_space<vmem>>, vector<16xf32>,
        %get3A_818 = arith.constant 28 : i32
        %get3A_819 = arith.constant 0 : i32
        %get3A_820 = arith.index_cast %get3A_818 : i32 to index
        %get3A_821 = arith.index_cast %get3A_819 : i32 to index
        %get3A_822 = arith.constant 0 : index
        %get3A_823 = tpu.vector_load %arg16[%get3A_820, %get3A_821, %get3A_822] {strides = array<i32>} : memref<32x3x16xf32, #tpu.memory_space<vmem>>, vector<16xf32>,
        %get3A_824 = arith.constant 28 : i32
        %get3A_825 = arith.constant 1 : i32
        %get3A_826 = arith.index_cast %get3A_824 : i32 to index
        %get3A_827 = arith.index_cast %get3A_825 : i32 to index
        %get3A_828 = arith.constant 0 : index
        %get3A_829 = tpu.vector_load %arg16[%get3A_826, %get3A_827, %get3A_828] {strides = array<i32>} : memref<32x3x16xf32, #tpu.memory_space<vmem>>, vector<16xf32>,
        %get3A_830 = arith.constant 28 : i32
        %get3A_831 = arith.constant 2 : i32
        %get3A_832 = arith.index_cast %get3A_830 : i32 to index
        %get3A_833 = arith.index_cast %get3A_831 : i32 to index
        %get3A_834 = arith.constant 0 : index
        %get3A_835 = tpu.vector_load %arg16[%get3A_832, %get3A_833, %get3A_834] {strides = array<i32>} : memref<32x3x16xf32, #tpu.memory_space<vmem>>, vector<16xf32>,
        %get3A_836 = arith.constant 29 : i32
        %get3A_837 = arith.constant 0 : i32
        %get3A_838 = arith.index_cast %get3A_836 : i32 to index
        %get3A_839 = arith.index_cast %get3A_837 : i32 to index
        %get3A_840 = arith.constant 0 : index
        %get3A_841 = tpu.vector_load %arg16[%get3A_838, %get3A_839, %get3A_840] {strides = array<i32>} : memref<32x3x16xf32, #tpu.memory_space<vmem>>, vector<16xf32>,
        %get3A_842 = arith.constant 29 : i32
        %get3A_843 = arith.constant 1 : i32
        %get3A_844 = arith.index_cast %get3A_842 : i32 to index
        %get3A_845 = arith.index_cast %get3A_843 : i32 to index
        %get3A_846 = arith.constant 0 : index
        %get3A_847 = tpu.vector_load %arg16[%get3A_844, %get3A_845, %get3A_846] {strides = array<i32>} : memref<32x3x16xf32, #tpu.memory_space<vmem>>, vector<16xf32>,
        %get3A_848 = arith.constant 29 : i32
        %get3A_849 = arith.constant 2 : i32
        %get3A_850 = arith.index_cast %get3A_848 : i32 to index
        %get3A_851 = arith.index_cast %get3A_849 : i32 to index
        %get3A_852 = arith.constant 0 : index
        %get3A_853 = tpu.vector_load %arg16[%get3A_850, %get3A_851, %get3A_852] {strides = array<i32>} : memref<32x3x16xf32, #tpu.memory_space<vmem>>, vector<16xf32>,
        %get3A_854 = arith.constant 30 : i32
        %get3A_855 = arith.constant 0 : i32
        %get3A_856 = arith.index_cast %get3A_854 : i32 to index
        %get3A_857 = arith.index_cast %get3A_855 : i32 to index
        %get3A_858 = arith.constant 0 : index
        %get3A_859 = tpu.vector_load %arg16[%get3A_856, %get3A_857, %get3A_858] {strides = array<i32>} : memref<32x3x16xf32, #tpu.memory_space<vmem>>, vector<16xf32>,
        %get3A_860 = arith.constant 30 : i32
        %get3A_861 = arith.constant 1 : i32
        %get3A_862 = arith.index_cast %get3A_860 : i32 to index
        %get3A_863 = arith.index_cast %get3A_861 : i32 to index
        %get3A_864 = arith.constant 0 : index
        %get3A_865 = tpu.vector_load %arg16[%get3A_862, %get3A_863, %get3A_864] {strides = array<i32>} : memref<32x3x16xf32, #tpu.memory_space<vmem>>, vector<16xf32>,
        %get3A_866 = arith.constant 30 : i32
        %get3A_867 = arith.constant 2 : i32
        %get3A_868 = arith.index_cast %get3A_866 : i32 to index
        %get3A_869 = arith.index_cast %get3A_867 : i32 to index
        %get3A_870 = arith.constant 0 : index
        %get3A_871 = tpu.vector_load %arg16[%get3A_868, %get3A_869, %get3A_870] {strides = array<i32>} : memref<32x3x16xf32, #tpu.memory_space<vmem>>, vector<16xf32>,
        %get3A_872 = arith.constant 31 : i32
        %get3A_873 = arith.constant 0 : i32
        %get3A_874 = arith.index_cast %get3A_872 : i32 to index
        %get3A_875 = arith.index_cast %get3A_873 : i32 to index
        %get3A_876 = arith.constant 0 : index
        %get3A_877 = tpu.vector_load %arg16[%get3A_874, %get3A_875, %get3A_876] {strides = array<i32>} : memref<32x3x16xf32, #tpu.memory_space<vmem>>, vector<16xf32>,
        %get3A_878 = arith.constant 31 : i32
        %get3A_879 = arith.constant 1 : i32
        %get3A_880 = arith.index_cast %get3A_878 : i32 to index
        %get3A_881 = arith.index_cast %get3A_879 : i32 to index
        %get3A_882 = arith.constant 0 : index
        %get3A_883 = tpu.vector_load %arg16[%get3A_880, %get3A_881, %get3A_882] {strides = array<i32>} : memref<32x3x16xf32, #tpu.memory_space<vmem>>, vector<16xf32>,
        %get3A_884 = arith.constant 31 : i32
        %get3A_885 = arith.constant 2 : i32
        %get3A_886 = arith.index_cast %get3A_884 : i32 to index
        %get3A_887 = arith.index_cast %get3A_885 : i32 to index
        %get3A_888 = arith.constant 0 : index
        %get3A_889 = tpu.vector_load %arg16[%get3A_886, %get3A_887, %get3A_888] {strides = array<i32>} : memref<32x3x16xf32, #tpu.memory_space<vmem>>, vector<16xf32>,
        %get3A_890 = arith.constant 24 : i32
        %get3A_891 = arith.index_cast %get3A_890 : i32 to index
        %get3A_892 = arith.constant 0 : index
        %get3A_893 = tpu.vector_load %arg17[%get3A_891, %get3A_892] {strides = array<i32>} : memref<32x16xf32, #tpu.memory_space<vmem>>, vector<16xf32>,
        %get3A_894 = arith.constant 25 : i32
        %get3A_895 = arith.index_cast %get3A_894 : i32 to index
        %get3A_896 = arith.constant 0 : index
        %get3A_897 = tpu.vector_load %arg17[%get3A_895, %get3A_896] {strides = array<i32>} : memref<32x16xf32, #tpu.memory_space<vmem>>, vector<16xf32>,
        %get3A_898 = arith.constant 26 : i32
        %get3A_899 = arith.index_cast %get3A_898 : i32 to index
        %get3A_900 = arith.constant 0 : index
        %get3A_901 = tpu.vector_load %arg17[%get3A_899, %get3A_900] {strides = array<i32>} : memref<32x16xf32, #tpu.memory_space<vmem>>, vector<16xf32>,
        %get3A_902 = arith.constant 27 : i32
        %get3A_903 = arith.index_cast %get3A_902 : i32 to index
        %get3A_904 = arith.constant 0 : index
        %get3A_905 = tpu.vector_load %arg17[%get3A_903, %get3A_904] {strides = array<i32>} : memref<32x16xf32, #tpu.memory_space<vmem>>, vector<16xf32>,
        %get3A_906 = arith.constant 28 : i32
        %get3A_907 = arith.index_cast %get3A_906 : i32 to index
        %get3A_908 = arith.constant 0 : index
        %get3A_909 = tpu.vector_load %arg17[%get3A_907, %get3A_908] {strides = array<i32>} : memref<32x16xf32, #tpu.memory_space<vmem>>, vector<16xf32>,
        %get3A_910 = arith.constant 29 : i32
        %get3A_911 = arith.index_cast %get3A_910 : i32 to index
        %get3A_912 = arith.constant 0 : index
        %get3A_913 = tpu.vector_load %arg17[%get3A_911, %get3A_912] {strides = array<i32>} : memref<32x16xf32, #tpu.memory_space<vmem>>, vector<16xf32>,
        %get3A_914 = arith.constant 30 : i32
        %get3A_915 = arith.index_cast %get3A_914 : i32 to index
        %get3A_916 = arith.constant 0 : index
        %get3A_917 = tpu.vector_load %arg17[%get3A_915, %get3A_916] {strides = array<i32>} : memref<32x16xf32, #tpu.memory_space<vmem>>, vector<16xf32>,
        %get3A_918 = arith.constant 31 : i32
        %get3A_919 = arith.index_cast %get3A_918 : i32 to index
        %get3A_920 = arith.constant 0 : index
        %get3A_921 = tpu.vector_load %arg17[%get3A_919, %get3A_920] {strides = array<i32>} : memref<32x16xf32, #tpu.memory_space<vmem>>, vector<16xf32>,
        %parallel_loop3A_922 = arith.constant 0 : i32
        %parallel_loop3A_923 = arith.constant 64 : i32
        %parallel_loop3A_924 = arith.constant 1 : i32
        scf.for %parallel_loop3A_1200 = %parallel_loop3A_922 to %parallel_loop3A_923 step %parallel_loop3A_924  : i32 {
          %parallel_loop3A_1201 = arith.constant 8 : i32
          %parallel_loop3A_1202 = arith.divsi %parallel_loop3A_1200, %parallel_loop3A_1201 : i32
          %parallel_loop3A_1203 = arith.constant 0 : i32
          %parallel_loop3A_1204 = arith.cmpi sgt, %parallel_loop3A_1200, %parallel_loop3A_1203 : i32
          %parallel_loop3A_1205 = arith.extui %parallel_loop3A_1204 : i1 to i32
          %parallel_loop3A_1206 = arith.constant 0 : i32
          %parallel_loop3A_1207 = arith.cmpi slt, %parallel_loop3A_1200, %parallel_loop3A_1206 : i32
          %parallel_loop3A_1208 = arith.extui %parallel_loop3A_1207 : i1 to i32
          %parallel_loop3A_1209 = arith.subi %parallel_loop3A_1205, %parallel_loop3A_1208 : i32
          %parallel_loop3A_1210 = arith.constant 0 : i32
          %parallel_loop3A_1211 = arith.cmpi sgt, %parallel_loop3A_1201, %parallel_loop3A_1210 : i32
          %parallel_loop3A_1212 = arith.extui %parallel_loop3A_1211 : i1 to i32
          %parallel_loop3A_1213 = arith.constant 0 : i32
          %parallel_loop3A_1214 = arith.cmpi slt, %parallel_loop3A_1201, %parallel_loop3A_1213 : i32
          %parallel_loop3A_1215 = arith.extui %parallel_loop3A_1214 : i1 to i32
          %parallel_loop3A_1216 = arith.subi %parallel_loop3A_1212, %parallel_loop3A_1215 : i32
          %parallel_loop3A_1217 = arith.cmpi ne, %parallel_loop3A_1209, %parallel_loop3A_1216 : i32
          %parallel_loop3A_1218 = arith.remsi %parallel_loop3A_1200, %parallel_loop3A_1201 : i32
          %parallel_loop3A_1219 = arith.constant 0 : i32
          %parallel_loop3A_1220 = arith.cmpi ne, %parallel_loop3A_1218, %parallel_loop3A_1219 : i32
          %parallel_loop3A_1221 = arith.andi %parallel_loop3A_1217, %parallel_loop3A_1220 : i1
          %parallel_loop3A_1222 = arith.constant 1 : i32
          %parallel_loop3A_1223 = arith.subi %parallel_loop3A_1202, %parallel_loop3A_1222 : i32
          %parallel_loop3A_1224 = arith.select %parallel_loop3A_1221, %parallel_loop3A_1223, %parallel_loop3A_1202 : i32
          %parallel_loop3A_1225 = arith.constant 8 : i32
          %parallel_loop3A_1226 = arith.constant 0 : i32
          %parallel_loop3A_1227 = arith.cmpi eq, %parallel_loop3A_1225, %parallel_loop3A_1226 : i32
          %parallel_loop3A_1228 = arith.constant 1 : i32
          %parallel_loop3A_1229 = arith.select %parallel_loop3A_1227, %parallel_loop3A_1228, %parallel_loop3A_1225 : i32
          %parallel_loop3A_1230 = arith.remsi %parallel_loop3A_1200, %parallel_loop3A_1229 : i32
          %parallel_loop3A_1231 = arith.constant 0 : i32
          %parallel_loop3A_1232 = arith.cmpi ne, %parallel_loop3A_1230, %parallel_loop3A_1231 : i32
          %parallel_loop3A_1233 = arith.constant 0 : i32
          %parallel_loop3A_1234 = arith.cmpi slt, %parallel_loop3A_1230, %parallel_loop3A_1233 : i32
          %parallel_loop3A_1235 = arith.constant 0 : i32
          %parallel_loop3A_1236 = arith.cmpi slt, %parallel_loop3A_1229, %parallel_loop3A_1235 : i32
          %parallel_loop3A_1237 = arith.xori %parallel_loop3A_1234, %parallel_loop3A_1236 : i1
          %parallel_loop3A_1238 = arith.andi %parallel_loop3A_1237, %parallel_loop3A_1232 : i1
          %parallel_loop3A_1239 = arith.addi %parallel_loop3A_1230, %parallel_loop3A_1229 : i32
          %parallel_loop3A_1240 = arith.select %parallel_loop3A_1238, %parallel_loop3A_1239, %parallel_loop3A_1230 : i32
          %parallel_loop3A_1241 = arith.constant 16 : i32
          %parallel_loop3A_1242 = arith.muli %parallel_loop3A_1240, %parallel_loop3A_1241 : i32
          %parallel_loop3A_1243 = arith.index_cast %parallel_loop3A_1224 : i32 to index
          %parallel_loop3A_1244 = arith.index_cast %scan3A_149 : i32 to index
          %parallel_loop3A_1245 = arith.index_cast %parallel_loop3A_1242 : i32 to index
          %parallel_loop3A_1246 = tpu.vector_load %arg8[%parallel_loop3A_1243, %parallel_loop3A_1244, %parallel_loop3A_1245] {strides = array<i32>} : memref<8x8x128xf32, #tpu.memory_space<vmem>>, vector<16xf32>,
          %parallel_loop3A_1247 = arith.constant 16 : i32
          %parallel_loop3A_1248 = arith.muli %parallel_loop3A_1240, %parallel_loop3A_1247 : i32
          %parallel_loop3A_1249 = arith.index_cast %parallel_loop3A_1224 : i32 to index
          %parallel_loop3A_1250 = arith.index_cast %scan3A_149 : i32 to index
          %parallel_loop3A_1251 = arith.index_cast %parallel_loop3A_1248 : i32 to index
          %parallel_loop3A_1252 = tpu.vector_load %arg9[%parallel_loop3A_1249, %parallel_loop3A_1250, %parallel_loop3A_1251] {strides = array<i32>} : memref<8x8x128xf32, #tpu.memory_space<vmem>>, vector<16xf32>,
          %parallel_loop3A_1253 = arith.constant 16 : i32
          %parallel_loop3A_1254 = arith.muli %parallel_loop3A_1240, %parallel_loop3A_1253 : i32
          %parallel_loop3A_1255 = arith.index_cast %parallel_loop3A_1224 : i32 to index
          %parallel_loop3A_1256 = arith.index_cast %scan3A_149 : i32 to index
          %parallel_loop3A_1257 = arith.index_cast %parallel_loop3A_1254 : i32 to index
          %parallel_loop3A_1258 = tpu.vector_load %arg10[%parallel_loop3A_1255, %parallel_loop3A_1256, %parallel_loop3A_1257] {strides = array<i32>} : memref<8x8x128xf32, #tpu.memory_space<vmem>>, vector<16xf32>,
          %parallel_loop3A_1259 = arith.mulf %get3A_751, %parallel_loop3A_1246 : vector<16xf32>
          %parallel_loop3A_1260 = arith.mulf %get3A_757, %parallel_loop3A_1252 : vector<16xf32>
          %parallel_loop3A_1261 = arith.addf %parallel_loop3A_1259, %parallel_loop3A_1260 : vector<16xf32>
          %parallel_loop3A_1262 = arith.mulf %get3A_763, %parallel_loop3A_1258 : vector<16xf32>
          %parallel_loop3A_1263 = arith.addf %parallel_loop3A_1261, %parallel_loop3A_1262 : vector<16xf32>
          %parallel_loop3A_1264 = arith.addf %parallel_loop3A_1263, %get3A_893 : vector<16xf32>
          %parallel_loop3A_1265 = arith.mulf %get3A_769, %parallel_loop3A_1246 : vector<16xf32>
          %parallel_loop3A_1266 = arith.mulf %get3A_775, %parallel_loop3A_1252 : vector<16xf32>
          %parallel_loop3A_1267 = arith.addf %parallel_loop3A_1265, %parallel_loop3A_1266 : vector<16xf32>
          %parallel_loop3A_1268 = arith.mulf %get3A_781, %parallel_loop3A_1258 : vector<16xf32>
          %parallel_loop3A_1269 = arith.addf %parallel_loop3A_1267, %parallel_loop3A_1268 : vector<16xf32>
          %parallel_loop3A_1270 = arith.addf %parallel_loop3A_1269, %get3A_897 : vector<16xf32>
          %parallel_loop3A_1271 = arith.mulf %get3A_787, %parallel_loop3A_1246 : vector<16xf32>
          %parallel_loop3A_1272 = arith.mulf %get3A_793, %parallel_loop3A_1252 : vector<16xf32>
          %parallel_loop3A_1273 = arith.addf %parallel_loop3A_1271, %parallel_loop3A_1272 : vector<16xf32>
          %parallel_loop3A_1274 = arith.mulf %get3A_799, %parallel_loop3A_1258 : vector<16xf32>
          %parallel_loop3A_1275 = arith.addf %parallel_loop3A_1273, %parallel_loop3A_1274 : vector<16xf32>
          %parallel_loop3A_1276 = arith.addf %parallel_loop3A_1275, %get3A_901 : vector<16xf32>
          %parallel_loop3A_1277 = arith.mulf %get3A_805, %parallel_loop3A_1246 : vector<16xf32>
          %parallel_loop3A_1278 = arith.mulf %get3A_811, %parallel_loop3A_1252 : vector<16xf32>
          %parallel_loop3A_1279 = arith.addf %parallel_loop3A_1277, %parallel_loop3A_1278 : vector<16xf32>
          %parallel_loop3A_1280 = arith.mulf %get3A_817, %parallel_loop3A_1258 : vector<16xf32>
          %parallel_loop3A_1281 = arith.addf %parallel_loop3A_1279, %parallel_loop3A_1280 : vector<16xf32>
          %parallel_loop3A_1282 = arith.addf %parallel_loop3A_1281, %get3A_905 : vector<16xf32>
          %parallel_loop3A_1283 = arith.mulf %get3A_823, %parallel_loop3A_1246 : vector<16xf32>
          %parallel_loop3A_1284 = arith.mulf %get3A_829, %parallel_loop3A_1252 : vector<16xf32>
          %parallel_loop3A_1285 = arith.addf %parallel_loop3A_1283, %parallel_loop3A_1284 : vector<16xf32>
          %parallel_loop3A_1286 = arith.mulf %get3A_835, %parallel_loop3A_1258 : vector<16xf32>
          %parallel_loop3A_1287 = arith.addf %parallel_loop3A_1285, %parallel_loop3A_1286 : vector<16xf32>
          %parallel_loop3A_1288 = arith.addf %parallel_loop3A_1287, %get3A_909 : vector<16xf32>
          %parallel_loop3A_1289 = arith.mulf %get3A_841, %parallel_loop3A_1246 : vector<16xf32>
          %parallel_loop3A_1290 = arith.mulf %get3A_847, %parallel_loop3A_1252 : vector<16xf32>
          %parallel_loop3A_1291 = arith.addf %parallel_loop3A_1289, %parallel_loop3A_1290 : vector<16xf32>
          %parallel_loop3A_1292 = arith.mulf %get3A_853, %parallel_loop3A_1258 : vector<16xf32>
          %parallel_loop3A_1293 = arith.addf %parallel_loop3A_1291, %parallel_loop3A_1292 : vector<16xf32>
          %parallel_loop3A_1294 = arith.addf %parallel_loop3A_1293, %get3A_913 : vector<16xf32>
          %parallel_loop3A_1295 = arith.mulf %get3A_859, %parallel_loop3A_1246 : vector<16xf32>
          %parallel_loop3A_1296 = arith.mulf %get3A_865, %parallel_loop3A_1252 : vector<16xf32>
          %parallel_loop3A_1297 = arith.addf %parallel_loop3A_1295, %parallel_loop3A_1296 : vector<16xf32>
          %parallel_loop3A_1298 = arith.mulf %get3A_871, %parallel_loop3A_1258 : vector<16xf32>
          %parallel_loop3A_1299 = arith.addf %parallel_loop3A_1297, %parallel_loop3A_1298 : vector<16xf32>
          %parallel_loop3A_1300 = arith.addf %parallel_loop3A_1299, %get3A_917 : vector<16xf32>
          %parallel_loop3A_1301 = arith.mulf %get3A_877, %parallel_loop3A_1246 : vector<16xf32>
          %parallel_loop3A_1302 = arith.mulf %get3A_883, %parallel_loop3A_1252 : vector<16xf32>
          %parallel_loop3A_1303 = arith.addf %parallel_loop3A_1301, %parallel_loop3A_1302 : vector<16xf32>
          %parallel_loop3A_1304 = arith.mulf %get3A_889, %parallel_loop3A_1258 : vector<16xf32>
          %parallel_loop3A_1305 = arith.addf %parallel_loop3A_1303, %parallel_loop3A_1304 : vector<16xf32>
          %parallel_loop3A_1306 = arith.addf %parallel_loop3A_1305, %get3A_921 : vector<16xf32>
          %parallel_loop3A_1307 = arith.constant 16 : i32
          %parallel_loop3A_1308 = arith.muli %parallel_loop3A_1240, %parallel_loop3A_1307 : i32
          %parallel_loop3A_1309 = arith.constant 0 : i32
          %parallel_loop3A_1310 = arith.index_cast %parallel_loop3A_1224 : i32 to index
          %parallel_loop3A_1311 = arith.index_cast %parallel_loop3A_1309 : i32 to index
          %parallel_loop3A_1312 = arith.index_cast %parallel_loop3A_1308 : i32 to index
          %parallel_loop3A_1313 = tpu.vector_load %arg13[%parallel_loop3A_1310, %parallel_loop3A_1311, %parallel_loop3A_1312] {strides = array<i32>} : memref<8x8x128xf32, #tpu.memory_space<vmem>>, vector<16xf32>,
          tpu.vector_store %arg13[%parallel_loop3A_1310, %parallel_loop3A_1311, %parallel_loop3A_1312], %parallel_loop3A_1264 {strides = array<i32>} : memref<8x8x128xf32, #tpu.memory_space<vmem>>, vector<16xf32>,
          %parallel_loop3A_1314 = arith.constant 16 : i32
          %parallel_loop3A_1315 = arith.muli %parallel_loop3A_1240, %parallel_loop3A_1314 : i32
          %parallel_loop3A_1316 = arith.constant 1 : i32
          %parallel_loop3A_1317 = arith.index_cast %parallel_loop3A_1224 : i32 to index
          %parallel_loop3A_1318 = arith.index_cast %parallel_loop3A_1316 : i32 to index
          %parallel_loop3A_1319 = arith.index_cast %parallel_loop3A_1315 : i32 to index
          %parallel_loop3A_1320 = tpu.vector_load %arg13[%parallel_loop3A_1317, %parallel_loop3A_1318, %parallel_loop3A_1319] {strides = array<i32>} : memref<8x8x128xf32, #tpu.memory_space<vmem>>, vector<16xf32>,
          tpu.vector_store %arg13[%parallel_loop3A_1317, %parallel_loop3A_1318, %parallel_loop3A_1319], %parallel_loop3A_1270 {strides = array<i32>} : memref<8x8x128xf32, #tpu.memory_space<vmem>>, vector<16xf32>,
          %parallel_loop3A_1321 = arith.constant 16 : i32
          %parallel_loop3A_1322 = arith.muli %parallel_loop3A_1240, %parallel_loop3A_1321 : i32
          %parallel_loop3A_1323 = arith.constant 2 : i32
          %parallel_loop3A_1324 = arith.index_cast %parallel_loop3A_1224 : i32 to index
          %parallel_loop3A_1325 = arith.index_cast %parallel_loop3A_1323 : i32 to index
          %parallel_loop3A_1326 = arith.index_cast %parallel_loop3A_1322 : i32 to index
          %parallel_loop3A_1327 = tpu.vector_load %arg13[%parallel_loop3A_1324, %parallel_loop3A_1325, %parallel_loop3A_1326] {strides = array<i32>} : memref<8x8x128xf32, #tpu.memory_space<vmem>>, vector<16xf32>,
          tpu.vector_store %arg13[%parallel_loop3A_1324, %parallel_loop3A_1325, %parallel_loop3A_1326], %parallel_loop3A_1276 {strides = array<i32>} : memref<8x8x128xf32, #tpu.memory_space<vmem>>, vector<16xf32>,
          %parallel_loop3A_1328 = arith.constant 16 : i32
          %parallel_loop3A_1329 = arith.muli %parallel_loop3A_1240, %parallel_loop3A_1328 : i32
          %parallel_loop3A_1330 = arith.constant 3 : i32
          %parallel_loop3A_1331 = arith.index_cast %parallel_loop3A_1224 : i32 to index
          %parallel_loop3A_1332 = arith.index_cast %parallel_loop3A_1330 : i32 to index
          %parallel_loop3A_1333 = arith.index_cast %parallel_loop3A_1329 : i32 to index
          %parallel_loop3A_1334 = tpu.vector_load %arg13[%parallel_loop3A_1331, %parallel_loop3A_1332, %parallel_loop3A_1333] {strides = array<i32>} : memref<8x8x128xf32, #tpu.memory_space<vmem>>, vector<16xf32>,
          tpu.vector_store %arg13[%parallel_loop3A_1331, %parallel_loop3A_1332, %parallel_loop3A_1333], %parallel_loop3A_1282 {strides = array<i32>} : memref<8x8x128xf32, #tpu.memory_space<vmem>>, vector<16xf32>,
          %parallel_loop3A_1335 = arith.constant 16 : i32
          %parallel_loop3A_1336 = arith.muli %parallel_loop3A_1240, %parallel_loop3A_1335 : i32
          %parallel_loop3A_1337 = arith.constant 4 : i32
          %parallel_loop3A_1338 = arith.index_cast %parallel_loop3A_1224 : i32 to index
          %parallel_loop3A_1339 = arith.index_cast %parallel_loop3A_1337 : i32 to index
          %parallel_loop3A_1340 = arith.index_cast %parallel_loop3A_1336 : i32 to index
          %parallel_loop3A_1341 = tpu.vector_load %arg13[%parallel_loop3A_1338, %parallel_loop3A_1339, %parallel_loop3A_1340] {strides = array<i32>} : memref<8x8x128xf32, #tpu.memory_space<vmem>>, vector<16xf32>,
          tpu.vector_store %arg13[%parallel_loop3A_1338, %parallel_loop3A_1339, %parallel_loop3A_1340], %parallel_loop3A_1288 {strides = array<i32>} : memref<8x8x128xf32, #tpu.memory_space<vmem>>, vector<16xf32>,
          %parallel_loop3A_1342 = arith.constant 16 : i32
          %parallel_loop3A_1343 = arith.muli %parallel_loop3A_1240, %parallel_loop3A_1342 : i32
          %parallel_loop3A_1344 = arith.constant 5 : i32
          %parallel_loop3A_1345 = arith.index_cast %parallel_loop3A_1224 : i32 to index
          %parallel_loop3A_1346 = arith.index_cast %parallel_loop3A_1344 : i32 to index
          %parallel_loop3A_1347 = arith.index_cast %parallel_loop3A_1343 : i32 to index
          %parallel_loop3A_1348 = tpu.vector_load %arg13[%parallel_loop3A_1345, %parallel_loop3A_1346, %parallel_loop3A_1347] {strides = array<i32>} : memref<8x8x128xf32, #tpu.memory_space<vmem>>, vector<16xf32>,
          tpu.vector_store %arg13[%parallel_loop3A_1345, %parallel_loop3A_1346, %parallel_loop3A_1347], %parallel_loop3A_1294 {strides = array<i32>} : memref<8x8x128xf32, #tpu.memory_space<vmem>>, vector<16xf32>,
          %parallel_loop3A_1349 = arith.constant 16 : i32
          %parallel_loop3A_1350 = arith.muli %parallel_loop3A_1240, %parallel_loop3A_1349 : i32
          %parallel_loop3A_1351 = arith.constant 6 : i32
          %parallel_loop3A_1352 = arith.index_cast %parallel_loop3A_1224 : i32 to index
          %parallel_loop3A_1353 = arith.index_cast %parallel_loop3A_1351 : i32 to index
          %parallel_loop3A_1354 = arith.index_cast %parallel_loop3A_1350 : i32 to index
          %parallel_loop3A_1355 = tpu.vector_load %arg13[%parallel_loop3A_1352, %parallel_loop3A_1353, %parallel_loop3A_1354] {strides = array<i32>} : memref<8x8x128xf32, #tpu.memory_space<vmem>>, vector<16xf32>,
          tpu.vector_store %arg13[%parallel_loop3A_1352, %parallel_loop3A_1353, %parallel_loop3A_1354], %parallel_loop3A_1300 {strides = array<i32>} : memref<8x8x128xf32, #tpu.memory_space<vmem>>, vector<16xf32>,
          %parallel_loop3A_1356 = arith.constant 16 : i32
          %parallel_loop3A_1357 = arith.muli %parallel_loop3A_1240, %parallel_loop3A_1356 : i32
          %parallel_loop3A_1358 = arith.constant 7 : i32
          %parallel_loop3A_1359 = arith.index_cast %parallel_loop3A_1224 : i32 to index
          %parallel_loop3A_1360 = arith.index_cast %parallel_loop3A_1358 : i32 to index
          %parallel_loop3A_1361 = arith.index_cast %parallel_loop3A_1357 : i32 to index
          %parallel_loop3A_1362 = tpu.vector_load %arg13[%parallel_loop3A_1359, %parallel_loop3A_1360, %parallel_loop3A_1361] {strides = array<i32>} : memref<8x8x128xf32, #tpu.memory_space<vmem>>, vector<16xf32>,
          tpu.vector_store %arg13[%parallel_loop3A_1359, %parallel_loop3A_1360, %parallel_loop3A_1361], %parallel_loop3A_1306 {strides = array<i32>} : memref<8x8x128xf32, #tpu.memory_space<vmem>>, vector<16xf32>,
        } {sc.loop_unroll_factor = 2 : i64, sc.parallel_access}
        %dma_start3A_925 = arith.constant 3 : i32
        %dma_start3A_926 = arith.constant 0 : i32
        %dma_start3A_927 = arith.constant 0 : i32
        %dma_start3A_928 = arith.constant 0 : i32
        %dma_start3A_929 = tpu.memref_slice %arg7[%add3A_152, %select_n3A, %dma_start3A_925, %dma_start3A_926, %dma_start3A_927, %dma_start3A_928] : memref<64x12x12x8x8x128xf32, #tpu.memory_space<hbm>> -> memref<1x1x1x8x8x128xf32, #tpu.memory_space<hbm>>
        %dma_start3A_930 = tpu.memref_squeeze %dma_start3A_929 : memref<1x1x1x8x8x128xf32, #tpu.memory_space<hbm>> -> memref<8x8x128xf32, #tpu.memory_space<hbm>>
        %dma_start3A_931 = arith.constant 0 : i32
        %dma_start3A_932 = arith.constant 0 : i32
        %dma_start3A_933 = arith.constant 0 : i32
        %dma_start3A_934 = tpu.memref_slice %arg7[%add3A_152, %select_n3A, %dma_start3A_925, %dma_start3A_931, %dma_start3A_932, %dma_start3A_933] : memref<64x12x12x8x8x128xf32, #tpu.memory_space<hbm>> -> memref<1x1x1x8x8x128xf32, #tpu.memory_space<hbm>>
        %dma_start3A_935 = tpu.memref_squeeze %dma_start3A_934 : memref<1x1x1x8x8x128xf32, #tpu.memory_space<hbm>> -> memref<8x8x128xf32, #tpu.memory_space<hbm>>
        tpu.enqueue_dma source(%arg13 : memref<8x8x128xf32, #tpu.memory_space<vmem>>) target(%dma_start3A_935 : memref<8x8x128xf32, #tpu.memory_space<hbm>>) target_semaphore(%arg22 : memref<!tpu.dma_semaphore, #tpu.memory_space<semaphore_mem>>)
        %dma_wait3A_936 = arith.constant 1 : i32
        %dma_wait3A_937 = arith.constant 0 : i32
        %dma_wait3A_938 = arith.constant 0 : i32
        %dma_wait3A_939 = arith.constant 0 : i32
        %dma_wait3A_940 = tpu.memref_slice %arg7[%add3A_152, %select_n3A, %dma_wait3A_936, %dma_wait3A_937, %dma_wait3A_938, %dma_wait3A_939] : memref<64x12x12x8x8x128xf32, #tpu.memory_space<hbm>> -> memref<1x1x1x8x8x128xf32, #tpu.memory_space<hbm>>
        %dma_wait3A_941 = tpu.memref_squeeze %dma_wait3A_940 : memref<1x1x1x8x8x128xf32, #tpu.memory_space<hbm>> -> memref<8x8x128xf32, #tpu.memory_space<hbm>>
        %dma_wait3A_942 = arith.constant 0 : i32
        %dma_wait3A_943 = arith.constant 0 : i32
        %dma_wait3A_944 = arith.constant 0 : i32
        %dma_wait3A_945 = tpu.memref_slice %arg7[%add3A_152, %select_n3A, %dma_wait3A_936, %dma_wait3A_942, %dma_wait3A_943, %dma_wait3A_944] : memref<64x12x12x8x8x128xf32, #tpu.memory_space<hbm>> -> memref<1x1x1x8x8x128xf32, #tpu.memory_space<hbm>>
        %dma_wait3A_946 = tpu.memref_squeeze %dma_wait3A_945 : memref<1x1x1x8x8x128xf32, #tpu.memory_space<hbm>> -> memref<8x8x128xf32, #tpu.memory_space<hbm>>
        tpu.wait_dma2 semaphore(%arg23 : memref<!tpu.dma_semaphore, #tpu.memory_space<semaphore_mem>>) src(%arg14 : memref<8x8x128xf32, #tpu.memory_space<vmem>>) dst(%dma_wait3A_946 : memref<8x8x128xf32, #tpu.memory_space<hbm>>)
        %parallel_loop3A_947 = arith.constant 0 : i32
        %parallel_loop3A_948 = arith.constant 64 : i32
        %parallel_loop3A_949 = arith.constant 1 : i32
        scf.for %parallel_loop3A_1200 = %parallel_loop3A_947 to %parallel_loop3A_948 step %parallel_loop3A_949  : i32 {
          %parallel_loop3A_1201 = arith.constant 8 : i32
          %parallel_loop3A_1202 = arith.divsi %parallel_loop3A_1200, %parallel_loop3A_1201 : i32
          %parallel_loop3A_1203 = arith.constant 0 : i32
          %parallel_loop3A_1204 = arith.cmpi sgt, %parallel_loop3A_1200, %parallel_loop3A_1203 : i32
          %parallel_loop3A_1205 = arith.extui %parallel_loop3A_1204 : i1 to i32
          %parallel_loop3A_1206 = arith.constant 0 : i32
          %parallel_loop3A_1207 = arith.cmpi slt, %parallel_loop3A_1200, %parallel_loop3A_1206 : i32
          %parallel_loop3A_1208 = arith.extui %parallel_loop3A_1207 : i1 to i32
          %parallel_loop3A_1209 = arith.subi %parallel_loop3A_1205, %parallel_loop3A_1208 : i32
          %parallel_loop3A_1210 = arith.constant 0 : i32
          %parallel_loop3A_1211 = arith.cmpi sgt, %parallel_loop3A_1201, %parallel_loop3A_1210 : i32
          %parallel_loop3A_1212 = arith.extui %parallel_loop3A_1211 : i1 to i32
          %parallel_loop3A_1213 = arith.constant 0 : i32
          %parallel_loop3A_1214 = arith.cmpi slt, %parallel_loop3A_1201, %parallel_loop3A_1213 : i32
          %parallel_loop3A_1215 = arith.extui %parallel_loop3A_1214 : i1 to i32
          %parallel_loop3A_1216 = arith.subi %parallel_loop3A_1212, %parallel_loop3A_1215 : i32
          %parallel_loop3A_1217 = arith.cmpi ne, %parallel_loop3A_1209, %parallel_loop3A_1216 : i32
          %parallel_loop3A_1218 = arith.remsi %parallel_loop3A_1200, %parallel_loop3A_1201 : i32
          %parallel_loop3A_1219 = arith.constant 0 : i32
          %parallel_loop3A_1220 = arith.cmpi ne, %parallel_loop3A_1218, %parallel_loop3A_1219 : i32
          %parallel_loop3A_1221 = arith.andi %parallel_loop3A_1217, %parallel_loop3A_1220 : i1
          %parallel_loop3A_1222 = arith.constant 1 : i32
          %parallel_loop3A_1223 = arith.subi %parallel_loop3A_1202, %parallel_loop3A_1222 : i32
          %parallel_loop3A_1224 = arith.select %parallel_loop3A_1221, %parallel_loop3A_1223, %parallel_loop3A_1202 : i32
          %parallel_loop3A_1225 = arith.constant 8 : i32
          %parallel_loop3A_1226 = arith.constant 0 : i32
          %parallel_loop3A_1227 = arith.cmpi eq, %parallel_loop3A_1225, %parallel_loop3A_1226 : i32
          %parallel_loop3A_1228 = arith.constant 1 : i32
          %parallel_loop3A_1229 = arith.select %parallel_loop3A_1227, %parallel_loop3A_1228, %parallel_loop3A_1225 : i32
          %parallel_loop3A_1230 = arith.remsi %parallel_loop3A_1200, %parallel_loop3A_1229 : i32
          %parallel_loop3A_1231 = arith.constant 0 : i32
          %parallel_loop3A_1232 = arith.cmpi ne, %parallel_loop3A_1230, %parallel_loop3A_1231 : i32
          %parallel_loop3A_1233 = arith.constant 0 : i32
          %parallel_loop3A_1234 = arith.cmpi slt, %parallel_loop3A_1230, %parallel_loop3A_1233 : i32
          %parallel_loop3A_1235 = arith.constant 0 : i32
          %parallel_loop3A_1236 = arith.cmpi slt, %parallel_loop3A_1229, %parallel_loop3A_1235 : i32
          %parallel_loop3A_1237 = arith.xori %parallel_loop3A_1234, %parallel_loop3A_1236 : i1
          %parallel_loop3A_1238 = arith.andi %parallel_loop3A_1237, %parallel_loop3A_1232 : i1
          %parallel_loop3A_1239 = arith.addi %parallel_loop3A_1230, %parallel_loop3A_1229 : i32
          %parallel_loop3A_1240 = arith.select %parallel_loop3A_1238, %parallel_loop3A_1239, %parallel_loop3A_1230 : i32
          %parallel_loop3A_1241 = arith.constant 16 : i32
          %parallel_loop3A_1242 = arith.muli %parallel_loop3A_1200, %parallel_loop3A_1241 : i32
          %parallel_loop3A_1243 = arith.index_cast %parallel_loop3A_1242 : i32 to index
          %parallel_loop3A_1244 = tpu.vector_load %arg11[%parallel_loop3A_1243] {strides = array<i32>} : memref<1024xi32, #tpu.memory_space<vmem>>, vector<16xi32>,
          %parallel_loop3A_1245 = arith.constant 0 : i32
          %parallel_loop3A_1246 = tpu.memref_slice %arg18[%parallel_loop3A_1245] : memref<9216xf32, #tpu.memory_space<vmem>> -> memref<288xf32, #tpu.memory_space<vmem>>
          %parallel_loop3A_1247 = tpu.vector_load_idx %parallel_loop3A_1246[%parallel_loop3A_1244] : memref<288xf32, #tpu.memory_space<vmem>>[vector<16xi32>], vector<16xf32>,
          %parallel_loop3A_1248 = arith.constant 288 : i32
          %parallel_loop3A_1249 = tpu.memref_slice %arg18[%parallel_loop3A_1248] : memref<9216xf32, #tpu.memory_space<vmem>> -> memref<288xf32, #tpu.memory_space<vmem>>
          %parallel_loop3A_1250 = tpu.vector_load_idx %parallel_loop3A_1249[%parallel_loop3A_1244] : memref<288xf32, #tpu.memory_space<vmem>>[vector<16xi32>], vector<16xf32>,
          %parallel_loop3A_1251 = arith.constant 576 : i32
          %parallel_loop3A_1252 = tpu.memref_slice %arg18[%parallel_loop3A_1251] : memref<9216xf32, #tpu.memory_space<vmem>> -> memref<288xf32, #tpu.memory_space<vmem>>
          %parallel_loop3A_1253 = tpu.vector_load_idx %parallel_loop3A_1252[%parallel_loop3A_1244] : memref<288xf32, #tpu.memory_space<vmem>>[vector<16xi32>], vector<16xf32>,
          %parallel_loop3A_1254 = arith.constant 864 : i32
          %parallel_loop3A_1255 = tpu.memref_slice %arg18[%parallel_loop3A_1254] : memref<9216xf32, #tpu.memory_space<vmem>> -> memref<288xf32, #tpu.memory_space<vmem>>
          %parallel_loop3A_1256 = tpu.vector_load_idx %parallel_loop3A_1255[%parallel_loop3A_1244] : memref<288xf32, #tpu.memory_space<vmem>>[vector<16xi32>], vector<16xf32>,
          %parallel_loop3A_1257 = arith.constant 1152 : i32
          %parallel_loop3A_1258 = tpu.memref_slice %arg18[%parallel_loop3A_1257] : memref<9216xf32, #tpu.memory_space<vmem>> -> memref<288xf32, #tpu.memory_space<vmem>>
          %parallel_loop3A_1259 = tpu.vector_load_idx %parallel_loop3A_1258[%parallel_loop3A_1244] : memref<288xf32, #tpu.memory_space<vmem>>[vector<16xi32>], vector<16xf32>,
          %parallel_loop3A_1260 = arith.constant 1440 : i32
          %parallel_loop3A_1261 = tpu.memref_slice %arg18[%parallel_loop3A_1260] : memref<9216xf32, #tpu.memory_space<vmem>> -> memref<288xf32, #tpu.memory_space<vmem>>
          %parallel_loop3A_1262 = tpu.vector_load_idx %parallel_loop3A_1261[%parallel_loop3A_1244] : memref<288xf32, #tpu.memory_space<vmem>>[vector<16xi32>], vector<16xf32>,
          %parallel_loop3A_1263 = arith.constant 1728 : i32
          %parallel_loop3A_1264 = tpu.memref_slice %arg18[%parallel_loop3A_1263] : memref<9216xf32, #tpu.memory_space<vmem>> -> memref<288xf32, #tpu.memory_space<vmem>>
          %parallel_loop3A_1265 = tpu.vector_load_idx %parallel_loop3A_1264[%parallel_loop3A_1244] : memref<288xf32, #tpu.memory_space<vmem>>[vector<16xi32>], vector<16xf32>,
          %parallel_loop3A_1266 = arith.constant 2016 : i32
          %parallel_loop3A_1267 = tpu.memref_slice %arg18[%parallel_loop3A_1266] : memref<9216xf32, #tpu.memory_space<vmem>> -> memref<288xf32, #tpu.memory_space<vmem>>
          %parallel_loop3A_1268 = tpu.vector_load_idx %parallel_loop3A_1267[%parallel_loop3A_1244] : memref<288xf32, #tpu.memory_space<vmem>>[vector<16xi32>], vector<16xf32>,
          %parallel_loop3A_1269 = arith.constant 16 : i32
          %parallel_loop3A_1270 = arith.muli %parallel_loop3A_1240, %parallel_loop3A_1269 : i32
          %parallel_loop3A_1271 = arith.constant 0 : i32
          %parallel_loop3A_1272 = arith.index_cast %parallel_loop3A_1224 : i32 to index
          %parallel_loop3A_1273 = arith.index_cast %parallel_loop3A_1271 : i32 to index
          %parallel_loop3A_1274 = arith.index_cast %parallel_loop3A_1270 : i32 to index
          %parallel_loop3A_1275 = tpu.vector_load %arg14[%parallel_loop3A_1272, %parallel_loop3A_1273, %parallel_loop3A_1274] {strides = array<i32>} : memref<8x8x128xf32, #tpu.memory_space<vmem>>, vector<16xf32>,
          tpu.vector_store %arg14[%parallel_loop3A_1272, %parallel_loop3A_1273, %parallel_loop3A_1274], %parallel_loop3A_1247 {strides = array<i32>} : memref<8x8x128xf32, #tpu.memory_space<vmem>>, vector<16xf32>,
          %parallel_loop3A_1276 = arith.constant 16 : i32
          %parallel_loop3A_1277 = arith.muli %parallel_loop3A_1240, %parallel_loop3A_1276 : i32
          %parallel_loop3A_1278 = arith.constant 1 : i32
          %parallel_loop3A_1279 = arith.index_cast %parallel_loop3A_1224 : i32 to index
          %parallel_loop3A_1280 = arith.index_cast %parallel_loop3A_1278 : i32 to index
          %parallel_loop3A_1281 = arith.index_cast %parallel_loop3A_1277 : i32 to index
          %parallel_loop3A_1282 = tpu.vector_load %arg14[%parallel_loop3A_1279, %parallel_loop3A_1280, %parallel_loop3A_1281] {strides = array<i32>} : memref<8x8x128xf32, #tpu.memory_space<vmem>>, vector<16xf32>,
          tpu.vector_store %arg14[%parallel_loop3A_1279, %parallel_loop3A_1280, %parallel_loop3A_1281], %parallel_loop3A_1250 {strides = array<i32>} : memref<8x8x128xf32, #tpu.memory_space<vmem>>, vector<16xf32>,
          %parallel_loop3A_1283 = arith.constant 16 : i32
          %parallel_loop3A_1284 = arith.muli %parallel_loop3A_1240, %parallel_loop3A_1283 : i32
          %parallel_loop3A_1285 = arith.constant 2 : i32
          %parallel_loop3A_1286 = arith.index_cast %parallel_loop3A_1224 : i32 to index
          %parallel_loop3A_1287 = arith.index_cast %parallel_loop3A_1285 : i32 to index
          %parallel_loop3A_1288 = arith.index_cast %parallel_loop3A_1284 : i32 to index
          %parallel_loop3A_1289 = tpu.vector_load %arg14[%parallel_loop3A_1286, %parallel_loop3A_1287, %parallel_loop3A_1288] {strides = array<i32>} : memref<8x8x128xf32, #tpu.memory_space<vmem>>, vector<16xf32>,
          tpu.vector_store %arg14[%parallel_loop3A_1286, %parallel_loop3A_1287, %parallel_loop3A_1288], %parallel_loop3A_1253 {strides = array<i32>} : memref<8x8x128xf32, #tpu.memory_space<vmem>>, vector<16xf32>,
          %parallel_loop3A_1290 = arith.constant 16 : i32
          %parallel_loop3A_1291 = arith.muli %parallel_loop3A_1240, %parallel_loop3A_1290 : i32
          %parallel_loop3A_1292 = arith.constant 3 : i32
          %parallel_loop3A_1293 = arith.index_cast %parallel_loop3A_1224 : i32 to index
          %parallel_loop3A_1294 = arith.index_cast %parallel_loop3A_1292 : i32 to index
          %parallel_loop3A_1295 = arith.index_cast %parallel_loop3A_1291 : i32 to index
          %parallel_loop3A_1296 = tpu.vector_load %arg14[%parallel_loop3A_1293, %parallel_loop3A_1294, %parallel_loop3A_1295] {strides = array<i32>} : memref<8x8x128xf32, #tpu.memory_space<vmem>>, vector<16xf32>,
          tpu.vector_store %arg14[%parallel_loop3A_1293, %parallel_loop3A_1294, %parallel_loop3A_1295], %parallel_loop3A_1256 {strides = array<i32>} : memref<8x8x128xf32, #tpu.memory_space<vmem>>, vector<16xf32>,
          %parallel_loop3A_1297 = arith.constant 16 : i32
          %parallel_loop3A_1298 = arith.muli %parallel_loop3A_1240, %parallel_loop3A_1297 : i32
          %parallel_loop3A_1299 = arith.constant 4 : i32
          %parallel_loop3A_1300 = arith.index_cast %parallel_loop3A_1224 : i32 to index
          %parallel_loop3A_1301 = arith.index_cast %parallel_loop3A_1299 : i32 to index
          %parallel_loop3A_1302 = arith.index_cast %parallel_loop3A_1298 : i32 to index
          %parallel_loop3A_1303 = tpu.vector_load %arg14[%parallel_loop3A_1300, %parallel_loop3A_1301, %parallel_loop3A_1302] {strides = array<i32>} : memref<8x8x128xf32, #tpu.memory_space<vmem>>, vector<16xf32>,
          tpu.vector_store %arg14[%parallel_loop3A_1300, %parallel_loop3A_1301, %parallel_loop3A_1302], %parallel_loop3A_1259 {strides = array<i32>} : memref<8x8x128xf32, #tpu.memory_space<vmem>>, vector<16xf32>,
          %parallel_loop3A_1304 = arith.constant 16 : i32
          %parallel_loop3A_1305 = arith.muli %parallel_loop3A_1240, %parallel_loop3A_1304 : i32
          %parallel_loop3A_1306 = arith.constant 5 : i32
          %parallel_loop3A_1307 = arith.index_cast %parallel_loop3A_1224 : i32 to index
          %parallel_loop3A_1308 = arith.index_cast %parallel_loop3A_1306 : i32 to index
          %parallel_loop3A_1309 = arith.index_cast %parallel_loop3A_1305 : i32 to index
          %parallel_loop3A_1310 = tpu.vector_load %arg14[%parallel_loop3A_1307, %parallel_loop3A_1308, %parallel_loop3A_1309] {strides = array<i32>} : memref<8x8x128xf32, #tpu.memory_space<vmem>>, vector<16xf32>,
          tpu.vector_store %arg14[%parallel_loop3A_1307, %parallel_loop3A_1308, %parallel_loop3A_1309], %parallel_loop3A_1262 {strides = array<i32>} : memref<8x8x128xf32, #tpu.memory_space<vmem>>, vector<16xf32>,
          %parallel_loop3A_1311 = arith.constant 16 : i32
          %parallel_loop3A_1312 = arith.muli %parallel_loop3A_1240, %parallel_loop3A_1311 : i32
          %parallel_loop3A_1313 = arith.constant 6 : i32
          %parallel_loop3A_1314 = arith.index_cast %parallel_loop3A_1224 : i32 to index
          %parallel_loop3A_1315 = arith.index_cast %parallel_loop3A_1313 : i32 to index
          %parallel_loop3A_1316 = arith.index_cast %parallel_loop3A_1312 : i32 to index
          %parallel_loop3A_1317 = tpu.vector_load %arg14[%parallel_loop3A_1314, %parallel_loop3A_1315, %parallel_loop3A_1316] {strides = array<i32>} : memref<8x8x128xf32, #tpu.memory_space<vmem>>, vector<16xf32>,
          tpu.vector_store %arg14[%parallel_loop3A_1314, %parallel_loop3A_1315, %parallel_loop3A_1316], %parallel_loop3A_1265 {strides = array<i32>} : memref<8x8x128xf32, #tpu.memory_space<vmem>>, vector<16xf32>,
          %parallel_loop3A_1318 = arith.constant 16 : i32
          %parallel_loop3A_1319 = arith.muli %parallel_loop3A_1240, %parallel_loop3A_1318 : i32
          %parallel_loop3A_1320 = arith.constant 7 : i32
          %parallel_loop3A_1321 = arith.index_cast %parallel_loop3A_1224 : i32 to index
          %parallel_loop3A_1322 = arith.index_cast %parallel_loop3A_1320 : i32 to index
          %parallel_loop3A_1323 = arith.index_cast %parallel_loop3A_1319 : i32 to index
          %parallel_loop3A_1324 = tpu.vector_load %arg14[%parallel_loop3A_1321, %parallel_loop3A_1322, %parallel_loop3A_1323] {strides = array<i32>} : memref<8x8x128xf32, #tpu.memory_space<vmem>>, vector<16xf32>,
          tpu.vector_store %arg14[%parallel_loop3A_1321, %parallel_loop3A_1322, %parallel_loop3A_1323], %parallel_loop3A_1268 {strides = array<i32>} : memref<8x8x128xf32, #tpu.memory_space<vmem>>, vector<16xf32>,
        } {sc.loop_unroll_factor = 2 : i64, sc.parallel_access}
        %dma_start3A_950 = arith.constant 4 : i32
        %dma_start3A_951 = arith.constant 0 : i32
        %dma_start3A_952 = arith.constant 0 : i32
        %dma_start3A_953 = arith.constant 0 : i32
        %dma_start3A_954 = tpu.memref_slice %arg7[%add3A_152, %select_n3A, %dma_start3A_950, %dma_start3A_951, %dma_start3A_952, %dma_start3A_953] : memref<64x12x12x8x8x128xf32, #tpu.memory_space<hbm>> -> memref<1x1x1x8x8x128xf32, #tpu.memory_space<hbm>>
        %dma_start3A_955 = tpu.memref_squeeze %dma_start3A_954 : memref<1x1x1x8x8x128xf32, #tpu.memory_space<hbm>> -> memref<8x8x128xf32, #tpu.memory_space<hbm>>
        %dma_start3A_956 = arith.constant 0 : i32
        %dma_start3A_957 = arith.constant 0 : i32
        %dma_start3A_958 = arith.constant 0 : i32
        %dma_start3A_959 = tpu.memref_slice %arg7[%add3A_152, %select_n3A, %dma_start3A_950, %dma_start3A_956, %dma_start3A_957, %dma_start3A_958] : memref<64x12x12x8x8x128xf32, #tpu.memory_space<hbm>> -> memref<1x1x1x8x8x128xf32, #tpu.memory_space<hbm>>
        %dma_start3A_960 = tpu.memref_squeeze %dma_start3A_959 : memref<1x1x1x8x8x128xf32, #tpu.memory_space<hbm>> -> memref<8x8x128xf32, #tpu.memory_space<hbm>>
        tpu.enqueue_dma source(%arg14 : memref<8x8x128xf32, #tpu.memory_space<vmem>>) target(%dma_start3A_960 : memref<8x8x128xf32, #tpu.memory_space<hbm>>) target_semaphore(%arg23 : memref<!tpu.dma_semaphore, #tpu.memory_space<semaphore_mem>>)
        %dma_wait3A_961 = arith.constant 2 : i32
        %dma_wait3A_962 = arith.constant 0 : i32
        %dma_wait3A_963 = arith.constant 0 : i32
        %dma_wait3A_964 = arith.constant 0 : i32
        %dma_wait3A_965 = tpu.memref_slice %arg7[%add3A_152, %select_n3A, %dma_wait3A_961, %dma_wait3A_962, %dma_wait3A_963, %dma_wait3A_964] : memref<64x12x12x8x8x128xf32, #tpu.memory_space<hbm>> -> memref<1x1x1x8x8x128xf32, #tpu.memory_space<hbm>>
        %dma_wait3A_966 = tpu.memref_squeeze %dma_wait3A_965 : memref<1x1x1x8x8x128xf32, #tpu.memory_space<hbm>> -> memref<8x8x128xf32, #tpu.memory_space<hbm>>
        %dma_wait3A_967 = arith.constant 0 : i32
        %dma_wait3A_968 = arith.constant 0 : i32
        %dma_wait3A_969 = arith.constant 0 : i32
        %dma_wait3A_970 = tpu.memref_slice %arg7[%add3A_152, %select_n3A, %dma_wait3A_961, %dma_wait3A_967, %dma_wait3A_968, %dma_wait3A_969] : memref<64x12x12x8x8x128xf32, #tpu.memory_space<hbm>> -> memref<1x1x1x8x8x128xf32, #tpu.memory_space<hbm>>
        %dma_wait3A_971 = tpu.memref_squeeze %dma_wait3A_970 : memref<1x1x1x8x8x128xf32, #tpu.memory_space<hbm>> -> memref<8x8x128xf32, #tpu.memory_space<hbm>>
        tpu.wait_dma2 semaphore(%arg24 : memref<!tpu.dma_semaphore, #tpu.memory_space<semaphore_mem>>) src(%arg15 : memref<8x8x128xf32, #tpu.memory_space<vmem>>) dst(%dma_wait3A_971 : memref<8x8x128xf32, #tpu.memory_space<hbm>>)
        %parallel_loop3A_972 = arith.constant 0 : i32
        %parallel_loop3A_973 = arith.constant 64 : i32
        %parallel_loop3A_974 = arith.constant 1 : i32
        scf.for %parallel_loop3A_1200 = %parallel_loop3A_972 to %parallel_loop3A_973 step %parallel_loop3A_974  : i32 {
          %parallel_loop3A_1201 = arith.constant 8 : i32
          %parallel_loop3A_1202 = arith.divsi %parallel_loop3A_1200, %parallel_loop3A_1201 : i32
          %parallel_loop3A_1203 = arith.constant 0 : i32
          %parallel_loop3A_1204 = arith.cmpi sgt, %parallel_loop3A_1200, %parallel_loop3A_1203 : i32
          %parallel_loop3A_1205 = arith.extui %parallel_loop3A_1204 : i1 to i32
          %parallel_loop3A_1206 = arith.constant 0 : i32
          %parallel_loop3A_1207 = arith.cmpi slt, %parallel_loop3A_1200, %parallel_loop3A_1206 : i32
          %parallel_loop3A_1208 = arith.extui %parallel_loop3A_1207 : i1 to i32
          %parallel_loop3A_1209 = arith.subi %parallel_loop3A_1205, %parallel_loop3A_1208 : i32
          %parallel_loop3A_1210 = arith.constant 0 : i32
          %parallel_loop3A_1211 = arith.cmpi sgt, %parallel_loop3A_1201, %parallel_loop3A_1210 : i32
          %parallel_loop3A_1212 = arith.extui %parallel_loop3A_1211 : i1 to i32
          %parallel_loop3A_1213 = arith.constant 0 : i32
          %parallel_loop3A_1214 = arith.cmpi slt, %parallel_loop3A_1201, %parallel_loop3A_1213 : i32
          %parallel_loop3A_1215 = arith.extui %parallel_loop3A_1214 : i1 to i32
          %parallel_loop3A_1216 = arith.subi %parallel_loop3A_1212, %parallel_loop3A_1215 : i32
          %parallel_loop3A_1217 = arith.cmpi ne, %parallel_loop3A_1209, %parallel_loop3A_1216 : i32
          %parallel_loop3A_1218 = arith.remsi %parallel_loop3A_1200, %parallel_loop3A_1201 : i32
          %parallel_loop3A_1219 = arith.constant 0 : i32
          %parallel_loop3A_1220 = arith.cmpi ne, %parallel_loop3A_1218, %parallel_loop3A_1219 : i32
          %parallel_loop3A_1221 = arith.andi %parallel_loop3A_1217, %parallel_loop3A_1220 : i1
          %parallel_loop3A_1222 = arith.constant 1 : i32
          %parallel_loop3A_1223 = arith.subi %parallel_loop3A_1202, %parallel_loop3A_1222 : i32
          %parallel_loop3A_1224 = arith.select %parallel_loop3A_1221, %parallel_loop3A_1223, %parallel_loop3A_1202 : i32
          %parallel_loop3A_1225 = arith.constant 8 : i32
          %parallel_loop3A_1226 = arith.constant 0 : i32
          %parallel_loop3A_1227 = arith.cmpi eq, %parallel_loop3A_1225, %parallel_loop3A_1226 : i32
          %parallel_loop3A_1228 = arith.constant 1 : i32
          %parallel_loop3A_1229 = arith.select %parallel_loop3A_1227, %parallel_loop3A_1228, %parallel_loop3A_1225 : i32
          %parallel_loop3A_1230 = arith.remsi %parallel_loop3A_1200, %parallel_loop3A_1229 : i32
          %parallel_loop3A_1231 = arith.constant 0 : i32
          %parallel_loop3A_1232 = arith.cmpi ne, %parallel_loop3A_1230, %parallel_loop3A_1231 : i32
          %parallel_loop3A_1233 = arith.constant 0 : i32
          %parallel_loop3A_1234 = arith.cmpi slt, %parallel_loop3A_1230, %parallel_loop3A_1233 : i32
          %parallel_loop3A_1235 = arith.constant 0 : i32
          %parallel_loop3A_1236 = arith.cmpi slt, %parallel_loop3A_1229, %parallel_loop3A_1235 : i32
          %parallel_loop3A_1237 = arith.xori %parallel_loop3A_1234, %parallel_loop3A_1236 : i1
          %parallel_loop3A_1238 = arith.andi %parallel_loop3A_1237, %parallel_loop3A_1232 : i1
          %parallel_loop3A_1239 = arith.addi %parallel_loop3A_1230, %parallel_loop3A_1229 : i32
          %parallel_loop3A_1240 = arith.select %parallel_loop3A_1238, %parallel_loop3A_1239, %parallel_loop3A_1230 : i32
          %parallel_loop3A_1241 = arith.constant 16 : i32
          %parallel_loop3A_1242 = arith.muli %parallel_loop3A_1200, %parallel_loop3A_1241 : i32
          %parallel_loop3A_1243 = arith.index_cast %parallel_loop3A_1242 : i32 to index
          %parallel_loop3A_1244 = tpu.vector_load %arg11[%parallel_loop3A_1243] {strides = array<i32>} : memref<1024xi32, #tpu.memory_space<vmem>>, vector<16xi32>,
          %parallel_loop3A_1245 = arith.constant 2304 : i32
          %parallel_loop3A_1246 = tpu.memref_slice %arg18[%parallel_loop3A_1245] : memref<9216xf32, #tpu.memory_space<vmem>> -> memref<288xf32, #tpu.memory_space<vmem>>
          %parallel_loop3A_1247 = tpu.vector_load_idx %parallel_loop3A_1246[%parallel_loop3A_1244] : memref<288xf32, #tpu.memory_space<vmem>>[vector<16xi32>], vector<16xf32>,
          %parallel_loop3A_1248 = arith.constant 2592 : i32
          %parallel_loop3A_1249 = tpu.memref_slice %arg18[%parallel_loop3A_1248] : memref<9216xf32, #tpu.memory_space<vmem>> -> memref<288xf32, #tpu.memory_space<vmem>>
          %parallel_loop3A_1250 = tpu.vector_load_idx %parallel_loop3A_1249[%parallel_loop3A_1244] : memref<288xf32, #tpu.memory_space<vmem>>[vector<16xi32>], vector<16xf32>,
          %parallel_loop3A_1251 = arith.constant 2880 : i32
          %parallel_loop3A_1252 = tpu.memref_slice %arg18[%parallel_loop3A_1251] : memref<9216xf32, #tpu.memory_space<vmem>> -> memref<288xf32, #tpu.memory_space<vmem>>
          %parallel_loop3A_1253 = tpu.vector_load_idx %parallel_loop3A_1252[%parallel_loop3A_1244] : memref<288xf32, #tpu.memory_space<vmem>>[vector<16xi32>], vector<16xf32>,
          %parallel_loop3A_1254 = arith.constant 3168 : i32
          %parallel_loop3A_1255 = tpu.memref_slice %arg18[%parallel_loop3A_1254] : memref<9216xf32, #tpu.memory_space<vmem>> -> memref<288xf32, #tpu.memory_space<vmem>>
          %parallel_loop3A_1256 = tpu.vector_load_idx %parallel_loop3A_1255[%parallel_loop3A_1244] : memref<288xf32, #tpu.memory_space<vmem>>[vector<16xi32>], vector<16xf32>,
          %parallel_loop3A_1257 = arith.constant 3456 : i32
          %parallel_loop3A_1258 = tpu.memref_slice %arg18[%parallel_loop3A_1257] : memref<9216xf32, #tpu.memory_space<vmem>> -> memref<288xf32, #tpu.memory_space<vmem>>
          %parallel_loop3A_1259 = tpu.vector_load_idx %parallel_loop3A_1258[%parallel_loop3A_1244] : memref<288xf32, #tpu.memory_space<vmem>>[vector<16xi32>], vector<16xf32>,
          %parallel_loop3A_1260 = arith.constant 3744 : i32
          %parallel_loop3A_1261 = tpu.memref_slice %arg18[%parallel_loop3A_1260] : memref<9216xf32, #tpu.memory_space<vmem>> -> memref<288xf32, #tpu.memory_space<vmem>>
          %parallel_loop3A_1262 = tpu.vector_load_idx %parallel_loop3A_1261[%parallel_loop3A_1244] : memref<288xf32, #tpu.memory_space<vmem>>[vector<16xi32>], vector<16xf32>,
          %parallel_loop3A_1263 = arith.constant 4032 : i32
          %parallel_loop3A_1264 = tpu.memref_slice %arg18[%parallel_loop3A_1263] : memref<9216xf32, #tpu.memory_space<vmem>> -> memref<288xf32, #tpu.memory_space<vmem>>
          %parallel_loop3A_1265 = tpu.vector_load_idx %parallel_loop3A_1264[%parallel_loop3A_1244] : memref<288xf32, #tpu.memory_space<vmem>>[vector<16xi32>], vector<16xf32>,
          %parallel_loop3A_1266 = arith.constant 4320 : i32
          %parallel_loop3A_1267 = tpu.memref_slice %arg18[%parallel_loop3A_1266] : memref<9216xf32, #tpu.memory_space<vmem>> -> memref<288xf32, #tpu.memory_space<vmem>>
          %parallel_loop3A_1268 = tpu.vector_load_idx %parallel_loop3A_1267[%parallel_loop3A_1244] : memref<288xf32, #tpu.memory_space<vmem>>[vector<16xi32>], vector<16xf32>,
          %parallel_loop3A_1269 = arith.constant 16 : i32
          %parallel_loop3A_1270 = arith.muli %parallel_loop3A_1240, %parallel_loop3A_1269 : i32
          %parallel_loop3A_1271 = arith.constant 0 : i32
          %parallel_loop3A_1272 = arith.index_cast %parallel_loop3A_1224 : i32 to index
          %parallel_loop3A_1273 = arith.index_cast %parallel_loop3A_1271 : i32 to index
          %parallel_loop3A_1274 = arith.index_cast %parallel_loop3A_1270 : i32 to index
          %parallel_loop3A_1275 = tpu.vector_load %arg15[%parallel_loop3A_1272, %parallel_loop3A_1273, %parallel_loop3A_1274] {strides = array<i32>} : memref<8x8x128xf32, #tpu.memory_space<vmem>>, vector<16xf32>,
          tpu.vector_store %arg15[%parallel_loop3A_1272, %parallel_loop3A_1273, %parallel_loop3A_1274], %parallel_loop3A_1247 {strides = array<i32>} : memref<8x8x128xf32, #tpu.memory_space<vmem>>, vector<16xf32>,
          %parallel_loop3A_1276 = arith.constant 16 : i32
          %parallel_loop3A_1277 = arith.muli %parallel_loop3A_1240, %parallel_loop3A_1276 : i32
          %parallel_loop3A_1278 = arith.constant 1 : i32
          %parallel_loop3A_1279 = arith.index_cast %parallel_loop3A_1224 : i32 to index
          %parallel_loop3A_1280 = arith.index_cast %parallel_loop3A_1278 : i32 to index
          %parallel_loop3A_1281 = arith.index_cast %parallel_loop3A_1277 : i32 to index
          %parallel_loop3A_1282 = tpu.vector_load %arg15[%parallel_loop3A_1279, %parallel_loop3A_1280, %parallel_loop3A_1281] {strides = array<i32>} : memref<8x8x128xf32, #tpu.memory_space<vmem>>, vector<16xf32>,
          tpu.vector_store %arg15[%parallel_loop3A_1279, %parallel_loop3A_1280, %parallel_loop3A_1281], %parallel_loop3A_1250 {strides = array<i32>} : memref<8x8x128xf32, #tpu.memory_space<vmem>>, vector<16xf32>,
          %parallel_loop3A_1283 = arith.constant 16 : i32
          %parallel_loop3A_1284 = arith.muli %parallel_loop3A_1240, %parallel_loop3A_1283 : i32
          %parallel_loop3A_1285 = arith.constant 2 : i32
          %parallel_loop3A_1286 = arith.index_cast %parallel_loop3A_1224 : i32 to index
          %parallel_loop3A_1287 = arith.index_cast %parallel_loop3A_1285 : i32 to index
          %parallel_loop3A_1288 = arith.index_cast %parallel_loop3A_1284 : i32 to index
          %parallel_loop3A_1289 = tpu.vector_load %arg15[%parallel_loop3A_1286, %parallel_loop3A_1287, %parallel_loop3A_1288] {strides = array<i32>} : memref<8x8x128xf32, #tpu.memory_space<vmem>>, vector<16xf32>,
          tpu.vector_store %arg15[%parallel_loop3A_1286, %parallel_loop3A_1287, %parallel_loop3A_1288], %parallel_loop3A_1253 {strides = array<i32>} : memref<8x8x128xf32, #tpu.memory_space<vmem>>, vector<16xf32>,
          %parallel_loop3A_1290 = arith.constant 16 : i32
          %parallel_loop3A_1291 = arith.muli %parallel_loop3A_1240, %parallel_loop3A_1290 : i32
          %parallel_loop3A_1292 = arith.constant 3 : i32
          %parallel_loop3A_1293 = arith.index_cast %parallel_loop3A_1224 : i32 to index
          %parallel_loop3A_1294 = arith.index_cast %parallel_loop3A_1292 : i32 to index
          %parallel_loop3A_1295 = arith.index_cast %parallel_loop3A_1291 : i32 to index
          %parallel_loop3A_1296 = tpu.vector_load %arg15[%parallel_loop3A_1293, %parallel_loop3A_1294, %parallel_loop3A_1295] {strides = array<i32>} : memref<8x8x128xf32, #tpu.memory_space<vmem>>, vector<16xf32>,
          tpu.vector_store %arg15[%parallel_loop3A_1293, %parallel_loop3A_1294, %parallel_loop3A_1295], %parallel_loop3A_1256 {strides = array<i32>} : memref<8x8x128xf32, #tpu.memory_space<vmem>>, vector<16xf32>,
          %parallel_loop3A_1297 = arith.constant 16 : i32
          %parallel_loop3A_1298 = arith.muli %parallel_loop3A_1240, %parallel_loop3A_1297 : i32
          %parallel_loop3A_1299 = arith.constant 4 : i32
          %parallel_loop3A_1300 = arith.index_cast %parallel_loop3A_1224 : i32 to index
          %parallel_loop3A_1301 = arith.index_cast %parallel_loop3A_1299 : i32 to index
          %parallel_loop3A_1302 = arith.index_cast %parallel_loop3A_1298 : i32 to index
          %parallel_loop3A_1303 = tpu.vector_load %arg15[%parallel_loop3A_1300, %parallel_loop3A_1301, %parallel_loop3A_1302] {strides = array<i32>} : memref<8x8x128xf32, #tpu.memory_space<vmem>>, vector<16xf32>,
          tpu.vector_store %arg15[%parallel_loop3A_1300, %parallel_loop3A_1301, %parallel_loop3A_1302], %parallel_loop3A_1259 {strides = array<i32>} : memref<8x8x128xf32, #tpu.memory_space<vmem>>, vector<16xf32>,
          %parallel_loop3A_1304 = arith.constant 16 : i32
          %parallel_loop3A_1305 = arith.muli %parallel_loop3A_1240, %parallel_loop3A_1304 : i32
          %parallel_loop3A_1306 = arith.constant 5 : i32
          %parallel_loop3A_1307 = arith.index_cast %parallel_loop3A_1224 : i32 to index
          %parallel_loop3A_1308 = arith.index_cast %parallel_loop3A_1306 : i32 to index
          %parallel_loop3A_1309 = arith.index_cast %parallel_loop3A_1305 : i32 to index
          %parallel_loop3A_1310 = tpu.vector_load %arg15[%parallel_loop3A_1307, %parallel_loop3A_1308, %parallel_loop3A_1309] {strides = array<i32>} : memref<8x8x128xf32, #tpu.memory_space<vmem>>, vector<16xf32>,
          tpu.vector_store %arg15[%parallel_loop3A_1307, %parallel_loop3A_1308, %parallel_loop3A_1309], %parallel_loop3A_1262 {strides = array<i32>} : memref<8x8x128xf32, #tpu.memory_space<vmem>>, vector<16xf32>,
          %parallel_loop3A_1311 = arith.constant 16 : i32
          %parallel_loop3A_1312 = arith.muli %parallel_loop3A_1240, %parallel_loop3A_1311 : i32
          %parallel_loop3A_1313 = arith.constant 6 : i32
          %parallel_loop3A_1314 = arith.index_cast %parallel_loop3A_1224 : i32 to index
          %parallel_loop3A_1315 = arith.index_cast %parallel_loop3A_1313 : i32 to index
          %parallel_loop3A_1316 = arith.index_cast %parallel_loop3A_1312 : i32 to index
          %parallel_loop3A_1317 = tpu.vector_load %arg15[%parallel_loop3A_1314, %parallel_loop3A_1315, %parallel_loop3A_1316] {strides = array<i32>} : memref<8x8x128xf32, #tpu.memory_space<vmem>>, vector<16xf32>,
          tpu.vector_store %arg15[%parallel_loop3A_1314, %parallel_loop3A_1315, %parallel_loop3A_1316], %parallel_loop3A_1265 {strides = array<i32>} : memref<8x8x128xf32, #tpu.memory_space<vmem>>, vector<16xf32>,
          %parallel_loop3A_1318 = arith.constant 16 : i32
          %parallel_loop3A_1319 = arith.muli %parallel_loop3A_1240, %parallel_loop3A_1318 : i32
          %parallel_loop3A_1320 = arith.constant 7 : i32
          %parallel_loop3A_1321 = arith.index_cast %parallel_loop3A_1224 : i32 to index
          %parallel_loop3A_1322 = arith.index_cast %parallel_loop3A_1320 : i32 to index
          %parallel_loop3A_1323 = arith.index_cast %parallel_loop3A_1319 : i32 to index
          %parallel_loop3A_1324 = tpu.vector_load %arg15[%parallel_loop3A_1321, %parallel_loop3A_1322, %parallel_loop3A_1323] {strides = array<i32>} : memref<8x8x128xf32, #tpu.memory_space<vmem>>, vector<16xf32>,
          tpu.vector_store %arg15[%parallel_loop3A_1321, %parallel_loop3A_1322, %parallel_loop3A_1323], %parallel_loop3A_1268 {strides = array<i32>} : memref<8x8x128xf32, #tpu.memory_space<vmem>>, vector<16xf32>,
        } {sc.loop_unroll_factor = 2 : i64, sc.parallel_access}
        %dma_start3A_975 = arith.constant 5 : i32
        %dma_start3A_976 = arith.constant 0 : i32
        %dma_start3A_977 = arith.constant 0 : i32
        %dma_start3A_978 = arith.constant 0 : i32
        %dma_start3A_979 = tpu.memref_slice %arg7[%add3A_152, %select_n3A, %dma_start3A_975, %dma_start3A_976, %dma_start3A_977, %dma_start3A_978] : memref<64x12x12x8x8x128xf32, #tpu.memory_space<hbm>> -> memref<1x1x1x8x8x128xf32, #tpu.memory_space<hbm>>
        %dma_start3A_980 = tpu.memref_squeeze %dma_start3A_979 : memref<1x1x1x8x8x128xf32, #tpu.memory_space<hbm>> -> memref<8x8x128xf32, #tpu.memory_space<hbm>>
        %dma_start3A_981 = arith.constant 0 : i32
        %dma_start3A_982 = arith.constant 0 : i32
        %dma_start3A_983 = arith.constant 0 : i32
        %dma_start3A_984 = tpu.memref_slice %arg7[%add3A_152, %select_n3A, %dma_start3A_975, %dma_start3A_981, %dma_start3A_982, %dma_start3A_983] : memref<64x12x12x8x8x128xf32, #tpu.memory_space<hbm>> -> memref<1x1x1x8x8x128xf32, #tpu.memory_space<hbm>>
        %dma_start3A_985 = tpu.memref_squeeze %dma_start3A_984 : memref<1x1x1x8x8x128xf32, #tpu.memory_space<hbm>> -> memref<8x8x128xf32, #tpu.memory_space<hbm>>
        tpu.enqueue_dma source(%arg15 : memref<8x8x128xf32, #tpu.memory_space<vmem>>) target(%dma_start3A_985 : memref<8x8x128xf32, #tpu.memory_space<hbm>>) target_semaphore(%arg24 : memref<!tpu.dma_semaphore, #tpu.memory_space<semaphore_mem>>)
        %dma_wait3A_986 = arith.constant 3 : i32
        %dma_wait3A_987 = arith.constant 0 : i32
        %dma_wait3A_988 = arith.constant 0 : i32
        %dma_wait3A_989 = arith.constant 0 : i32
        %dma_wait3A_990 = tpu.memref_slice %arg7[%add3A_152, %select_n3A, %dma_wait3A_986, %dma_wait3A_987, %dma_wait3A_988, %dma_wait3A_989] : memref<64x12x12x8x8x128xf32, #tpu.memory_space<hbm>> -> memref<1x1x1x8x8x128xf32, #tpu.memory_space<hbm>>
        %dma_wait3A_991 = tpu.memref_squeeze %dma_wait3A_990 : memref<1x1x1x8x8x128xf32, #tpu.memory_space<hbm>> -> memref<8x8x128xf32, #tpu.memory_space<hbm>>
        %dma_wait3A_992 = arith.constant 0 : i32
        %dma_wait3A_993 = arith.constant 0 : i32
        %dma_wait3A_994 = arith.constant 0 : i32
        %dma_wait3A_995 = tpu.memref_slice %arg7[%add3A_152, %select_n3A, %dma_wait3A_986, %dma_wait3A_992, %dma_wait3A_993, %dma_wait3A_994] : memref<64x12x12x8x8x128xf32, #tpu.memory_space<hbm>> -> memref<1x1x1x8x8x128xf32, #tpu.memory_space<hbm>>
        %dma_wait3A_996 = tpu.memref_squeeze %dma_wait3A_995 : memref<1x1x1x8x8x128xf32, #tpu.memory_space<hbm>> -> memref<8x8x128xf32, #tpu.memory_space<hbm>>
        tpu.wait_dma2 semaphore(%arg22 : memref<!tpu.dma_semaphore, #tpu.memory_space<semaphore_mem>>) src(%arg13 : memref<8x8x128xf32, #tpu.memory_space<vmem>>) dst(%dma_wait3A_996 : memref<8x8x128xf32, #tpu.memory_space<hbm>>)
        %parallel_loop3A_997 = arith.constant 0 : i32
        %parallel_loop3A_998 = arith.constant 64 : i32
        %parallel_loop3A_999 = arith.constant 1 : i32
        scf.for %parallel_loop3A_1200 = %parallel_loop3A_997 to %parallel_loop3A_998 step %parallel_loop3A_999  : i32 {
          %parallel_loop3A_1201 = arith.constant 8 : i32
          %parallel_loop3A_1202 = arith.divsi %parallel_loop3A_1200, %parallel_loop3A_1201 : i32
          %parallel_loop3A_1203 = arith.constant 0 : i32
          %parallel_loop3A_1204 = arith.cmpi sgt, %parallel_loop3A_1200, %parallel_loop3A_1203 : i32
          %parallel_loop3A_1205 = arith.extui %parallel_loop3A_1204 : i1 to i32
          %parallel_loop3A_1206 = arith.constant 0 : i32
          %parallel_loop3A_1207 = arith.cmpi slt, %parallel_loop3A_1200, %parallel_loop3A_1206 : i32
          %parallel_loop3A_1208 = arith.extui %parallel_loop3A_1207 : i1 to i32
          %parallel_loop3A_1209 = arith.subi %parallel_loop3A_1205, %parallel_loop3A_1208 : i32
          %parallel_loop3A_1210 = arith.constant 0 : i32
          %parallel_loop3A_1211 = arith.cmpi sgt, %parallel_loop3A_1201, %parallel_loop3A_1210 : i32
          %parallel_loop3A_1212 = arith.extui %parallel_loop3A_1211 : i1 to i32
          %parallel_loop3A_1213 = arith.constant 0 : i32
          %parallel_loop3A_1214 = arith.cmpi slt, %parallel_loop3A_1201, %parallel_loop3A_1213 : i32
          %parallel_loop3A_1215 = arith.extui %parallel_loop3A_1214 : i1 to i32
          %parallel_loop3A_1216 = arith.subi %parallel_loop3A_1212, %parallel_loop3A_1215 : i32
          %parallel_loop3A_1217 = arith.cmpi ne, %parallel_loop3A_1209, %parallel_loop3A_1216 : i32
          %parallel_loop3A_1218 = arith.remsi %parallel_loop3A_1200, %parallel_loop3A_1201 : i32
          %parallel_loop3A_1219 = arith.constant 0 : i32
          %parallel_loop3A_1220 = arith.cmpi ne, %parallel_loop3A_1218, %parallel_loop3A_1219 : i32
          %parallel_loop3A_1221 = arith.andi %parallel_loop3A_1217, %parallel_loop3A_1220 : i1
          %parallel_loop3A_1222 = arith.constant 1 : i32
          %parallel_loop3A_1223 = arith.subi %parallel_loop3A_1202, %parallel_loop3A_1222 : i32
          %parallel_loop3A_1224 = arith.select %parallel_loop3A_1221, %parallel_loop3A_1223, %parallel_loop3A_1202 : i32
          %parallel_loop3A_1225 = arith.constant 8 : i32
          %parallel_loop3A_1226 = arith.constant 0 : i32
          %parallel_loop3A_1227 = arith.cmpi eq, %parallel_loop3A_1225, %parallel_loop3A_1226 : i32
          %parallel_loop3A_1228 = arith.constant 1 : i32
          %parallel_loop3A_1229 = arith.select %parallel_loop3A_1227, %parallel_loop3A_1228, %parallel_loop3A_1225 : i32
          %parallel_loop3A_1230 = arith.remsi %parallel_loop3A_1200, %parallel_loop3A_1229 : i32
          %parallel_loop3A_1231 = arith.constant 0 : i32
          %parallel_loop3A_1232 = arith.cmpi ne, %parallel_loop3A_1230, %parallel_loop3A_1231 : i32
          %parallel_loop3A_1233 = arith.constant 0 : i32
          %parallel_loop3A_1234 = arith.cmpi slt, %parallel_loop3A_1230, %parallel_loop3A_1233 : i32
          %parallel_loop3A_1235 = arith.constant 0 : i32
          %parallel_loop3A_1236 = arith.cmpi slt, %parallel_loop3A_1229, %parallel_loop3A_1235 : i32
          %parallel_loop3A_1237 = arith.xori %parallel_loop3A_1234, %parallel_loop3A_1236 : i1
          %parallel_loop3A_1238 = arith.andi %parallel_loop3A_1237, %parallel_loop3A_1232 : i1
          %parallel_loop3A_1239 = arith.addi %parallel_loop3A_1230, %parallel_loop3A_1229 : i32
          %parallel_loop3A_1240 = arith.select %parallel_loop3A_1238, %parallel_loop3A_1239, %parallel_loop3A_1230 : i32
          %parallel_loop3A_1241 = arith.constant 16 : i32
          %parallel_loop3A_1242 = arith.muli %parallel_loop3A_1200, %parallel_loop3A_1241 : i32
          %parallel_loop3A_1243 = arith.index_cast %parallel_loop3A_1242 : i32 to index
          %parallel_loop3A_1244 = tpu.vector_load %arg11[%parallel_loop3A_1243] {strides = array<i32>} : memref<1024xi32, #tpu.memory_space<vmem>>, vector<16xi32>,
          %parallel_loop3A_1245 = arith.constant 4608 : i32
          %parallel_loop3A_1246 = tpu.memref_slice %arg18[%parallel_loop3A_1245] : memref<9216xf32, #tpu.memory_space<vmem>> -> memref<288xf32, #tpu.memory_space<vmem>>
          %parallel_loop3A_1247 = tpu.vector_load_idx %parallel_loop3A_1246[%parallel_loop3A_1244] : memref<288xf32, #tpu.memory_space<vmem>>[vector<16xi32>], vector<16xf32>,
          %parallel_loop3A_1248 = arith.constant 4896 : i32
          %parallel_loop3A_1249 = tpu.memref_slice %arg18[%parallel_loop3A_1248] : memref<9216xf32, #tpu.memory_space<vmem>> -> memref<288xf32, #tpu.memory_space<vmem>>
          %parallel_loop3A_1250 = tpu.vector_load_idx %parallel_loop3A_1249[%parallel_loop3A_1244] : memref<288xf32, #tpu.memory_space<vmem>>[vector<16xi32>], vector<16xf32>,
          %parallel_loop3A_1251 = arith.constant 5184 : i32
          %parallel_loop3A_1252 = tpu.memref_slice %arg18[%parallel_loop3A_1251] : memref<9216xf32, #tpu.memory_space<vmem>> -> memref<288xf32, #tpu.memory_space<vmem>>
          %parallel_loop3A_1253 = tpu.vector_load_idx %parallel_loop3A_1252[%parallel_loop3A_1244] : memref<288xf32, #tpu.memory_space<vmem>>[vector<16xi32>], vector<16xf32>,
          %parallel_loop3A_1254 = arith.constant 5472 : i32
          %parallel_loop3A_1255 = tpu.memref_slice %arg18[%parallel_loop3A_1254] : memref<9216xf32, #tpu.memory_space<vmem>> -> memref<288xf32, #tpu.memory_space<vmem>>
          %parallel_loop3A_1256 = tpu.vector_load_idx %parallel_loop3A_1255[%parallel_loop3A_1244] : memref<288xf32, #tpu.memory_space<vmem>>[vector<16xi32>], vector<16xf32>,
          %parallel_loop3A_1257 = arith.constant 5760 : i32
          %parallel_loop3A_1258 = tpu.memref_slice %arg18[%parallel_loop3A_1257] : memref<9216xf32, #tpu.memory_space<vmem>> -> memref<288xf32, #tpu.memory_space<vmem>>
          %parallel_loop3A_1259 = tpu.vector_load_idx %parallel_loop3A_1258[%parallel_loop3A_1244] : memref<288xf32, #tpu.memory_space<vmem>>[vector<16xi32>], vector<16xf32>,
          %parallel_loop3A_1260 = arith.constant 6048 : i32
          %parallel_loop3A_1261 = tpu.memref_slice %arg18[%parallel_loop3A_1260] : memref<9216xf32, #tpu.memory_space<vmem>> -> memref<288xf32, #tpu.memory_space<vmem>>
          %parallel_loop3A_1262 = tpu.vector_load_idx %parallel_loop3A_1261[%parallel_loop3A_1244] : memref<288xf32, #tpu.memory_space<vmem>>[vector<16xi32>], vector<16xf32>,
          %parallel_loop3A_1263 = arith.constant 6336 : i32
          %parallel_loop3A_1264 = tpu.memref_slice %arg18[%parallel_loop3A_1263] : memref<9216xf32, #tpu.memory_space<vmem>> -> memref<288xf32, #tpu.memory_space<vmem>>
          %parallel_loop3A_1265 = tpu.vector_load_idx %parallel_loop3A_1264[%parallel_loop3A_1244] : memref<288xf32, #tpu.memory_space<vmem>>[vector<16xi32>], vector<16xf32>,
          %parallel_loop3A_1266 = arith.constant 6624 : i32
          %parallel_loop3A_1267 = tpu.memref_slice %arg18[%parallel_loop3A_1266] : memref<9216xf32, #tpu.memory_space<vmem>> -> memref<288xf32, #tpu.memory_space<vmem>>
          %parallel_loop3A_1268 = tpu.vector_load_idx %parallel_loop3A_1267[%parallel_loop3A_1244] : memref<288xf32, #tpu.memory_space<vmem>>[vector<16xi32>], vector<16xf32>,
          %parallel_loop3A_1269 = arith.constant 16 : i32
          %parallel_loop3A_1270 = arith.muli %parallel_loop3A_1240, %parallel_loop3A_1269 : i32
          %parallel_loop3A_1271 = arith.constant 0 : i32
          %parallel_loop3A_1272 = arith.index_cast %parallel_loop3A_1224 : i32 to index
          %parallel_loop3A_1273 = arith.index_cast %parallel_loop3A_1271 : i32 to index
          %parallel_loop3A_1274 = arith.index_cast %parallel_loop3A_1270 : i32 to index
          %parallel_loop3A_1275 = tpu.vector_load %arg13[%parallel_loop3A_1272, %parallel_loop3A_1273, %parallel_loop3A_1274] {strides = array<i32>} : memref<8x8x128xf32, #tpu.memory_space<vmem>>, vector<16xf32>,
          tpu.vector_store %arg13[%parallel_loop3A_1272, %parallel_loop3A_1273, %parallel_loop3A_1274], %parallel_loop3A_1247 {strides = array<i32>} : memref<8x8x128xf32, #tpu.memory_space<vmem>>, vector<16xf32>,
          %parallel_loop3A_1276 = arith.constant 16 : i32
          %parallel_loop3A_1277 = arith.muli %parallel_loop3A_1240, %parallel_loop3A_1276 : i32
          %parallel_loop3A_1278 = arith.constant 1 : i32
          %parallel_loop3A_1279 = arith.index_cast %parallel_loop3A_1224 : i32 to index
          %parallel_loop3A_1280 = arith.index_cast %parallel_loop3A_1278 : i32 to index
          %parallel_loop3A_1281 = arith.index_cast %parallel_loop3A_1277 : i32 to index
          %parallel_loop3A_1282 = tpu.vector_load %arg13[%parallel_loop3A_1279, %parallel_loop3A_1280, %parallel_loop3A_1281] {strides = array<i32>} : memref<8x8x128xf32, #tpu.memory_space<vmem>>, vector<16xf32>,
          tpu.vector_store %arg13[%parallel_loop3A_1279, %parallel_loop3A_1280, %parallel_loop3A_1281], %parallel_loop3A_1250 {strides = array<i32>} : memref<8x8x128xf32, #tpu.memory_space<vmem>>, vector<16xf32>,
          %parallel_loop3A_1283 = arith.constant 16 : i32
          %parallel_loop3A_1284 = arith.muli %parallel_loop3A_1240, %parallel_loop3A_1283 : i32
          %parallel_loop3A_1285 = arith.constant 2 : i32
          %parallel_loop3A_1286 = arith.index_cast %parallel_loop3A_1224 : i32 to index
          %parallel_loop3A_1287 = arith.index_cast %parallel_loop3A_1285 : i32 to index
          %parallel_loop3A_1288 = arith.index_cast %parallel_loop3A_1284 : i32 to index
          %parallel_loop3A_1289 = tpu.vector_load %arg13[%parallel_loop3A_1286, %parallel_loop3A_1287, %parallel_loop3A_1288] {strides = array<i32>} : memref<8x8x128xf32, #tpu.memory_space<vmem>>, vector<16xf32>,
          tpu.vector_store %arg13[%parallel_loop3A_1286, %parallel_loop3A_1287, %parallel_loop3A_1288], %parallel_loop3A_1253 {strides = array<i32>} : memref<8x8x128xf32, #tpu.memory_space<vmem>>, vector<16xf32>,
          %parallel_loop3A_1290 = arith.constant 16 : i32
          %parallel_loop3A_1291 = arith.muli %parallel_loop3A_1240, %parallel_loop3A_1290 : i32
          %parallel_loop3A_1292 = arith.constant 3 : i32
          %parallel_loop3A_1293 = arith.index_cast %parallel_loop3A_1224 : i32 to index
          %parallel_loop3A_1294 = arith.index_cast %parallel_loop3A_1292 : i32 to index
          %parallel_loop3A_1295 = arith.index_cast %parallel_loop3A_1291 : i32 to index
          %parallel_loop3A_1296 = tpu.vector_load %arg13[%parallel_loop3A_1293, %parallel_loop3A_1294, %parallel_loop3A_1295] {strides = array<i32>} : memref<8x8x128xf32, #tpu.memory_space<vmem>>, vector<16xf32>,
          tpu.vector_store %arg13[%parallel_loop3A_1293, %parallel_loop3A_1294, %parallel_loop3A_1295], %parallel_loop3A_1256 {strides = array<i32>} : memref<8x8x128xf32, #tpu.memory_space<vmem>>, vector<16xf32>,
          %parallel_loop3A_1297 = arith.constant 16 : i32
          %parallel_loop3A_1298 = arith.muli %parallel_loop3A_1240, %parallel_loop3A_1297 : i32
          %parallel_loop3A_1299 = arith.constant 4 : i32
          %parallel_loop3A_1300 = arith.index_cast %parallel_loop3A_1224 : i32 to index
          %parallel_loop3A_1301 = arith.index_cast %parallel_loop3A_1299 : i32 to index
          %parallel_loop3A_1302 = arith.index_cast %parallel_loop3A_1298 : i32 to index
          %parallel_loop3A_1303 = tpu.vector_load %arg13[%parallel_loop3A_1300, %parallel_loop3A_1301, %parallel_loop3A_1302] {strides = array<i32>} : memref<8x8x128xf32, #tpu.memory_space<vmem>>, vector<16xf32>,
          tpu.vector_store %arg13[%parallel_loop3A_1300, %parallel_loop3A_1301, %parallel_loop3A_1302], %parallel_loop3A_1259 {strides = array<i32>} : memref<8x8x128xf32, #tpu.memory_space<vmem>>, vector<16xf32>,
          %parallel_loop3A_1304 = arith.constant 16 : i32
          %parallel_loop3A_1305 = arith.muli %parallel_loop3A_1240, %parallel_loop3A_1304 : i32
          %parallel_loop3A_1306 = arith.constant 5 : i32
          %parallel_loop3A_1307 = arith.index_cast %parallel_loop3A_1224 : i32 to index
          %parallel_loop3A_1308 = arith.index_cast %parallel_loop3A_1306 : i32 to index
          %parallel_loop3A_1309 = arith.index_cast %parallel_loop3A_1305 : i32 to index
          %parallel_loop3A_1310 = tpu.vector_load %arg13[%parallel_loop3A_1307, %parallel_loop3A_1308, %parallel_loop3A_1309] {strides = array<i32>} : memref<8x8x128xf32, #tpu.memory_space<vmem>>, vector<16xf32>,
          tpu.vector_store %arg13[%parallel_loop3A_1307, %parallel_loop3A_1308, %parallel_loop3A_1309], %parallel_loop3A_1262 {strides = array<i32>} : memref<8x8x128xf32, #tpu.memory_space<vmem>>, vector<16xf32>,
          %parallel_loop3A_1311 = arith.constant 16 : i32
          %parallel_loop3A_1312 = arith.muli %parallel_loop3A_1240, %parallel_loop3A_1311 : i32
          %parallel_loop3A_1313 = arith.constant 6 : i32
          %parallel_loop3A_1314 = arith.index_cast %parallel_loop3A_1224 : i32 to index
          %parallel_loop3A_1315 = arith.index_cast %parallel_loop3A_1313 : i32 to index
          %parallel_loop3A_1316 = arith.index_cast %parallel_loop3A_1312 : i32 to index
          %parallel_loop3A_1317 = tpu.vector_load %arg13[%parallel_loop3A_1314, %parallel_loop3A_1315, %parallel_loop3A_1316] {strides = array<i32>} : memref<8x8x128xf32, #tpu.memory_space<vmem>>, vector<16xf32>,
          tpu.vector_store %arg13[%parallel_loop3A_1314, %parallel_loop3A_1315, %parallel_loop3A_1316], %parallel_loop3A_1265 {strides = array<i32>} : memref<8x8x128xf32, #tpu.memory_space<vmem>>, vector<16xf32>,
          %parallel_loop3A_1318 = arith.constant 16 : i32
          %parallel_loop3A_1319 = arith.muli %parallel_loop3A_1240, %parallel_loop3A_1318 : i32
          %parallel_loop3A_1320 = arith.constant 7 : i32
          %parallel_loop3A_1321 = arith.index_cast %parallel_loop3A_1224 : i32 to index
          %parallel_loop3A_1322 = arith.index_cast %parallel_loop3A_1320 : i32 to index
          %parallel_loop3A_1323 = arith.index_cast %parallel_loop3A_1319 : i32 to index
          %parallel_loop3A_1324 = tpu.vector_load %arg13[%parallel_loop3A_1321, %parallel_loop3A_1322, %parallel_loop3A_1323] {strides = array<i32>} : memref<8x8x128xf32, #tpu.memory_space<vmem>>, vector<16xf32>,
          tpu.vector_store %arg13[%parallel_loop3A_1321, %parallel_loop3A_1322, %parallel_loop3A_1323], %parallel_loop3A_1268 {strides = array<i32>} : memref<8x8x128xf32, #tpu.memory_space<vmem>>, vector<16xf32>,
        } {sc.loop_unroll_factor = 2 : i64, sc.parallel_access}
        %dma_start3A_1000 = arith.constant 6 : i32
        %dma_start3A_1001 = arith.constant 0 : i32
        %dma_start3A_1002 = arith.constant 0 : i32
        %dma_start3A_1003 = arith.constant 0 : i32
        %dma_start3A_1004 = tpu.memref_slice %arg7[%add3A_152, %select_n3A, %dma_start3A_1000, %dma_start3A_1001, %dma_start3A_1002, %dma_start3A_1003] : memref<64x12x12x8x8x128xf32, #tpu.memory_space<hbm>> -> memref<1x1x1x8x8x128xf32, #tpu.memory_space<hbm>>
        %dma_start3A_1005 = tpu.memref_squeeze %dma_start3A_1004 : memref<1x1x1x8x8x128xf32, #tpu.memory_space<hbm>> -> memref<8x8x128xf32, #tpu.memory_space<hbm>>
        %dma_start3A_1006 = arith.constant 0 : i32
        %dma_start3A_1007 = arith.constant 0 : i32
        %dma_start3A_1008 = arith.constant 0 : i32
        %dma_start3A_1009 = tpu.memref_slice %arg7[%add3A_152, %select_n3A, %dma_start3A_1000, %dma_start3A_1006, %dma_start3A_1007, %dma_start3A_1008] : memref<64x12x12x8x8x128xf32, #tpu.memory_space<hbm>> -> memref<1x1x1x8x8x128xf32, #tpu.memory_space<hbm>>
        %dma_start3A_1010 = tpu.memref_squeeze %dma_start3A_1009 : memref<1x1x1x8x8x128xf32, #tpu.memory_space<hbm>> -> memref<8x8x128xf32, #tpu.memory_space<hbm>>
        tpu.enqueue_dma source(%arg13 : memref<8x8x128xf32, #tpu.memory_space<vmem>>) target(%dma_start3A_1010 : memref<8x8x128xf32, #tpu.memory_space<hbm>>) target_semaphore(%arg22 : memref<!tpu.dma_semaphore, #tpu.memory_space<semaphore_mem>>)
        %dma_wait3A_1011 = arith.constant 4 : i32
        %dma_wait3A_1012 = arith.constant 0 : i32
        %dma_wait3A_1013 = arith.constant 0 : i32
        %dma_wait3A_1014 = arith.constant 0 : i32
        %dma_wait3A_1015 = tpu.memref_slice %arg7[%add3A_152, %select_n3A, %dma_wait3A_1011, %dma_wait3A_1012, %dma_wait3A_1013, %dma_wait3A_1014] : memref<64x12x12x8x8x128xf32, #tpu.memory_space<hbm>> -> memref<1x1x1x8x8x128xf32, #tpu.memory_space<hbm>>
        %dma_wait3A_1016 = tpu.memref_squeeze %dma_wait3A_1015 : memref<1x1x1x8x8x128xf32, #tpu.memory_space<hbm>> -> memref<8x8x128xf32, #tpu.memory_space<hbm>>
        %dma_wait3A_1017 = arith.constant 0 : i32
        %dma_wait3A_1018 = arith.constant 0 : i32
        %dma_wait3A_1019 = arith.constant 0 : i32
        %dma_wait3A_1020 = tpu.memref_slice %arg7[%add3A_152, %select_n3A, %dma_wait3A_1011, %dma_wait3A_1017, %dma_wait3A_1018, %dma_wait3A_1019] : memref<64x12x12x8x8x128xf32, #tpu.memory_space<hbm>> -> memref<1x1x1x8x8x128xf32, #tpu.memory_space<hbm>>
        %dma_wait3A_1021 = tpu.memref_squeeze %dma_wait3A_1020 : memref<1x1x1x8x8x128xf32, #tpu.memory_space<hbm>> -> memref<8x8x128xf32, #tpu.memory_space<hbm>>
        tpu.wait_dma2 semaphore(%arg23 : memref<!tpu.dma_semaphore, #tpu.memory_space<semaphore_mem>>) src(%arg14 : memref<8x8x128xf32, #tpu.memory_space<vmem>>) dst(%dma_wait3A_1021 : memref<8x8x128xf32, #tpu.memory_space<hbm>>)
        %parallel_loop3A_1022 = arith.constant 0 : i32
        %parallel_loop3A_1023 = arith.constant 64 : i32
        %parallel_loop3A_1024 = arith.constant 1 : i32
        scf.for %parallel_loop3A_1200 = %parallel_loop3A_1022 to %parallel_loop3A_1023 step %parallel_loop3A_1024  : i32 {
          %parallel_loop3A_1201 = arith.constant 8 : i32
          %parallel_loop3A_1202 = arith.divsi %parallel_loop3A_1200, %parallel_loop3A_1201 : i32
          %parallel_loop3A_1203 = arith.constant 0 : i32
          %parallel_loop3A_1204 = arith.cmpi sgt, %parallel_loop3A_1200, %parallel_loop3A_1203 : i32
          %parallel_loop3A_1205 = arith.extui %parallel_loop3A_1204 : i1 to i32
          %parallel_loop3A_1206 = arith.constant 0 : i32
          %parallel_loop3A_1207 = arith.cmpi slt, %parallel_loop3A_1200, %parallel_loop3A_1206 : i32
          %parallel_loop3A_1208 = arith.extui %parallel_loop3A_1207 : i1 to i32
          %parallel_loop3A_1209 = arith.subi %parallel_loop3A_1205, %parallel_loop3A_1208 : i32
          %parallel_loop3A_1210 = arith.constant 0 : i32
          %parallel_loop3A_1211 = arith.cmpi sgt, %parallel_loop3A_1201, %parallel_loop3A_1210 : i32
          %parallel_loop3A_1212 = arith.extui %parallel_loop3A_1211 : i1 to i32
          %parallel_loop3A_1213 = arith.constant 0 : i32
          %parallel_loop3A_1214 = arith.cmpi slt, %parallel_loop3A_1201, %parallel_loop3A_1213 : i32
          %parallel_loop3A_1215 = arith.extui %parallel_loop3A_1214 : i1 to i32
          %parallel_loop3A_1216 = arith.subi %parallel_loop3A_1212, %parallel_loop3A_1215 : i32
          %parallel_loop3A_1217 = arith.cmpi ne, %parallel_loop3A_1209, %parallel_loop3A_1216 : i32
          %parallel_loop3A_1218 = arith.remsi %parallel_loop3A_1200, %parallel_loop3A_1201 : i32
          %parallel_loop3A_1219 = arith.constant 0 : i32
          %parallel_loop3A_1220 = arith.cmpi ne, %parallel_loop3A_1218, %parallel_loop3A_1219 : i32
          %parallel_loop3A_1221 = arith.andi %parallel_loop3A_1217, %parallel_loop3A_1220 : i1
          %parallel_loop3A_1222 = arith.constant 1 : i32
          %parallel_loop3A_1223 = arith.subi %parallel_loop3A_1202, %parallel_loop3A_1222 : i32
          %parallel_loop3A_1224 = arith.select %parallel_loop3A_1221, %parallel_loop3A_1223, %parallel_loop3A_1202 : i32
          %parallel_loop3A_1225 = arith.constant 8 : i32
          %parallel_loop3A_1226 = arith.constant 0 : i32
          %parallel_loop3A_1227 = arith.cmpi eq, %parallel_loop3A_1225, %parallel_loop3A_1226 : i32
          %parallel_loop3A_1228 = arith.constant 1 : i32
          %parallel_loop3A_1229 = arith.select %parallel_loop3A_1227, %parallel_loop3A_1228, %parallel_loop3A_1225 : i32
          %parallel_loop3A_1230 = arith.remsi %parallel_loop3A_1200, %parallel_loop3A_1229 : i32
          %parallel_loop3A_1231 = arith.constant 0 : i32
          %parallel_loop3A_1232 = arith.cmpi ne, %parallel_loop3A_1230, %parallel_loop3A_1231 : i32
          %parallel_loop3A_1233 = arith.constant 0 : i32
          %parallel_loop3A_1234 = arith.cmpi slt, %parallel_loop3A_1230, %parallel_loop3A_1233 : i32
          %parallel_loop3A_1235 = arith.constant 0 : i32
          %parallel_loop3A_1236 = arith.cmpi slt, %parallel_loop3A_1229, %parallel_loop3A_1235 : i32
          %parallel_loop3A_1237 = arith.xori %parallel_loop3A_1234, %parallel_loop3A_1236 : i1
          %parallel_loop3A_1238 = arith.andi %parallel_loop3A_1237, %parallel_loop3A_1232 : i1
          %parallel_loop3A_1239 = arith.addi %parallel_loop3A_1230, %parallel_loop3A_1229 : i32
          %parallel_loop3A_1240 = arith.select %parallel_loop3A_1238, %parallel_loop3A_1239, %parallel_loop3A_1230 : i32
          %parallel_loop3A_1241 = arith.constant 16 : i32
          %parallel_loop3A_1242 = arith.muli %parallel_loop3A_1200, %parallel_loop3A_1241 : i32
          %parallel_loop3A_1243 = arith.index_cast %parallel_loop3A_1242 : i32 to index
          %parallel_loop3A_1244 = tpu.vector_load %arg11[%parallel_loop3A_1243] {strides = array<i32>} : memref<1024xi32, #tpu.memory_space<vmem>>, vector<16xi32>,
          %parallel_loop3A_1245 = arith.constant 6912 : i32
          %parallel_loop3A_1246 = tpu.memref_slice %arg18[%parallel_loop3A_1245] : memref<9216xf32, #tpu.memory_space<vmem>> -> memref<288xf32, #tpu.memory_space<vmem>>
          %parallel_loop3A_1247 = tpu.vector_load_idx %parallel_loop3A_1246[%parallel_loop3A_1244] : memref<288xf32, #tpu.memory_space<vmem>>[vector<16xi32>], vector<16xf32>,
          %parallel_loop3A_1248 = arith.constant 7200 : i32
          %parallel_loop3A_1249 = tpu.memref_slice %arg18[%parallel_loop3A_1248] : memref<9216xf32, #tpu.memory_space<vmem>> -> memref<288xf32, #tpu.memory_space<vmem>>
          %parallel_loop3A_1250 = tpu.vector_load_idx %parallel_loop3A_1249[%parallel_loop3A_1244] : memref<288xf32, #tpu.memory_space<vmem>>[vector<16xi32>], vector<16xf32>,
          %parallel_loop3A_1251 = arith.constant 7488 : i32
          %parallel_loop3A_1252 = tpu.memref_slice %arg18[%parallel_loop3A_1251] : memref<9216xf32, #tpu.memory_space<vmem>> -> memref<288xf32, #tpu.memory_space<vmem>>
          %parallel_loop3A_1253 = tpu.vector_load_idx %parallel_loop3A_1252[%parallel_loop3A_1244] : memref<288xf32, #tpu.memory_space<vmem>>[vector<16xi32>], vector<16xf32>,
          %parallel_loop3A_1254 = arith.constant 7776 : i32
          %parallel_loop3A_1255 = tpu.memref_slice %arg18[%parallel_loop3A_1254] : memref<9216xf32, #tpu.memory_space<vmem>> -> memref<288xf32, #tpu.memory_space<vmem>>
          %parallel_loop3A_1256 = tpu.vector_load_idx %parallel_loop3A_1255[%parallel_loop3A_1244] : memref<288xf32, #tpu.memory_space<vmem>>[vector<16xi32>], vector<16xf32>,
          %parallel_loop3A_1257 = arith.constant 8064 : i32
          %parallel_loop3A_1258 = tpu.memref_slice %arg18[%parallel_loop3A_1257] : memref<9216xf32, #tpu.memory_space<vmem>> -> memref<288xf32, #tpu.memory_space<vmem>>
          %parallel_loop3A_1259 = tpu.vector_load_idx %parallel_loop3A_1258[%parallel_loop3A_1244] : memref<288xf32, #tpu.memory_space<vmem>>[vector<16xi32>], vector<16xf32>,
          %parallel_loop3A_1260 = arith.constant 8352 : i32
          %parallel_loop3A_1261 = tpu.memref_slice %arg18[%parallel_loop3A_1260] : memref<9216xf32, #tpu.memory_space<vmem>> -> memref<288xf32, #tpu.memory_space<vmem>>
          %parallel_loop3A_1262 = tpu.vector_load_idx %parallel_loop3A_1261[%parallel_loop3A_1244] : memref<288xf32, #tpu.memory_space<vmem>>[vector<16xi32>], vector<16xf32>,
          %parallel_loop3A_1263 = arith.constant 8640 : i32
          %parallel_loop3A_1264 = tpu.memref_slice %arg18[%parallel_loop3A_1263] : memref<9216xf32, #tpu.memory_space<vmem>> -> memref<288xf32, #tpu.memory_space<vmem>>
          %parallel_loop3A_1265 = tpu.vector_load_idx %parallel_loop3A_1264[%parallel_loop3A_1244] : memref<288xf32, #tpu.memory_space<vmem>>[vector<16xi32>], vector<16xf32>,
          %parallel_loop3A_1266 = arith.constant 8928 : i32
          %parallel_loop3A_1267 = tpu.memref_slice %arg18[%parallel_loop3A_1266] : memref<9216xf32, #tpu.memory_space<vmem>> -> memref<288xf32, #tpu.memory_space<vmem>>
          %parallel_loop3A_1268 = tpu.vector_load_idx %parallel_loop3A_1267[%parallel_loop3A_1244] : memref<288xf32, #tpu.memory_space<vmem>>[vector<16xi32>], vector<16xf32>,
          %parallel_loop3A_1269 = arith.constant 16 : i32
          %parallel_loop3A_1270 = arith.muli %parallel_loop3A_1240, %parallel_loop3A_1269 : i32
          %parallel_loop3A_1271 = arith.constant 0 : i32
          %parallel_loop3A_1272 = arith.index_cast %parallel_loop3A_1224 : i32 to index
          %parallel_loop3A_1273 = arith.index_cast %parallel_loop3A_1271 : i32 to index
          %parallel_loop3A_1274 = arith.index_cast %parallel_loop3A_1270 : i32 to index
          %parallel_loop3A_1275 = tpu.vector_load %arg14[%parallel_loop3A_1272, %parallel_loop3A_1273, %parallel_loop3A_1274] {strides = array<i32>} : memref<8x8x128xf32, #tpu.memory_space<vmem>>, vector<16xf32>,
          tpu.vector_store %arg14[%parallel_loop3A_1272, %parallel_loop3A_1273, %parallel_loop3A_1274], %parallel_loop3A_1247 {strides = array<i32>} : memref<8x8x128xf32, #tpu.memory_space<vmem>>, vector<16xf32>,
          %parallel_loop3A_1276 = arith.constant 16 : i32
          %parallel_loop3A_1277 = arith.muli %parallel_loop3A_1240, %parallel_loop3A_1276 : i32
          %parallel_loop3A_1278 = arith.constant 1 : i32
          %parallel_loop3A_1279 = arith.index_cast %parallel_loop3A_1224 : i32 to index
          %parallel_loop3A_1280 = arith.index_cast %parallel_loop3A_1278 : i32 to index
          %parallel_loop3A_1281 = arith.index_cast %parallel_loop3A_1277 : i32 to index
          %parallel_loop3A_1282 = tpu.vector_load %arg14[%parallel_loop3A_1279, %parallel_loop3A_1280, %parallel_loop3A_1281] {strides = array<i32>} : memref<8x8x128xf32, #tpu.memory_space<vmem>>, vector<16xf32>,
          tpu.vector_store %arg14[%parallel_loop3A_1279, %parallel_loop3A_1280, %parallel_loop3A_1281], %parallel_loop3A_1250 {strides = array<i32>} : memref<8x8x128xf32, #tpu.memory_space<vmem>>, vector<16xf32>,
          %parallel_loop3A_1283 = arith.constant 16 : i32
          %parallel_loop3A_1284 = arith.muli %parallel_loop3A_1240, %parallel_loop3A_1283 : i32
          %parallel_loop3A_1285 = arith.constant 2 : i32
          %parallel_loop3A_1286 = arith.index_cast %parallel_loop3A_1224 : i32 to index
          %parallel_loop3A_1287 = arith.index_cast %parallel_loop3A_1285 : i32 to index
          %parallel_loop3A_1288 = arith.index_cast %parallel_loop3A_1284 : i32 to index
          %parallel_loop3A_1289 = tpu.vector_load %arg14[%parallel_loop3A_1286, %parallel_loop3A_1287, %parallel_loop3A_1288] {strides = array<i32>} : memref<8x8x128xf32, #tpu.memory_space<vmem>>, vector<16xf32>,
          tpu.vector_store %arg14[%parallel_loop3A_1286, %parallel_loop3A_1287, %parallel_loop3A_1288], %parallel_loop3A_1253 {strides = array<i32>} : memref<8x8x128xf32, #tpu.memory_space<vmem>>, vector<16xf32>,
          %parallel_loop3A_1290 = arith.constant 16 : i32
          %parallel_loop3A_1291 = arith.muli %parallel_loop3A_1240, %parallel_loop3A_1290 : i32
          %parallel_loop3A_1292 = arith.constant 3 : i32
          %parallel_loop3A_1293 = arith.index_cast %parallel_loop3A_1224 : i32 to index
          %parallel_loop3A_1294 = arith.index_cast %parallel_loop3A_1292 : i32 to index
          %parallel_loop3A_1295 = arith.index_cast %parallel_loop3A_1291 : i32 to index
          %parallel_loop3A_1296 = tpu.vector_load %arg14[%parallel_loop3A_1293, %parallel_loop3A_1294, %parallel_loop3A_1295] {strides = array<i32>} : memref<8x8x128xf32, #tpu.memory_space<vmem>>, vector<16xf32>,
          tpu.vector_store %arg14[%parallel_loop3A_1293, %parallel_loop3A_1294, %parallel_loop3A_1295], %parallel_loop3A_1256 {strides = array<i32>} : memref<8x8x128xf32, #tpu.memory_space<vmem>>, vector<16xf32>,
          %parallel_loop3A_1297 = arith.constant 16 : i32
          %parallel_loop3A_1298 = arith.muli %parallel_loop3A_1240, %parallel_loop3A_1297 : i32
          %parallel_loop3A_1299 = arith.constant 4 : i32
          %parallel_loop3A_1300 = arith.index_cast %parallel_loop3A_1224 : i32 to index
          %parallel_loop3A_1301 = arith.index_cast %parallel_loop3A_1299 : i32 to index
          %parallel_loop3A_1302 = arith.index_cast %parallel_loop3A_1298 : i32 to index
          %parallel_loop3A_1303 = tpu.vector_load %arg14[%parallel_loop3A_1300, %parallel_loop3A_1301, %parallel_loop3A_1302] {strides = array<i32>} : memref<8x8x128xf32, #tpu.memory_space<vmem>>, vector<16xf32>,
          tpu.vector_store %arg14[%parallel_loop3A_1300, %parallel_loop3A_1301, %parallel_loop3A_1302], %parallel_loop3A_1259 {strides = array<i32>} : memref<8x8x128xf32, #tpu.memory_space<vmem>>, vector<16xf32>,
          %parallel_loop3A_1304 = arith.constant 16 : i32
          %parallel_loop3A_1305 = arith.muli %parallel_loop3A_1240, %parallel_loop3A_1304 : i32
          %parallel_loop3A_1306 = arith.constant 5 : i32
          %parallel_loop3A_1307 = arith.index_cast %parallel_loop3A_1224 : i32 to index
          %parallel_loop3A_1308 = arith.index_cast %parallel_loop3A_1306 : i32 to index
          %parallel_loop3A_1309 = arith.index_cast %parallel_loop3A_1305 : i32 to index
          %parallel_loop3A_1310 = tpu.vector_load %arg14[%parallel_loop3A_1307, %parallel_loop3A_1308, %parallel_loop3A_1309] {strides = array<i32>} : memref<8x8x128xf32, #tpu.memory_space<vmem>>, vector<16xf32>,
          tpu.vector_store %arg14[%parallel_loop3A_1307, %parallel_loop3A_1308, %parallel_loop3A_1309], %parallel_loop3A_1262 {strides = array<i32>} : memref<8x8x128xf32, #tpu.memory_space<vmem>>, vector<16xf32>,
          %parallel_loop3A_1311 = arith.constant 16 : i32
          %parallel_loop3A_1312 = arith.muli %parallel_loop3A_1240, %parallel_loop3A_1311 : i32
          %parallel_loop3A_1313 = arith.constant 6 : i32
          %parallel_loop3A_1314 = arith.index_cast %parallel_loop3A_1224 : i32 to index
          %parallel_loop3A_1315 = arith.index_cast %parallel_loop3A_1313 : i32 to index
          %parallel_loop3A_1316 = arith.index_cast %parallel_loop3A_1312 : i32 to index
          %parallel_loop3A_1317 = tpu.vector_load %arg14[%parallel_loop3A_1314, %parallel_loop3A_1315, %parallel_loop3A_1316] {strides = array<i32>} : memref<8x8x128xf32, #tpu.memory_space<vmem>>, vector<16xf32>,
          tpu.vector_store %arg14[%parallel_loop3A_1314, %parallel_loop3A_1315, %parallel_loop3A_1316], %parallel_loop3A_1265 {strides = array<i32>} : memref<8x8x128xf32, #tpu.memory_space<vmem>>, vector<16xf32>,
          %parallel_loop3A_1318 = arith.constant 16 : i32
          %parallel_loop3A_1319 = arith.muli %parallel_loop3A_1240, %parallel_loop3A_1318 : i32
          %parallel_loop3A_1320 = arith.constant 7 : i32
          %parallel_loop3A_1321 = arith.index_cast %parallel_loop3A_1224 : i32 to index
          %parallel_loop3A_1322 = arith.index_cast %parallel_loop3A_1320 : i32 to index
          %parallel_loop3A_1323 = arith.index_cast %parallel_loop3A_1319 : i32 to index
          %parallel_loop3A_1324 = tpu.vector_load %arg14[%parallel_loop3A_1321, %parallel_loop3A_1322, %parallel_loop3A_1323] {strides = array<i32>} : memref<8x8x128xf32, #tpu.memory_space<vmem>>, vector<16xf32>,
          tpu.vector_store %arg14[%parallel_loop3A_1321, %parallel_loop3A_1322, %parallel_loop3A_1323], %parallel_loop3A_1268 {strides = array<i32>} : memref<8x8x128xf32, #tpu.memory_space<vmem>>, vector<16xf32>,
        } {sc.loop_unroll_factor = 2 : i64, sc.parallel_access}
        %dma_start3A_1025 = arith.constant 7 : i32
        %dma_start3A_1026 = arith.constant 0 : i32
        %dma_start3A_1027 = arith.constant 0 : i32
        %dma_start3A_1028 = arith.constant 0 : i32
        %dma_start3A_1029 = tpu.memref_slice %arg7[%add3A_152, %select_n3A, %dma_start3A_1025, %dma_start3A_1026, %dma_start3A_1027, %dma_start3A_1028] : memref<64x12x12x8x8x128xf32, #tpu.memory_space<hbm>> -> memref<1x1x1x8x8x128xf32, #tpu.memory_space<hbm>>
        %dma_start3A_1030 = tpu.memref_squeeze %dma_start3A_1029 : memref<1x1x1x8x8x128xf32, #tpu.memory_space<hbm>> -> memref<8x8x128xf32, #tpu.memory_space<hbm>>
        %dma_start3A_1031 = arith.constant 0 : i32
        %dma_start3A_1032 = arith.constant 0 : i32
        %dma_start3A_1033 = arith.constant 0 : i32
        %dma_start3A_1034 = tpu.memref_slice %arg7[%add3A_152, %select_n3A, %dma_start3A_1025, %dma_start3A_1031, %dma_start3A_1032, %dma_start3A_1033] : memref<64x12x12x8x8x128xf32, #tpu.memory_space<hbm>> -> memref<1x1x1x8x8x128xf32, #tpu.memory_space<hbm>>
        %dma_start3A_1035 = tpu.memref_squeeze %dma_start3A_1034 : memref<1x1x1x8x8x128xf32, #tpu.memory_space<hbm>> -> memref<8x8x128xf32, #tpu.memory_space<hbm>>
        tpu.enqueue_dma source(%arg14 : memref<8x8x128xf32, #tpu.memory_space<vmem>>) target(%dma_start3A_1035 : memref<8x8x128xf32, #tpu.memory_space<hbm>>) target_semaphore(%arg23 : memref<!tpu.dma_semaphore, #tpu.memory_space<semaphore_mem>>)
        %dma_wait3A_1036 = arith.constant 5 : i32
        %dma_wait3A_1037 = arith.constant 0 : i32
        %dma_wait3A_1038 = arith.constant 0 : i32
        %dma_wait3A_1039 = arith.constant 0 : i32
        %dma_wait3A_1040 = tpu.memref_slice %arg7[%add3A_152, %select_n3A, %dma_wait3A_1036, %dma_wait3A_1037, %dma_wait3A_1038, %dma_wait3A_1039] : memref<64x12x12x8x8x128xf32, #tpu.memory_space<hbm>> -> memref<1x1x1x8x8x128xf32, #tpu.memory_space<hbm>>
        %dma_wait3A_1041 = tpu.memref_squeeze %dma_wait3A_1040 : memref<1x1x1x8x8x128xf32, #tpu.memory_space<hbm>> -> memref<8x8x128xf32, #tpu.memory_space<hbm>>
        %dma_wait3A_1042 = arith.constant 0 : i32
        %dma_wait3A_1043 = arith.constant 0 : i32
        %dma_wait3A_1044 = arith.constant 0 : i32
        %dma_wait3A_1045 = tpu.memref_slice %arg7[%add3A_152, %select_n3A, %dma_wait3A_1036, %dma_wait3A_1042, %dma_wait3A_1043, %dma_wait3A_1044] : memref<64x12x12x8x8x128xf32, #tpu.memory_space<hbm>> -> memref<1x1x1x8x8x128xf32, #tpu.memory_space<hbm>>
        %dma_wait3A_1046 = tpu.memref_squeeze %dma_wait3A_1045 : memref<1x1x1x8x8x128xf32, #tpu.memory_space<hbm>> -> memref<8x8x128xf32, #tpu.memory_space<hbm>>
        tpu.wait_dma2 semaphore(%arg24 : memref<!tpu.dma_semaphore, #tpu.memory_space<semaphore_mem>>) src(%arg15 : memref<8x8x128xf32, #tpu.memory_space<vmem>>) dst(%dma_wait3A_1046 : memref<8x8x128xf32, #tpu.memory_space<hbm>>)
        %get3A_1047 = arith.constant 0 : index
        %get3A_1048 = tpu.vector_load %arg19[%get3A_1047] {strides = array<i32>} : memref<272xf32, #tpu.memory_space<vmem>>, vector<16xf32>,
        %get3A_1049 = arith.constant 8 : index
        %get3A_1050 = tpu.vector_load %arg19[%get3A_1049] {strides = array<i32>} : memref<272xf32, #tpu.memory_space<vmem>>, vector<16xf32>,
        %get3A_1051 = arith.constant 16 : index
        %get3A_1052 = tpu.vector_load %arg19[%get3A_1051] {strides = array<i32>} : memref<272xf32, #tpu.memory_space<vmem>>, vector<16xf32>,
        %get3A_1053 = arith.constant 24 : index
        %get3A_1054 = tpu.vector_load %arg19[%get3A_1053] {strides = array<i32>} : memref<272xf32, #tpu.memory_space<vmem>>, vector<16xf32>,
        %get3A_1055 = arith.constant 32 : index
        %get3A_1056 = tpu.vector_load %arg19[%get3A_1055] {strides = array<i32>} : memref<272xf32, #tpu.memory_space<vmem>>, vector<16xf32>,
        %get3A_1057 = arith.constant 40 : index
        %get3A_1058 = tpu.vector_load %arg19[%get3A_1057] {strides = array<i32>} : memref<272xf32, #tpu.memory_space<vmem>>, vector<16xf32>,
        %get3A_1059 = arith.constant 48 : index
        %get3A_1060 = tpu.vector_load %arg19[%get3A_1059] {strides = array<i32>} : memref<272xf32, #tpu.memory_space<vmem>>, vector<16xf32>,
        %get3A_1061 = arith.constant 56 : index
        %get3A_1062 = tpu.vector_load %arg19[%get3A_1061] {strides = array<i32>} : memref<272xf32, #tpu.memory_space<vmem>>, vector<16xf32>,
        %parallel_loop3A_1063 = arith.constant 0 : i32
        %parallel_loop3A_1064 = arith.constant 64 : i32
        %parallel_loop3A_1065 = arith.constant 1 : i32
        scf.for %parallel_loop3A_1200 = %parallel_loop3A_1063 to %parallel_loop3A_1064 step %parallel_loop3A_1065  : i32 {
          %parallel_loop3A_1201 = arith.constant 8 : i32
          %parallel_loop3A_1202 = arith.divsi %parallel_loop3A_1200, %parallel_loop3A_1201 : i32
          %parallel_loop3A_1203 = arith.constant 0 : i32
          %parallel_loop3A_1204 = arith.cmpi sgt, %parallel_loop3A_1200, %parallel_loop3A_1203 : i32
          %parallel_loop3A_1205 = arith.extui %parallel_loop3A_1204 : i1 to i32
          %parallel_loop3A_1206 = arith.constant 0 : i32
          %parallel_loop3A_1207 = arith.cmpi slt, %parallel_loop3A_1200, %parallel_loop3A_1206 : i32
          %parallel_loop3A_1208 = arith.extui %parallel_loop3A_1207 : i1 to i32
          %parallel_loop3A_1209 = arith.subi %parallel_loop3A_1205, %parallel_loop3A_1208 : i32
          %parallel_loop3A_1210 = arith.constant 0 : i32
          %parallel_loop3A_1211 = arith.cmpi sgt, %parallel_loop3A_1201, %parallel_loop3A_1210 : i32
          %parallel_loop3A_1212 = arith.extui %parallel_loop3A_1211 : i1 to i32
          %parallel_loop3A_1213 = arith.constant 0 : i32
          %parallel_loop3A_1214 = arith.cmpi slt, %parallel_loop3A_1201, %parallel_loop3A_1213 : i32
          %parallel_loop3A_1215 = arith.extui %parallel_loop3A_1214 : i1 to i32
          %parallel_loop3A_1216 = arith.subi %parallel_loop3A_1212, %parallel_loop3A_1215 : i32
          %parallel_loop3A_1217 = arith.cmpi ne, %parallel_loop3A_1209, %parallel_loop3A_1216 : i32
          %parallel_loop3A_1218 = arith.remsi %parallel_loop3A_1200, %parallel_loop3A_1201 : i32
          %parallel_loop3A_1219 = arith.constant 0 : i32
          %parallel_loop3A_1220 = arith.cmpi ne, %parallel_loop3A_1218, %parallel_loop3A_1219 : i32
          %parallel_loop3A_1221 = arith.andi %parallel_loop3A_1217, %parallel_loop3A_1220 : i1
          %parallel_loop3A_1222 = arith.constant 1 : i32
          %parallel_loop3A_1223 = arith.subi %parallel_loop3A_1202, %parallel_loop3A_1222 : i32
          %parallel_loop3A_1224 = arith.select %parallel_loop3A_1221, %parallel_loop3A_1223, %parallel_loop3A_1202 : i32
          %parallel_loop3A_1225 = arith.constant 8 : i32
          %parallel_loop3A_1226 = arith.constant 0 : i32
          %parallel_loop3A_1227 = arith.cmpi eq, %parallel_loop3A_1225, %parallel_loop3A_1226 : i32
          %parallel_loop3A_1228 = arith.constant 1 : i32
          %parallel_loop3A_1229 = arith.select %parallel_loop3A_1227, %parallel_loop3A_1228, %parallel_loop3A_1225 : i32
          %parallel_loop3A_1230 = arith.remsi %parallel_loop3A_1200, %parallel_loop3A_1229 : i32
          %parallel_loop3A_1231 = arith.constant 0 : i32
          %parallel_loop3A_1232 = arith.cmpi ne, %parallel_loop3A_1230, %parallel_loop3A_1231 : i32
          %parallel_loop3A_1233 = arith.constant 0 : i32
          %parallel_loop3A_1234 = arith.cmpi slt, %parallel_loop3A_1230, %parallel_loop3A_1233 : i32
          %parallel_loop3A_1235 = arith.constant 0 : i32
          %parallel_loop3A_1236 = arith.cmpi slt, %parallel_loop3A_1229, %parallel_loop3A_1235 : i32
          %parallel_loop3A_1237 = arith.xori %parallel_loop3A_1234, %parallel_loop3A_1236 : i1
          %parallel_loop3A_1238 = arith.andi %parallel_loop3A_1237, %parallel_loop3A_1232 : i1
          %parallel_loop3A_1239 = arith.addi %parallel_loop3A_1230, %parallel_loop3A_1229 : i32
          %parallel_loop3A_1240 = arith.select %parallel_loop3A_1238, %parallel_loop3A_1239, %parallel_loop3A_1230 : i32
          %parallel_loop3A_1241 = arith.constant 16 : i32
          %parallel_loop3A_1242 = arith.muli %parallel_loop3A_1200, %parallel_loop3A_1241 : i32
          %parallel_loop3A_1243 = arith.index_cast %parallel_loop3A_1242 : i32 to index
          %parallel_loop3A_1244 = tpu.vector_load %arg12[%parallel_loop3A_1243] {strides = array<i32>} : memref<1024xi32, #tpu.memory_space<vmem>>, vector<16xi32>,
          %parallel_loop3A_1245 = vector.shape_cast %parallel_loop3A_1244 : vector<16xi32> to vector<16x1xi32>
          %parallel_loop3A_1246 = vector.shape_cast %parallel_loop3A_1245 : vector<16x1xi32> to vector<16xi32>
          %parallel_loop3A_1247 = tpu.dynamic_gather %get3A_1048[%parallel_loop3A_1246] in [0] : vector<16xf32>, vector<16xi32> -> vector<16xf32>
          %parallel_loop3A_1248 = vector.shape_cast %parallel_loop3A_1244 : vector<16xi32> to vector<16x1xi32>
          %parallel_loop3A_1249 = vector.shape_cast %parallel_loop3A_1248 : vector<16x1xi32> to vector<16xi32>
          %parallel_loop3A_1250 = tpu.dynamic_gather %get3A_1050[%parallel_loop3A_1249] in [0] : vector<16xf32>, vector<16xi32> -> vector<16xf32>
          %parallel_loop3A_1251 = vector.shape_cast %parallel_loop3A_1244 : vector<16xi32> to vector<16x1xi32>
          %parallel_loop3A_1252 = vector.shape_cast %parallel_loop3A_1251 : vector<16x1xi32> to vector<16xi32>
          %parallel_loop3A_1253 = tpu.dynamic_gather %get3A_1052[%parallel_loop3A_1252] in [0] : vector<16xf32>, vector<16xi32> -> vector<16xf32>
          %parallel_loop3A_1254 = vector.shape_cast %parallel_loop3A_1244 : vector<16xi32> to vector<16x1xi32>
          %parallel_loop3A_1255 = vector.shape_cast %parallel_loop3A_1254 : vector<16x1xi32> to vector<16xi32>
          %parallel_loop3A_1256 = tpu.dynamic_gather %get3A_1054[%parallel_loop3A_1255] in [0] : vector<16xf32>, vector<16xi32> -> vector<16xf32>
          %parallel_loop3A_1257 = vector.shape_cast %parallel_loop3A_1244 : vector<16xi32> to vector<16x1xi32>
          %parallel_loop3A_1258 = vector.shape_cast %parallel_loop3A_1257 : vector<16x1xi32> to vector<16xi32>
          %parallel_loop3A_1259 = tpu.dynamic_gather %get3A_1056[%parallel_loop3A_1258] in [0] : vector<16xf32>, vector<16xi32> -> vector<16xf32>
          %parallel_loop3A_1260 = vector.shape_cast %parallel_loop3A_1244 : vector<16xi32> to vector<16x1xi32>
          %parallel_loop3A_1261 = vector.shape_cast %parallel_loop3A_1260 : vector<16x1xi32> to vector<16xi32>
          %parallel_loop3A_1262 = tpu.dynamic_gather %get3A_1058[%parallel_loop3A_1261] in [0] : vector<16xf32>, vector<16xi32> -> vector<16xf32>
          %parallel_loop3A_1263 = vector.shape_cast %parallel_loop3A_1244 : vector<16xi32> to vector<16x1xi32>
          %parallel_loop3A_1264 = vector.shape_cast %parallel_loop3A_1263 : vector<16x1xi32> to vector<16xi32>
          %parallel_loop3A_1265 = tpu.dynamic_gather %get3A_1060[%parallel_loop3A_1264] in [0] : vector<16xf32>, vector<16xi32> -> vector<16xf32>
          %parallel_loop3A_1266 = vector.shape_cast %parallel_loop3A_1244 : vector<16xi32> to vector<16x1xi32>
          %parallel_loop3A_1267 = vector.shape_cast %parallel_loop3A_1266 : vector<16x1xi32> to vector<16xi32>
          %parallel_loop3A_1268 = tpu.dynamic_gather %get3A_1062[%parallel_loop3A_1267] in [0] : vector<16xf32>, vector<16xi32> -> vector<16xf32>
          %parallel_loop3A_1269 = arith.constant 16 : i32
          %parallel_loop3A_1270 = arith.muli %parallel_loop3A_1240, %parallel_loop3A_1269 : i32
          %parallel_loop3A_1271 = arith.constant 0 : i32
          %parallel_loop3A_1272 = arith.index_cast %parallel_loop3A_1224 : i32 to index
          %parallel_loop3A_1273 = arith.index_cast %parallel_loop3A_1271 : i32 to index
          %parallel_loop3A_1274 = arith.index_cast %parallel_loop3A_1270 : i32 to index
          %parallel_loop3A_1275 = tpu.vector_load %arg15[%parallel_loop3A_1272, %parallel_loop3A_1273, %parallel_loop3A_1274] {strides = array<i32>} : memref<8x8x128xf32, #tpu.memory_space<vmem>>, vector<16xf32>,
          tpu.vector_store %arg15[%parallel_loop3A_1272, %parallel_loop3A_1273, %parallel_loop3A_1274], %parallel_loop3A_1247 {strides = array<i32>} : memref<8x8x128xf32, #tpu.memory_space<vmem>>, vector<16xf32>,
          %parallel_loop3A_1276 = arith.constant 16 : i32
          %parallel_loop3A_1277 = arith.muli %parallel_loop3A_1240, %parallel_loop3A_1276 : i32
          %parallel_loop3A_1278 = arith.constant 1 : i32
          %parallel_loop3A_1279 = arith.index_cast %parallel_loop3A_1224 : i32 to index
          %parallel_loop3A_1280 = arith.index_cast %parallel_loop3A_1278 : i32 to index
          %parallel_loop3A_1281 = arith.index_cast %parallel_loop3A_1277 : i32 to index
          %parallel_loop3A_1282 = tpu.vector_load %arg15[%parallel_loop3A_1279, %parallel_loop3A_1280, %parallel_loop3A_1281] {strides = array<i32>} : memref<8x8x128xf32, #tpu.memory_space<vmem>>, vector<16xf32>,
          tpu.vector_store %arg15[%parallel_loop3A_1279, %parallel_loop3A_1280, %parallel_loop3A_1281], %parallel_loop3A_1250 {strides = array<i32>} : memref<8x8x128xf32, #tpu.memory_space<vmem>>, vector<16xf32>,
          %parallel_loop3A_1283 = arith.constant 16 : i32
          %parallel_loop3A_1284 = arith.muli %parallel_loop3A_1240, %parallel_loop3A_1283 : i32
          %parallel_loop3A_1285 = arith.constant 2 : i32
          %parallel_loop3A_1286 = arith.index_cast %parallel_loop3A_1224 : i32 to index
          %parallel_loop3A_1287 = arith.index_cast %parallel_loop3A_1285 : i32 to index
          %parallel_loop3A_1288 = arith.index_cast %parallel_loop3A_1284 : i32 to index
          %parallel_loop3A_1289 = tpu.vector_load %arg15[%parallel_loop3A_1286, %parallel_loop3A_1287, %parallel_loop3A_1288] {strides = array<i32>} : memref<8x8x128xf32, #tpu.memory_space<vmem>>, vector<16xf32>,
          tpu.vector_store %arg15[%parallel_loop3A_1286, %parallel_loop3A_1287, %parallel_loop3A_1288], %parallel_loop3A_1253 {strides = array<i32>} : memref<8x8x128xf32, #tpu.memory_space<vmem>>, vector<16xf32>,
          %parallel_loop3A_1290 = arith.constant 16 : i32
          %parallel_loop3A_1291 = arith.muli %parallel_loop3A_1240, %parallel_loop3A_1290 : i32
          %parallel_loop3A_1292 = arith.constant 3 : i32
          %parallel_loop3A_1293 = arith.index_cast %parallel_loop3A_1224 : i32 to index
          %parallel_loop3A_1294 = arith.index_cast %parallel_loop3A_1292 : i32 to index
          %parallel_loop3A_1295 = arith.index_cast %parallel_loop3A_1291 : i32 to index
          %parallel_loop3A_1296 = tpu.vector_load %arg15[%parallel_loop3A_1293, %parallel_loop3A_1294, %parallel_loop3A_1295] {strides = array<i32>} : memref<8x8x128xf32, #tpu.memory_space<vmem>>, vector<16xf32>,
          tpu.vector_store %arg15[%parallel_loop3A_1293, %parallel_loop3A_1294, %parallel_loop3A_1295], %parallel_loop3A_1256 {strides = array<i32>} : memref<8x8x128xf32, #tpu.memory_space<vmem>>, vector<16xf32>,
          %parallel_loop3A_1297 = arith.constant 16 : i32
          %parallel_loop3A_1298 = arith.muli %parallel_loop3A_1240, %parallel_loop3A_1297 : i32
          %parallel_loop3A_1299 = arith.constant 4 : i32
          %parallel_loop3A_1300 = arith.index_cast %parallel_loop3A_1224 : i32 to index
          %parallel_loop3A_1301 = arith.index_cast %parallel_loop3A_1299 : i32 to index
          %parallel_loop3A_1302 = arith.index_cast %parallel_loop3A_1298 : i32 to index
          %parallel_loop3A_1303 = tpu.vector_load %arg15[%parallel_loop3A_1300, %parallel_loop3A_1301, %parallel_loop3A_1302] {strides = array<i32>} : memref<8x8x128xf32, #tpu.memory_space<vmem>>, vector<16xf32>,
          tpu.vector_store %arg15[%parallel_loop3A_1300, %parallel_loop3A_1301, %parallel_loop3A_1302], %parallel_loop3A_1259 {strides = array<i32>} : memref<8x8x128xf32, #tpu.memory_space<vmem>>, vector<16xf32>,
          %parallel_loop3A_1304 = arith.constant 16 : i32
          %parallel_loop3A_1305 = arith.muli %parallel_loop3A_1240, %parallel_loop3A_1304 : i32
          %parallel_loop3A_1306 = arith.constant 5 : i32
          %parallel_loop3A_1307 = arith.index_cast %parallel_loop3A_1224 : i32 to index
          %parallel_loop3A_1308 = arith.index_cast %parallel_loop3A_1306 : i32 to index
          %parallel_loop3A_1309 = arith.index_cast %parallel_loop3A_1305 : i32 to index
          %parallel_loop3A_1310 = tpu.vector_load %arg15[%parallel_loop3A_1307, %parallel_loop3A_1308, %parallel_loop3A_1309] {strides = array<i32>} : memref<8x8x128xf32, #tpu.memory_space<vmem>>, vector<16xf32>,
          tpu.vector_store %arg15[%parallel_loop3A_1307, %parallel_loop3A_1308, %parallel_loop3A_1309], %parallel_loop3A_1262 {strides = array<i32>} : memref<8x8x128xf32, #tpu.memory_space<vmem>>, vector<16xf32>,
          %parallel_loop3A_1311 = arith.constant 16 : i32
          %parallel_loop3A_1312 = arith.muli %parallel_loop3A_1240, %parallel_loop3A_1311 : i32
          %parallel_loop3A_1313 = arith.constant 6 : i32
          %parallel_loop3A_1314 = arith.index_cast %parallel_loop3A_1224 : i32 to index
          %parallel_loop3A_1315 = arith.index_cast %parallel_loop3A_1313 : i32 to index
          %parallel_loop3A_1316 = arith.index_cast %parallel_loop3A_1312 : i32 to index
          %parallel_loop3A_1317 = tpu.vector_load %arg15[%parallel_loop3A_1314, %parallel_loop3A_1315, %parallel_loop3A_1316] {strides = array<i32>} : memref<8x8x128xf32, #tpu.memory_space<vmem>>, vector<16xf32>,
          tpu.vector_store %arg15[%parallel_loop3A_1314, %parallel_loop3A_1315, %parallel_loop3A_1316], %parallel_loop3A_1265 {strides = array<i32>} : memref<8x8x128xf32, #tpu.memory_space<vmem>>, vector<16xf32>,
          %parallel_loop3A_1318 = arith.constant 16 : i32
          %parallel_loop3A_1319 = arith.muli %parallel_loop3A_1240, %parallel_loop3A_1318 : i32
          %parallel_loop3A_1320 = arith.constant 7 : i32
          %parallel_loop3A_1321 = arith.index_cast %parallel_loop3A_1224 : i32 to index
          %parallel_loop3A_1322 = arith.index_cast %parallel_loop3A_1320 : i32 to index
          %parallel_loop3A_1323 = arith.index_cast %parallel_loop3A_1319 : i32 to index
          %parallel_loop3A_1324 = tpu.vector_load %arg15[%parallel_loop3A_1321, %parallel_loop3A_1322, %parallel_loop3A_1323] {strides = array<i32>} : memref<8x8x128xf32, #tpu.memory_space<vmem>>, vector<16xf32>,
          tpu.vector_store %arg15[%parallel_loop3A_1321, %parallel_loop3A_1322, %parallel_loop3A_1323], %parallel_loop3A_1268 {strides = array<i32>} : memref<8x8x128xf32, #tpu.memory_space<vmem>>, vector<16xf32>,
        } {sc.loop_unroll_factor = 2 : i64, sc.parallel_access}
        %dma_start3A_1066 = arith.constant 8 : i32
        %dma_start3A_1067 = arith.constant 0 : i32
        %dma_start3A_1068 = arith.constant 0 : i32
        %dma_start3A_1069 = arith.constant 0 : i32
        %dma_start3A_1070 = tpu.memref_slice %arg7[%add3A_152, %select_n3A, %dma_start3A_1066, %dma_start3A_1067, %dma_start3A_1068, %dma_start3A_1069] : memref<64x12x12x8x8x128xf32, #tpu.memory_space<hbm>> -> memref<1x1x1x8x8x128xf32, #tpu.memory_space<hbm>>
        %dma_start3A_1071 = tpu.memref_squeeze %dma_start3A_1070 : memref<1x1x1x8x8x128xf32, #tpu.memory_space<hbm>> -> memref<8x8x128xf32, #tpu.memory_space<hbm>>
        %dma_start3A_1072 = arith.constant 0 : i32
        %dma_start3A_1073 = arith.constant 0 : i32
        %dma_start3A_1074 = arith.constant 0 : i32
        %dma_start3A_1075 = tpu.memref_slice %arg7[%add3A_152, %select_n3A, %dma_start3A_1066, %dma_start3A_1072, %dma_start3A_1073, %dma_start3A_1074] : memref<64x12x12x8x8x128xf32, #tpu.memory_space<hbm>> -> memref<1x1x1x8x8x128xf32, #tpu.memory_space<hbm>>
        %dma_start3A_1076 = tpu.memref_squeeze %dma_start3A_1075 : memref<1x1x1x8x8x128xf32, #tpu.memory_space<hbm>> -> memref<8x8x128xf32, #tpu.memory_space<hbm>>
        tpu.enqueue_dma source(%arg15 : memref<8x8x128xf32, #tpu.memory_space<vmem>>) target(%dma_start3A_1076 : memref<8x8x128xf32, #tpu.memory_space<hbm>>) target_semaphore(%arg24 : memref<!tpu.dma_semaphore, #tpu.memory_space<semaphore_mem>>)
        %dma_wait3A_1077 = arith.constant 6 : i32
        %dma_wait3A_1078 = arith.constant 0 : i32
        %dma_wait3A_1079 = arith.constant 0 : i32
        %dma_wait3A_1080 = arith.constant 0 : i32
        %dma_wait3A_1081 = tpu.memref_slice %arg7[%add3A_152, %select_n3A, %dma_wait3A_1077, %dma_wait3A_1078, %dma_wait3A_1079, %dma_wait3A_1080] : memref<64x12x12x8x8x128xf32, #tpu.memory_space<hbm>> -> memref<1x1x1x8x8x128xf32, #tpu.memory_space<hbm>>
        %dma_wait3A_1082 = tpu.memref_squeeze %dma_wait3A_1081 : memref<1x1x1x8x8x128xf32, #tpu.memory_space<hbm>> -> memref<8x8x128xf32, #tpu.memory_space<hbm>>
        %dma_wait3A_1083 = arith.constant 0 : i32
        %dma_wait3A_1084 = arith.constant 0 : i32
        %dma_wait3A_1085 = arith.constant 0 : i32
        %dma_wait3A_1086 = tpu.memref_slice %arg7[%add3A_152, %select_n3A, %dma_wait3A_1077, %dma_wait3A_1083, %dma_wait3A_1084, %dma_wait3A_1085] : memref<64x12x12x8x8x128xf32, #tpu.memory_space<hbm>> -> memref<1x1x1x8x8x128xf32, #tpu.memory_space<hbm>>
        %dma_wait3A_1087 = tpu.memref_squeeze %dma_wait3A_1086 : memref<1x1x1x8x8x128xf32, #tpu.memory_space<hbm>> -> memref<8x8x128xf32, #tpu.memory_space<hbm>>
        tpu.wait_dma2 semaphore(%arg22 : memref<!tpu.dma_semaphore, #tpu.memory_space<semaphore_mem>>) src(%arg13 : memref<8x8x128xf32, #tpu.memory_space<vmem>>) dst(%dma_wait3A_1087 : memref<8x8x128xf32, #tpu.memory_space<hbm>>)
        %get3A_1088 = arith.constant 64 : index
        %get3A_1089 = tpu.vector_load %arg19[%get3A_1088] {strides = array<i32>} : memref<272xf32, #tpu.memory_space<vmem>>, vector<16xf32>,
        %get3A_1090 = arith.constant 72 : index
        %get3A_1091 = tpu.vector_load %arg19[%get3A_1090] {strides = array<i32>} : memref<272xf32, #tpu.memory_space<vmem>>, vector<16xf32>,
        %get3A_1092 = arith.constant 80 : index
        %get3A_1093 = tpu.vector_load %arg19[%get3A_1092] {strides = array<i32>} : memref<272xf32, #tpu.memory_space<vmem>>, vector<16xf32>,
        %get3A_1094 = arith.constant 88 : index
        %get3A_1095 = tpu.vector_load %arg19[%get3A_1094] {strides = array<i32>} : memref<272xf32, #tpu.memory_space<vmem>>, vector<16xf32>,
        %get3A_1096 = arith.constant 96 : index
        %get3A_1097 = tpu.vector_load %arg19[%get3A_1096] {strides = array<i32>} : memref<272xf32, #tpu.memory_space<vmem>>, vector<16xf32>,
        %get3A_1098 = arith.constant 104 : index
        %get3A_1099 = tpu.vector_load %arg19[%get3A_1098] {strides = array<i32>} : memref<272xf32, #tpu.memory_space<vmem>>, vector<16xf32>,
        %get3A_1100 = arith.constant 112 : index
        %get3A_1101 = tpu.vector_load %arg19[%get3A_1100] {strides = array<i32>} : memref<272xf32, #tpu.memory_space<vmem>>, vector<16xf32>,
        %get3A_1102 = arith.constant 120 : index
        %get3A_1103 = tpu.vector_load %arg19[%get3A_1102] {strides = array<i32>} : memref<272xf32, #tpu.memory_space<vmem>>, vector<16xf32>,
        %parallel_loop3A_1104 = arith.constant 0 : i32
        %parallel_loop3A_1105 = arith.constant 64 : i32
        %parallel_loop3A_1106 = arith.constant 1 : i32
        scf.for %parallel_loop3A_1200 = %parallel_loop3A_1104 to %parallel_loop3A_1105 step %parallel_loop3A_1106  : i32 {
          %parallel_loop3A_1201 = arith.constant 8 : i32
          %parallel_loop3A_1202 = arith.divsi %parallel_loop3A_1200, %parallel_loop3A_1201 : i32
          %parallel_loop3A_1203 = arith.constant 0 : i32
          %parallel_loop3A_1204 = arith.cmpi sgt, %parallel_loop3A_1200, %parallel_loop3A_1203 : i32
          %parallel_loop3A_1205 = arith.extui %parallel_loop3A_1204 : i1 to i32
          %parallel_loop3A_1206 = arith.constant 0 : i32
          %parallel_loop3A_1207 = arith.cmpi slt, %parallel_loop3A_1200, %parallel_loop3A_1206 : i32
          %parallel_loop3A_1208 = arith.extui %parallel_loop3A_1207 : i1 to i32
          %parallel_loop3A_1209 = arith.subi %parallel_loop3A_1205, %parallel_loop3A_1208 : i32
          %parallel_loop3A_1210 = arith.constant 0 : i32
          %parallel_loop3A_1211 = arith.cmpi sgt, %parallel_loop3A_1201, %parallel_loop3A_1210 : i32
          %parallel_loop3A_1212 = arith.extui %parallel_loop3A_1211 : i1 to i32
          %parallel_loop3A_1213 = arith.constant 0 : i32
          %parallel_loop3A_1214 = arith.cmpi slt, %parallel_loop3A_1201, %parallel_loop3A_1213 : i32
          %parallel_loop3A_1215 = arith.extui %parallel_loop3A_1214 : i1 to i32
          %parallel_loop3A_1216 = arith.subi %parallel_loop3A_1212, %parallel_loop3A_1215 : i32
          %parallel_loop3A_1217 = arith.cmpi ne, %parallel_loop3A_1209, %parallel_loop3A_1216 : i32
          %parallel_loop3A_1218 = arith.remsi %parallel_loop3A_1200, %parallel_loop3A_1201 : i32
          %parallel_loop3A_1219 = arith.constant 0 : i32
          %parallel_loop3A_1220 = arith.cmpi ne, %parallel_loop3A_1218, %parallel_loop3A_1219 : i32
          %parallel_loop3A_1221 = arith.andi %parallel_loop3A_1217, %parallel_loop3A_1220 : i1
          %parallel_loop3A_1222 = arith.constant 1 : i32
          %parallel_loop3A_1223 = arith.subi %parallel_loop3A_1202, %parallel_loop3A_1222 : i32
          %parallel_loop3A_1224 = arith.select %parallel_loop3A_1221, %parallel_loop3A_1223, %parallel_loop3A_1202 : i32
          %parallel_loop3A_1225 = arith.constant 8 : i32
          %parallel_loop3A_1226 = arith.constant 0 : i32
          %parallel_loop3A_1227 = arith.cmpi eq, %parallel_loop3A_1225, %parallel_loop3A_1226 : i32
          %parallel_loop3A_1228 = arith.constant 1 : i32
          %parallel_loop3A_1229 = arith.select %parallel_loop3A_1227, %parallel_loop3A_1228, %parallel_loop3A_1225 : i32
          %parallel_loop3A_1230 = arith.remsi %parallel_loop3A_1200, %parallel_loop3A_1229 : i32
          %parallel_loop3A_1231 = arith.constant 0 : i32
          %parallel_loop3A_1232 = arith.cmpi ne, %parallel_loop3A_1230, %parallel_loop3A_1231 : i32
          %parallel_loop3A_1233 = arith.constant 0 : i32
          %parallel_loop3A_1234 = arith.cmpi slt, %parallel_loop3A_1230, %parallel_loop3A_1233 : i32
          %parallel_loop3A_1235 = arith.constant 0 : i32
          %parallel_loop3A_1236 = arith.cmpi slt, %parallel_loop3A_1229, %parallel_loop3A_1235 : i32
          %parallel_loop3A_1237 = arith.xori %parallel_loop3A_1234, %parallel_loop3A_1236 : i1
          %parallel_loop3A_1238 = arith.andi %parallel_loop3A_1237, %parallel_loop3A_1232 : i1
          %parallel_loop3A_1239 = arith.addi %parallel_loop3A_1230, %parallel_loop3A_1229 : i32
          %parallel_loop3A_1240 = arith.select %parallel_loop3A_1238, %parallel_loop3A_1239, %parallel_loop3A_1230 : i32
          %parallel_loop3A_1241 = arith.constant 16 : i32
          %parallel_loop3A_1242 = arith.muli %parallel_loop3A_1200, %parallel_loop3A_1241 : i32
          %parallel_loop3A_1243 = arith.index_cast %parallel_loop3A_1242 : i32 to index
          %parallel_loop3A_1244 = tpu.vector_load %arg12[%parallel_loop3A_1243] {strides = array<i32>} : memref<1024xi32, #tpu.memory_space<vmem>>, vector<16xi32>,
          %parallel_loop3A_1245 = vector.shape_cast %parallel_loop3A_1244 : vector<16xi32> to vector<16x1xi32>
          %parallel_loop3A_1246 = vector.shape_cast %parallel_loop3A_1245 : vector<16x1xi32> to vector<16xi32>
          %parallel_loop3A_1247 = tpu.dynamic_gather %get3A_1089[%parallel_loop3A_1246] in [0] : vector<16xf32>, vector<16xi32> -> vector<16xf32>
          %parallel_loop3A_1248 = vector.shape_cast %parallel_loop3A_1244 : vector<16xi32> to vector<16x1xi32>
          %parallel_loop3A_1249 = vector.shape_cast %parallel_loop3A_1248 : vector<16x1xi32> to vector<16xi32>
          %parallel_loop3A_1250 = tpu.dynamic_gather %get3A_1091[%parallel_loop3A_1249] in [0] : vector<16xf32>, vector<16xi32> -> vector<16xf32>
          %parallel_loop3A_1251 = vector.shape_cast %parallel_loop3A_1244 : vector<16xi32> to vector<16x1xi32>
          %parallel_loop3A_1252 = vector.shape_cast %parallel_loop3A_1251 : vector<16x1xi32> to vector<16xi32>
          %parallel_loop3A_1253 = tpu.dynamic_gather %get3A_1093[%parallel_loop3A_1252] in [0] : vector<16xf32>, vector<16xi32> -> vector<16xf32>
          %parallel_loop3A_1254 = vector.shape_cast %parallel_loop3A_1244 : vector<16xi32> to vector<16x1xi32>
          %parallel_loop3A_1255 = vector.shape_cast %parallel_loop3A_1254 : vector<16x1xi32> to vector<16xi32>
          %parallel_loop3A_1256 = tpu.dynamic_gather %get3A_1095[%parallel_loop3A_1255] in [0] : vector<16xf32>, vector<16xi32> -> vector<16xf32>
          %parallel_loop3A_1257 = vector.shape_cast %parallel_loop3A_1244 : vector<16xi32> to vector<16x1xi32>
          %parallel_loop3A_1258 = vector.shape_cast %parallel_loop3A_1257 : vector<16x1xi32> to vector<16xi32>
          %parallel_loop3A_1259 = tpu.dynamic_gather %get3A_1097[%parallel_loop3A_1258] in [0] : vector<16xf32>, vector<16xi32> -> vector<16xf32>
          %parallel_loop3A_1260 = vector.shape_cast %parallel_loop3A_1244 : vector<16xi32> to vector<16x1xi32>
          %parallel_loop3A_1261 = vector.shape_cast %parallel_loop3A_1260 : vector<16x1xi32> to vector<16xi32>
          %parallel_loop3A_1262 = tpu.dynamic_gather %get3A_1099[%parallel_loop3A_1261] in [0] : vector<16xf32>, vector<16xi32> -> vector<16xf32>
          %parallel_loop3A_1263 = vector.shape_cast %parallel_loop3A_1244 : vector<16xi32> to vector<16x1xi32>
          %parallel_loop3A_1264 = vector.shape_cast %parallel_loop3A_1263 : vector<16x1xi32> to vector<16xi32>
          %parallel_loop3A_1265 = tpu.dynamic_gather %get3A_1101[%parallel_loop3A_1264] in [0] : vector<16xf32>, vector<16xi32> -> vector<16xf32>
          %parallel_loop3A_1266 = vector.shape_cast %parallel_loop3A_1244 : vector<16xi32> to vector<16x1xi32>
          %parallel_loop3A_1267 = vector.shape_cast %parallel_loop3A_1266 : vector<16x1xi32> to vector<16xi32>
          %parallel_loop3A_1268 = tpu.dynamic_gather %get3A_1103[%parallel_loop3A_1267] in [0] : vector<16xf32>, vector<16xi32> -> vector<16xf32>
          %parallel_loop3A_1269 = arith.constant 16 : i32
          %parallel_loop3A_1270 = arith.muli %parallel_loop3A_1240, %parallel_loop3A_1269 : i32
          %parallel_loop3A_1271 = arith.constant 0 : i32
          %parallel_loop3A_1272 = arith.index_cast %parallel_loop3A_1224 : i32 to index
          %parallel_loop3A_1273 = arith.index_cast %parallel_loop3A_1271 : i32 to index
          %parallel_loop3A_1274 = arith.index_cast %parallel_loop3A_1270 : i32 to index
          %parallel_loop3A_1275 = tpu.vector_load %arg13[%parallel_loop3A_1272, %parallel_loop3A_1273, %parallel_loop3A_1274] {strides = array<i32>} : memref<8x8x128xf32, #tpu.memory_space<vmem>>, vector<16xf32>,
          tpu.vector_store %arg13[%parallel_loop3A_1272, %parallel_loop3A_1273, %parallel_loop3A_1274], %parallel_loop3A_1247 {strides = array<i32>} : memref<8x8x128xf32, #tpu.memory_space<vmem>>, vector<16xf32>,
          %parallel_loop3A_1276 = arith.constant 16 : i32
          %parallel_loop3A_1277 = arith.muli %parallel_loop3A_1240, %parallel_loop3A_1276 : i32
          %parallel_loop3A_1278 = arith.constant 1 : i32
          %parallel_loop3A_1279 = arith.index_cast %parallel_loop3A_1224 : i32 to index
          %parallel_loop3A_1280 = arith.index_cast %parallel_loop3A_1278 : i32 to index
          %parallel_loop3A_1281 = arith.index_cast %parallel_loop3A_1277 : i32 to index
          %parallel_loop3A_1282 = tpu.vector_load %arg13[%parallel_loop3A_1279, %parallel_loop3A_1280, %parallel_loop3A_1281] {strides = array<i32>} : memref<8x8x128xf32, #tpu.memory_space<vmem>>, vector<16xf32>,
          tpu.vector_store %arg13[%parallel_loop3A_1279, %parallel_loop3A_1280, %parallel_loop3A_1281], %parallel_loop3A_1250 {strides = array<i32>} : memref<8x8x128xf32, #tpu.memory_space<vmem>>, vector<16xf32>,
          %parallel_loop3A_1283 = arith.constant 16 : i32
          %parallel_loop3A_1284 = arith.muli %parallel_loop3A_1240, %parallel_loop3A_1283 : i32
          %parallel_loop3A_1285 = arith.constant 2 : i32
          %parallel_loop3A_1286 = arith.index_cast %parallel_loop3A_1224 : i32 to index
          %parallel_loop3A_1287 = arith.index_cast %parallel_loop3A_1285 : i32 to index
          %parallel_loop3A_1288 = arith.index_cast %parallel_loop3A_1284 : i32 to index
          %parallel_loop3A_1289 = tpu.vector_load %arg13[%parallel_loop3A_1286, %parallel_loop3A_1287, %parallel_loop3A_1288] {strides = array<i32>} : memref<8x8x128xf32, #tpu.memory_space<vmem>>, vector<16xf32>,
          tpu.vector_store %arg13[%parallel_loop3A_1286, %parallel_loop3A_1287, %parallel_loop3A_1288], %parallel_loop3A_1253 {strides = array<i32>} : memref<8x8x128xf32, #tpu.memory_space<vmem>>, vector<16xf32>,
          %parallel_loop3A_1290 = arith.constant 16 : i32
          %parallel_loop3A_1291 = arith.muli %parallel_loop3A_1240, %parallel_loop3A_1290 : i32
          %parallel_loop3A_1292 = arith.constant 3 : i32
          %parallel_loop3A_1293 = arith.index_cast %parallel_loop3A_1224 : i32 to index
          %parallel_loop3A_1294 = arith.index_cast %parallel_loop3A_1292 : i32 to index
          %parallel_loop3A_1295 = arith.index_cast %parallel_loop3A_1291 : i32 to index
          %parallel_loop3A_1296 = tpu.vector_load %arg13[%parallel_loop3A_1293, %parallel_loop3A_1294, %parallel_loop3A_1295] {strides = array<i32>} : memref<8x8x128xf32, #tpu.memory_space<vmem>>, vector<16xf32>,
          tpu.vector_store %arg13[%parallel_loop3A_1293, %parallel_loop3A_1294, %parallel_loop3A_1295], %parallel_loop3A_1256 {strides = array<i32>} : memref<8x8x128xf32, #tpu.memory_space<vmem>>, vector<16xf32>,
          %parallel_loop3A_1297 = arith.constant 16 : i32
          %parallel_loop3A_1298 = arith.muli %parallel_loop3A_1240, %parallel_loop3A_1297 : i32
          %parallel_loop3A_1299 = arith.constant 4 : i32
          %parallel_loop3A_1300 = arith.index_cast %parallel_loop3A_1224 : i32 to index
          %parallel_loop3A_1301 = arith.index_cast %parallel_loop3A_1299 : i32 to index
          %parallel_loop3A_1302 = arith.index_cast %parallel_loop3A_1298 : i32 to index
          %parallel_loop3A_1303 = tpu.vector_load %arg13[%parallel_loop3A_1300, %parallel_loop3A_1301, %parallel_loop3A_1302] {strides = array<i32>} : memref<8x8x128xf32, #tpu.memory_space<vmem>>, vector<16xf32>,
          tpu.vector_store %arg13[%parallel_loop3A_1300, %parallel_loop3A_1301, %parallel_loop3A_1302], %parallel_loop3A_1259 {strides = array<i32>} : memref<8x8x128xf32, #tpu.memory_space<vmem>>, vector<16xf32>,
          %parallel_loop3A_1304 = arith.constant 16 : i32
          %parallel_loop3A_1305 = arith.muli %parallel_loop3A_1240, %parallel_loop3A_1304 : i32
          %parallel_loop3A_1306 = arith.constant 5 : i32
          %parallel_loop3A_1307 = arith.index_cast %parallel_loop3A_1224 : i32 to index
          %parallel_loop3A_1308 = arith.index_cast %parallel_loop3A_1306 : i32 to index
          %parallel_loop3A_1309 = arith.index_cast %parallel_loop3A_1305 : i32 to index
          %parallel_loop3A_1310 = tpu.vector_load %arg13[%parallel_loop3A_1307, %parallel_loop3A_1308, %parallel_loop3A_1309] {strides = array<i32>} : memref<8x8x128xf32, #tpu.memory_space<vmem>>, vector<16xf32>,
          tpu.vector_store %arg13[%parallel_loop3A_1307, %parallel_loop3A_1308, %parallel_loop3A_1309], %parallel_loop3A_1262 {strides = array<i32>} : memref<8x8x128xf32, #tpu.memory_space<vmem>>, vector<16xf32>,
          %parallel_loop3A_1311 = arith.constant 16 : i32
          %parallel_loop3A_1312 = arith.muli %parallel_loop3A_1240, %parallel_loop3A_1311 : i32
          %parallel_loop3A_1313 = arith.constant 6 : i32
          %parallel_loop3A_1314 = arith.index_cast %parallel_loop3A_1224 : i32 to index
          %parallel_loop3A_1315 = arith.index_cast %parallel_loop3A_1313 : i32 to index
          %parallel_loop3A_1316 = arith.index_cast %parallel_loop3A_1312 : i32 to index
          %parallel_loop3A_1317 = tpu.vector_load %arg13[%parallel_loop3A_1314, %parallel_loop3A_1315, %parallel_loop3A_1316] {strides = array<i32>} : memref<8x8x128xf32, #tpu.memory_space<vmem>>, vector<16xf32>,
          tpu.vector_store %arg13[%parallel_loop3A_1314, %parallel_loop3A_1315, %parallel_loop3A_1316], %parallel_loop3A_1265 {strides = array<i32>} : memref<8x8x128xf32, #tpu.memory_space<vmem>>, vector<16xf32>,
          %parallel_loop3A_1318 = arith.constant 16 : i32
          %parallel_loop3A_1319 = arith.muli %parallel_loop3A_1240, %parallel_loop3A_1318 : i32
          %parallel_loop3A_1320 = arith.constant 7 : i32
          %parallel_loop3A_1321 = arith.index_cast %parallel_loop3A_1224 : i32 to index
          %parallel_loop3A_1322 = arith.index_cast %parallel_loop3A_1320 : i32 to index
          %parallel_loop3A_1323 = arith.index_cast %parallel_loop3A_1319 : i32 to index
          %parallel_loop3A_1324 = tpu.vector_load %arg13[%parallel_loop3A_1321, %parallel_loop3A_1322, %parallel_loop3A_1323] {strides = array<i32>} : memref<8x8x128xf32, #tpu.memory_space<vmem>>, vector<16xf32>,
          tpu.vector_store %arg13[%parallel_loop3A_1321, %parallel_loop3A_1322, %parallel_loop3A_1323], %parallel_loop3A_1268 {strides = array<i32>} : memref<8x8x128xf32, #tpu.memory_space<vmem>>, vector<16xf32>,
        } {sc.loop_unroll_factor = 2 : i64, sc.parallel_access}
        %dma_start3A_1107 = arith.constant 9 : i32
        %dma_start3A_1108 = arith.constant 0 : i32
        %dma_start3A_1109 = arith.constant 0 : i32
        %dma_start3A_1110 = arith.constant 0 : i32
        %dma_start3A_1111 = tpu.memref_slice %arg7[%add3A_152, %select_n3A, %dma_start3A_1107, %dma_start3A_1108, %dma_start3A_1109, %dma_start3A_1110] : memref<64x12x12x8x8x128xf32, #tpu.memory_space<hbm>> -> memref<1x1x1x8x8x128xf32, #tpu.memory_space<hbm>>
        %dma_start3A_1112 = tpu.memref_squeeze %dma_start3A_1111 : memref<1x1x1x8x8x128xf32, #tpu.memory_space<hbm>> -> memref<8x8x128xf32, #tpu.memory_space<hbm>>
        %dma_start3A_1113 = arith.constant 0 : i32
        %dma_start3A_1114 = arith.constant 0 : i32
        %dma_start3A_1115 = arith.constant 0 : i32
        %dma_start3A_1116 = tpu.memref_slice %arg7[%add3A_152, %select_n3A, %dma_start3A_1107, %dma_start3A_1113, %dma_start3A_1114, %dma_start3A_1115] : memref<64x12x12x8x8x128xf32, #tpu.memory_space<hbm>> -> memref<1x1x1x8x8x128xf32, #tpu.memory_space<hbm>>
        %dma_start3A_1117 = tpu.memref_squeeze %dma_start3A_1116 : memref<1x1x1x8x8x128xf32, #tpu.memory_space<hbm>> -> memref<8x8x128xf32, #tpu.memory_space<hbm>>
        tpu.enqueue_dma source(%arg13 : memref<8x8x128xf32, #tpu.memory_space<vmem>>) target(%dma_start3A_1117 : memref<8x8x128xf32, #tpu.memory_space<hbm>>) target_semaphore(%arg22 : memref<!tpu.dma_semaphore, #tpu.memory_space<semaphore_mem>>)
        %dma_wait3A_1118 = arith.constant 7 : i32
        %dma_wait3A_1119 = arith.constant 0 : i32
        %dma_wait3A_1120 = arith.constant 0 : i32
        %dma_wait3A_1121 = arith.constant 0 : i32
        %dma_wait3A_1122 = tpu.memref_slice %arg7[%add3A_152, %select_n3A, %dma_wait3A_1118, %dma_wait3A_1119, %dma_wait3A_1120, %dma_wait3A_1121] : memref<64x12x12x8x8x128xf32, #tpu.memory_space<hbm>> -> memref<1x1x1x8x8x128xf32, #tpu.memory_space<hbm>>
        %dma_wait3A_1123 = tpu.memref_squeeze %dma_wait3A_1122 : memref<1x1x1x8x8x128xf32, #tpu.memory_space<hbm>> -> memref<8x8x128xf32, #tpu.memory_space<hbm>>
        %dma_wait3A_1124 = arith.constant 0 : i32
        %dma_wait3A_1125 = arith.constant 0 : i32
        %dma_wait3A_1126 = arith.constant 0 : i32
        %dma_wait3A_1127 = tpu.memref_slice %arg7[%add3A_152, %select_n3A, %dma_wait3A_1118, %dma_wait3A_1124, %dma_wait3A_1125, %dma_wait3A_1126] : memref<64x12x12x8x8x128xf32, #tpu.memory_space<hbm>> -> memref<1x1x1x8x8x128xf32, #tpu.memory_space<hbm>>
        %dma_wait3A_1128 = tpu.memref_squeeze %dma_wait3A_1127 : memref<1x1x1x8x8x128xf32, #tpu.memory_space<hbm>> -> memref<8x8x128xf32, #tpu.memory_space<hbm>>
        tpu.wait_dma2 semaphore(%arg23 : memref<!tpu.dma_semaphore, #tpu.memory_space<semaphore_mem>>) src(%arg14 : memref<8x8x128xf32, #tpu.memory_space<vmem>>) dst(%dma_wait3A_1128 : memref<8x8x128xf32, #tpu.memory_space<hbm>>)
        %get3A_1129 = arith.constant 128 : index
        %get3A_1130 = tpu.vector_load %arg19[%get3A_1129] {strides = array<i32>} : memref<272xf32, #tpu.memory_space<vmem>>, vector<16xf32>,
        %get3A_1131 = arith.constant 136 : index
        %get3A_1132 = tpu.vector_load %arg19[%get3A_1131] {strides = array<i32>} : memref<272xf32, #tpu.memory_space<vmem>>, vector<16xf32>,
        %get3A_1133 = arith.constant 144 : index
        %get3A_1134 = tpu.vector_load %arg19[%get3A_1133] {strides = array<i32>} : memref<272xf32, #tpu.memory_space<vmem>>, vector<16xf32>,
        %get3A_1135 = arith.constant 152 : index
        %get3A_1136 = tpu.vector_load %arg19[%get3A_1135] {strides = array<i32>} : memref<272xf32, #tpu.memory_space<vmem>>, vector<16xf32>,
        %get3A_1137 = arith.constant 160 : index
        %get3A_1138 = tpu.vector_load %arg19[%get3A_1137] {strides = array<i32>} : memref<272xf32, #tpu.memory_space<vmem>>, vector<16xf32>,
        %get3A_1139 = arith.constant 168 : index
        %get3A_1140 = tpu.vector_load %arg19[%get3A_1139] {strides = array<i32>} : memref<272xf32, #tpu.memory_space<vmem>>, vector<16xf32>,
        %get3A_1141 = arith.constant 176 : index
        %get3A_1142 = tpu.vector_load %arg19[%get3A_1141] {strides = array<i32>} : memref<272xf32, #tpu.memory_space<vmem>>, vector<16xf32>,
        %get3A_1143 = arith.constant 184 : index
        %get3A_1144 = tpu.vector_load %arg19[%get3A_1143] {strides = array<i32>} : memref<272xf32, #tpu.memory_space<vmem>>, vector<16xf32>,
        %parallel_loop3A_1145 = arith.constant 0 : i32
        %parallel_loop3A_1146 = arith.constant 64 : i32
        %parallel_loop3A_1147 = arith.constant 1 : i32
        scf.for %parallel_loop3A_1200 = %parallel_loop3A_1145 to %parallel_loop3A_1146 step %parallel_loop3A_1147  : i32 {
          %parallel_loop3A_1201 = arith.constant 8 : i32
          %parallel_loop3A_1202 = arith.divsi %parallel_loop3A_1200, %parallel_loop3A_1201 : i32
          %parallel_loop3A_1203 = arith.constant 0 : i32
          %parallel_loop3A_1204 = arith.cmpi sgt, %parallel_loop3A_1200, %parallel_loop3A_1203 : i32
          %parallel_loop3A_1205 = arith.extui %parallel_loop3A_1204 : i1 to i32
          %parallel_loop3A_1206 = arith.constant 0 : i32
          %parallel_loop3A_1207 = arith.cmpi slt, %parallel_loop3A_1200, %parallel_loop3A_1206 : i32
          %parallel_loop3A_1208 = arith.extui %parallel_loop3A_1207 : i1 to i32
          %parallel_loop3A_1209 = arith.subi %parallel_loop3A_1205, %parallel_loop3A_1208 : i32
          %parallel_loop3A_1210 = arith.constant 0 : i32
          %parallel_loop3A_1211 = arith.cmpi sgt, %parallel_loop3A_1201, %parallel_loop3A_1210 : i32
          %parallel_loop3A_1212 = arith.extui %parallel_loop3A_1211 : i1 to i32
          %parallel_loop3A_1213 = arith.constant 0 : i32
          %parallel_loop3A_1214 = arith.cmpi slt, %parallel_loop3A_1201, %parallel_loop3A_1213 : i32
          %parallel_loop3A_1215 = arith.extui %parallel_loop3A_1214 : i1 to i32
          %parallel_loop3A_1216 = arith.subi %parallel_loop3A_1212, %parallel_loop3A_1215 : i32
          %parallel_loop3A_1217 = arith.cmpi ne, %parallel_loop3A_1209, %parallel_loop3A_1216 : i32
          %parallel_loop3A_1218 = arith.remsi %parallel_loop3A_1200, %parallel_loop3A_1201 : i32
          %parallel_loop3A_1219 = arith.constant 0 : i32
          %parallel_loop3A_1220 = arith.cmpi ne, %parallel_loop3A_1218, %parallel_loop3A_1219 : i32
          %parallel_loop3A_1221 = arith.andi %parallel_loop3A_1217, %parallel_loop3A_1220 : i1
          %parallel_loop3A_1222 = arith.constant 1 : i32
          %parallel_loop3A_1223 = arith.subi %parallel_loop3A_1202, %parallel_loop3A_1222 : i32
          %parallel_loop3A_1224 = arith.select %parallel_loop3A_1221, %parallel_loop3A_1223, %parallel_loop3A_1202 : i32
          %parallel_loop3A_1225 = arith.constant 8 : i32
          %parallel_loop3A_1226 = arith.constant 0 : i32
          %parallel_loop3A_1227 = arith.cmpi eq, %parallel_loop3A_1225, %parallel_loop3A_1226 : i32
          %parallel_loop3A_1228 = arith.constant 1 : i32
          %parallel_loop3A_1229 = arith.select %parallel_loop3A_1227, %parallel_loop3A_1228, %parallel_loop3A_1225 : i32
          %parallel_loop3A_1230 = arith.remsi %parallel_loop3A_1200, %parallel_loop3A_1229 : i32
          %parallel_loop3A_1231 = arith.constant 0 : i32
          %parallel_loop3A_1232 = arith.cmpi ne, %parallel_loop3A_1230, %parallel_loop3A_1231 : i32
          %parallel_loop3A_1233 = arith.constant 0 : i32
          %parallel_loop3A_1234 = arith.cmpi slt, %parallel_loop3A_1230, %parallel_loop3A_1233 : i32
          %parallel_loop3A_1235 = arith.constant 0 : i32
          %parallel_loop3A_1236 = arith.cmpi slt, %parallel_loop3A_1229, %parallel_loop3A_1235 : i32
          %parallel_loop3A_1237 = arith.xori %parallel_loop3A_1234, %parallel_loop3A_1236 : i1
          %parallel_loop3A_1238 = arith.andi %parallel_loop3A_1237, %parallel_loop3A_1232 : i1
          %parallel_loop3A_1239 = arith.addi %parallel_loop3A_1230, %parallel_loop3A_1229 : i32
          %parallel_loop3A_1240 = arith.select %parallel_loop3A_1238, %parallel_loop3A_1239, %parallel_loop3A_1230 : i32
          %parallel_loop3A_1241 = arith.constant 16 : i32
          %parallel_loop3A_1242 = arith.muli %parallel_loop3A_1200, %parallel_loop3A_1241 : i32
          %parallel_loop3A_1243 = arith.index_cast %parallel_loop3A_1242 : i32 to index
          %parallel_loop3A_1244 = tpu.vector_load %arg12[%parallel_loop3A_1243] {strides = array<i32>} : memref<1024xi32, #tpu.memory_space<vmem>>, vector<16xi32>,
          %parallel_loop3A_1245 = vector.shape_cast %parallel_loop3A_1244 : vector<16xi32> to vector<16x1xi32>
          %parallel_loop3A_1246 = vector.shape_cast %parallel_loop3A_1245 : vector<16x1xi32> to vector<16xi32>
          %parallel_loop3A_1247 = tpu.dynamic_gather %get3A_1130[%parallel_loop3A_1246] in [0] : vector<16xf32>, vector<16xi32> -> vector<16xf32>
          %parallel_loop3A_1248 = vector.shape_cast %parallel_loop3A_1244 : vector<16xi32> to vector<16x1xi32>
          %parallel_loop3A_1249 = vector.shape_cast %parallel_loop3A_1248 : vector<16x1xi32> to vector<16xi32>
          %parallel_loop3A_1250 = tpu.dynamic_gather %get3A_1132[%parallel_loop3A_1249] in [0] : vector<16xf32>, vector<16xi32> -> vector<16xf32>
          %parallel_loop3A_1251 = vector.shape_cast %parallel_loop3A_1244 : vector<16xi32> to vector<16x1xi32>
          %parallel_loop3A_1252 = vector.shape_cast %parallel_loop3A_1251 : vector<16x1xi32> to vector<16xi32>
          %parallel_loop3A_1253 = tpu.dynamic_gather %get3A_1134[%parallel_loop3A_1252] in [0] : vector<16xf32>, vector<16xi32> -> vector<16xf32>
          %parallel_loop3A_1254 = vector.shape_cast %parallel_loop3A_1244 : vector<16xi32> to vector<16x1xi32>
          %parallel_loop3A_1255 = vector.shape_cast %parallel_loop3A_1254 : vector<16x1xi32> to vector<16xi32>
          %parallel_loop3A_1256 = tpu.dynamic_gather %get3A_1136[%parallel_loop3A_1255] in [0] : vector<16xf32>, vector<16xi32> -> vector<16xf32>
          %parallel_loop3A_1257 = vector.shape_cast %parallel_loop3A_1244 : vector<16xi32> to vector<16x1xi32>
          %parallel_loop3A_1258 = vector.shape_cast %parallel_loop3A_1257 : vector<16x1xi32> to vector<16xi32>
          %parallel_loop3A_1259 = tpu.dynamic_gather %get3A_1138[%parallel_loop3A_1258] in [0] : vector<16xf32>, vector<16xi32> -> vector<16xf32>
          %parallel_loop3A_1260 = vector.shape_cast %parallel_loop3A_1244 : vector<16xi32> to vector<16x1xi32>
          %parallel_loop3A_1261 = vector.shape_cast %parallel_loop3A_1260 : vector<16x1xi32> to vector<16xi32>
          %parallel_loop3A_1262 = tpu.dynamic_gather %get3A_1140[%parallel_loop3A_1261] in [0] : vector<16xf32>, vector<16xi32> -> vector<16xf32>
          %parallel_loop3A_1263 = vector.shape_cast %parallel_loop3A_1244 : vector<16xi32> to vector<16x1xi32>
          %parallel_loop3A_1264 = vector.shape_cast %parallel_loop3A_1263 : vector<16x1xi32> to vector<16xi32>
          %parallel_loop3A_1265 = tpu.dynamic_gather %get3A_1142[%parallel_loop3A_1264] in [0] : vector<16xf32>, vector<16xi32> -> vector<16xf32>
          %parallel_loop3A_1266 = vector.shape_cast %parallel_loop3A_1244 : vector<16xi32> to vector<16x1xi32>
          %parallel_loop3A_1267 = vector.shape_cast %parallel_loop3A_1266 : vector<16x1xi32> to vector<16xi32>
          %parallel_loop3A_1268 = tpu.dynamic_gather %get3A_1144[%parallel_loop3A_1267] in [0] : vector<16xf32>, vector<16xi32> -> vector<16xf32>
          %parallel_loop3A_1269 = arith.constant 16 : i32
          %parallel_loop3A_1270 = arith.muli %parallel_loop3A_1240, %parallel_loop3A_1269 : i32
          %parallel_loop3A_1271 = arith.constant 0 : i32
          %parallel_loop3A_1272 = arith.index_cast %parallel_loop3A_1224 : i32 to index
          %parallel_loop3A_1273 = arith.index_cast %parallel_loop3A_1271 : i32 to index
          %parallel_loop3A_1274 = arith.index_cast %parallel_loop3A_1270 : i32 to index
          %parallel_loop3A_1275 = tpu.vector_load %arg14[%parallel_loop3A_1272, %parallel_loop3A_1273, %parallel_loop3A_1274] {strides = array<i32>} : memref<8x8x128xf32, #tpu.memory_space<vmem>>, vector<16xf32>,
          tpu.vector_store %arg14[%parallel_loop3A_1272, %parallel_loop3A_1273, %parallel_loop3A_1274], %parallel_loop3A_1247 {strides = array<i32>} : memref<8x8x128xf32, #tpu.memory_space<vmem>>, vector<16xf32>,
          %parallel_loop3A_1276 = arith.constant 16 : i32
          %parallel_loop3A_1277 = arith.muli %parallel_loop3A_1240, %parallel_loop3A_1276 : i32
          %parallel_loop3A_1278 = arith.constant 1 : i32
          %parallel_loop3A_1279 = arith.index_cast %parallel_loop3A_1224 : i32 to index
          %parallel_loop3A_1280 = arith.index_cast %parallel_loop3A_1278 : i32 to index
          %parallel_loop3A_1281 = arith.index_cast %parallel_loop3A_1277 : i32 to index
          %parallel_loop3A_1282 = tpu.vector_load %arg14[%parallel_loop3A_1279, %parallel_loop3A_1280, %parallel_loop3A_1281] {strides = array<i32>} : memref<8x8x128xf32, #tpu.memory_space<vmem>>, vector<16xf32>,
          tpu.vector_store %arg14[%parallel_loop3A_1279, %parallel_loop3A_1280, %parallel_loop3A_1281], %parallel_loop3A_1250 {strides = array<i32>} : memref<8x8x128xf32, #tpu.memory_space<vmem>>, vector<16xf32>,
          %parallel_loop3A_1283 = arith.constant 16 : i32
          %parallel_loop3A_1284 = arith.muli %parallel_loop3A_1240, %parallel_loop3A_1283 : i32
          %parallel_loop3A_1285 = arith.constant 2 : i32
          %parallel_loop3A_1286 = arith.index_cast %parallel_loop3A_1224 : i32 to index
          %parallel_loop3A_1287 = arith.index_cast %parallel_loop3A_1285 : i32 to index
          %parallel_loop3A_1288 = arith.index_cast %parallel_loop3A_1284 : i32 to index
          %parallel_loop3A_1289 = tpu.vector_load %arg14[%parallel_loop3A_1286, %parallel_loop3A_1287, %parallel_loop3A_1288] {strides = array<i32>} : memref<8x8x128xf32, #tpu.memory_space<vmem>>, vector<16xf32>,
          tpu.vector_store %arg14[%parallel_loop3A_1286, %parallel_loop3A_1287, %parallel_loop3A_1288], %parallel_loop3A_1253 {strides = array<i32>} : memref<8x8x128xf32, #tpu.memory_space<vmem>>, vector<16xf32>,
          %parallel_loop3A_1290 = arith.constant 16 : i32
          %parallel_loop3A_1291 = arith.muli %parallel_loop3A_1240, %parallel_loop3A_1290 : i32
          %parallel_loop3A_1292 = arith.constant 3 : i32
          %parallel_loop3A_1293 = arith.index_cast %parallel_loop3A_1224 : i32 to index
          %parallel_loop3A_1294 = arith.index_cast %parallel_loop3A_1292 : i32 to index
          %parallel_loop3A_1295 = arith.index_cast %parallel_loop3A_1291 : i32 to index
          %parallel_loop3A_1296 = tpu.vector_load %arg14[%parallel_loop3A_1293, %parallel_loop3A_1294, %parallel_loop3A_1295] {strides = array<i32>} : memref<8x8x128xf32, #tpu.memory_space<vmem>>, vector<16xf32>,
          tpu.vector_store %arg14[%parallel_loop3A_1293, %parallel_loop3A_1294, %parallel_loop3A_1295], %parallel_loop3A_1256 {strides = array<i32>} : memref<8x8x128xf32, #tpu.memory_space<vmem>>, vector<16xf32>,
          %parallel_loop3A_1297 = arith.constant 16 : i32
          %parallel_loop3A_1298 = arith.muli %parallel_loop3A_1240, %parallel_loop3A_1297 : i32
          %parallel_loop3A_1299 = arith.constant 4 : i32
          %parallel_loop3A_1300 = arith.index_cast %parallel_loop3A_1224 : i32 to index
          %parallel_loop3A_1301 = arith.index_cast %parallel_loop3A_1299 : i32 to index
          %parallel_loop3A_1302 = arith.index_cast %parallel_loop3A_1298 : i32 to index
          %parallel_loop3A_1303 = tpu.vector_load %arg14[%parallel_loop3A_1300, %parallel_loop3A_1301, %parallel_loop3A_1302] {strides = array<i32>} : memref<8x8x128xf32, #tpu.memory_space<vmem>>, vector<16xf32>,
          tpu.vector_store %arg14[%parallel_loop3A_1300, %parallel_loop3A_1301, %parallel_loop3A_1302], %parallel_loop3A_1259 {strides = array<i32>} : memref<8x8x128xf32, #tpu.memory_space<vmem>>, vector<16xf32>,
          %parallel_loop3A_1304 = arith.constant 16 : i32
          %parallel_loop3A_1305 = arith.muli %parallel_loop3A_1240, %parallel_loop3A_1304 : i32
          %parallel_loop3A_1306 = arith.constant 5 : i32
          %parallel_loop3A_1307 = arith.index_cast %parallel_loop3A_1224 : i32 to index
          %parallel_loop3A_1308 = arith.index_cast %parallel_loop3A_1306 : i32 to index
          %parallel_loop3A_1309 = arith.index_cast %parallel_loop3A_1305 : i32 to index
          %parallel_loop3A_1310 = tpu.vector_load %arg14[%parallel_loop3A_1307, %parallel_loop3A_1308, %parallel_loop3A_1309] {strides = array<i32>} : memref<8x8x128xf32, #tpu.memory_space<vmem>>, vector<16xf32>,
          tpu.vector_store %arg14[%parallel_loop3A_1307, %parallel_loop3A_1308, %parallel_loop3A_1309], %parallel_loop3A_1262 {strides = array<i32>} : memref<8x8x128xf32, #tpu.memory_space<vmem>>, vector<16xf32>,
          %parallel_loop3A_1311 = arith.constant 16 : i32
          %parallel_loop3A_1312 = arith.muli %parallel_loop3A_1240, %parallel_loop3A_1311 : i32
          %parallel_loop3A_1313 = arith.constant 6 : i32
          %parallel_loop3A_1314 = arith.index_cast %parallel_loop3A_1224 : i32 to index
          %parallel_loop3A_1315 = arith.index_cast %parallel_loop3A_1313 : i32 to index
          %parallel_loop3A_1316 = arith.index_cast %parallel_loop3A_1312 : i32 to index
          %parallel_loop3A_1317 = tpu.vector_load %arg14[%parallel_loop3A_1314, %parallel_loop3A_1315, %parallel_loop3A_1316] {strides = array<i32>} : memref<8x8x128xf32, #tpu.memory_space<vmem>>, vector<16xf32>,
          tpu.vector_store %arg14[%parallel_loop3A_1314, %parallel_loop3A_1315, %parallel_loop3A_1316], %parallel_loop3A_1265 {strides = array<i32>} : memref<8x8x128xf32, #tpu.memory_space<vmem>>, vector<16xf32>,
          %parallel_loop3A_1318 = arith.constant 16 : i32
          %parallel_loop3A_1319 = arith.muli %parallel_loop3A_1240, %parallel_loop3A_1318 : i32
          %parallel_loop3A_1320 = arith.constant 7 : i32
          %parallel_loop3A_1321 = arith.index_cast %parallel_loop3A_1224 : i32 to index
          %parallel_loop3A_1322 = arith.index_cast %parallel_loop3A_1320 : i32 to index
          %parallel_loop3A_1323 = arith.index_cast %parallel_loop3A_1319 : i32 to index
          %parallel_loop3A_1324 = tpu.vector_load %arg14[%parallel_loop3A_1321, %parallel_loop3A_1322, %parallel_loop3A_1323] {strides = array<i32>} : memref<8x8x128xf32, #tpu.memory_space<vmem>>, vector<16xf32>,
          tpu.vector_store %arg14[%parallel_loop3A_1321, %parallel_loop3A_1322, %parallel_loop3A_1323], %parallel_loop3A_1268 {strides = array<i32>} : memref<8x8x128xf32, #tpu.memory_space<vmem>>, vector<16xf32>,
        } {sc.loop_unroll_factor = 2 : i64, sc.parallel_access}
        %dma_start3A_1148 = arith.constant 10 : i32
        %dma_start3A_1149 = arith.constant 0 : i32
        %dma_start3A_1150 = arith.constant 0 : i32
        %dma_start3A_1151 = arith.constant 0 : i32
        %dma_start3A_1152 = tpu.memref_slice %arg7[%add3A_152, %select_n3A, %dma_start3A_1148, %dma_start3A_1149, %dma_start3A_1150, %dma_start3A_1151] : memref<64x12x12x8x8x128xf32, #tpu.memory_space<hbm>> -> memref<1x1x1x8x8x128xf32, #tpu.memory_space<hbm>>
        %dma_start3A_1153 = tpu.memref_squeeze %dma_start3A_1152 : memref<1x1x1x8x8x128xf32, #tpu.memory_space<hbm>> -> memref<8x8x128xf32, #tpu.memory_space<hbm>>
        %dma_start3A_1154 = arith.constant 0 : i32
        %dma_start3A_1155 = arith.constant 0 : i32
        %dma_start3A_1156 = arith.constant 0 : i32
        %dma_start3A_1157 = tpu.memref_slice %arg7[%add3A_152, %select_n3A, %dma_start3A_1148, %dma_start3A_1154, %dma_start3A_1155, %dma_start3A_1156] : memref<64x12x12x8x8x128xf32, #tpu.memory_space<hbm>> -> memref<1x1x1x8x8x128xf32, #tpu.memory_space<hbm>>
        %dma_start3A_1158 = tpu.memref_squeeze %dma_start3A_1157 : memref<1x1x1x8x8x128xf32, #tpu.memory_space<hbm>> -> memref<8x8x128xf32, #tpu.memory_space<hbm>>
        tpu.enqueue_dma source(%arg14 : memref<8x8x128xf32, #tpu.memory_space<vmem>>) target(%dma_start3A_1158 : memref<8x8x128xf32, #tpu.memory_space<hbm>>) target_semaphore(%arg23 : memref<!tpu.dma_semaphore, #tpu.memory_space<semaphore_mem>>)
        %dma_wait3A_1159 = arith.constant 8 : i32
        %dma_wait3A_1160 = arith.constant 0 : i32
        %dma_wait3A_1161 = arith.constant 0 : i32
        %dma_wait3A_1162 = arith.constant 0 : i32
        %dma_wait3A_1163 = tpu.memref_slice %arg7[%add3A_152, %select_n3A, %dma_wait3A_1159, %dma_wait3A_1160, %dma_wait3A_1161, %dma_wait3A_1162] : memref<64x12x12x8x8x128xf32, #tpu.memory_space<hbm>> -> memref<1x1x1x8x8x128xf32, #tpu.memory_space<hbm>>
        %dma_wait3A_1164 = tpu.memref_squeeze %dma_wait3A_1163 : memref<1x1x1x8x8x128xf32, #tpu.memory_space<hbm>> -> memref<8x8x128xf32, #tpu.memory_space<hbm>>
        %dma_wait3A_1165 = arith.constant 0 : i32
        %dma_wait3A_1166 = arith.constant 0 : i32
        %dma_wait3A_1167 = arith.constant 0 : i32
        %dma_wait3A_1168 = tpu.memref_slice %arg7[%add3A_152, %select_n3A, %dma_wait3A_1159, %dma_wait3A_1165, %dma_wait3A_1166, %dma_wait3A_1167] : memref<64x12x12x8x8x128xf32, #tpu.memory_space<hbm>> -> memref<1x1x1x8x8x128xf32, #tpu.memory_space<hbm>>
        %dma_wait3A_1169 = tpu.memref_squeeze %dma_wait3A_1168 : memref<1x1x1x8x8x128xf32, #tpu.memory_space<hbm>> -> memref<8x8x128xf32, #tpu.memory_space<hbm>>
        tpu.wait_dma2 semaphore(%arg24 : memref<!tpu.dma_semaphore, #tpu.memory_space<semaphore_mem>>) src(%arg15 : memref<8x8x128xf32, #tpu.memory_space<vmem>>) dst(%dma_wait3A_1169 : memref<8x8x128xf32, #tpu.memory_space<hbm>>)
        %get3A_1170 = arith.constant 192 : index
        %get3A_1171 = tpu.vector_load %arg19[%get3A_1170] {strides = array<i32>} : memref<272xf32, #tpu.memory_space<vmem>>, vector<16xf32>,
        %get3A_1172 = arith.constant 200 : index
        %get3A_1173 = tpu.vector_load %arg19[%get3A_1172] {strides = array<i32>} : memref<272xf32, #tpu.memory_space<vmem>>, vector<16xf32>,
        %get3A_1174 = arith.constant 208 : index
        %get3A_1175 = tpu.vector_load %arg19[%get3A_1174] {strides = array<i32>} : memref<272xf32, #tpu.memory_space<vmem>>, vector<16xf32>,
        %get3A_1176 = arith.constant 216 : index
        %get3A_1177 = tpu.vector_load %arg19[%get3A_1176] {strides = array<i32>} : memref<272xf32, #tpu.memory_space<vmem>>, vector<16xf32>,
        %get3A_1178 = arith.constant 224 : index
        %get3A_1179 = tpu.vector_load %arg19[%get3A_1178] {strides = array<i32>} : memref<272xf32, #tpu.memory_space<vmem>>, vector<16xf32>,
        %get3A_1180 = arith.constant 232 : index
        %get3A_1181 = tpu.vector_load %arg19[%get3A_1180] {strides = array<i32>} : memref<272xf32, #tpu.memory_space<vmem>>, vector<16xf32>,
        %get3A_1182 = arith.constant 240 : index
        %get3A_1183 = tpu.vector_load %arg19[%get3A_1182] {strides = array<i32>} : memref<272xf32, #tpu.memory_space<vmem>>, vector<16xf32>,
        %get3A_1184 = arith.constant 248 : index
        %get3A_1185 = tpu.vector_load %arg19[%get3A_1184] {strides = array<i32>} : memref<272xf32, #tpu.memory_space<vmem>>, vector<16xf32>,
        %parallel_loop3A_1186 = arith.constant 0 : i32
        %parallel_loop3A_1187 = arith.constant 64 : i32
        %parallel_loop3A_1188 = arith.constant 1 : i32
        scf.for %parallel_loop3A_1200 = %parallel_loop3A_1186 to %parallel_loop3A_1187 step %parallel_loop3A_1188  : i32 {
          %parallel_loop3A_1201 = arith.constant 8 : i32
          %parallel_loop3A_1202 = arith.divsi %parallel_loop3A_1200, %parallel_loop3A_1201 : i32
          %parallel_loop3A_1203 = arith.constant 0 : i32
          %parallel_loop3A_1204 = arith.cmpi sgt, %parallel_loop3A_1200, %parallel_loop3A_1203 : i32
          %parallel_loop3A_1205 = arith.extui %parallel_loop3A_1204 : i1 to i32
          %parallel_loop3A_1206 = arith.constant 0 : i32
          %parallel_loop3A_1207 = arith.cmpi slt, %parallel_loop3A_1200, %parallel_loop3A_1206 : i32
          %parallel_loop3A_1208 = arith.extui %parallel_loop3A_1207 : i1 to i32
          %parallel_loop3A_1209 = arith.subi %parallel_loop3A_1205, %parallel_loop3A_1208 : i32
          %parallel_loop3A_1210 = arith.constant 0 : i32
          %parallel_loop3A_1211 = arith.cmpi sgt, %parallel_loop3A_1201, %parallel_loop3A_1210 : i32
          %parallel_loop3A_1212 = arith.extui %parallel_loop3A_1211 : i1 to i32
          %parallel_loop3A_1213 = arith.constant 0 : i32
          %parallel_loop3A_1214 = arith.cmpi slt, %parallel_loop3A_1201, %parallel_loop3A_1213 : i32
          %parallel_loop3A_1215 = arith.extui %parallel_loop3A_1214 : i1 to i32
          %parallel_loop3A_1216 = arith.subi %parallel_loop3A_1212, %parallel_loop3A_1215 : i32
          %parallel_loop3A_1217 = arith.cmpi ne, %parallel_loop3A_1209, %parallel_loop3A_1216 : i32
          %parallel_loop3A_1218 = arith.remsi %parallel_loop3A_1200, %parallel_loop3A_1201 : i32
          %parallel_loop3A_1219 = arith.constant 0 : i32
          %parallel_loop3A_1220 = arith.cmpi ne, %parallel_loop3A_1218, %parallel_loop3A_1219 : i32
          %parallel_loop3A_1221 = arith.andi %parallel_loop3A_1217, %parallel_loop3A_1220 : i1
          %parallel_loop3A_1222 = arith.constant 1 : i32
          %parallel_loop3A_1223 = arith.subi %parallel_loop3A_1202, %parallel_loop3A_1222 : i32
          %parallel_loop3A_1224 = arith.select %parallel_loop3A_1221, %parallel_loop3A_1223, %parallel_loop3A_1202 : i32
          %parallel_loop3A_1225 = arith.constant 8 : i32
          %parallel_loop3A_1226 = arith.constant 0 : i32
          %parallel_loop3A_1227 = arith.cmpi eq, %parallel_loop3A_1225, %parallel_loop3A_1226 : i32
          %parallel_loop3A_1228 = arith.constant 1 : i32
          %parallel_loop3A_1229 = arith.select %parallel_loop3A_1227, %parallel_loop3A_1228, %parallel_loop3A_1225 : i32
          %parallel_loop3A_1230 = arith.remsi %parallel_loop3A_1200, %parallel_loop3A_1229 : i32
          %parallel_loop3A_1231 = arith.constant 0 : i32
          %parallel_loop3A_1232 = arith.cmpi ne, %parallel_loop3A_1230, %parallel_loop3A_1231 : i32
          %parallel_loop3A_1233 = arith.constant 0 : i32
          %parallel_loop3A_1234 = arith.cmpi slt, %parallel_loop3A_1230, %parallel_loop3A_1233 : i32
          %parallel_loop3A_1235 = arith.constant 0 : i32
          %parallel_loop3A_1236 = arith.cmpi slt, %parallel_loop3A_1229, %parallel_loop3A_1235 : i32
          %parallel_loop3A_1237 = arith.xori %parallel_loop3A_1234, %parallel_loop3A_1236 : i1
          %parallel_loop3A_1238 = arith.andi %parallel_loop3A_1237, %parallel_loop3A_1232 : i1
          %parallel_loop3A_1239 = arith.addi %parallel_loop3A_1230, %parallel_loop3A_1229 : i32
          %parallel_loop3A_1240 = arith.select %parallel_loop3A_1238, %parallel_loop3A_1239, %parallel_loop3A_1230 : i32
          %parallel_loop3A_1241 = arith.constant 16 : i32
          %parallel_loop3A_1242 = arith.muli %parallel_loop3A_1200, %parallel_loop3A_1241 : i32
          %parallel_loop3A_1243 = arith.index_cast %parallel_loop3A_1242 : i32 to index
          %parallel_loop3A_1244 = tpu.vector_load %arg12[%parallel_loop3A_1243] {strides = array<i32>} : memref<1024xi32, #tpu.memory_space<vmem>>, vector<16xi32>,
          %parallel_loop3A_1245 = vector.shape_cast %parallel_loop3A_1244 : vector<16xi32> to vector<16x1xi32>
          %parallel_loop3A_1246 = vector.shape_cast %parallel_loop3A_1245 : vector<16x1xi32> to vector<16xi32>
          %parallel_loop3A_1247 = tpu.dynamic_gather %get3A_1171[%parallel_loop3A_1246] in [0] : vector<16xf32>, vector<16xi32> -> vector<16xf32>
          %parallel_loop3A_1248 = vector.shape_cast %parallel_loop3A_1244 : vector<16xi32> to vector<16x1xi32>
          %parallel_loop3A_1249 = vector.shape_cast %parallel_loop3A_1248 : vector<16x1xi32> to vector<16xi32>
          %parallel_loop3A_1250 = tpu.dynamic_gather %get3A_1173[%parallel_loop3A_1249] in [0] : vector<16xf32>, vector<16xi32> -> vector<16xf32>
          %parallel_loop3A_1251 = vector.shape_cast %parallel_loop3A_1244 : vector<16xi32> to vector<16x1xi32>
          %parallel_loop3A_1252 = vector.shape_cast %parallel_loop3A_1251 : vector<16x1xi32> to vector<16xi32>
          %parallel_loop3A_1253 = tpu.dynamic_gather %get3A_1175[%parallel_loop3A_1252] in [0] : vector<16xf32>, vector<16xi32> -> vector<16xf32>
          %parallel_loop3A_1254 = vector.shape_cast %parallel_loop3A_1244 : vector<16xi32> to vector<16x1xi32>
          %parallel_loop3A_1255 = vector.shape_cast %parallel_loop3A_1254 : vector<16x1xi32> to vector<16xi32>
          %parallel_loop3A_1256 = tpu.dynamic_gather %get3A_1177[%parallel_loop3A_1255] in [0] : vector<16xf32>, vector<16xi32> -> vector<16xf32>
          %parallel_loop3A_1257 = vector.shape_cast %parallel_loop3A_1244 : vector<16xi32> to vector<16x1xi32>
          %parallel_loop3A_1258 = vector.shape_cast %parallel_loop3A_1257 : vector<16x1xi32> to vector<16xi32>
          %parallel_loop3A_1259 = tpu.dynamic_gather %get3A_1179[%parallel_loop3A_1258] in [0] : vector<16xf32>, vector<16xi32> -> vector<16xf32>
          %parallel_loop3A_1260 = vector.shape_cast %parallel_loop3A_1244 : vector<16xi32> to vector<16x1xi32>
          %parallel_loop3A_1261 = vector.shape_cast %parallel_loop3A_1260 : vector<16x1xi32> to vector<16xi32>
          %parallel_loop3A_1262 = tpu.dynamic_gather %get3A_1181[%parallel_loop3A_1261] in [0] : vector<16xf32>, vector<16xi32> -> vector<16xf32>
          %parallel_loop3A_1263 = vector.shape_cast %parallel_loop3A_1244 : vector<16xi32> to vector<16x1xi32>
          %parallel_loop3A_1264 = vector.shape_cast %parallel_loop3A_1263 : vector<16x1xi32> to vector<16xi32>
          %parallel_loop3A_1265 = tpu.dynamic_gather %get3A_1183[%parallel_loop3A_1264] in [0] : vector<16xf32>, vector<16xi32> -> vector<16xf32>
          %parallel_loop3A_1266 = vector.shape_cast %parallel_loop3A_1244 : vector<16xi32> to vector<16x1xi32>
          %parallel_loop3A_1267 = vector.shape_cast %parallel_loop3A_1266 : vector<16x1xi32> to vector<16xi32>
          %parallel_loop3A_1268 = tpu.dynamic_gather %get3A_1185[%parallel_loop3A_1267] in [0] : vector<16xf32>, vector<16xi32> -> vector<16xf32>
          %parallel_loop3A_1269 = arith.constant 16 : i32
          %parallel_loop3A_1270 = arith.muli %parallel_loop3A_1240, %parallel_loop3A_1269 : i32
          %parallel_loop3A_1271 = arith.constant 0 : i32
          %parallel_loop3A_1272 = arith.index_cast %parallel_loop3A_1224 : i32 to index
          %parallel_loop3A_1273 = arith.index_cast %parallel_loop3A_1271 : i32 to index
          %parallel_loop3A_1274 = arith.index_cast %parallel_loop3A_1270 : i32 to index
          %parallel_loop3A_1275 = tpu.vector_load %arg15[%parallel_loop3A_1272, %parallel_loop3A_1273, %parallel_loop3A_1274] {strides = array<i32>} : memref<8x8x128xf32, #tpu.memory_space<vmem>>, vector<16xf32>,
          tpu.vector_store %arg15[%parallel_loop3A_1272, %parallel_loop3A_1273, %parallel_loop3A_1274], %parallel_loop3A_1247 {strides = array<i32>} : memref<8x8x128xf32, #tpu.memory_space<vmem>>, vector<16xf32>,
          %parallel_loop3A_1276 = arith.constant 16 : i32
          %parallel_loop3A_1277 = arith.muli %parallel_loop3A_1240, %parallel_loop3A_1276 : i32
          %parallel_loop3A_1278 = arith.constant 1 : i32
          %parallel_loop3A_1279 = arith.index_cast %parallel_loop3A_1224 : i32 to index
          %parallel_loop3A_1280 = arith.index_cast %parallel_loop3A_1278 : i32 to index
          %parallel_loop3A_1281 = arith.index_cast %parallel_loop3A_1277 : i32 to index
          %parallel_loop3A_1282 = tpu.vector_load %arg15[%parallel_loop3A_1279, %parallel_loop3A_1280, %parallel_loop3A_1281] {strides = array<i32>} : memref<8x8x128xf32, #tpu.memory_space<vmem>>, vector<16xf32>,
          tpu.vector_store %arg15[%parallel_loop3A_1279, %parallel_loop3A_1280, %parallel_loop3A_1281], %parallel_loop3A_1250 {strides = array<i32>} : memref<8x8x128xf32, #tpu.memory_space<vmem>>, vector<16xf32>,
          %parallel_loop3A_1283 = arith.constant 16 : i32
          %parallel_loop3A_1284 = arith.muli %parallel_loop3A_1240, %parallel_loop3A_1283 : i32
          %parallel_loop3A_1285 = arith.constant 2 : i32
          %parallel_loop3A_1286 = arith.index_cast %parallel_loop3A_1224 : i32 to index
          %parallel_loop3A_1287 = arith.index_cast %parallel_loop3A_1285 : i32 to index
          %parallel_loop3A_1288 = arith.index_cast %parallel_loop3A_1284 : i32 to index
          %parallel_loop3A_1289 = tpu.vector_load %arg15[%parallel_loop3A_1286, %parallel_loop3A_1287, %parallel_loop3A_1288] {strides = array<i32>} : memref<8x8x128xf32, #tpu.memory_space<vmem>>, vector<16xf32>,
          tpu.vector_store %arg15[%parallel_loop3A_1286, %parallel_loop3A_1287, %parallel_loop3A_1288], %parallel_loop3A_1253 {strides = array<i32>} : memref<8x8x128xf32, #tpu.memory_space<vmem>>, vector<16xf32>,
          %parallel_loop3A_1290 = arith.constant 16 : i32
          %parallel_loop3A_1291 = arith.muli %parallel_loop3A_1240, %parallel_loop3A_1290 : i32
          %parallel_loop3A_1292 = arith.constant 3 : i32
          %parallel_loop3A_1293 = arith.index_cast %parallel_loop3A_1224 : i32 to index
          %parallel_loop3A_1294 = arith.index_cast %parallel_loop3A_1292 : i32 to index
          %parallel_loop3A_1295 = arith.index_cast %parallel_loop3A_1291 : i32 to index
          %parallel_loop3A_1296 = tpu.vector_load %arg15[%parallel_loop3A_1293, %parallel_loop3A_1294, %parallel_loop3A_1295] {strides = array<i32>} : memref<8x8x128xf32, #tpu.memory_space<vmem>>, vector<16xf32>,
          tpu.vector_store %arg15[%parallel_loop3A_1293, %parallel_loop3A_1294, %parallel_loop3A_1295], %parallel_loop3A_1256 {strides = array<i32>} : memref<8x8x128xf32, #tpu.memory_space<vmem>>, vector<16xf32>,
          %parallel_loop3A_1297 = arith.constant 16 : i32
          %parallel_loop3A_1298 = arith.muli %parallel_loop3A_1240, %parallel_loop3A_1297 : i32
          %parallel_loop3A_1299 = arith.constant 4 : i32
          %parallel_loop3A_1300 = arith.index_cast %parallel_loop3A_1224 : i32 to index
          %parallel_loop3A_1301 = arith.index_cast %parallel_loop3A_1299 : i32 to index
          %parallel_loop3A_1302 = arith.index_cast %parallel_loop3A_1298 : i32 to index
          %parallel_loop3A_1303 = tpu.vector_load %arg15[%parallel_loop3A_1300, %parallel_loop3A_1301, %parallel_loop3A_1302] {strides = array<i32>} : memref<8x8x128xf32, #tpu.memory_space<vmem>>, vector<16xf32>,
          tpu.vector_store %arg15[%parallel_loop3A_1300, %parallel_loop3A_1301, %parallel_loop3A_1302], %parallel_loop3A_1259 {strides = array<i32>} : memref<8x8x128xf32, #tpu.memory_space<vmem>>, vector<16xf32>,
          %parallel_loop3A_1304 = arith.constant 16 : i32
          %parallel_loop3A_1305 = arith.muli %parallel_loop3A_1240, %parallel_loop3A_1304 : i32
          %parallel_loop3A_1306 = arith.constant 5 : i32
          %parallel_loop3A_1307 = arith.index_cast %parallel_loop3A_1224 : i32 to index
          %parallel_loop3A_1308 = arith.index_cast %parallel_loop3A_1306 : i32 to index
          %parallel_loop3A_1309 = arith.index_cast %parallel_loop3A_1305 : i32 to index
          %parallel_loop3A_1310 = tpu.vector_load %arg15[%parallel_loop3A_1307, %parallel_loop3A_1308, %parallel_loop3A_1309] {strides = array<i32>} : memref<8x8x128xf32, #tpu.memory_space<vmem>>, vector<16xf32>,
          tpu.vector_store %arg15[%parallel_loop3A_1307, %parallel_loop3A_1308, %parallel_loop3A_1309], %parallel_loop3A_1262 {strides = array<i32>} : memref<8x8x128xf32, #tpu.memory_space<vmem>>, vector<16xf32>,
          %parallel_loop3A_1311 = arith.constant 16 : i32
          %parallel_loop3A_1312 = arith.muli %parallel_loop3A_1240, %parallel_loop3A_1311 : i32
          %parallel_loop3A_1313 = arith.constant 6 : i32
          %parallel_loop3A_1314 = arith.index_cast %parallel_loop3A_1224 : i32 to index
          %parallel_loop3A_1315 = arith.index_cast %parallel_loop3A_1313 : i32 to index
          %parallel_loop3A_1316 = arith.index_cast %parallel_loop3A_1312 : i32 to index
          %parallel_loop3A_1317 = tpu.vector_load %arg15[%parallel_loop3A_1314, %parallel_loop3A_1315, %parallel_loop3A_1316] {strides = array<i32>} : memref<8x8x128xf32, #tpu.memory_space<vmem>>, vector<16xf32>,
          tpu.vector_store %arg15[%parallel_loop3A_1314, %parallel_loop3A_1315, %parallel_loop3A_1316], %parallel_loop3A_1265 {strides = array<i32>} : memref<8x8x128xf32, #tpu.memory_space<vmem>>, vector<16xf32>,
          %parallel_loop3A_1318 = arith.constant 16 : i32
          %parallel_loop3A_1319 = arith.muli %parallel_loop3A_1240, %parallel_loop3A_1318 : i32
          %parallel_loop3A_1320 = arith.constant 7 : i32
          %parallel_loop3A_1321 = arith.index_cast %parallel_loop3A_1224 : i32 to index
          %parallel_loop3A_1322 = arith.index_cast %parallel_loop3A_1320 : i32 to index
          %parallel_loop3A_1323 = arith.index_cast %parallel_loop3A_1319 : i32 to index
          %parallel_loop3A_1324 = tpu.vector_load %arg15[%parallel_loop3A_1321, %parallel_loop3A_1322, %parallel_loop3A_1323] {strides = array<i32>} : memref<8x8x128xf32, #tpu.memory_space<vmem>>, vector<16xf32>,
          tpu.vector_store %arg15[%parallel_loop3A_1321, %parallel_loop3A_1322, %parallel_loop3A_1323], %parallel_loop3A_1268 {strides = array<i32>} : memref<8x8x128xf32, #tpu.memory_space<vmem>>, vector<16xf32>,
        } {sc.loop_unroll_factor = 2 : i64, sc.parallel_access}
        %dma_start3A_1189 = arith.constant 11 : i32
        %dma_start3A_1190 = arith.constant 0 : i32
        %dma_start3A_1191 = arith.constant 0 : i32
        %dma_start3A_1192 = arith.constant 0 : i32
        %dma_start3A_1193 = tpu.memref_slice %arg7[%add3A_152, %select_n3A, %dma_start3A_1189, %dma_start3A_1190, %dma_start3A_1191, %dma_start3A_1192] : memref<64x12x12x8x8x128xf32, #tpu.memory_space<hbm>> -> memref<1x1x1x8x8x128xf32, #tpu.memory_space<hbm>>
        %dma_start3A_1194 = tpu.memref_squeeze %dma_start3A_1193 : memref<1x1x1x8x8x128xf32, #tpu.memory_space<hbm>> -> memref<8x8x128xf32, #tpu.memory_space<hbm>>
        %dma_start3A_1195 = arith.constant 0 : i32
        %dma_start3A_1196 = arith.constant 0 : i32
        %dma_start3A_1197 = arith.constant 0 : i32
        %dma_start3A_1198 = tpu.memref_slice %arg7[%add3A_152, %select_n3A, %dma_start3A_1189, %dma_start3A_1195, %dma_start3A_1196, %dma_start3A_1197] : memref<64x12x12x8x8x128xf32, #tpu.memory_space<hbm>> -> memref<1x1x1x8x8x128xf32, #tpu.memory_space<hbm>>
        %dma_start3A_1199 = tpu.memref_squeeze %dma_start3A_1198 : memref<1x1x1x8x8x128xf32, #tpu.memory_space<hbm>> -> memref<8x8x128xf32, #tpu.memory_space<hbm>>
        tpu.enqueue_dma source(%arg15 : memref<8x8x128xf32, #tpu.memory_space<vmem>>) target(%dma_start3A_1199 : memref<8x8x128xf32, #tpu.memory_space<hbm>>) target_semaphore(%arg24 : memref<!tpu.dma_semaphore, #tpu.memory_space<semaphore_mem>>)
      }
      %scan3A_148 = arith.constant 8 : i32
    }
    %scan3A_5 = arith.constant 3 : i32
    %dma_wait3A = arith.constant 0 : i32
    %dma_wait3A_6 = arith.constant 0 : i32
    %dma_wait3A_7 = arith.constant 9 : i32
    %dma_wait3A_8 = arith.constant 0 : i32
    %dma_wait3A_9 = arith.constant 0 : i32
    %dma_wait3A_10 = arith.constant 0 : i32
    %dma_wait3A_11 = tpu.memref_slice %arg7[%dma_wait3A, %dma_wait3A_6, %dma_wait3A_7, %dma_wait3A_8, %dma_wait3A_9, %dma_wait3A_10] : memref<64x12x12x8x8x128xf32, #tpu.memory_space<hbm>> -> memref<1x1x1x8x8x128xf32, #tpu.memory_space<hbm>>
    %dma_wait3A_12 = tpu.memref_squeeze %dma_wait3A_11 : memref<1x1x1x8x8x128xf32, #tpu.memory_space<hbm>> -> memref<8x8x128xf32, #tpu.memory_space<hbm>>
    %dma_wait3A_13 = arith.constant 0 : i32
    %dma_wait3A_14 = arith.constant 0 : i32
    %dma_wait3A_15 = arith.constant 0 : i32
    %dma_wait3A_16 = tpu.memref_slice %arg7[%dma_wait3A, %dma_wait3A_6, %dma_wait3A_7, %dma_wait3A_13, %dma_wait3A_14, %dma_wait3A_15] : memref<64x12x12x8x8x128xf32, #tpu.memory_space<hbm>> -> memref<1x1x1x8x8x128xf32, #tpu.memory_space<hbm>>
    %dma_wait3A_17 = tpu.memref_squeeze %dma_wait3A_16 : memref<1x1x1x8x8x128xf32, #tpu.memory_space<hbm>> -> memref<8x8x128xf32, #tpu.memory_space<hbm>>
    tpu.wait_dma2 semaphore(%arg22 : memref<!tpu.dma_semaphore, #tpu.memory_space<semaphore_mem>>) src(%arg13 : memref<8x8x128xf32, #tpu.memory_space<vmem>>) dst(%dma_wait3A_17 : memref<8x8x128xf32, #tpu.memory_space<hbm>>)
    %dma_wait3A_18 = arith.constant 0 : i32
    %dma_wait3A_19 = arith.constant 0 : i32
    %dma_wait3A_20 = arith.constant 10 : i32
    %dma_wait3A_21 = arith.constant 0 : i32
    %dma_wait3A_22 = arith.constant 0 : i32
    %dma_wait3A_23 = arith.constant 0 : i32
    %dma_wait3A_24 = tpu.memref_slice %arg7[%dma_wait3A_18, %dma_wait3A_19, %dma_wait3A_20, %dma_wait3A_21, %dma_wait3A_22, %dma_wait3A_23] : memref<64x12x12x8x8x128xf32, #tpu.memory_space<hbm>> -> memref<1x1x1x8x8x128xf32, #tpu.memory_space<hbm>>
    %dma_wait3A_25 = tpu.memref_squeeze %dma_wait3A_24 : memref<1x1x1x8x8x128xf32, #tpu.memory_space<hbm>> -> memref<8x8x128xf32, #tpu.memory_space<hbm>>
    %dma_wait3A_26 = arith.constant 0 : i32
    %dma_wait3A_27 = arith.constant 0 : i32
    %dma_wait3A_28 = arith.constant 0 : i32
    %dma_wait3A_29 = tpu.memref_slice %arg7[%dma_wait3A_18, %dma_wait3A_19, %dma_wait3A_20, %dma_wait3A_26, %dma_wait3A_27, %dma_wait3A_28] : memref<64x12x12x8x8x128xf32, #tpu.memory_space<hbm>> -> memref<1x1x1x8x8x128xf32, #tpu.memory_space<hbm>>
    %dma_wait3A_30 = tpu.memref_squeeze %dma_wait3A_29 : memref<1x1x1x8x8x128xf32, #tpu.memory_space<hbm>> -> memref<8x8x128xf32, #tpu.memory_space<hbm>>
    tpu.wait_dma2 semaphore(%arg23 : memref<!tpu.dma_semaphore, #tpu.memory_space<semaphore_mem>>) src(%arg14 : memref<8x8x128xf32, #tpu.memory_space<vmem>>) dst(%dma_wait3A_30 : memref<8x8x128xf32, #tpu.memory_space<hbm>>)
    %dma_wait3A_31 = arith.constant 0 : i32
    %dma_wait3A_32 = arith.constant 0 : i32
    %dma_wait3A_33 = arith.constant 11 : i32
    %dma_wait3A_34 = arith.constant 0 : i32
    %dma_wait3A_35 = arith.constant 0 : i32
    %dma_wait3A_36 = arith.constant 0 : i32
    %dma_wait3A_37 = tpu.memref_slice %arg7[%dma_wait3A_31, %dma_wait3A_32, %dma_wait3A_33, %dma_wait3A_34, %dma_wait3A_35, %dma_wait3A_36] : memref<64x12x12x8x8x128xf32, #tpu.memory_space<hbm>> -> memref<1x1x1x8x8x128xf32, #tpu.memory_space<hbm>>
    %dma_wait3A_38 = tpu.memref_squeeze %dma_wait3A_37 : memref<1x1x1x8x8x128xf32, #tpu.memory_space<hbm>> -> memref<8x8x128xf32, #tpu.memory_space<hbm>>
    %dma_wait3A_39 = arith.constant 0 : i32
    %dma_wait3A_40 = arith.constant 0 : i32
    %dma_wait3A_41 = arith.constant 0 : i32
    %dma_wait3A_42 = tpu.memref_slice %arg7[%dma_wait3A_31, %dma_wait3A_32, %dma_wait3A_33, %dma_wait3A_39, %dma_wait3A_40, %dma_wait3A_41] : memref<64x12x12x8x8x128xf32, #tpu.memory_space<hbm>> -> memref<1x1x1x8x8x128xf32, #tpu.memory_space<hbm>>
    %dma_wait3A_43 = tpu.memref_squeeze %dma_wait3A_42 : memref<1x1x1x8x8x128xf32, #tpu.memory_space<hbm>> -> memref<8x8x128xf32, #tpu.memory_space<hbm>>
    tpu.wait_dma2 semaphore(%arg24 : memref<!tpu.dma_semaphore, #tpu.memory_space<semaphore_mem>>) src(%arg15 : memref<8x8x128xf32, #tpu.memory_space<vmem>>) dst(%dma_wait3A_43 : memref<8x8x128xf32, #tpu.memory_space<hbm>>)
    return
  }
}

</mosaic_0001>

<sc_bundles>
// kernel: kernel.3.cloned.1.call-start
scs
__scs_entry_jumppad:
0x0: {  	(pc) =	sbr.rel $0x88, $3  }
0x1: {  	(tag) =	ssettag $0x0;
	lr =	simm.s32 $0x1  }
0x2: {  	[smem:$0x3F9C] =	sst lr;
	_ =	strace $0xD0000000  }
0x3: {  	_ = 	snop  }
0x4: {  	_ = 	snop  }
0x5: {  	_ = 	snop  }
0x6: {  	_ = 	snop  }
0x7: {  	_ = 	snop  }
__scs_overlays_trampoline_lowered:
0x8: {  	[smem:$0x3FAB] =	sst s0  }
0x9: {  	[smem:$0x3FAC] =	sst s1  }
0xa: {  	[smem:$0x3FAD] =	sst s2  }
0xb: {  	[smem:$0x3FAE] =	sst s3  }
0xc: {  	[smem:$0x3FAF] =	sst s4  }
0xd: {  	[smem:$0x3FB0] =	sst s5  }
0xe: {  	[smem:$0x3FB1] =	sst s6  }
0xf: {  	[smem:$0x3FB2] =	sst s7  }
0x10: {  	[smem:$0x3FB3] =	sst s8  }
0x11: {  	[smem:$0x3FB4] =	sst s9;
	s0 =	simm.s32 @!p0 $0x0  }
0x12: {  	s1 =	sld [smem:$0x3F9A];
	s0 =	simm.s32 @p0 $0x1  }
0x13: {  	[smem:$0x3FB5] =	sst s0;
	s0 =	simm.s32 @!p1 $0x0  }
0x14: {  	s2 =	sld [smem:$0x3F99];
	s0 =	simm.s32 @p1 $0x1  }
0x15: {  	[smem:$0x3FB6] =	sst s0;
	s0 =	simm.s32 @!p2 $0x0  }
0x16: {  	s3 =	sld [smem:$0x3FDB];
	s0 =	simm.s32 @p2 $0x1  }
0x17: {  	s4 =	simm.s32 $0x1BF5;
	[smem:$0x3FB8] =	sst s0  }
0x18: {  	s0 =	sld [smem:$0x3F9B];
	_ =	swait.ge [sflag:s4], $0x0  }
0x19: {  	s7 =	sld [smem:$0x3F9C]  }
0x1a: {  	s8 =	sadd.s32 $0xFFFFE003, lr  }
0x1b: {  	s9 =	sadd.s32 $0xFFFFFEF7, lr;
	s5 =	simm.s32 $0xFFFFFFFF;
	p2 =	slt.u32 s8, $0xFFFFF086  }
0x1c: {  	p1 =	slt.u32 s9, $0xF7A;
	s5 =	simm.s32 @!p2 $0x0  }
0x1d: {  	s5 =	simm.s32 @p1 $0x1;
	p0 =	seq.s32 s7, s2  }
0x1e: {  	s7 =	smul.u32 @!p0 $0xF7A, s2;
	p2 =	seq.s32 @!p0 s5, $0x0  }
0x1f: {  	s9 =	smul.u32 $0xF7A, s1;
	s8 =	simm.s32 @!p0 $0x1BF5;
	p2 =	por !p2, p0  }
0x20: {  	[sflag:s8] =	ssyncset.s32 @!p0 $0xFFFFF086;
	s6 =	sadd.s32 @!p0 s3, s7;
	s7 =	simm.s32 @!p0 $0x108  }
0x21: {  	s3 =	sadd.s32 s3, s9;
	s6 =	sadd.s32 @!p0 $0x88, s6;
	s7 =	simm.s32 @p2 $0x1082  }
0x22: {  	[simem:s7], [sflag:s8] =	dma.local @!p0 [hbm:s6], $0xF7A  }
0x23: {  	s9 =	sor.u32 $0xD0000000, s2;
	s6 =	simm.s32 $0x108;
	_ =	swait.ge @!p0 [sflag:s8], $0x0  }
0x24: {  	s3 =	sadd.s32 $0x88, s3;
	s6 =	simm.s32 @!p1 $0x1082;
	[sflag:s4] =	ssyncset.s32 $0xFFFFF086  }
0x25: {  	[simem:s6], [sflag:s4] =	dma.local [hbm:s3], $0xF7A  }
0x26: {  	[smem:$0x3F9C] =	sst s1;
	(tag) =	ssettag s2;
	_ =	strace s9  }
0x27: {  	s1 =	sld [smem:$0x3FAC]  }
0x28: {  	s2 =	sld [smem:$0x3FAD]  }
0x29: {  	s4 =	sld [smem:$0x3FAF]  }
0x2a: {  	p0 =	seq.s32 s5, $0x0;
	s5 =	sld [smem:$0x3FB0]  }
0x2b: {  	s6 =	sld [smem:$0x3FB1]  }
0x2c: {  	s7 =	sld [smem:$0x3FB2]  }
0x2d: {  	s3 =	simm.s32 $0x108;
	s8 =	sld [smem:$0x3FB3]  }
0x2e: {  	s3 =	simm.s32 @!p0 $0x1082;
	s9 =	sld [smem:$0x3FB4]  }
0x2f: {  	lr =	sadd.s32 s0, s3;
	s0 =	sld [smem:$0x3FAB]  }
0x30: {  	s3 =	sld [smem:$0x3FAE]  }
0x31: {  	[smem:$0x3FB7] =	sst s10  }
0x32: {  	s10 =	sld [smem:$0x3FB5];
	_ =	sdelay $0x3  }
0x33: {  	p0 =	seq.s32 s10, $0x1;
	s10 =	sld [smem:$0x3FB7];
	_ =	sdelay $0x3  }
0x34: {  	[smem:$0x3FB7] =	sst s10  }
0x35: {  	s10 =	sld [smem:$0x3FB6];
	_ =	sdelay $0x3  }
0x36: {  	p1 =	seq.s32 s10, $0x1;
	s10 =	sld [smem:$0x3FB7];
	_ =	sdelay $0x3  }
0x37: {  	[smem:$0x3FB7] =	sst s10  }
0x38: {  	s10 =	sld [smem:$0x3FB8]  }
0x39: {  	_ = 	snop;
	(pc) =	sbr.ind lr, $3  }
0x3a: {  	_ = 	snop  }
0x3b: {  	_ = 	snop  }
0x3c: {  	p2 =	seq.s32 s10, $0x1;
	s10 =	sld [smem:$0x3FB7]  }
0x3d: {  	_ =	shalt  }
0x3e: {  	_ =	shalt  }
0x3f: {  	_ =	shalt  }
0x40: {  	_ =	shalt  }
0x41: {  	_ =	shalt  }
0x42: {  	_ =	shalt  }
0x43: {  	_ =	shalt  }
0x44: {  	_ =	shalt  }
0x45: {  	_ =	shalt  }
0x46: {  	_ =	shalt  }
0x47: {  	_ =	shalt  }
0x48: {  	_ =	shalt  }
0x49: {  	_ =	shalt  }
0x4a: {  	_ =	shalt  }
0x4b: {  	_ =	shalt  }
0x4c: {  	_ =	shalt  }
0x4d: {  	_ =	shalt  }
0x4e: {  	_ =	shalt  }
0x4f: {  	_ =	shalt  }
0x50: {  	_ =	shalt  }
0x51: {  	_ =	shalt  }
0x52: {  	_ =	shalt  }
0x53: {  	_ =	shalt  }
0x54: {  	_ =	shalt  }
0x55: {  	_ =	shalt  }
0x56: {  	_ =	shalt  }
0x57: {  	_ =	shalt  }
0x58: {  	_ =	shalt  }
0x59: {  	_ =	shalt  }
0x5a: {  	_ =	shalt  }
0x5b: {  	_ =	shalt  }
0x5c: {  	_ =	shalt  }
0x5d: {  	_ =	shalt  }
0x5e: {  	_ =	shalt  }
0x5f: {  	_ =	shalt  }
0x60: {  	_ =	shalt  }
0x61: {  	_ =	shalt  }
0x62: {  	_ =	shalt  }
0x63: {  	_ =	shalt  }
0x64: {  	_ =	shalt  }
0x65: {  	_ =	shalt  }
0x66: {  	_ =	shalt  }
0x67: {  	_ =	shalt  }
0x68: {  	_ =	shalt  }
0x69: {  	_ =	shalt  }
0x6a: {  	_ =	shalt  }
0x6b: {  	_ =	shalt  }
0x6c: {  	_ =	shalt  }
0x6d: {  	_ =	shalt  }
0x6e: {  	_ =	shalt  }
0x6f: {  	_ =	shalt  }
0x70: {  	_ =	shalt  }
0x71: {  	_ =	shalt  }
0x72: {  	_ =	shalt  }
0x73: {  	_ =	shalt  }
0x74: {  	_ =	shalt  }
0x75: {  	_ =	shalt  }
0x76: {  	_ =	shalt  }
0x77: {  	_ =	shalt  }
0x78: {  	_ =	shalt  }
0x79: {  	_ =	shalt  }
0x7a: {  	_ =	shalt  }
0x7b: {  	_ =	shalt  }
0x7c: {  	_ =	shalt  }
0x7d: {  	_ =	shalt  }
0x7e: {  	_ =	shalt  }
0x7f: {  	_ =	shalt  }
0x80: {  	_ =	shalt  }
0x81: {  	_ =	shalt  }
0x82: {  	_ =	shalt  }
0x83: {  	_ =	shalt  }
0x84: {  	_ =	shalt  }
0x85: {  	_ =	shalt  }
0x86: {  	_ =	shalt  }
0x87: {  	_ =	shalt  }
.Lfunc_end0:
.L_simem_size_0:
called_computation_lowered:
.L_overlay_start_0:
0x88: {  	s2 =	sld [smem:$0x3FD9]  }
0x89: {  	s3 =	sld [smem:$0x3FFE];
	_ =	sdelay $0x1  }
0x8a: {  	s1 =	srdreg.scid  }
0x8b: {  	s0 =	sand.u32 $0x1, s1  }
0x8c: {  	s17 =	sshll.u32 s0, $0xA;
	s2 =	sadd.s32 s3, s2  }
0x8d: {  	s2 =	sadd.s32 s2, s17  }
0x8e: {  	[smem:$0x3FC3] =	sst s2  }
0x8f: {  	_ = 	snop  }
0x90: {  	s2 =	sld [smem:$0x3FC9]  }
0x91: {  	s18 =	sld [smem:$0x3FD0];
	(tm) =	ssettm $0x1  }
0x92: {  	s4 =	sld [smem:$0x3FFB];
	_ =	sdelay $0x3  }
0x93: {  	_ =	strace s4  }
0x94: {  	s4 =	sld [smem:$0x3FFC];
	_ =	sdelay $0x3  }
0x95: {  	_ =	strace s4  }
0x96: {  	s4 =	sld [smem:$0x3FFD];
	_ =	sdelay $0x3  }
0x97: {  	_ =	strace s4  }
0x98: {  	_ =	strace $0x8FFFFFFF  }
0x99: {  	s19 =	sld [smem:$0x3FDB];
	_ =	sdelay $0x1  }
0x9a: {  	s5 =	simm.s32 $_scs_section_size  }
0x9b: {  	s6 =	simm.s32 $_size__tile_overlayer_lowered;
	s7 =	simm.s32 $_tile_overlayer_lowered  }
0x9c: {  	s22 =	simm.s32 $0x1BFF;
	s21 =	sshll.u32 s7, $0x1;
	s4 =	sadd.s32 s5, s19  }
0x9d: {  	s8 =	simm.s32 $0x0;
	s20 =	sshll.u32 s6, $0x1;
	s6 =	sadd.s32 s21, s4  }
0x9e: {  	[timem:s8], [sflag:s22] =	dma.local [hbm:s6], s20  }
0x9f: {  	_ =	swait.ge [sflag:s22], s20  }
0xa0: {  	s5 =	ssub.s32 $0x0, s20;
	[sflag:s22] =	ssyncset.done $0x0  }
0xa1: {  	[sflag:s22] =	ssyncadd.s32 s5;
	_ =	sdelay $0x1  }
0xa2: {  	s23 =	simm.s32 $0x1B8B  }
0xa3: {  	_ =	swait.ge [sflag:s23], $0x1  }
0xa4: {  	[sflag:s23] =	ssyncset.done $0x0  }
0xa5: {  	s25 =	simm.s32 $0x1B8E;
	s24 =	sld [smem:$0x3FFE];
	[sflag:s23] =	ssyncadd.s32 $0xFFFFFFFF  }
0xa6: {  	s26 =	simm.s32 $execute0_lowered;
	[smem:$0x3FD2] =	sst s25  }
0xa7: {  	s6 =	sshll.u32 s26, $0x1;
	_ =	strace $0x80000046;
	[dreg:$0x1] =	wrdreg $0xFFFFFFFF  }
0xa8: {  	s28 =	simm.s32 $_size_execute0_lowered;
	s4 =	sadd.s32 s4, s6;
	[dreg:$0x0] =	wrdreg $0x0  }
0xa9: {  	s6 =	sshll.u32 s28, $0x1;
	[dreg:$0x2] =	wrdreg s4  }
0xaa: {  	[dreg:$0x3] =	wrdreg s6  }
0xab: {  	[dreg:$0x4] =	wrdreg $0xC0  }
0xac: {  	_ =	task [dreg:s8], $0x5FFFF  }
0xad: {  	[dreg:$0x1] =	wrdreg $0xFFFFFFFF  }
0xae: {  	[dreg:$0x0] =	wrdreg $0x60  }
0xaf: {  	[dreg:$0x2] =	wrdreg s2  }
0xb0: {  	[dreg:$0x3] =	wrdreg s24  }
0xb1: {  	[dreg:$0x4] =	wrdreg s18  }
0xb2: {  	[dreg:$0x5] =	wrdreg $0x9  }
0xb3: {  	_ =	task.clear_ibuf [dreg:s8], $0x6FFFF;
	_ =	strace $0x90000046  }
0xb4: {  	s29 =	simm.s32 $0x9;
	_ =	strace $0x80000048  }
0xb5: {  	_ =	swait.ge [sflag:s29], $0x1  }
0xb6: {  	[sflag:s29] =	ssyncadd.s32 $0xFFFFFFFF  }
0xb7: {  	_ =	strace $0x90000048  }
0xb8: {  	_ =	sfence  }
0xb9: {  	s30 =	sld [smem:$0x0];
	_ =	sdelay $0x2  }
0xba: {  	s31 =	sshll.u32 s1, $0xD;
	s1 =	sshrl.u32 s1, $0x2  }
0xbb: {  	s3 =	sand.u32 $0x4000, s31;
	s1 =	sadd.s32 s1, s30  }
0xbc: {  	s0 =	sor.u32 s3, s0;
	s1 =	sshll.u32 s1, $0x11  }
0xbd: {  	s0 =	sor.u32 s1, s0  }
0xbe: {  	s0 =	sadd.s32 $0x8F2B, s0  }
0xbf: {  	[sflag:s0] =	ssyncadd.remote.s32 $0x1  }
0xc0: {  	_ =	sfence.sel $0xFFFF  }
0xc1: {  	[dreg:$0x0] =	wrdreg $0xFFFFFFFF;
	(pc) =	sbr.abs _section_cstart, $3  }
0xc2: {  	[dreg:$0x1] =	wrdreg $0xFFFFFFFF  }
0xc3: {  	_ =	task.clear_ibuf [dreg:s8], $0x2FFFF;
	_ =	strace $0x9FFFFFFF  }
0xc4: {  	(tm) =	ssettm $0x7FFFFFFF  }
0xc5: {  	_ =	shalt  }
tec
execute0_lowered:
.L_overlay_start_1:
0x0: {  	(tag) =	ssettag $0x1  }
0x1: {  	s0 =	rddreg [dreg:$0x1]  }
0x2: {  	s5 =	rddreg [dreg:$0x2];
	s1 =	simm.s32 $0x0  }
0x3: {  	s22 =	srdreg.scid;
	s4 =	stileid.u32;
	s29 =	simm.s32 $0xD000  }
0x4: {  	s20 =	simm.s32 $0xE320;
	s9 =	simm.s32 $0xE440;
	s21 =	simm.s32 $0xE560  }
0x5: {  	s10 =	simm.s32 $0xE7A0;
	s11 =	simm.s32 $0xE8C0;
	s12 =	simm.s32 $0xE9E0  }
0x6: {  	s15 =	simm.s32 $0xF1C0;
	[smem:$0x7FF] =	sst s1;
	s2 =	sadd.s32 $0xE00, s0  }
0x7: {  	s23 =	sadd.s32 $0x400, s0;
	_ =	strace $0x80000047;
	[dreg:$0x4] =	wrdreg s2  }
0x8: {  	s16 =	simm.s32 $0xF2E0;
	s3 =	sadd.s32 $0x800, s0;
	[dreg:$0x5] =	wrdreg s23  }
0x9: {  	s1 =	sand.u32 $0x1, s22;
	s0 =	sadd.s32 $0x600, s0;
	[dreg:$0x6] =	wrdreg s3  }
0xa: {  	s4 =	sshll.u32 s4, $0x1;
	s28 =	sadd.s32 $0x400, s5;
	[dreg:$0x7] =	wrdreg s0  }
0xb: {  	s30 =	sadd.s32 $0x800, s5;
	s31 =	sadd.s32 $0xC00, s5;
	[dreg:$0x9] =	wrdreg s28  }
0xc: {  	s22 =	simm.s32 $0xEC20;
	s24 =	ssub.s32 $0x2, s1;
	[dreg:$0xa] =	wrdreg s30  }
0xd: {  	s1 =	sor.u32 s1, s4;
	[dreg:$0xb] =	wrdreg s31;
	s2 =	simm.s32 $0xE680  }
0xe: {  	s3 =	simm.s32 $0xEB00;
	s25 =	sshrl.u32 s24, $0x1;
	s1 =	smul.u32 $0x3, s1  }
0xf: {  	s23 =	simm.s32 $0xED40;
	s26 =	ssub.s32 s24, s25;
	s24 =	simm.s32 $0xEE60  }
0x10: {  	s25 =	simm.s32 $0xEF80;
	[dreg:$0x8] =	wrdreg s1;
	s0 =	smax.u32 s26, $0x1  }
0x11: {  	s26 =	simm.s32 $0xF0A0;
	s1 =	simm.s32 $0x0;
	[dreg:$0xc] =	wrdreg s0  }
.LBB2_1:
0x12: {  	[dreg:$0xd] =	wrdreg s1  }
0x13: {  	s0 =	simm.s32 $0x0;
	s4 =	rddreg [dreg:$0x4];
	s5 =	simm.s32 $0xC800  }
0x14: {  	[tilespmem:s5], [sflag:$0x2] =	stream.linear.gather [hbm4b:s4+s0], $0x600, $0x38;
	[tilespmem:$0xF510] =	vst v63  }
0x15: {  	s18 =	rddreg [dreg:$0x5];
	s19 =	simm.s32 $0xCE00  }
0x16: {  	[tilespmem:s19], [sflag:$0x2] =	stream.linear.gather [hbm4b:s18+s0], $0x200, $0x38;
	[tilespmem:$0xF510] =	vst v63  }
0x17: {  	s28 =	rddreg [dreg:$0x6]  }
0x18: {  	[tilespmem:s29], [sflag:$0x2] =	stream.linear.gather [hbm4b:s28+s0], $0x2400, $0x38;
	[tilespmem:$0xF510] =	vst v63  }
0x19: {  	s30 =	simm.s32 $0xF400;
	s31 =	simm.s32 $0x2;
	s29 =	rddreg [dreg:$0x7]  }
0x1a: {  	[tilespmem:s30], [sflag:$0x2] =	stream.linear.gather [hbm4b:s29+s0], $0x110, $0x38;
	[tilespmem:$0xF510] =	vst v63  }
0x1b: {  	_ =	swait.ge [sflag:s31], $0x600  }
0x1c: {  	[sflag:s31] =	ssyncset.done $0x0  }
0x1d: {  	[sflag:s31] =	ssyncadd.s32 $0xFFFFFA00  }
0x1e: {  	_ =	swait.ge [sflag:s31], $0x200  }
0x1f: {  	[sflag:s31] =	ssyncset.done $0x0  }
0x20: {  	[sflag:s31] =	ssyncadd.s32 $0xFFFFFE00  }
0x21: {  	_ =	swait.ge [sflag:s31], $0x2400  }
0x22: {  	[sflag:s31] =	ssyncset.done $0x0  }
0x23: {  	[sflag:s31] =	ssyncadd.s32 $0xFFFFDC00  }
0x24: {  	_ =	swait.ge [sflag:s31], $0x110  }
0x25: {  	[sflag:s31] =	ssyncset.done $0x0  }
0x26: {  	s1 =	simm.s32 $0x0;
	[sflag:s31] =	ssyncadd.s32 $0xFFFFFEF0  }
.LBB2_2:
0x27: {  	s0 =	rddreg [dreg:$0x8]  }
0x28: {  	s0 =	sadd.s32 s0, s1  }
0x29: {  	s4 =	sshrl.u32 s0, $0x3  }
0x2a: {  	s0 =	sand.u32 $0x7, s0;
	s5 =	smul.u32 $0x30000, s4  }
0x2b: {  	s6 =	sshll.u32 s0, $0xD  }
0x2c: {  	s5 =	sor.u32 s6, s5  }
0x2d: {  	s28 =	rddreg [dreg:$0x0];
	s5 =	sshrl.u32 s5, $0x3  }
0x2e: {  	s8 =	simm.s32 $0x0;
	s5 =	sadd.s32 s28, s5  }
0x2f: {  	[tilespmem:s8], [sflag:$0x1] =	stream.linear.gather [hbm4b:s5+s8], $0x2000, $0x38;
	[tilespmem:$0xF510] =	vst v63  }
0x30: {  	s7 =	simm.s32 $0x2000;
	s6 =	sadd.s32 $0x2000, s5  }
0x31: {  	[tilespmem:s7], [sflag:$0x1] =	stream.linear.gather [hbm4b:s6+s8], $0x2000, $0x38;
	[tilespmem:$0xF510] =	vst v63  }
0x32: {  	s29 =	simm.s32 $0x4000;
	s30 =	simm.s32 $0x1;
	s5 =	sadd.s32 $0x4000, s5  }
0x33: {  	[tilespmem:s29], [sflag:$0x1] =	stream.linear.gather [hbm4b:s5+s8], $0x2000, $0x38;
	[tilespmem:$0xF510] =	vst v63  }
0x34: {  	_ =	swait.ge [sflag:s30], $0x2000  }
0x35: {  	[sflag:s30] =	ssyncset.done $0x0  }
0x36: {  	[sflag:s30] =	ssyncadd.s32 $0xFFFFE000  }
0x37: {  	_ =	swait.ge [sflag:s30], $0x2000  }
0x38: {  	[sflag:s30] =	ssyncset.done $0x0  }
0x39: {  	s0 =	sshll.u32 s0, $0x3;
	s31 =	smul.u32 $0x18000, s4;
	[sflag:s30] =	ssyncadd.s32 $0xFFFFE000  }
0x3a: {  	_ =	swait.ge [sflag:s30], $0x2000;
	[dreg:$0xf] =	wrdreg s0  }
0x3b: {  	[dreg:$0x10] =	wrdreg s31;
	[sflag:s30] =	ssyncset.done $0x0  }
0x3c: {  	s13 =	simm.s32 $0x0;
	[dreg:$0xe] =	wrdreg s1;
	[sflag:s30] =	ssyncadd.s32 $0xFFFFE000  }
.LBB2_3:
0x3d: {  	s0 =	simm.s32 $0x0;
	s28 =	sshll.u32 s13, $0x7  }
0x3e: {  	s4 =	simm.s32 $0x10;
	s5 =	simm.s32 $0x0;
	s0 =	sand.u32 $0x60, s0  }
0x3f: {  	s4 =	sand.u32 $0x70, s4;
	s5 =	sand.u32 $0x1C00, s5;
	s0 =	sor.u32 s0, s28  }
0x40: {  	s4 =	sor.u32 s4, s28;
	s0 =	sor.u32 s5, s0  }
0x41: {  	s4 =	sor.u32 s5, s4;
	v0 =	vld [tilespmem:s0+$0x2000]  }
0x42: {  	v1 =	vld [tilespmem:s4+$0x2000]  }
0x43: {  	v2 =	vld [tilespmem:s4+$0x4000]  }
0x44: {  	s17 =	simm.s32 $0x20;
	s6 =	simm.s32 $0x30;
	v5 =	vld [tilespmem:s0+$0x4000]  }
0x45: {  	s18 =	simm.s32 $0x100;
	s29 =	simm.s32 $0x50;
	s5 =	sand.u32 $0x60, s17  }
0x46: {  	s6 =	sand.u32 $0x70, s6;
	s0 =	sand.u32 $0x1C00, s18;
	s7 =	sor.u32 s5, s28;
	v0 =	vmul.f32 $2.880000000e+02, v0  }
0x47: {  	s30 =	simm.s32 $0x40;
	s6 =	sor.u32 s6, s28;
	s7 =	sor.u32 s0, s7;
	v6 =	vmul.f32 $2.880000000e+02, v1  }
0x48: {  	s19 =	sand.u32 $0x60, s30;
	s30 =	simm.s32 $0x200;
	s6 =	sor.u32 s0, s6;
	v1 =	vld [tilespmem:s7+$0x2000];
	v3 =	vtrunc.f32 v2;
	v0 =	vtrunc.f32 v0  }
0x49: {  	s14 =	simm.s32 $0x6030;
	s8 =	sand.u32 $0x70, s29;
	s31 =	sand.u32 $0x1C00, s30;
	v2 =	vld [tilespmem:s6+$0x2000];
	v5 =	vtrunc.f32 v5;
	v7 =	vcvt.f32.s32 v0  }
0x4a: {  	s17 =	simm.s32 $0x4;
	s4 =	simm.s32 $0x6010;
	s5 =	simm.s32 $0x6410;
	v4 =	vld [tilespmem:s6+$0x4000];
	v3 =	vcvt.f32.s32 v3;
	v6 =	vtrunc.f32 v6  }
0x4b: {  	s0 =	simm.s32 $0x6430;
	s6 =	sor.u32 s19, s28;
	v5 =	vcvt.f32.s32 v5;
	v0 =	vld [tilespmem:s7+$0x4000];
	s7 =	sor.u32 s8, s28;
	v6 =	vcvt.f32.s32 v6;
	[tilespmem:s4+$0xFFFFFFF0] =	vst v7  }
.LBB2_4:
0x4c: {  	s17 =	sadd.s32 $0x2, s17  }
0x4d: {  	s6 =	sor.u32 s31, s6;
	s7 =	sor.u32 s31, s7;
	v7 =	vmul.f32 $2.880000000e+02, v1;
	p0 =	slt.u32 s17, $0x3E  }
.Ltmp0:
0x4e: {  	v1 =	vld [tilespmem:s6+$0x2000];
	v8 =	vmul.f32 $2.880000000e+02, v2;
	[tilespmem:s4+$0x0] =	vst v6;
	s4 =	smov.u32 s14;
	(pc) =	sbr.rel @p0 .LBB2_4-.Ltmp0, $4  }
0x4f: {  	s29 =	sadd.s32 $0x20, s29;
	s31 =	smov.u32 s5;
	v2 =	vld [tilespmem:s7+$0x2000];
	v6 =	vtrunc.f32 v7;
	v7 =	vtrunc.f32 v4;
	[tilespmem:s5+$0x0] =	vst v3;
	s5 =	smov.u32 s0  }
0x50: {  	s8 =	sadd.s32 $0xFFFFFFF0, s29;
	s14 =	sadd.s32 $0x20, s14;
	s0 =	sadd.s32 $0x20, s0;
	v4 =	vld [tilespmem:s7+$0x4000];
	v6 =	vcvt.f32.s32 v6;
	v3 =	vcvt.f32.s32 v7;
	[tilespmem:s31+$0xFFFFFFF0] =	vst v5  }
0x51: {  	s30 =	sadd.s32 $0x100, s30;
	s7 =	sand.u32 $0x60, s8;
	s8 =	sand.u32 $0x70, s29;
	v5 =	vtrunc.f32 v0;
	v7 =	vtrunc.f32 v8;
	v0 =	vld [tilespmem:s6+$0x4000]  }
0x52: {  	s31 =	sand.u32 $0x1C00, s30;
	s6 =	sor.u32 s7, s28;
	s7 =	sor.u32 s8, s28;
	v5 =	vcvt.f32.s32 v5;
	[tilespmem:s4+$0xFFFFFFF0] =	vst v6;
	v6 =	vcvt.f32.s32 v7  }
0x53: {  	s6 =	sor.u32 s31, s6  }
0x54: {  	s7 =	sor.u32 s31, s7;
	v1 =	vmul.f32 $2.880000000e+02, v1;
	v7 =	vld [tilespmem:s6+$0x2000]  }
0x55: {  	v8 =	vld [tilespmem:s7+$0x2000]  }
0x56: {  	v2 =	vmul.f32 $2.880000000e+02, v2;
	v1 =	vtrunc.f32 v1  }
0x57: {  	[tilespmem:s4+$0x0] =	vst v6;
	v4 =	vtrunc.f32 v4;
	v1 =	vcvt.f32.s32 v1  }
0x58: {  	[tilespmem:s5+$0x0] =	vst v3;
	v3 =	vld [tilespmem:s7+$0x4000];
	v2 =	vtrunc.f32 v2;
	v0 =	vtrunc.f32 v0  }
0x59: {  	[tilespmem:s5+$0xFFFFFFF0] =	vst v5;
	v5 =	vld [tilespmem:s6+$0x4000];
	v2 =	vcvt.f32.s32 v2;
	v6 =	vmul.f32 $2.880000000e+02, v7  }
0x5a: {  	v0 =	vcvt.f32.s32 v0;
	[tilespmem:s14+$0xFFFFFFF0] =	vst v1;
	v1 =	vmul.f32 $2.880000000e+02, v8  }
0x5b: {  	v4 =	vcvt.f32.s32 v4;
	[tilespmem:s14+$0x0] =	vst v2;
	v2 =	vtrunc.f32 v6  }
0x5c: {  	[tilespmem:s0+$0xFFFFFFF0] =	vst v0;
	v1 =	vtrunc.f32 v1;
	v2 =	vcvt.f32.s32 v2  }
0x5d: {  	s18 =	sadd.s32 $0x20, s14;
	[tilespmem:s0+$0x0] =	vst v4;
	v3 =	vtrunc.f32 v3;
	v0 =	vcvt.f32.s32 v1  }
0x5e: {  	v1 =	vcvt.f32.s32 v3;
	v3 =	vtrunc.f32 v5;
	[tilespmem:s18+$0xFFFFFFF0] =	vst v2  }
0x5f: {  	s19 =	sadd.s32 $0x20, s0;
	s1 =	sor.u32 s1, s13;
	v2 =	vcvt.f32.s32 v3;
	[tilespmem:s18+$0x0] =	vst v0  }
0x60: {  	p0 =	seq.s32 s1, $0x0;
	[tilespmem:s19+$0x0] =	vst v1  }
0x61: {  	s0 =	simm.s32 @!p0 $0x3;
	[tilespmem:s19+$0xFFFFFFF0] =	vst v2  }
0x62: {  	_ =	swait.ge @!p0 [sflag:s0], $0x2000  }
0x63: {  	[sflag:s0] =	ssyncset.done @!p0 $0x0  }
0x64: {  	[sflag:s0] =	ssyncadd.s32 @!p0 $0xFFFFE000  }
0x65: {  	v3 =	vld [tilespmem:$0xC800]  }
0x66: {  	v4 =	vld [tilespmem:$0xC810]  }
0x67: {  	v5 =	vld [tilespmem:$0xC820]  }
0x68: {  	v7 =	vld [tilespmem:$0xC830]  }
0x69: {  	v8 =	vld [tilespmem:$0xC840]  }
0x6a: {  	v10 =	vld [tilespmem:$0xC850]  }
0x6b: {  	v11 =	vld [tilespmem:$0xC870]  }
0x6c: {  	v12 =	vld [tilespmem:$0xC8A0]  }
0x6d: {  	s29 =	simm.s32 $0x0;
	v0 =	vld [tilespmem:$0xC8B0]  }
0x6e: {  	s5 =	sand.u32 $0x1C00, s29;
	v13 =	vld [tilespmem:$0xC8D0]  }
0x6f: {  	s8 =	sand.u32 $0x60, s29;
	s14 =	sadd.s32 s28, s5;
	v14 =	vld [tilespmem:$0xC8E0]  }
0x70: {  	s17 =	sor.u32 s8, s14;
	s18 =	sor.u32 $0x10, s8;
	v15 =	vld [tilespmem:$0xC900]  }
0x71: {  	s6 =	sor.u32 s18, s14;
	v18 =	vld [tilespmem:s17+$0x2000]  }
0x72: {  	v2 =	vld [tilespmem:s6+$0x4000]  }
0x73: {  	v17 =	vld [tilespmem:$0xC930]  }
0x74: {  	v1 =	vld [tilespmem:$0xC940]  }
0x75: {  	v16 =	vld [tilespmem:s17+$0x4000]  }
0x76: {  	v9 =	vld [tilespmem:s17+$0x0];
	v24 =	vmul.f32 v18, v4;
	v19 =	vmul.f32 v18, v8  }
0x77: {  	v20 =	vld [tilespmem:$0xC960];
	v27 =	vmul.f32 v2, v5;
	v32 =	vmul.f32 v18, v11  }
0x78: {  	v53 =	vld [tilespmem:s6+$0x0];
	v25 =	vmul.f32 v2, v14;
	v21 =	vmul.f32 v18, v12  }
0x79: {  	v22 =	vld [tilespmem:$0xC890];
	v52 =	vmul.f32 v2, v1;
	v28 =	vmul.f32 v18, v13  }
0x7a: {  	v26 =	vld [tilespmem:$0xC970];
	v35 =	vmul.f32 v2, v0;
	v37 =	vmul.f32 v16, v5  }
0x7b: {  	v6 =	vld [tilespmem:$0xC860];
	v41 =	vmul.f32 v18, v15;
	v23 =	vmul.f32 v9, v7  }
0x7c: {  	v29 =	vld [tilespmem:$0xC8C0];
	v36 =	vmul.f32 v18, v17;
	v44 =	vmul.f32 v16, v14  }
0x7d: {  	v55 =	vld [tilespmem:s6+$0x2000];
	v45 =	vmul.f32 v18, v20;
	v43 =	vmul.f32 v53, v3  }
0x7e: {  	v30 =	vld [tilespmem:$0xC950];
	v18 =	vmul.f32 v9, v22;
	v31 =	vmul.f32 v53, v7  }
0x7f: {  	v39 =	vmul.f32 v16, v10;
	v40 =	vmul.f32 v16, v26  }
0x80: {  	v33 =	vld [tilespmem:$0xCE10];
	v42 =	vmul.f32 v53, v6;
	v47 =	vmul.f32 v2, v10  }
0x81: {  	v38 =	vld [tilespmem:$0xC8F0];
	v48 =	vmul.f32 v9, v29;
	v49 =	vmul.f32 v53, v22  }
0x82: {  	v50 =	vmul.f32 v55, v12;
	v34 =	vadd.f32 v19, v23;
	v19 =	vmul.f32 v55, v8;
	v23 =	vld [tilespmem:$0xC920]  }
0x83: {  	v51 =	vmul.f32 v53, v30;
	v58 =	vmul.f32 v55, v20;
	v54 =	vadd.f32 v28, v48;
	v28 =	vld [tilespmem:$0xCE70]  }
0x84: {  	v60 =	vmul.f32 v9, v30;
	v21 =	vadd.f32 v21, v18;
	v46 =	vadd.f32 v19, v31;
	v19 =	vld [tilespmem:$0xC880]  }
0x85: {  	v61 =	vmul.f32 v2, v26;
	v49 =	vadd.f32 v50, v49;
	v39 =	vadd.f32 v39, v34;
	v31 =	vld [tilespmem:$0xC910]  }
0x86: {  	v18 =	vmul.f32 v9, v3;
	v58 =	vadd.f32 v58, v51;
	v45 =	vadd.f32 v45, v60;
	v34 =	vld [tilespmem:$0xCE00]  }
0x87: {  	v48 =	vmul.f32 v9, v38;
	v47 =	vadd.f32 v47, v46;
	v57 =	vadd.f32 v39, v33;
	v39 =	vld [tilespmem:$0xCE40]  }
0x88: {  	v24 =	vadd.f32 v24, v18;
	v18 =	vld [tilespmem:$0xCE20];
	v44 =	vadd.f32 v44, v54;
	v54 =	vmul.f32 v55, v17  }
0x89: {  	s4 =	sadd.s32 $0x6800, s5;
	v50 =	vadd.f32 v35, v49;
	v35 =	vld [tilespmem:$0xCE60];
	v59 =	vmul.f32 v53, v23;
	v56 =	vadd.f32 v47, v33  }
0x8a: {  	s30 =	sor.u32 s18, s4;
	v51 =	vmul.f32 v53, v29;
	v49 =	vmul.f32 v55, v13;
	v47 =	vadd.f32 v37, v24;
	v24 =	vld [tilespmem:$0xCE30]  }
0x8b: {  	v58 =	vadd.f32 v61, v58;
	v46 =	vmul.f32 v55, v15;
	v37 =	vld [tilespmem:$0xCE50];
	v54 =	vadd.f32 v54, v59;
	[tilespmem:s30+$0x80] =	vst v56  }
0x8c: {  	s31 =	sor.u32 s8, s4;
	v53 =	vmul.f32 v53, v38;
	v56 =	vmul.f32 v55, v4;
	v44 =	vadd.f32 v44, v39;
	s19 =	rddreg [dreg:$0xf]  }
0x8d: {  	s4 =	simm.s32 $0x100;
	s0 =	simm.s32 $0x0;
	v54 =	vadd.f32 v52, v54;
	[tilespmem:s31+$0x80] =	vst v57;
	v52 =	vmul.f32 v55, v11;
	v55 =	vadd.f32 v58, v28;
	s8 =	sadd.s32 s19, s13  }
.LBB2_6:
0x8e: {  	s17 =	sand.u32 $0x1C00, s4;
	s0 =	sadd.s32 $0x2, s0;
	v57 =	vmul.f32 v9, v6;
	v41 =	vadd.f32 v41, v48;
	v43 =	vadd.f32 v56, v43;
	s29 =	sadd.s32 $0x20, s29  }
0x8f: {  	v47 =	vadd.f32 v47, v34;
	v48 =	vmul.f32 v2, v19;
	v54 =	vadd.f32 v54, v35;
	s14 =	sand.u32 $0x60, s29;
	s6 =	sadd.s32 s28, s17;
	p1 =	slt.u32 s0, $0x3E;
	[tilespmem:s30+$0x380] =	vst v55  }
0x90: {  	v50 =	vadd.f32 v50, v24;
	v46 =	vadd.f32 v46, v53;
	v53 =	vmul.f32 v2, v31;
	s7 =	sor.u32 s14, s6;
	s5 =	sor.u32 $0x10, s14  }
0x91: {  	v56 =	vmul.f32 v16, v31;
	v49 =	vadd.f32 v49, v51;
	v42 =	vadd.f32 v52, v42;
	v55 =	vld [tilespmem:s7+$0x2000];
	s6 =	sor.u32 s5, s6;
	[tilespmem:s30+$0x300] =	vst v54  }
0x92: {  	v51 =	vmul.f32 v16, v19;
	v32 =	vadd.f32 v32, v57;
	v27 =	vadd.f32 v27, v43;
	v2 =	vld [tilespmem:s6+$0x4000];
	[tilespmem:s31+$0x0] =	vst v47  }
0x93: {  	v41 =	vadd.f32 v56, v41;
	v43 =	vmul.f32 v9, v23;
	v25 =	vadd.f32 v25, v49;
	v9 =	vld [tilespmem:s7+$0x0]  }
0x94: {  	v49 =	vmul.f32 v16, v0;
	v32 =	vadd.f32 v51, v32;
	v27 =	vadd.f32 v27, v34;
	v47 =	vld [tilespmem:s7+$0x4000];
	[tilespmem:s30+$0x180] =	vst v50  }
0x95: {  	v43 =	vadd.f32 v36, v43;
	v50 =	vmul.f32 v16, v1;
	v16 =	vadd.f32 v25, v39  }
0x96: {  	v42 =	vadd.f32 v48, v42;
	v36 =	vadd.f32 v32, v18;
	v51 =	vmul.f32 v55, v4;
	[tilespmem:s30+$0x0] =	vst v27  }
0x97: {  	v40 =	vadd.f32 v40, v45;
	v48 =	vmul.f32 v55, v8;
	v27 =	vmul.f32 v2, v5;
	[tilespmem:s30+$0x200] =	vst v16  }
0x98: {  	v57 =	vadd.f32 v53, v46;
	v32 =	vmul.f32 v55, v11;
	v25 =	vmul.f32 v2, v14;
	v52 =	vld [tilespmem:s6+$0x2000];
	[tilespmem:s31+$0x100] =	vst v36  }
0x99: {  	v45 =	vmul.f32 v55, v12;
	v54 =	vmul.f32 v2, v1;
	v36 =	vadd.f32 v41, v37;
	v53 =	vld [tilespmem:s6+$0x0];
	[tilespmem:s31+$0x200] =	vst v44  }
0x9a: {  	v46 =	vadd.f32 v57, v37;
	v56 =	vmul.f32 v2, v0;
	v44 =	vmul.f32 v55, v13;
	v16 =	vmovc v47  }
0x9b: {  	v40 =	vadd.f32 v40, v28;
	v41 =	vmul.f32 v55, v15;
	v47 =	vmul.f32 v16, v5;
	[tilespmem:s31+$0x280] =	vst v36  }
0x9c: {  	v50 =	vadd.f32 v50, v43;
	v57 =	vmul.f32 v9, v7;
	v36 =	vmul.f32 v55, v17;
	[tilespmem:s30+$0x280] =	vst v46  }
0x9d: {  	v21 =	vadd.f32 v49, v21;
	v58 =	vmul.f32 v16, v14;
	v55 =	vmul.f32 v55, v20;
	[tilespmem:s31+$0x380] =	vst v40  }
0x9e: {  	v46 =	vadd.f32 v48, v57;
	v40 =	vadd.f32 v50, v35;
	v43 =	vmul.f32 v53, v3  }
0x9f: {  	v48 =	vmul.f32 v9, v22;
	v50 =	vadd.f32 v21, v24;
	v49 =	vmul.f32 v53, v7  }
0xa0: {  	v60 =	vadd.f32 v42, v18;
	v57 =	vmul.f32 v16, v10;
	v59 =	vmul.f32 v52, v8;
	[tilespmem:s31+$0x300] =	vst v40  }
0xa1: {  	v21 =	vadd.f32 v45, v48;
	v42 =	vmul.f32 v53, v6;
	v40 =	vmul.f32 v16, v26;
	[tilespmem:s31+$0x180] =	vst v50  }
0xa2: {  	v45 =	vmul.f32 v9, v3;
	v48 =	vadd.f32 v59, v49;
	v49 =	vmul.f32 v2, v10;
	[tilespmem:s30+$0x100] =	vst v60  }
0xa3: {  	v46 =	vadd.f32 v57, v46;
	v57 =	vmul.f32 v53, v22;
	v50 =	vmul.f32 v9, v29  }
0xa4: {  	v45 =	vadd.f32 v51, v45;
	v48 =	vadd.f32 v49, v48;
	v49 =	vmul.f32 v52, v12  }
0xa5: {  	v51 =	vadd.f32 v46, v33;
	v46 =	vmul.f32 v52, v15;
	v59 =	vmul.f32 v53, v30  }
0xa6: {  	s6 =	sadd.s32 $0x6800, s17;
	v60 =	vmul.f32 v52, v20;
	v44 =	vadd.f32 v44, v50;
	v50 =	vadd.f32 v48, v33  }
0xa7: {  	s30 =	sor.u32 s5, s6;
	v48 =	vmul.f32 v9, v38;
	v49 =	vadd.f32 v49, v57;
	v57 =	vmul.f32 v53, v23  }
0xa8: {  	s31 =	sor.u32 s14, s6;
	v47 =	vadd.f32 v47, v45;
	v45 =	vmul.f32 v52, v17;
	v44 =	vadd.f32 v58, v44;
	[tilespmem:s30+$0x80] =	vst v50  }
.Ltmp1:
0xa9: {  	v59 =	vadd.f32 v60, v59;
	v60 =	vmul.f32 v2, v26;
	v58 =	vmul.f32 v9, v30;
	[tilespmem:s31+$0x80] =	vst v51;
	(pc) =	sbr.rel @p1 .LBB2_6-.Ltmp1, $4  }
0xaa: {  	v57 =	vadd.f32 v45, v57;
	v50 =	vadd.f32 v56, v49;
	v49 =	vmul.f32 v52, v13  }
0xab: {  	v45 =	vadd.f32 v55, v58;
	v55 =	vadd.f32 v60, v59;
	v51 =	vmul.f32 v53, v29  }
0xac: {  	v44 =	vadd.f32 v44, v39;
	v56 =	vmul.f32 v52, v4;
	v54 =	vadd.f32 v54, v57  }
0xad: {  	s4 =	sadd.s32 $0x100, s4;
	v52 =	vmul.f32 v52, v11;
	v53 =	vmul.f32 v53, v38;
	v55 =	vadd.f32 v55, v28  }
0xae: {  	v3 =	vadd.f32 v41, v48  }
0xaf: {  	v4 =	vadd.f32 v56, v43;
	v5 =	vmul.f32 v9, v6;
	v6 =	vadd.f32 v47, v34  }
0xb0: {  	v7 =	vadd.f32 v54, v35;
	v10 =	vadd.f32 v49, v51  }
0xb1: {  	v11 =	vmul.f32 v16, v19;
	[tilespmem:s31+$0x200] =	vst v44;
	v5 =	vadd.f32 v32, v5;
	v4 =	vadd.f32 v27, v4  }
0xb2: {  	v8 =	vadd.f32 v50, v24;
	v13 =	vmul.f32 v2, v31;
	[tilespmem:s30+$0x300] =	vst v7;
	v7 =	vadd.f32 v25, v10  }
0xb3: {  	[tilespmem:s30+$0x380] =	vst v55;
	v10 =	vmul.f32 v16, v31;
	v5 =	vadd.f32 v11, v5;
	v4 =	vadd.f32 v4, v34  }
0xb4: {  	v9 =	vmul.f32 v9, v23;
	v12 =	vadd.f32 v46, v53;
	[tilespmem:s31+$0x0] =	vst v6;
	v7 =	vadd.f32 v7, v39  }
0xb5: {  	v3 =	vadd.f32 v10, v3;
	v5 =	vadd.f32 v5, v18;
	[tilespmem:s30+$0x0] =	vst v4  }
0xb6: {  	v1 =	vmul.f32 v16, v1;
	v4 =	vadd.f32 v36, v9;
	[tilespmem:s30+$0x200] =	vst v7;
	v7 =	vadd.f32 v13, v12  }
0xb7: {  	[tilespmem:s30+$0x180] =	vst v8;
	v8 =	vadd.f32 v40, v45;
	v3 =	vadd.f32 v3, v37  }
0xb8: {  	[tilespmem:s31+$0x100] =	vst v5;
	v5 =	vadd.f32 v7, v37;
	v1 =	vadd.f32 v1, v4  }
0xb9: {  	v0 =	vmul.f32 v16, v0;
	v4 =	vadd.f32 v8, v28;
	[tilespmem:s31+$0x280] =	vst v3  }
0xba: {  	v2 =	vmul.f32 v2, v19;
	v6 =	vadd.f32 v52, v42;
	[tilespmem:s30+$0x280] =	vst v5;
	v1 =	vadd.f32 v1, v35  }
0xbb: {  	v0 =	vadd.f32 v0, v21;
	[tilespmem:s31+$0x380] =	vst v4  }
0xbc: {  	s0 =	smul.u32 $0x120000, s8;
	v2 =	vadd.f32 v2, v6;
	[tilespmem:s31+$0x300] =	vst v1  }
0xbd: {  	v0 =	vadd.f32 v0, v24;
	s4 =	rddreg [dreg:$0x10]  }
0xbe: {  	v1 =	vadd.f32 v2, v18;
	s0 =	sadd.s32 s4, s0  }
0xbf: {  	s6 =	rddreg [dreg:$0x2];
	s7 =	simm.s32 $0x0;
	[tilespmem:s31+$0x180] =	vst v0;
	s4 =	sshrl.u32 s0, $0x3  }
0xc0: {  	s8 =	simm.s32 $0x6800;
	[tilespmem:s30+$0x100] =	vst v1;
	s0 =	simm.s32 @!p0 $0x4;
	s19 =	sadd.s32 s6, s4  }
0xc1: {  	[hbm4b:s19+s7] =	stream.linear.scatter [tilespmem:s8], [sflag:$0x3], $0x2000, $0x38;
	[tilespmem:$0xF510] =	vst v63  }
0xc2: {  	_ =	swait.ge @!p0 [sflag:s0], $0x2000  }
0xc3: {  	[sflag:s0] =	ssyncset.done @!p0 $0x0  }
0xc4: {  	[sflag:s0] =	ssyncadd.s32 @!p0 $0xFFFFE000  }
0xc5: {  	v3 =	vld [tilespmem:$0xC980]  }
0xc6: {  	v4 =	vld [tilespmem:$0xC990]  }
0xc7: {  	v5 =	vld [tilespmem:$0xC9A0]  }
0xc8: {  	v7 =	vld [tilespmem:$0xC9B0]  }
0xc9: {  	v8 =	vld [tilespmem:$0xC9C0]  }
0xca: {  	v10 =	vld [tilespmem:$0xC9D0]  }
0xcb: {  	v11 =	vld [tilespmem:$0xC9F0]  }
0xcc: {  	v12 =	vld [tilespmem:$0xCA20]  }
0xcd: {  	s29 =	simm.s32 $0x0;
	v0 =	vld [tilespmem:$0xCA30]  }
0xce: {  	s14 =	sand.u32 $0x1C00, s29;
	v13 =	vld [tilespmem:$0xCA50]  }
0xcf: {  	s17 =	sand.u32 $0x60, s29;
	s6 =	sadd.s32 s28, s14;
	v14 =	vld [tilespmem:$0xCA60]  }
0xd0: {  	s5 =	sor.u32 $0x10, s17;
	s7 =	sor.u32 s17, s6;
	v15 =	vld [tilespmem:$0xCA80]  }
0xd1: {  	s6 =	sor.u32 s5, s6;
	v18 =	vld [tilespmem:s7+$0x2000]  }
0xd2: {  	v2 =	vld [tilespmem:s6+$0x4000]  }
0xd3: {  	v17 =	vld [tilespmem:$0xCAB0]  }
0xd4: {  	v1 =	vld [tilespmem:$0xCAC0]  }
0xd5: {  	v16 =	vld [tilespmem:s7+$0x4000]  }
0xd6: {  	v9 =	vld [tilespmem:s7+$0x0];
	v26 =	vmul.f32 v18, v4  }
0xd7: {  	v20 =	vld [tilespmem:$0xCAE0];
	v19 =	vmul.f32 v18, v8;
	v27 =	vmul.f32 v2, v5  }
0xd8: {  	v53 =	vld [tilespmem:s6+$0x0];
	v32 =	vmul.f32 v18, v11;
	v24 =	vmul.f32 v2, v14  }
0xd9: {  	v22 =	vld [tilespmem:$0xCA10];
	v21 =	vmul.f32 v18, v12;
	v52 =	vmul.f32 v2, v1  }
0xda: {  	v6 =	vld [tilespmem:$0xC9E0];
	v28 =	vmul.f32 v18, v13;
	v35 =	vmul.f32 v2, v0  }
0xdb: {  	v25 =	vld [tilespmem:$0xCAF0];
	v37 =	vmul.f32 v16, v5;
	v41 =	vmul.f32 v18, v15  }
0xdc: {  	v29 =	vld [tilespmem:$0xCA40];
	v23 =	vmul.f32 v9, v7;
	v36 =	vmul.f32 v18, v17  }
0xdd: {  	v55 =	vld [tilespmem:s6+$0x2000];
	v44 =	vmul.f32 v16, v14;
	v45 =	vmul.f32 v18, v20  }
0xde: {  	v30 =	vld [tilespmem:$0xCAD0];
	v43 =	vmul.f32 v53, v3;
	v18 =	vmul.f32 v9, v22  }
0xdf: {  	v38 =	vld [tilespmem:$0xCA70];
	v31 =	vmul.f32 v53, v7;
	v57 =	vmul.f32 v16, v10  }
0xe0: {  	v40 =	vmul.f32 v16, v25;
	v42 =	vmul.f32 v53, v6  }
0xe1: {  	v59 =	vmul.f32 v2, v10;
	v60 =	vmul.f32 v9, v29  }
0xe2: {  	v61 =	vmul.f32 v53, v22;
	v62 =	vmul.f32 v55, v12  }
0xe3: {  	v33 =	vld [tilespmem:$0xCE90];
	v46 =	vmul.f32 v55, v15;
	v51 =	vmul.f32 v53, v30  }
0xe4: {  	v34 =	vld [tilespmem:$0xCE80];
	v48 =	vmul.f32 v9, v38;
	v56 =	vadd.f32 v19, v23;
	v19 =	vmul.f32 v55, v8  }
0xe5: {  	v21 =	vadd.f32 v21, v18;
	v23 =	vld [tilespmem:$0xCAA0];
	v18 =	vmul.f32 v9, v3;
	v63 =	vadd.f32 v28, v60  }
0xe6: {  	v54 =	vmul.f32 v55, v17;
	v28 =	vld [tilespmem:$0xCEF0];
	v58 =	vadd.f32 v19, v31;
	v39 =	vadd.f32 v57, v56  }
0xe7: {  	v49 =	vadd.f32 v62, v61;
	v60 =	vmul.f32 v9, v30;
	v19 =	vld [tilespmem:$0xCA00];
	v26 =	vadd.f32 v26, v18  }
0xe8: {  	v47 =	vadd.f32 v59, v58;
	v57 =	vadd.f32 v39, v33;
	v58 =	vmul.f32 v55, v20;
	v39 =	vld [tilespmem:$0xCEC0]  }
0xe9: {  	v61 =	vmul.f32 v2, v25;
	v31 =	vld [tilespmem:$0xCA90];
	v44 =	vadd.f32 v44, v63;
	v50 =	vadd.f32 v35, v49  }
0xea: {  	v18 =	vld [tilespmem:$0xCEA0];
	v45 =	vadd.f32 v45, v60;
	v59 =	vmul.f32 v53, v23;
	v58 =	vadd.f32 v58, v51  }
0xeb: {  	s18 =	smov.u32 s4;
	s4 =	sadd.s32 $0x8800, s14;
	v49 =	vmul.f32 v55, v13;
	v35 =	vld [tilespmem:$0xCEE0];
	v56 =	vadd.f32 v47, v33;
	v47 =	vadd.f32 v37, v26  }
0xec: {  	s30 =	sor.u32 s5, s4;
	v26 =	vld [tilespmem:$0xCEB0];
	v51 =	vmul.f32 v53, v29;
	v54 =	vadd.f32 v54, v59;
	v58 =	vadd.f32 v61, v58  }
0xed: {  	s31 =	sor.u32 s17, s4;
	v37 =	vld [tilespmem:$0xCED0];
	v53 =	vmul.f32 v53, v38;
	[tilespmem:s30+$0x80] =	vst v56;
	v56 =	vmul.f32 v55, v4;
	v44 =	vadd.f32 v44, v39  }
0xee: {  	s4 =	simm.s32 $0x100;
	s8 =	simm.s32 $0xD360;
	s0 =	simm.s32 $0x0;
	[tilespmem:s31+$0x80] =	vst v57;
	v54 =	vadd.f32 v52, v54;
	v52 =	vmul.f32 v55, v11;
	v55 =	vadd.f32 v58, v28  }
.LBB2_8:
0xef: {  	s17 =	sand.u32 $0x1C00, s4;
	s0 =	sadd.s32 $0x2, s0;
	v57 =	vmul.f32 v9, v6;
	v41 =	vadd.f32 v41, v48;
	v43 =	vadd.f32 v56, v43;
	s29 =	sadd.s32 $0x20, s29  }
0xf0: {  	v47 =	vadd.f32 v47, v34;
	v48 =	vmul.f32 v2, v19;
	v54 =	vadd.f32 v54, v35;
	s14 =	sand.u32 $0x60, s29;
	s6 =	sadd.s32 s28, s17;
	p1 =	slt.u32 s0, $0x3E;
	[tilespmem:s30+$0x380] =	vst v55  }
0xf1: {  	v50 =	vadd.f32 v50, v26;
	v46 =	vadd.f32 v46, v53;
	v53 =	vmul.f32 v2, v31;
	s7 =	sor.u32 s14, s6;
	s5 =	sor.u32 $0x10, s14  }
0xf2: {  	v56 =	vmul.f32 v16, v31;
	v49 =	vadd.f32 v49, v51;
	v42 =	vadd.f32 v52, v42;
	v55 =	vld [tilespmem:s7+$0x2000];
	s6 =	sor.u32 s5, s6;
	[tilespmem:s30+$0x300] =	vst v54  }
0xf3: {  	v51 =	vmul.f32 v16, v19;
	v32 =	vadd.f32 v32, v57;
	v27 =	vadd.f32 v27, v43;
	v2 =	vld [tilespmem:s6+$0x4000];
	[tilespmem:s31+$0x0] =	vst v47  }
0xf4: {  	v41 =	vadd.f32 v56, v41;
	v43 =	vmul.f32 v9, v23;
	v24 =	vadd.f32 v24, v49;
	v9 =	vld [tilespmem:s7+$0x0]  }
0xf5: {  	v49 =	vmul.f32 v16, v0;
	v32 =	vadd.f32 v51, v32;
	v27 =	vadd.f32 v27, v34;
	v47 =	vld [tilespmem:s7+$0x4000];
	[tilespmem:s30+$0x180] =	vst v50  }
0xf6: {  	v43 =	vadd.f32 v36, v43;
	v50 =	vmul.f32 v16, v1;
	v16 =	vadd.f32 v24, v39  }
0xf7: {  	v42 =	vadd.f32 v48, v42;
	v36 =	vadd.f32 v32, v18;
	v51 =	vmul.f32 v55, v4;
	[tilespmem:s30+$0x0] =	vst v27  }
0xf8: {  	v40 =	vadd.f32 v40, v45;
	v48 =	vmul.f32 v55, v8;
	v27 =	vmul.f32 v2, v5;
	[tilespmem:s30+$0x200] =	vst v16  }
0xf9: {  	v57 =	vadd.f32 v53, v46;
	v32 =	vmul.f32 v55, v11;
	v24 =	vmul.f32 v2, v14;
	v52 =	vld [tilespmem:s6+$0x2000];
	[tilespmem:s31+$0x100] =	vst v36  }
0xfa: {  	v45 =	vmul.f32 v55, v12;
	v54 =	vmul.f32 v2, v1;
	v36 =	vadd.f32 v41, v37;
	v53 =	vld [tilespmem:s6+$0x0];
	[tilespmem:s31+$0x200] =	vst v44  }
0xfb: {  	v46 =	vadd.f32 v57, v37;
	v56 =	vmul.f32 v2, v0;
	v44 =	vmul.f32 v55, v13;
	v16 =	vmovc v47  }
0xfc: {  	v40 =	vadd.f32 v40, v28;
	v41 =	vmul.f32 v55, v15;
	v47 =	vmul.f32 v16, v5;
	[tilespmem:s31+$0x280] =	vst v36  }
0xfd: {  	v50 =	vadd.f32 v50, v43;
	v57 =	vmul.f32 v9, v7;
	v36 =	vmul.f32 v55, v17;
	[tilespmem:s30+$0x280] =	vst v46  }
0xfe: {  	v21 =	vadd.f32 v49, v21;
	v58 =	vmul.f32 v16, v14;
	v55 =	vmul.f32 v55, v20;
	[tilespmem:s31+$0x380] =	vst v40  }
0xff: {  	v46 =	vadd.f32 v48, v57;
	v40 =	vadd.f32 v50, v35;
	v43 =	vmul.f32 v53, v3  }
0x100: {  	v48 =	vmul.f32 v9, v22;
	v50 =	vadd.f32 v21, v26;
	v49 =	vmul.f32 v53, v7  }
0x101: {  	v60 =	vadd.f32 v42, v18;
	v57 =	vmul.f32 v16, v10;
	v59 =	vmul.f32 v52, v8;
	[tilespmem:s31+$0x300] =	vst v40  }
0x102: {  	v21 =	vadd.f32 v45, v48;
	v42 =	vmul.f32 v53, v6;
	v40 =	vmul.f32 v16, v25;
	[tilespmem:s31+$0x180] =	vst v50  }
0x103: {  	v45 =	vmul.f32 v9, v3;
	v48 =	vadd.f32 v59, v49;
	v49 =	vmul.f32 v2, v10;
	[tilespmem:s30+$0x100] =	vst v60  }
0x104: {  	v46 =	vadd.f32 v57, v46;
	v57 =	vmul.f32 v53, v22;
	v50 =	vmul.f32 v9, v29  }
0x105: {  	v45 =	vadd.f32 v51, v45;
	v48 =	vadd.f32 v49, v48;
	v49 =	vmul.f32 v52, v12  }
0x106: {  	v51 =	vadd.f32 v46, v33;
	v46 =	vmul.f32 v52, v15;
	v59 =	vmul.f32 v53, v30  }
0x107: {  	s6 =	sadd.s32 $0x8800, s17;
	v60 =	vmul.f32 v52, v20;
	v44 =	vadd.f32 v44, v50;
	v50 =	vadd.f32 v48, v33  }
0x108: {  	s30 =	sor.u32 s5, s6;
	v48 =	vmul.f32 v9, v38;
	v49 =	vadd.f32 v49, v57;
	v57 =	vmul.f32 v53, v23  }
0x109: {  	s31 =	sor.u32 s14, s6;
	v47 =	vadd.f32 v47, v45;
	v45 =	vmul.f32 v52, v17;
	v44 =	vadd.f32 v58, v44;
	[tilespmem:s30+$0x80] =	vst v50  }
.Ltmp2:
0x10a: {  	v59 =	vadd.f32 v60, v59;
	v60 =	vmul.f32 v2, v25;
	v58 =	vmul.f32 v9, v30;
	[tilespmem:s31+$0x80] =	vst v51;
	(pc) =	sbr.rel @p1 .LBB2_8-.Ltmp2, $4  }
0x10b: {  	v57 =	vadd.f32 v45, v57;
	v50 =	vadd.f32 v56, v49;
	v49 =	vmul.f32 v52, v13  }
0x10c: {  	v45 =	vadd.f32 v55, v58;
	v55 =	vadd.f32 v60, v59;
	v51 =	vmul.f32 v53, v29  }
0x10d: {  	v44 =	vadd.f32 v44, v39;
	v56 =	vmul.f32 v52, v4;
	v54 =	vadd.f32 v54, v57  }
0x10e: {  	s4 =	sadd.s32 $0x100, s4;
	v52 =	vmul.f32 v52, v11;
	v53 =	vmul.f32 v53, v38;
	v55 =	vadd.f32 v55, v28  }
0x10f: {  	v3 =	vadd.f32 v41, v48;
	v4 =	vadd.f32 v56, v43  }
0x110: {  	v5 =	vmul.f32 v9, v6;
	v6 =	vadd.f32 v47, v34;
	v7 =	vadd.f32 v54, v35  }
0x111: {  	v8 =	vadd.f32 v50, v26;
	v10 =	vadd.f32 v49, v51  }
0x112: {  	v0 =	vmul.f32 v16, v0;
	[tilespmem:s31+$0x200] =	vst v44;
	v12 =	vadd.f32 v46, v53;
	v5 =	vadd.f32 v32, v5  }
0x113: {  	v11 =	vmul.f32 v16, v19;
	v4 =	vadd.f32 v27, v4;
	[tilespmem:s30+$0x300] =	vst v7;
	v7 =	vadd.f32 v24, v10  }
0x114: {  	v10 =	vmul.f32 v16, v31;
	[tilespmem:s31+$0x0] =	vst v6;
	v6 =	vadd.f32 v52, v42;
	v0 =	vadd.f32 v0, v21  }
0x115: {  	v9 =	vmul.f32 v9, v23;
	[tilespmem:s30+$0x380] =	vst v55;
	v5 =	vadd.f32 v11, v5;
	v4 =	vadd.f32 v4, v34  }
0x116: {  	v13 =	vmul.f32 v2, v31;
	[tilespmem:s30+$0x180] =	vst v8;
	v7 =	vadd.f32 v7, v39;
	v3 =	vadd.f32 v10, v3  }
0x117: {  	v1 =	vmul.f32 v16, v1;
	v0 =	vadd.f32 v0, v26;
	[tilespmem:s30+$0x0] =	vst v4;
	v4 =	vadd.f32 v36, v9  }
0x118: {  	v5 =	vadd.f32 v5, v18;
	[tilespmem:s30+$0x200] =	vst v7;
	v7 =	vadd.f32 v13, v12  }
0x119: {  	v2 =	vmul.f32 v2, v19;
	v3 =	vadd.f32 v3, v37;
	[tilespmem:s31+$0x180] =	vst v0;
	v1 =	vadd.f32 v1, v4  }
0x11a: {  	v8 =	vadd.f32 v40, v45;
	[tilespmem:s31+$0x100] =	vst v5;
	v5 =	vadd.f32 v7, v37  }
0x11b: {  	v2 =	vadd.f32 v2, v6;
	[tilespmem:s31+$0x280] =	vst v3;
	v1 =	vadd.f32 v1, v35  }
0x11c: {  	v4 =	vadd.f32 v8, v28;
	[tilespmem:s30+$0x280] =	vst v5  }
0x11d: {  	[tilespmem:s31+$0x300] =	vst v1;
	v1 =	vadd.f32 v2, v18  }
0x11e: {  	[tilespmem:s31+$0x380] =	vst v4  }
0x11f: {  	[tilespmem:s30+$0x100] =	vst v1  }
0x120: {  	s0 =	rddreg [dreg:$0x9]  }
0x121: {  	s4 =	simm.s32 $0x0;
	s5 =	simm.s32 $0x8800;
	s0 =	sadd.s32 s18, s0  }
0x122: {  	[hbm4b:s0+s4] =	stream.linear.scatter [tilespmem:s5], [sflag:$0x4], $0x2000, $0x38;
	[tilespmem:$0xF510] =	vst v63  }
0x123: {  	s0 =	simm.s32 @!p0 $0x5  }
0x124: {  	_ =	swait.ge @!p0 [sflag:s0], $0x2000  }
0x125: {  	[sflag:s0] =	ssyncset.done @!p0 $0x0  }
0x126: {  	[sflag:s0] =	ssyncadd.s32 @!p0 $0xFFFFE000  }
0x127: {  	v3 =	vld [tilespmem:$0xCB00]  }
0x128: {  	v4 =	vld [tilespmem:$0xCB10]  }
0x129: {  	v5 =	vld [tilespmem:$0xCB20]  }
0x12a: {  	v7 =	vld [tilespmem:$0xCB30]  }
0x12b: {  	v8 =	vld [tilespmem:$0xCB40]  }
0x12c: {  	v10 =	vld [tilespmem:$0xCB50]  }
0x12d: {  	v11 =	vld [tilespmem:$0xCB70]  }
0x12e: {  	v12 =	vld [tilespmem:$0xCBA0]  }
0x12f: {  	s29 =	simm.s32 $0x0;
	v0 =	vld [tilespmem:$0xCBB0]  }
0x130: {  	s5 =	sand.u32 $0x1C00, s29;
	v13 =	vld [tilespmem:$0xCBD0]  }
0x131: {  	s14 =	sand.u32 $0x60, s29;
	s6 =	sadd.s32 s28, s5;
	v14 =	vld [tilespmem:$0xCBE0]  }
0x132: {  	s17 =	sor.u32 $0x10, s14;
	s7 =	sor.u32 s14, s6;
	v15 =	vld [tilespmem:$0xCC00]  }
0x133: {  	s6 =	sor.u32 s17, s6;
	v18 =	vld [tilespmem:s7+$0x2000]  }
0x134: {  	v2 =	vld [tilespmem:s6+$0x4000]  }
0x135: {  	v17 =	vld [tilespmem:$0xCC30]  }
0x136: {  	v1 =	vld [tilespmem:$0xCC40]  }
0x137: {  	v16 =	vld [tilespmem:s7+$0x4000]  }
0x138: {  	v9 =	vld [tilespmem:s7+$0x0];
	v26 =	vmul.f32 v18, v4  }
0x139: {  	v20 =	vld [tilespmem:$0xCC60];
	v19 =	vmul.f32 v18, v8;
	v27 =	vmul.f32 v2, v5  }
0x13a: {  	v53 =	vld [tilespmem:s6+$0x0];
	v32 =	vmul.f32 v18, v11;
	v24 =	vmul.f32 v2, v14  }
0x13b: {  	v22 =	vld [tilespmem:$0xCB90];
	v21 =	vmul.f32 v18, v12;
	v52 =	vmul.f32 v2, v1  }
0x13c: {  	v6 =	vld [tilespmem:$0xCB60];
	v28 =	vmul.f32 v18, v13;
	v35 =	vmul.f32 v2, v0  }
0x13d: {  	v25 =	vld [tilespmem:$0xCC70];
	v37 =	vmul.f32 v16, v5;
	v41 =	vmul.f32 v18, v15  }
0x13e: {  	v29 =	vld [tilespmem:$0xCBC0];
	v23 =	vmul.f32 v9, v7;
	v36 =	vmul.f32 v18, v17  }
0x13f: {  	v55 =	vld [tilespmem:s6+$0x2000];
	v44 =	vmul.f32 v16, v14;
	v45 =	vmul.f32 v18, v20  }
0x140: {  	v30 =	vld [tilespmem:$0xCC50];
	v43 =	vmul.f32 v53, v3;
	v18 =	vmul.f32 v9, v22  }
0x141: {  	v38 =	vld [tilespmem:$0xCBF0];
	v31 =	vmul.f32 v53, v7;
	v57 =	vmul.f32 v16, v10  }
0x142: {  	v40 =	vmul.f32 v16, v25;
	v42 =	vmul.f32 v53, v6  }
0x143: {  	v59 =	vmul.f32 v2, v10;
	v60 =	vmul.f32 v9, v29  }
0x144: {  	v61 =	vmul.f32 v53, v22;
	v62 =	vmul.f32 v55, v12  }
0x145: {  	v33 =	vld [tilespmem:$0xCF10];
	v46 =	vmul.f32 v55, v15;
	v51 =	vmul.f32 v53, v30  }
0x146: {  	v34 =	vld [tilespmem:$0xCF00];
	v48 =	vmul.f32 v9, v38;
	v56 =	vadd.f32 v19, v23;
	v19 =	vmul.f32 v55, v8  }
0x147: {  	v21 =	vadd.f32 v21, v18;
	v23 =	vld [tilespmem:$0xCC20];
	v18 =	vmul.f32 v9, v3;
	v63 =	vadd.f32 v28, v60  }
0x148: {  	v54 =	vmul.f32 v55, v17;
	v28 =	vld [tilespmem:$0xCF70];
	v58 =	vadd.f32 v19, v31;
	v39 =	vadd.f32 v57, v56  }
0x149: {  	v49 =	vadd.f32 v62, v61;
	v60 =	vmul.f32 v9, v30;
	v19 =	vld [tilespmem:$0xCB80];
	v26 =	vadd.f32 v26, v18  }
0x14a: {  	v47 =	vadd.f32 v59, v58;
	v57 =	vadd.f32 v39, v33;
	v58 =	vmul.f32 v55, v20;
	v39 =	vld [tilespmem:$0xCF40]  }
0x14b: {  	v61 =	vmul.f32 v2, v25;
	v31 =	vld [tilespmem:$0xCC10];
	v44 =	vadd.f32 v44, v63;
	v50 =	vadd.f32 v35, v49  }
0x14c: {  	v18 =	vld [tilespmem:$0xCF20];
	v45 =	vadd.f32 v45, v60;
	v59 =	vmul.f32 v53, v23;
	v58 =	vadd.f32 v58, v51  }
0x14d: {  	s4 =	sadd.s32 $0xA800, s5;
	v49 =	vmul.f32 v55, v13;
	v35 =	vld [tilespmem:$0xCF60];
	v56 =	vadd.f32 v47, v33;
	v47 =	vadd.f32 v37, v26  }
0x14e: {  	s30 =	sor.u32 s17, s4;
	v26 =	vld [tilespmem:$0xCF30];
	v51 =	vmul.f32 v53, v29;
	v54 =	vadd.f32 v54, v59;
	v58 =	vadd.f32 v61, v58  }
0x14f: {  	s31 =	sor.u32 s14, s4;
	v37 =	vld [tilespmem:$0xCF50];
	v53 =	vmul.f32 v53, v38;
	[tilespmem:s30+$0x80] =	vst v56;
	v56 =	vmul.f32 v55, v4;
	v44 =	vadd.f32 v44, v39  }
0x150: {  	s4 =	simm.s32 $0x100;
	s0 =	simm.s32 $0x0;
	[tilespmem:s31+$0x80] =	vst v57;
	v54 =	vadd.f32 v52, v54;
	v52 =	vmul.f32 v55, v11;
	v55 =	vadd.f32 v58, v28  }
.LBB2_10:
0x151: {  	s17 =	sand.u32 $0x1C00, s4;
	s0 =	sadd.s32 $0x2, s0;
	v57 =	vmul.f32 v9, v6;
	v41 =	vadd.f32 v41, v48;
	v43 =	vadd.f32 v56, v43;
	s29 =	sadd.s32 $0x20, s29  }
0x152: {  	v47 =	vadd.f32 v47, v34;
	v48 =	vmul.f32 v2, v19;
	v54 =	vadd.f32 v54, v35;
	s14 =	sand.u32 $0x60, s29;
	s6 =	sadd.s32 s28, s17;
	p0 =	slt.u32 s0, $0x3E;
	[tilespmem:s30+$0x380] =	vst v55  }
0x153: {  	v50 =	vadd.f32 v50, v26;
	v46 =	vadd.f32 v46, v53;
	v53 =	vmul.f32 v2, v31;
	s7 =	sor.u32 s14, s6;
	s5 =	sor.u32 $0x10, s14  }
0x154: {  	v56 =	vmul.f32 v16, v31;
	v49 =	vadd.f32 v49, v51;
	v42 =	vadd.f32 v52, v42;
	v55 =	vld [tilespmem:s7+$0x2000];
	s6 =	sor.u32 s5, s6;
	[tilespmem:s30+$0x300] =	vst v54  }
0x155: {  	v51 =	vmul.f32 v16, v19;
	v32 =	vadd.f32 v32, v57;
	v27 =	vadd.f32 v27, v43;
	v2 =	vld [tilespmem:s6+$0x4000];
	[tilespmem:s31+$0x0] =	vst v47  }
0x156: {  	v41 =	vadd.f32 v56, v41;
	v43 =	vmul.f32 v9, v23;
	v24 =	vadd.f32 v24, v49;
	v9 =	vld [tilespmem:s7+$0x0]  }
0x157: {  	v49 =	vmul.f32 v16, v0;
	v32 =	vadd.f32 v51, v32;
	v27 =	vadd.f32 v27, v34;
	v47 =	vld [tilespmem:s7+$0x4000];
	[tilespmem:s30+$0x180] =	vst v50  }
0x158: {  	v43 =	vadd.f32 v36, v43;
	v50 =	vmul.f32 v16, v1;
	v16 =	vadd.f32 v24, v39  }
0x159: {  	v42 =	vadd.f32 v48, v42;
	v36 =	vadd.f32 v32, v18;
	v51 =	vmul.f32 v55, v4;
	[tilespmem:s30+$0x0] =	vst v27  }
0x15a: {  	v40 =	vadd.f32 v40, v45;
	v48 =	vmul.f32 v55, v8;
	v27 =	vmul.f32 v2, v5;
	[tilespmem:s30+$0x200] =	vst v16  }
0x15b: {  	v57 =	vadd.f32 v53, v46;
	v32 =	vmul.f32 v55, v11;
	v24 =	vmul.f32 v2, v14;
	v52 =	vld [tilespmem:s6+$0x2000];
	[tilespmem:s31+$0x100] =	vst v36  }
0x15c: {  	v45 =	vmul.f32 v55, v12;
	v54 =	vmul.f32 v2, v1;
	v36 =	vadd.f32 v41, v37;
	v53 =	vld [tilespmem:s6+$0x0];
	[tilespmem:s31+$0x200] =	vst v44  }
0x15d: {  	v46 =	vadd.f32 v57, v37;
	v56 =	vmul.f32 v2, v0;
	v44 =	vmul.f32 v55, v13;
	v16 =	vmovc v47  }
0x15e: {  	v40 =	vadd.f32 v40, v28;
	v41 =	vmul.f32 v55, v15;
	v47 =	vmul.f32 v16, v5;
	[tilespmem:s31+$0x280] =	vst v36  }
0x15f: {  	v50 =	vadd.f32 v50, v43;
	v57 =	vmul.f32 v9, v7;
	v36 =	vmul.f32 v55, v17;
	[tilespmem:s30+$0x280] =	vst v46  }
0x160: {  	v21 =	vadd.f32 v49, v21;
	v58 =	vmul.f32 v16, v14;
	v55 =	vmul.f32 v55, v20;
	[tilespmem:s31+$0x380] =	vst v40  }
0x161: {  	v46 =	vadd.f32 v48, v57;
	v40 =	vadd.f32 v50, v35;
	v43 =	vmul.f32 v53, v3  }
0x162: {  	v48 =	vmul.f32 v9, v22;
	v50 =	vadd.f32 v21, v26;
	v49 =	vmul.f32 v53, v7  }
0x163: {  	v60 =	vadd.f32 v42, v18;
	v57 =	vmul.f32 v16, v10;
	v59 =	vmul.f32 v52, v8;
	[tilespmem:s31+$0x300] =	vst v40  }
0x164: {  	v21 =	vadd.f32 v45, v48;
	v42 =	vmul.f32 v53, v6;
	v40 =	vmul.f32 v16, v25;
	[tilespmem:s31+$0x180] =	vst v50  }
0x165: {  	v45 =	vmul.f32 v9, v3;
	v48 =	vadd.f32 v59, v49;
	v49 =	vmul.f32 v2, v10;
	[tilespmem:s30+$0x100] =	vst v60  }
0x166: {  	v46 =	vadd.f32 v57, v46;
	v57 =	vmul.f32 v53, v22;
	v50 =	vmul.f32 v9, v29  }
0x167: {  	v45 =	vadd.f32 v51, v45;
	v48 =	vadd.f32 v49, v48;
	v49 =	vmul.f32 v52, v12  }
0x168: {  	v51 =	vadd.f32 v46, v33;
	v46 =	vmul.f32 v52, v15;
	v59 =	vmul.f32 v53, v30  }
0x169: {  	s6 =	sadd.s32 $0xA800, s17;
	v60 =	vmul.f32 v52, v20;
	v44 =	vadd.f32 v44, v50;
	v50 =	vadd.f32 v48, v33  }
0x16a: {  	s30 =	sor.u32 s5, s6;
	v48 =	vmul.f32 v9, v38;
	v49 =	vadd.f32 v49, v57;
	v57 =	vmul.f32 v53, v23  }
0x16b: {  	s31 =	sor.u32 s14, s6;
	v47 =	vadd.f32 v47, v45;
	v45 =	vmul.f32 v52, v17;
	v44 =	vadd.f32 v58, v44;
	[tilespmem:s30+$0x80] =	vst v50  }
.Ltmp3:
0x16c: {  	v59 =	vadd.f32 v60, v59;
	v60 =	vmul.f32 v2, v25;
	v58 =	vmul.f32 v9, v30;
	[tilespmem:s31+$0x80] =	vst v51;
	(pc) =	sbr.rel @p0 .LBB2_10-.Ltmp3, $4  }
0x16d: {  	v57 =	vadd.f32 v45, v57;
	v50 =	vadd.f32 v56, v49;
	v49 =	vmul.f32 v52, v13  }
0x16e: {  	v45 =	vadd.f32 v55, v58;
	v55 =	vadd.f32 v60, v59;
	v51 =	vmul.f32 v53, v29  }
0x16f: {  	v44 =	vadd.f32 v44, v39;
	v56 =	vmul.f32 v52, v4;
	v54 =	vadd.f32 v54, v57  }
0x170: {  	s4 =	sadd.s32 $0x100, s4;
	v52 =	vmul.f32 v52, v11;
	v53 =	vmul.f32 v53, v38;
	v55 =	vadd.f32 v55, v28  }
0x171: {  	v3 =	vadd.f32 v41, v48;
	v4 =	vadd.f32 v56, v43  }
0x172: {  	v5 =	vmul.f32 v9, v6;
	v6 =	vadd.f32 v47, v34;
	v7 =	vadd.f32 v54, v35  }
0x173: {  	[dreg:$0x11] =	wrdreg s13;
	v8 =	vadd.f32 v50, v26;
	v10 =	vadd.f32 v49, v51  }
0x174: {  	v0 =	vmul.f32 v16, v0;
	[tilespmem:s30+$0x380] =	vst v55;
	v12 =	vadd.f32 v46, v53;
	v5 =	vadd.f32 v32, v5  }
0x175: {  	v11 =	vmul.f32 v16, v19;
	v4 =	vadd.f32 v27, v4;
	[tilespmem:s30+$0x300] =	vst v7;
	v7 =	vadd.f32 v24, v10  }
0x176: {  	v10 =	vmul.f32 v16, v31;
	[tilespmem:s31+$0x0] =	vst v6;
	v6 =	vadd.f32 v52, v42;
	v0 =	vadd.f32 v0, v21  }
0x177: {  	v9 =	vmul.f32 v9, v23;
	[tilespmem:s31+$0x200] =	vst v44;
	v5 =	vadd.f32 v11, v5;
	v4 =	vadd.f32 v4, v34  }
0x178: {  	v13 =	vmul.f32 v2, v31;
	[tilespmem:s30+$0x180] =	vst v8;
	v7 =	vadd.f32 v7, v39;
	v3 =	vadd.f32 v10, v3  }
0x179: {  	v1 =	vmul.f32 v16, v1;
	v0 =	vadd.f32 v0, v26;
	[tilespmem:s30+$0x0] =	vst v4;
	v4 =	vadd.f32 v36, v9  }
0x17a: {  	v5 =	vadd.f32 v5, v18;
	[tilespmem:s30+$0x200] =	vst v7;
	v7 =	vadd.f32 v13, v12  }
0x17b: {  	v2 =	vmul.f32 v2, v19;
	v3 =	vadd.f32 v3, v37;
	[tilespmem:s31+$0x180] =	vst v0;
	v1 =	vadd.f32 v1, v4  }
0x17c: {  	v8 =	vadd.f32 v40, v45;
	[tilespmem:s31+$0x100] =	vst v5;
	v5 =	vadd.f32 v7, v37  }
0x17d: {  	v2 =	vadd.f32 v2, v6;
	[tilespmem:s31+$0x280] =	vst v3;
	v1 =	vadd.f32 v1, v35  }
0x17e: {  	v4 =	vadd.f32 v8, v28;
	[tilespmem:s30+$0x280] =	vst v5  }
0x17f: {  	[tilespmem:s31+$0x300] =	vst v1;
	v1 =	vadd.f32 v2, v18  }
0x180: {  	[tilespmem:s31+$0x380] =	vst v4  }
0x181: {  	[tilespmem:s30+$0x100] =	vst v1  }
0x182: {  	s29 =	simm.s32 $0x0;
	s0 =	rddreg [dreg:$0xa]  }
0x183: {  	s4 =	simm.s32 $0xA800;
	s13 =	simm.s32 $0x3;
	s0 =	sadd.s32 s18, s0  }
0x184: {  	[hbm4b:s0+s29] =	stream.linear.scatter [tilespmem:s4], [sflag:$0x5], $0x2000, $0x38;
	[tilespmem:$0xF510] =	vst v63  }
0x185: {  	_ =	swait.ge [sflag:s13], $0x2000  }
0x186: {  	[sflag:s13] =	ssyncset.done $0x0  }
0x187: {  	[sflag:s13] =	ssyncadd.s32 $0xFFFFE000  }
0x188: {  	v3 =	vld [tilespmem:$0xCC80]  }
0x189: {  	v4 =	vld [tilespmem:$0xCC90]  }
0x18a: {  	v5 =	vld [tilespmem:$0xCCA0]  }
0x18b: {  	v7 =	vld [tilespmem:$0xCCB0]  }
0x18c: {  	v9 =	vld [tilespmem:$0xCCC0]  }
0x18d: {  	v10 =	vld [tilespmem:$0xCCD0]  }
0x18e: {  	v11 =	vld [tilespmem:$0xCCF0]  }
0x18f: {  	v12 =	vld [tilespmem:$0xCD20]  }
0x190: {  	v0 =	vld [tilespmem:$0xCD30]  }
0x191: {  	s14 =	sand.u32 $0x1C00, s29;
	v13 =	vld [tilespmem:$0xCD50]  }
0x192: {  	s17 =	sand.u32 $0x60, s29;
	s6 =	sadd.s32 s28, s14;
	v14 =	vld [tilespmem:$0xCD60]  }
0x193: {  	s5 =	sor.u32 $0x10, s17;
	s7 =	sor.u32 s17, s6;
	v15 =	vld [tilespmem:$0xCD80]  }
0x194: {  	s6 =	sor.u32 s5, s6;
	v18 =	vld [tilespmem:s7+$0x2000]  }
0x195: {  	v2 =	vld [tilespmem:s6+$0x4000]  }
0x196: {  	v17 =	vld [tilespmem:$0xCDB0]  }
0x197: {  	v1 =	vld [tilespmem:$0xCDC0]  }
0x198: {  	v16 =	vld [tilespmem:s7+$0x4000]  }
0x199: {  	v8 =	vld [tilespmem:s7+$0x0];
	v26 =	vmul.f32 v18, v4  }
0x19a: {  	v20 =	vld [tilespmem:$0xCDE0];
	v19 =	vmul.f32 v18, v9;
	v27 =	vmul.f32 v2, v5  }
0x19b: {  	v53 =	vld [tilespmem:s6+$0x0];
	v32 =	vmul.f32 v18, v11;
	v24 =	vmul.f32 v2, v14  }
0x19c: {  	v22 =	vld [tilespmem:$0xCD10];
	v21 =	vmul.f32 v18, v12;
	v52 =	vmul.f32 v2, v1  }
0x19d: {  	v6 =	vld [tilespmem:$0xCCE0];
	v28 =	vmul.f32 v18, v13;
	v35 =	vmul.f32 v2, v0  }
0x19e: {  	v25 =	vld [tilespmem:$0xCDF0];
	v37 =	vmul.f32 v16, v5;
	v41 =	vmul.f32 v18, v15  }
0x19f: {  	v29 =	vld [tilespmem:$0xCD40];
	v23 =	vmul.f32 v8, v7;
	v36 =	vmul.f32 v18, v17  }
0x1a0: {  	v55 =	vld [tilespmem:s6+$0x2000];
	v44 =	vmul.f32 v16, v14;
	v45 =	vmul.f32 v18, v20  }
0x1a1: {  	v30 =	vld [tilespmem:$0xCDD0];
	v43 =	vmul.f32 v53, v3;
	v18 =	vmul.f32 v8, v22  }
0x1a2: {  	v38 =	vld [tilespmem:$0xCD70];
	v31 =	vmul.f32 v53, v7;
	v57 =	vmul.f32 v16, v10  }
0x1a3: {  	v40 =	vmul.f32 v16, v25;
	v42 =	vmul.f32 v53, v6  }
0x1a4: {  	v59 =	vmul.f32 v2, v10;
	v60 =	vmul.f32 v8, v29  }
0x1a5: {  	v61 =	vmul.f32 v53, v22;
	v62 =	vmul.f32 v55, v12  }
0x1a6: {  	v33 =	vld [tilespmem:$0xCF90];
	v46 =	vmul.f32 v55, v15;
	v51 =	vmul.f32 v53, v30  }
0x1a7: {  	v34 =	vld [tilespmem:$0xCF80];
	v48 =	vmul.f32 v8, v38;
	v56 =	vadd.f32 v19, v23;
	v19 =	vmul.f32 v55, v9  }
0x1a8: {  	v21 =	vadd.f32 v21, v18;
	v23 =	vld [tilespmem:$0xCDA0];
	v18 =	vmul.f32 v8, v3;
	v63 =	vadd.f32 v28, v60  }
0x1a9: {  	v54 =	vmul.f32 v55, v17;
	v28 =	vld [tilespmem:$0xCFF0];
	v58 =	vadd.f32 v19, v31;
	v39 =	vadd.f32 v57, v56  }
0x1aa: {  	v49 =	vadd.f32 v62, v61;
	v60 =	vmul.f32 v8, v30;
	v19 =	vld [tilespmem:$0xCD00];
	v26 =	vadd.f32 v26, v18  }
0x1ab: {  	v47 =	vadd.f32 v59, v58;
	v57 =	vadd.f32 v39, v33;
	v58 =	vmul.f32 v55, v20;
	v39 =	vld [tilespmem:$0xCFC0]  }
0x1ac: {  	v61 =	vmul.f32 v2, v25;
	v31 =	vld [tilespmem:$0xCD90];
	v44 =	vadd.f32 v44, v63;
	v50 =	vadd.f32 v35, v49  }
0x1ad: {  	v18 =	vld [tilespmem:$0xCFA0];
	v45 =	vadd.f32 v45, v60;
	v59 =	vmul.f32 v53, v23;
	v58 =	vadd.f32 v58, v51  }
0x1ae: {  	s4 =	sadd.s32 $0x6800, s14;
	v49 =	vmul.f32 v55, v13;
	v35 =	vld [tilespmem:$0xCFE0];
	v56 =	vadd.f32 v47, v33;
	v47 =	vadd.f32 v37, v26  }
0x1af: {  	s30 =	sor.u32 s5, s4;
	v26 =	vld [tilespmem:$0xCFB0];
	v51 =	vmul.f32 v53, v29;
	v54 =	vadd.f32 v54, v59;
	v58 =	vadd.f32 v61, v58  }
0x1b0: {  	s31 =	sor.u32 s17, s4;
	v37 =	vld [tilespmem:$0xCFD0];
	v53 =	vmul.f32 v53, v38;
	[tilespmem:s30+$0x80] =	vst v56;
	v56 =	vmul.f32 v55, v4;
	v44 =	vadd.f32 v44, v39  }
0x1b1: {  	s0 =	simm.s32 $0x0;
	s4 =	simm.s32 $0x100;
	[tilespmem:s31+$0x80] =	vst v57;
	v54 =	vadd.f32 v52, v54;
	v52 =	vmul.f32 v55, v11;
	v55 =	vadd.f32 v58, v28  }
.LBB2_12:
0x1b2: {  	s17 =	sand.u32 $0x1C00, s4;
	s0 =	sadd.s32 $0x2, s0;
	v57 =	vmul.f32 v8, v6;
	v41 =	vadd.f32 v41, v48;
	v43 =	vadd.f32 v56, v43;
	s29 =	sadd.s32 $0x20, s29  }
0x1b3: {  	v47 =	vadd.f32 v47, v34;
	v48 =	vmul.f32 v2, v19;
	v54 =	vadd.f32 v54, v35;
	s14 =	sand.u32 $0x60, s29;
	s6 =	sadd.s32 s28, s17;
	p0 =	slt.u32 s0, $0x3E;
	[tilespmem:s30+$0x380] =	vst v55  }
0x1b4: {  	v50 =	vadd.f32 v50, v26;
	v46 =	vadd.f32 v46, v53;
	v53 =	vmul.f32 v2, v31;
	s7 =	sor.u32 s14, s6;
	s5 =	sor.u32 $0x10, s14  }
0x1b5: {  	v56 =	vmul.f32 v16, v31;
	v49 =	vadd.f32 v49, v51;
	v42 =	vadd.f32 v52, v42;
	v55 =	vld [tilespmem:s7+$0x2000];
	s6 =	sor.u32 s5, s6;
	[tilespmem:s30+$0x300] =	vst v54  }
0x1b6: {  	v51 =	vmul.f32 v16, v19;
	v32 =	vadd.f32 v32, v57;
	v27 =	vadd.f32 v27, v43;
	v2 =	vld [tilespmem:s6+$0x4000];
	[tilespmem:s31+$0x0] =	vst v47  }
0x1b7: {  	v41 =	vadd.f32 v56, v41;
	v43 =	vmul.f32 v8, v23;
	v24 =	vadd.f32 v24, v49;
	v8 =	vld [tilespmem:s7+$0x0]  }
0x1b8: {  	v49 =	vmul.f32 v16, v0;
	v32 =	vadd.f32 v51, v32;
	v27 =	vadd.f32 v27, v34;
	v47 =	vld [tilespmem:s7+$0x4000];
	[tilespmem:s30+$0x180] =	vst v50  }
0x1b9: {  	v43 =	vadd.f32 v36, v43;
	v50 =	vmul.f32 v16, v1;
	v16 =	vadd.f32 v24, v39  }
0x1ba: {  	v42 =	vadd.f32 v48, v42;
	v36 =	vadd.f32 v32, v18;
	v51 =	vmul.f32 v55, v4;
	[tilespmem:s30+$0x0] =	vst v27  }
0x1bb: {  	v40 =	vadd.f32 v40, v45;
	v48 =	vmul.f32 v55, v9;
	v27 =	vmul.f32 v2, v5;
	[tilespmem:s30+$0x200] =	vst v16  }
0x1bc: {  	v57 =	vadd.f32 v53, v46;
	v32 =	vmul.f32 v55, v11;
	v24 =	vmul.f32 v2, v14;
	v52 =	vld [tilespmem:s6+$0x2000];
	[tilespmem:s31+$0x100] =	vst v36  }
0x1bd: {  	v45 =	vmul.f32 v55, v12;
	v54 =	vmul.f32 v2, v1;
	v36 =	vadd.f32 v41, v37;
	v53 =	vld [tilespmem:s6+$0x0];
	[tilespmem:s31+$0x200] =	vst v44  }
0x1be: {  	v46 =	vadd.f32 v57, v37;
	v56 =	vmul.f32 v2, v0;
	v44 =	vmul.f32 v55, v13;
	v16 =	vmovc v47  }
0x1bf: {  	v40 =	vadd.f32 v40, v28;
	v41 =	vmul.f32 v55, v15;
	v47 =	vmul.f32 v16, v5;
	[tilespmem:s31+$0x280] =	vst v36  }
0x1c0: {  	v50 =	vadd.f32 v50, v43;
	v57 =	vmul.f32 v8, v7;
	v36 =	vmul.f32 v55, v17;
	[tilespmem:s30+$0x280] =	vst v46  }
0x1c1: {  	v21 =	vadd.f32 v49, v21;
	v58 =	vmul.f32 v16, v14;
	v55 =	vmul.f32 v55, v20;
	[tilespmem:s31+$0x380] =	vst v40  }
0x1c2: {  	v46 =	vadd.f32 v48, v57;
	v40 =	vadd.f32 v50, v35;
	v43 =	vmul.f32 v53, v3  }
0x1c3: {  	v48 =	vmul.f32 v8, v22;
	v50 =	vadd.f32 v21, v26;
	v49 =	vmul.f32 v53, v7  }
0x1c4: {  	v60 =	vadd.f32 v42, v18;
	v57 =	vmul.f32 v16, v10;
	v59 =	vmul.f32 v52, v9;
	[tilespmem:s31+$0x300] =	vst v40  }
0x1c5: {  	v21 =	vadd.f32 v45, v48;
	v42 =	vmul.f32 v53, v6;
	v40 =	vmul.f32 v16, v25;
	[tilespmem:s31+$0x180] =	vst v50  }
0x1c6: {  	v45 =	vmul.f32 v8, v3;
	v48 =	vadd.f32 v59, v49;
	v49 =	vmul.f32 v2, v10;
	[tilespmem:s30+$0x100] =	vst v60  }
0x1c7: {  	v46 =	vadd.f32 v57, v46;
	v57 =	vmul.f32 v53, v22;
	v50 =	vmul.f32 v8, v29  }
0x1c8: {  	v45 =	vadd.f32 v51, v45;
	v48 =	vadd.f32 v49, v48;
	v49 =	vmul.f32 v52, v12  }
0x1c9: {  	v51 =	vadd.f32 v46, v33;
	v46 =	vmul.f32 v52, v15;
	v59 =	vmul.f32 v53, v30  }
0x1ca: {  	s6 =	sadd.s32 $0x6800, s17;
	v60 =	vmul.f32 v52, v20;
	v44 =	vadd.f32 v44, v50;
	v50 =	vadd.f32 v48, v33  }
0x1cb: {  	s30 =	sor.u32 s5, s6;
	v48 =	vmul.f32 v8, v38;
	v49 =	vadd.f32 v49, v57;
	v57 =	vmul.f32 v53, v23  }
0x1cc: {  	s31 =	sor.u32 s14, s6;
	v47 =	vadd.f32 v47, v45;
	v45 =	vmul.f32 v52, v17;
	v44 =	vadd.f32 v58, v44;
	[tilespmem:s30+$0x80] =	vst v50  }
.Ltmp4:
0x1cd: {  	v59 =	vadd.f32 v60, v59;
	v60 =	vmul.f32 v2, v25;
	v58 =	vmul.f32 v8, v30;
	[tilespmem:s31+$0x80] =	vst v51;
	(pc) =	sbr.rel @p0 .LBB2_12-.Ltmp4, $4  }
0x1ce: {  	v57 =	vadd.f32 v45, v57;
	v50 =	vadd.f32 v56, v49;
	v49 =	vmul.f32 v52, v13  }
0x1cf: {  	v45 =	vadd.f32 v55, v58;
	v55 =	vadd.f32 v60, v59;
	v51 =	vmul.f32 v53, v29  }
0x1d0: {  	v44 =	vadd.f32 v44, v39;
	v56 =	vmul.f32 v52, v4;
	v54 =	vadd.f32 v54, v57  }
0x1d1: {  	s4 =	sadd.s32 $0x100, s4;
	v52 =	vmul.f32 v52, v11;
	v53 =	vmul.f32 v53, v38;
	v55 =	vadd.f32 v55, v28  }
0x1d2: {  	v3 =	vadd.f32 v41, v48;
	v4 =	vadd.f32 v56, v43  }
0x1d3: {  	v5 =	vmul.f32 v8, v6;
	v6 =	vadd.f32 v47, v34;
	v7 =	vadd.f32 v54, v35  }
0x1d4: {  	v9 =	vadd.f32 v50, v26;
	v10 =	vadd.f32 v49, v51  }
0x1d5: {  	v62 =	vmul.f32 v16, v31;
	[tilespmem:s31+$0x200] =	vst v44;
	v12 =	vadd.f32 v46, v53;
	v5 =	vadd.f32 v32, v5  }
0x1d6: {  	v0 =	vmul.f32 v16, v0;
	v4 =	vadd.f32 v27, v4;
	[tilespmem:s30+$0x300] =	vst v7;
	v7 =	vadd.f32 v24, v10  }
0x1d7: {  	v11 =	vmul.f32 v16, v19;
	[tilespmem:s31+$0x0] =	vst v6;
	v6 =	vadd.f32 v52, v42;
	v3 =	vadd.f32 v62, v3  }
0x1d8: {  	v8 =	vmul.f32 v8, v23;
	[tilespmem:s30+$0x380] =	vst v55;
	v0 =	vadd.f32 v0, v21;
	v4 =	vadd.f32 v4, v34  }
0x1d9: {  	v13 =	vmul.f32 v2, v31;
	[tilespmem:s30+$0x180] =	vst v9;
	v5 =	vadd.f32 v11, v5;
	v7 =	vadd.f32 v7, v39  }
0x1da: {  	v1 =	vmul.f32 v16, v1;
	v3 =	vadd.f32 v3, v37;
	[tilespmem:s30+$0x0] =	vst v4;
	v4 =	vadd.f32 v36, v8  }
0x1db: {  	v5 =	vadd.f32 v5, v18;
	[tilespmem:s30+$0x200] =	vst v7;
	v7 =	vadd.f32 v13, v12  }
0x1dc: {  	v2 =	vmul.f32 v2, v19;
	v0 =	vadd.f32 v0, v26;
	[tilespmem:s31+$0x280] =	vst v3;
	v1 =	vadd.f32 v1, v4  }
0x1dd: {  	v8 =	vadd.f32 v40, v45;
	[tilespmem:s31+$0x100] =	vst v5;
	v5 =	vadd.f32 v7, v37  }
0x1de: {  	v2 =	vadd.f32 v2, v6;
	[tilespmem:s31+$0x180] =	vst v0;
	v1 =	vadd.f32 v1, v35  }
0x1df: {  	v4 =	vadd.f32 v8, v28;
	[tilespmem:s30+$0x280] =	vst v5  }
0x1e0: {  	[tilespmem:s31+$0x300] =	vst v1;
	v1 =	vadd.f32 v2, v18  }
0x1e1: {  	[tilespmem:s31+$0x380] =	vst v4  }
0x1e2: {  	[tilespmem:s30+$0x100] =	vst v1  }
0x1e3: {  	s1 =	simm.s32 $0x6800;
	s0 =	rddreg [dreg:$0xb]  }
0x1e4: {  	s6 =	simm.s32 $0x4;
	s4 =	sadd.s32 s18, s0;
	s0 =	simm.s32 $0x0  }
0x1e5: {  	[hbm4b:s4+s0] =	stream.linear.scatter [tilespmem:s1], [sflag:$0x3], $0x2000, $0x38;
	[tilespmem:$0xF510] =	vst v63  }
0x1e6: {  	_ =	swait.ge [sflag:s6], $0x2000  }
0x1e7: {  	[sflag:s6] =	ssyncset.done $0x0  }
0x1e8: {  	s7 =	simm.s32 $0x6010;
	[sflag:s6] =	ssyncadd.s32 $0xFFFFE000  }
0x1e9: {  	v5 =	vld [tilespmem:s7+$0x0];
	_ =	sdelay $0x6  }
0x1ea: {  	s29 =	simm.s32 $0xD000;
	v0 =	vld [tilespmem:s7+$0xFFFFFFF0]  }
0x1eb: {  	s13 =	simm.s32 $0xD7E0;
	v7 =	vld.idx.msk [tilespmem:v5+s29+$0x0], $0xffff  }
0x1ec: {  	s31 =	simm.s32 $0xD120;
	v8 =	vld.idx.msk [tilespmem:v5+s13+$0x0], $0xffff  }
0x1ed: {  	s7 =	simm.s32 $0xD240;
	v63 =	vld.idx.msk [tilespmem:v5+s31+$0x0], $0xffff  }
0x1ee: {  	v1 =	vld.idx.msk [tilespmem:v5+s7+$0x0], $0xffff  }
0x1ef: {  	s5 =	simm.s32 $0x10;
	s30 =	simm.s32 $0xD480;
	s14 =	sand.u32 $0x1C00, s0;
	v2 =	vld.idx.msk [tilespmem:v5+s8+$0x0], $0xffff  }
0x1f0: {  	s18 =	simm.s32 $0xD6C0;
	s4 =	sadd.s32 $0x8800, s14;
	s6 =	sand.u32 $0x70, s5;
	v3 =	vld.idx.msk [tilespmem:v5+s30+$0x0], $0xffff  }
0x1f1: {  	s28 =	sor.u32 s6, s4;
	s13 =	simm.s32 $0xD5A0;
	v6 =	vld.idx.msk [tilespmem:v5+s18+$0x0], $0xffff  }
0x1f2: {  	s17 =	simm.s32 $0x0;
	v4 =	vld.idx.msk [tilespmem:v5+s13+$0x0], $0xffff;
	[tilespmem:s28+$0x380] =	vst v8  }
0x1f3: {  	s1 =	simm.s32 $0xD7E0;
	s6 =	sand.u32 $0x60, s17;
	v5 =	vld.idx.msk [tilespmem:v0+s29+$0x0], $0xffff;
	[tilespmem:s28+$0x0] =	vst v7  }
0x1f4: {  	s14 =	simm.s32 $0x0;
	s17 =	simm.s32 $0x6030;
	s4 =	sor.u32 s6, s4;
	v7 =	vld.idx.msk [tilespmem:v0+s31+$0x0], $0xffff;
	[tilespmem:s28+$0x80] =	vst v63  }
.LBB2_14:
0x1f5: {  	v8 =	vld [tilespmem:s17+$0x0];
	[tilespmem:s28+$0x100] =	vst v1  }
0x1f6: {  	s14 =	sadd.s32 $0x2, s14;
	v1 =	vld [tilespmem:s17+$0xFFFFFFF0];
	[tilespmem:s28+$0x180] =	vst v2  }
0x1f7: {  	p0 =	slt.u32 s14, $0x3E;
	v2 =	vld.idx.msk [tilespmem:v0+s7+$0x0], $0xffff;
	[tilespmem:s28+$0x200] =	vst v3  }
0x1f8: {  	v3 =	vld.idx.msk [tilespmem:v0+s8+$0x0], $0xffff;
	[tilespmem:s28+$0x280] =	vst v4  }
0x1f9: {  	v4 =	vld.idx.msk [tilespmem:v0+s30+$0x0], $0xffff;
	[tilespmem:s28+$0x300] =	vst v6  }
0x1fa: {  	v6 =	vld.idx.msk [tilespmem:v0+s13+$0x0], $0xffff  }
0x1fb: {  	v9 =	vld.idx.msk [tilespmem:v0+s18+$0x0], $0xffff  }
0x1fc: {  	v10 =	vld.idx.msk [tilespmem:v0+s1+$0x0], $0xffff;
	[tilespmem:s4+$0x0] =	vst v5;
	v0 =	vmov v1  }
0x1fd: {  	v11 =	vld.idx.msk [tilespmem:v8+s29+$0x0], $0xffff;
	[tilespmem:s4+$0x80] =	vst v7  }
0x1fe: {  	v5 =	vld.idx.msk [tilespmem:v8+s1+$0x0], $0xffff;
	[tilespmem:s4+$0x100] =	vst v2  }
0x1ff: {  	s0 =	sadd.s32 $0x100, s0;
	v12 =	vld.idx.msk [tilespmem:v8+s31+$0x0], $0xffff;
	[tilespmem:s4+$0x180] =	vst v3  }
0x200: {  	s6 =	sand.u32 $0x1C00, s0;
	v1 =	vld.idx.msk [tilespmem:v8+s7+$0x0], $0xffff;
	[tilespmem:s4+$0x200] =	vst v4  }
0x201: {  	s5 =	sadd.s32 $0x20, s5;
	s6 =	sadd.s32 $0x8800, s6;
	v2 =	vld.idx.msk [tilespmem:v8+s8+$0x0], $0xffff;
	[tilespmem:s4+$0x280] =	vst v6  }
.Ltmp5:
0x202: {  	s7 =	sadd.s32 $0xFFFFFFF0, s5;
	s8 =	sand.u32 $0x70, s5;
	v3 =	vld.idx.msk [tilespmem:v8+s30+$0x0], $0xffff;
	[tilespmem:s4+$0x300] =	vst v9;
	(pc) =	sbr.rel @p0 .LBB2_14-.Ltmp5, $4  }
0x203: {  	s7 =	sand.u32 $0x60, s7;
	s28 =	sor.u32 s8, s6;
	s8 =	simm.s32 $0xD360;
	v4 =	vld.idx.msk [tilespmem:v8+s13+$0x0], $0xffff;
	[tilespmem:s4+$0x380] =	vst v10  }
0x204: {  	s4 =	sor.u32 s7, s6;
	s7 =	simm.s32 $0xD240;
	v6 =	vld.idx.msk [tilespmem:v8+s18+$0x0], $0xffff;
	[tilespmem:s28+$0x380] =	vst v5  }
0x205: {  	v5 =	vld.idx.msk [tilespmem:v0+s29+$0x0], $0xffff;
	[tilespmem:s28+$0x0] =	vst v11  }
0x206: {  	s17 =	sadd.s32 $0x20, s17;
	v7 =	vld.idx.msk [tilespmem:v0+s31+$0x0], $0xffff;
	[tilespmem:s28+$0x80] =	vst v12  }
0x207: {  	_ =	sdelay $0x3  }
0x208: {  	v8 =	vld.idx.msk [tilespmem:v0+s7+$0x0], $0xffff;
	[tilespmem:s28+$0x100] =	vst v1  }
0x209: {  	v1 =	vld.idx.msk [tilespmem:v0+s8+$0x0], $0xffff;
	[tilespmem:s28+$0x180] =	vst v2  }
0x20a: {  	v2 =	vld.idx.msk [tilespmem:v0+s30+$0x0], $0xffff;
	[tilespmem:s28+$0x200] =	vst v3  }
0x20b: {  	v3 =	vld.idx.msk [tilespmem:v0+s13+$0x0], $0xffff;
	[tilespmem:s28+$0x280] =	vst v4  }
0x20c: {  	v4 =	vld.idx.msk [tilespmem:v0+s18+$0x0], $0xffff;
	[tilespmem:s28+$0x300] =	vst v6  }
0x20d: {  	v0 =	vld.idx.msk [tilespmem:v0+s1+$0x0], $0xffff;
	[tilespmem:s4+$0x0] =	vst v5  }
0x20e: {  	[tilespmem:s4+$0x80] =	vst v7  }
0x20f: {  	[tilespmem:s4+$0x100] =	vst v8  }
0x210: {  	[tilespmem:s4+$0x180] =	vst v1  }
0x211: {  	[tilespmem:s4+$0x200] =	vst v2  }
0x212: {  	[tilespmem:s4+$0x280] =	vst v3  }
0x213: {  	[tilespmem:s4+$0x300] =	vst v4  }
0x214: {  	s6 =	sadd.s32 $0x1000, s19;
	s0 =	simm.s32 $0x0;
	[tilespmem:s4+$0x380] =	vst v0  }
0x215: {  	s7 =	simm.s32 $0x8800;
	s8 =	simm.s32 $0x5;
	[dreg:$0x12] =	wrdreg s19  }
0x216: {  	[hbm4b:s6+s0] =	stream.linear.scatter [tilespmem:s7], [sflag:$0x4], $0x2000, $0x38;
	[tilespmem:$0xF510] =	vst v63  }
0x217: {  	_ =	swait.ge [sflag:s8], $0x2000  }
0x218: {  	[sflag:s8] =	ssyncset.done $0x0  }
0x219: {  	s13 =	simm.s32 $0x6010;
	[sflag:s8] =	ssyncadd.s32 $0xFFFFE000  }
0x21a: {  	v5 =	vld [tilespmem:s13+$0x0];
	_ =	sdelay $0x6  }
0x21b: {  	s18 =	simm.s32 $0xD900;
	v0 =	vld [tilespmem:s13+$0xFFFFFFF0]  }
0x21c: {  	s19 =	simm.s32 $0xE0E0;
	v7 =	vld.idx.msk [tilespmem:v5+s18+$0x0], $0xffff  }
0x21d: {  	s30 =	simm.s32 $0xDA20;
	v8 =	vld.idx.msk [tilespmem:v5+s19+$0x0], $0xffff  }
0x21e: {  	s7 =	simm.s32 $0xDB40;
	v9 =	vld.idx.msk [tilespmem:v5+s30+$0x0], $0xffff  }
0x21f: {  	s8 =	simm.s32 $0xDC60;
	v1 =	vld.idx.msk [tilespmem:v5+s7+$0x0], $0xffff  }
0x220: {  	s5 =	simm.s32 $0x10;
	s14 =	sand.u32 $0x1C00, s0;
	s13 =	simm.s32 $0xDD80;
	v2 =	vld.idx.msk [tilespmem:v5+s8+$0x0], $0xffff  }
0x221: {  	s31 =	simm.s32 $0xDEA0;
	s4 =	sadd.s32 $0xA800, s14;
	s6 =	sand.u32 $0x70, s5;
	v3 =	vld.idx.msk [tilespmem:v5+s13+$0x0], $0xffff  }
0x222: {  	s1 =	simm.s32 $0xDFC0;
	s28 =	sor.u32 s6, s4;
	v4 =	vld.idx.msk [tilespmem:v5+s31+$0x0], $0xffff  }
0x223: {  	s17 =	simm.s32 $0x0;
	v6 =	vld.idx.msk [tilespmem:v5+s1+$0x0], $0xffff;
	[tilespmem:s28+$0x380] =	vst v8  }
0x224: {  	s6 =	sand.u32 $0x60, s17;
	v5 =	vld.idx.msk [tilespmem:v0+s18+$0x0], $0xffff;
	[tilespmem:s28+$0x0] =	vst v7  }
0x225: {  	s14 =	simm.s32 $0x0;
	s17 =	simm.s32 $0x6030;
	s4 =	sor.u32 s6, s4;
	v7 =	vld.idx.msk [tilespmem:v0+s30+$0x0], $0xffff;
	[tilespmem:s28+$0x80] =	vst v9  }
.LBB2_16:
0x226: {  	v8 =	vld [tilespmem:s17+$0x0];
	[tilespmem:s28+$0x100] =	vst v1  }
0x227: {  	s14 =	sadd.s32 $0x2, s14;
	v1 =	vld [tilespmem:s17+$0xFFFFFFF0];
	[tilespmem:s28+$0x180] =	vst v2  }
0x228: {  	p0 =	slt.u32 s14, $0x3E;
	v2 =	vld.idx.msk [tilespmem:v0+s7+$0x0], $0xffff;
	[tilespmem:s28+$0x200] =	vst v3  }
0x229: {  	v3 =	vld.idx.msk [tilespmem:v0+s8+$0x0], $0xffff;
	[tilespmem:s28+$0x280] =	vst v4  }
0x22a: {  	v4 =	vld.idx.msk [tilespmem:v0+s13+$0x0], $0xffff;
	[tilespmem:s28+$0x300] =	vst v6  }
0x22b: {  	v6 =	vld.idx.msk [tilespmem:v0+s31+$0x0], $0xffff  }
0x22c: {  	v9 =	vld.idx.msk [tilespmem:v0+s1+$0x0], $0xffff  }
0x22d: {  	v10 =	vld.idx.msk [tilespmem:v0+s19+$0x0], $0xffff;
	[tilespmem:s4+$0x0] =	vst v5;
	v0 =	vmov v1  }
0x22e: {  	v11 =	vld.idx.msk [tilespmem:v8+s18+$0x0], $0xffff;
	[tilespmem:s4+$0x80] =	vst v7  }
0x22f: {  	v5 =	vld.idx.msk [tilespmem:v8+s19+$0x0], $0xffff;
	[tilespmem:s4+$0x100] =	vst v2  }
0x230: {  	s0 =	sadd.s32 $0x100, s0;
	v12 =	vld.idx.msk [tilespmem:v8+s30+$0x0], $0xffff;
	[tilespmem:s4+$0x180] =	vst v3  }
0x231: {  	s6 =	sand.u32 $0x1C00, s0;
	v1 =	vld.idx.msk [tilespmem:v8+s7+$0x0], $0xffff;
	[tilespmem:s4+$0x200] =	vst v4  }
0x232: {  	s5 =	sadd.s32 $0x20, s5;
	s6 =	sadd.s32 $0xA800, s6;
	v2 =	vld.idx.msk [tilespmem:v8+s8+$0x0], $0xffff;
	[tilespmem:s4+$0x280] =	vst v6  }
.Ltmp6:
0x233: {  	s7 =	sadd.s32 $0xFFFFFFF0, s5;
	s8 =	sand.u32 $0x70, s5;
	v3 =	vld.idx.msk [tilespmem:v8+s13+$0x0], $0xffff;
	[tilespmem:s4+$0x300] =	vst v9;
	(pc) =	sbr.rel @p0 .LBB2_16-.Ltmp6, $4  }
0x234: {  	s7 =	sand.u32 $0x60, s7;
	s28 =	sor.u32 s8, s6;
	s8 =	simm.s32 $0xDC60;
	v4 =	vld.idx.msk [tilespmem:v8+s31+$0x0], $0xffff;
	[tilespmem:s4+$0x380] =	vst v10  }
0x235: {  	s4 =	sor.u32 s7, s6;
	s7 =	simm.s32 $0xDB40;
	v6 =	vld.idx.msk [tilespmem:v8+s1+$0x0], $0xffff;
	[tilespmem:s28+$0x380] =	vst v5  }
0x236: {  	v5 =	vld.idx.msk [tilespmem:v0+s18+$0x0], $0xffff;
	[tilespmem:s28+$0x0] =	vst v11  }
0x237: {  	s17 =	sadd.s32 $0x20, s17;
	v7 =	vld.idx.msk [tilespmem:v0+s30+$0x0], $0xffff;
	[tilespmem:s28+$0x80] =	vst v12  }
0x238: {  	_ =	sdelay $0x3  }
0x239: {  	v8 =	vld.idx.msk [tilespmem:v0+s7+$0x0], $0xffff;
	[tilespmem:s28+$0x100] =	vst v1  }
0x23a: {  	v1 =	vld.idx.msk [tilespmem:v0+s8+$0x0], $0xffff;
	[tilespmem:s28+$0x180] =	vst v2  }
0x23b: {  	v2 =	vld.idx.msk [tilespmem:v0+s13+$0x0], $0xffff;
	[tilespmem:s28+$0x200] =	vst v3  }
0x23c: {  	v3 =	vld.idx.msk [tilespmem:v0+s31+$0x0], $0xffff;
	[tilespmem:s28+$0x280] =	vst v4  }
0x23d: {  	v4 =	vld.idx.msk [tilespmem:v0+s1+$0x0], $0xffff;
	[tilespmem:s28+$0x300] =	vst v6  }
0x23e: {  	v0 =	vld.idx.msk [tilespmem:v0+s19+$0x0], $0xffff;
	[tilespmem:s4+$0x0] =	vst v5  }
0x23f: {  	[tilespmem:s4+$0x80] =	vst v7  }
0x240: {  	[tilespmem:s4+$0x100] =	vst v8  }
0x241: {  	[tilespmem:s4+$0x180] =	vst v1  }
0x242: {  	[tilespmem:s4+$0x200] =	vst v2  }
0x243: {  	[tilespmem:s4+$0x280] =	vst v3  }
0x244: {  	[tilespmem:s4+$0x300] =	vst v4  }
0x245: {  	[tilespmem:s4+$0x380] =	vst v0  }
0x246: {  	s0 =	simm.s32 $0x0;
	s19 =	rddreg [dreg:$0x12]  }
0x247: {  	s5 =	simm.s32 $0xA800;
	s17 =	simm.s32 $0x3;
	s14 =	sadd.s32 $0x1400, s19  }
0x248: {  	[hbm4b:s14+s0] =	stream.linear.scatter [tilespmem:s5], [sflag:$0x5], $0x2000, $0x38;
	[tilespmem:$0xF510] =	vst v63  }
0x249: {  	_ =	swait.ge [sflag:s17], $0x2000  }
0x24a: {  	[sflag:s17] =	ssyncset.done $0x0  }
0x24b: {  	s18 =	simm.s32 $0x6010;
	[sflag:s17] =	ssyncadd.s32 $0xFFFFE000  }
0x24c: {  	v5 =	vld [tilespmem:s18+$0x0];
	_ =	sdelay $0x6  }
0x24d: {  	s1 =	simm.s32 $0xE200;
	v0 =	vld [tilespmem:s18+$0xFFFFFFF0]  }
0x24e: {  	v7 =	vld.idx.msk [tilespmem:v5+s1+$0x0], $0xffff  }
0x24f: {  	v8 =	vld.idx.msk [tilespmem:v5+s12+$0x0], $0xffff  }
0x250: {  	v9 =	vld.idx.msk [tilespmem:v5+s20+$0x0], $0xffff  }
0x251: {  	v1 =	vld.idx.msk [tilespmem:v5+s9+$0x0], $0xffff  }
0x252: {  	s30 =	sand.u32 $0x1C00, s0;
	s5 =	simm.s32 $0x10;
	v2 =	vld.idx.msk [tilespmem:v5+s21+$0x0], $0xffff  }
0x253: {  	s4 =	sadd.s32 $0x6800, s30;
	s6 =	sand.u32 $0x70, s5;
	v3 =	vld.idx.msk [tilespmem:v5+s2+$0x0], $0xffff  }
0x254: {  	s28 =	sor.u32 s6, s4;
	v4 =	vld.idx.msk [tilespmem:v5+s10+$0x0], $0xffff  }
0x255: {  	s31 =	simm.s32 $0x0;
	v6 =	vld.idx.msk [tilespmem:v5+s11+$0x0], $0xffff;
	[tilespmem:s28+$0x380] =	vst v8  }
0x256: {  	s6 =	sand.u32 $0x60, s31;
	v5 =	vld.idx.msk [tilespmem:v0+s1+$0x0], $0xffff;
	[tilespmem:s28+$0x0] =	vst v7  }
0x257: {  	s14 =	simm.s32 $0x0;
	s4 =	sor.u32 s6, s4;
	s17 =	simm.s32 $0x6030;
	v7 =	vld.idx.msk [tilespmem:v0+s20+$0x0], $0xffff;
	[tilespmem:s28+$0x80] =	vst v9  }
.LBB2_18:
0x258: {  	v8 =	vld [tilespmem:s17+$0x0];
	[tilespmem:s28+$0x100] =	vst v1  }
0x259: {  	s14 =	sadd.s32 $0x2, s14;
	v1 =	vld [tilespmem:s17+$0xFFFFFFF0];
	[tilespmem:s28+$0x180] =	vst v2  }
0x25a: {  	p0 =	slt.u32 s14, $0x3E;
	v2 =	vld.idx.msk [tilespmem:v0+s9+$0x0], $0xffff;
	[tilespmem:s28+$0x200] =	vst v3  }
0x25b: {  	v3 =	vld.idx.msk [tilespmem:v0+s21+$0x0], $0xffff;
	[tilespmem:s28+$0x280] =	vst v4  }
0x25c: {  	v4 =	vld.idx.msk [tilespmem:v0+s2+$0x0], $0xffff;
	[tilespmem:s28+$0x300] =	vst v6  }
0x25d: {  	v6 =	vld.idx.msk [tilespmem:v0+s10+$0x0], $0xffff  }
0x25e: {  	v9 =	vld.idx.msk [tilespmem:v0+s11+$0x0], $0xffff  }
0x25f: {  	v10 =	vld.idx.msk [tilespmem:v0+s12+$0x0], $0xffff;
	[tilespmem:s4+$0x0] =	vst v5;
	v0 =	vmov v1  }
0x260: {  	v11 =	vld.idx.msk [tilespmem:v8+s1+$0x0], $0xffff;
	[tilespmem:s4+$0x80] =	vst v7  }
0x261: {  	v5 =	vld.idx.msk [tilespmem:v8+s12+$0x0], $0xffff;
	[tilespmem:s4+$0x100] =	vst v2  }
0x262: {  	v12 =	vld.idx.msk [tilespmem:v8+s20+$0x0], $0xffff;
	[tilespmem:s4+$0x180] =	vst v3  }
0x263: {  	s0 =	sadd.s32 $0x100, s0;
	s5 =	sadd.s32 $0x20, s5;
	v1 =	vld.idx.msk [tilespmem:v8+s9+$0x0], $0xffff;
	[tilespmem:s4+$0x200] =	vst v4  }
0x264: {  	s6 =	sand.u32 $0x1C00, s0;
	s7 =	sadd.s32 $0xFFFFFFF0, s5;
	v2 =	vld.idx.msk [tilespmem:v8+s21+$0x0], $0xffff;
	[tilespmem:s4+$0x280] =	vst v6  }
.Ltmp7:
0x265: {  	s8 =	sand.u32 $0x70, s5;
	s6 =	sadd.s32 $0x6800, s6;
	v3 =	vld.idx.msk [tilespmem:v8+s2+$0x0], $0xffff;
	[tilespmem:s4+$0x300] =	vst v9;
	(pc) =	sbr.rel @p0 .LBB2_18-.Ltmp7, $4  }
0x266: {  	s7 =	sand.u32 $0x60, s7;
	s28 =	sor.u32 s8, s6;
	v4 =	vld.idx.msk [tilespmem:v8+s10+$0x0], $0xffff;
	[tilespmem:s4+$0x380] =	vst v10  }
0x267: {  	s4 =	sor.u32 s7, s6;
	v6 =	vld.idx.msk [tilespmem:v8+s11+$0x0], $0xffff;
	[tilespmem:s28+$0x380] =	vst v5  }
0x268: {  	v5 =	vld.idx.msk [tilespmem:v0+s1+$0x0], $0xffff;
	[tilespmem:s28+$0x0] =	vst v11  }
0x269: {  	s17 =	sadd.s32 $0x20, s17;
	v7 =	vld.idx.msk [tilespmem:v0+s20+$0x0], $0xffff;
	[tilespmem:s28+$0x80] =	vst v12  }
0x26a: {  	_ =	sdelay $0x3  }
0x26b: {  	v8 =	vld.idx.msk [tilespmem:v0+s9+$0x0], $0xffff;
	[tilespmem:s28+$0x100] =	vst v1  }
0x26c: {  	v1 =	vld.idx.msk [tilespmem:v0+s21+$0x0], $0xffff;
	[tilespmem:s28+$0x180] =	vst v2  }
0x26d: {  	v2 =	vld.idx.msk [tilespmem:v0+s2+$0x0], $0xffff;
	[tilespmem:s28+$0x200] =	vst v3  }
0x26e: {  	v3 =	vld.idx.msk [tilespmem:v0+s10+$0x0], $0xffff;
	[tilespmem:s28+$0x280] =	vst v4  }
0x26f: {  	v4 =	vld.idx.msk [tilespmem:v0+s11+$0x0], $0xffff;
	[tilespmem:s28+$0x300] =	vst v6  }
0x270: {  	v0 =	vld.idx.msk [tilespmem:v0+s12+$0x0], $0xffff;
	[tilespmem:s4+$0x0] =	vst v5  }
0x271: {  	[tilespmem:s4+$0x80] =	vst v7  }
0x272: {  	[tilespmem:s4+$0x100] =	vst v8  }
0x273: {  	[tilespmem:s4+$0x180] =	vst v1  }
0x274: {  	[tilespmem:s4+$0x200] =	vst v2  }
0x275: {  	[tilespmem:s4+$0x280] =	vst v3  }
0x276: {  	s13 =	sadd.s32 $0x1800, s19;
	[tilespmem:s4+$0x300] =	vst v4  }
0x277: {  	s0 =	simm.s32 $0x0;
	s30 =	simm.s32 $0x6800;
	s14 =	simm.s32 $0x4;
	[tilespmem:s4+$0x380] =	vst v0  }
0x278: {  	[hbm4b:s13+s0] =	stream.linear.scatter [tilespmem:s30], [sflag:$0x3], $0x2000, $0x38;
	[tilespmem:$0xF510] =	vst v63  }
0x279: {  	_ =	swait.ge [sflag:s14], $0x2000  }
0x27a: {  	[sflag:s14] =	ssyncset.done $0x0  }
0x27b: {  	s17 =	simm.s32 $0x6010;
	[sflag:s14] =	ssyncadd.s32 $0xFFFFE000  }
0x27c: {  	v5 =	vld [tilespmem:s17+$0x0];
	_ =	sdelay $0x6  }
0x27d: {  	v0 =	vld [tilespmem:s17+$0xFFFFFFF0]  }
0x27e: {  	v7 =	vld.idx.msk [tilespmem:v5+s3+$0x0], $0xffff  }
0x27f: {  	v8 =	vld.idx.msk [tilespmem:v5+s16+$0x0], $0xffff  }
0x280: {  	v9 =	vld.idx.msk [tilespmem:v5+s22+$0x0], $0xffff  }
0x281: {  	v1 =	vld.idx.msk [tilespmem:v5+s23+$0x0], $0xffff  }
0x282: {  	s5 =	simm.s32 $0x10;
	s18 =	sand.u32 $0x1C00, s0;
	v2 =	vld.idx.msk [tilespmem:v5+s24+$0x0], $0xffff  }
0x283: {  	s6 =	sand.u32 $0x70, s5;
	s4 =	sadd.s32 $0x8800, s18;
	v3 =	vld.idx.msk [tilespmem:v5+s25+$0x0], $0xffff  }
0x284: {  	s28 =	sor.u32 s6, s4;
	v4 =	vld.idx.msk [tilespmem:v5+s26+$0x0], $0xffff  }
0x285: {  	s31 =	simm.s32 $0x0;
	v6 =	vld.idx.msk [tilespmem:v5+s15+$0x0], $0xffff;
	[tilespmem:s28+$0x380] =	vst v8  }
0x286: {  	s6 =	sand.u32 $0x60, s31;
	[tilespmem:s28+$0x0] =	vst v7  }
0x287: {  	s18 =	simm.s32 $0x5;
	s4 =	sor.u32 s6, s4;
	v5 =	vld.idx.msk [tilespmem:v0+s3+$0x0], $0xffff;
	[tilespmem:s28+$0x80] =	vst v9  }
0x288: {  	s14 =	simm.s32 $0x0;
	s17 =	simm.s32 $0x6030;
	v7 =	vld.idx.msk [tilespmem:v0+s22+$0x0], $0xffff;
	s13 =	rddreg [dreg:$0x11]  }
.LBB2_20:
0x289: {  	v8 =	vld [tilespmem:s17+$0x0];
	[tilespmem:s28+$0x100] =	vst v1  }
0x28a: {  	s14 =	sadd.s32 $0x2, s14;
	v1 =	vld [tilespmem:s17+$0xFFFFFFF0];
	[tilespmem:s28+$0x180] =	vst v2  }
0x28b: {  	p0 =	slt.u32 s14, $0x3E;
	v2 =	vld.idx.msk [tilespmem:v0+s23+$0x0], $0xffff;
	[tilespmem:s28+$0x200] =	vst v3  }
0x28c: {  	v3 =	vld.idx.msk [tilespmem:v0+s24+$0x0], $0xffff;
	[tilespmem:s28+$0x280] =	vst v4  }
0x28d: {  	v4 =	vld.idx.msk [tilespmem:v0+s25+$0x0], $0xffff;
	[tilespmem:s28+$0x300] =	vst v6  }
0x28e: {  	v6 =	vld.idx.msk [tilespmem:v0+s26+$0x0], $0xffff  }
0x28f: {  	v9 =	vld.idx.msk [tilespmem:v0+s15+$0x0], $0xffff  }
0x290: {  	v10 =	vld.idx.msk [tilespmem:v0+s16+$0x0], $0xffff;
	[tilespmem:s4+$0x0] =	vst v5;
	v0 =	vmov v1  }
0x291: {  	v11 =	vld.idx.msk [tilespmem:v8+s3+$0x0], $0xffff;
	[tilespmem:s4+$0x80] =	vst v7  }
0x292: {  	v5 =	vld.idx.msk [tilespmem:v8+s16+$0x0], $0xffff;
	[tilespmem:s4+$0x100] =	vst v2  }
0x293: {  	v12 =	vld.idx.msk [tilespmem:v8+s22+$0x0], $0xffff;
	[tilespmem:s4+$0x180] =	vst v3  }
0x294: {  	s0 =	sadd.s32 $0x100, s0;
	s5 =	sadd.s32 $0x20, s5;
	v1 =	vld.idx.msk [tilespmem:v8+s23+$0x0], $0xffff;
	[tilespmem:s4+$0x200] =	vst v4  }
0x295: {  	s6 =	sand.u32 $0x1C00, s0;
	s7 =	sadd.s32 $0xFFFFFFF0, s5;
	v2 =	vld.idx.msk [tilespmem:v8+s24+$0x0], $0xffff;
	[tilespmem:s4+$0x280] =	vst v6  }
.Ltmp8:
0x296: {  	s8 =	sand.u32 $0x70, s5;
	s6 =	sadd.s32 $0x8800, s6;
	v3 =	vld.idx.msk [tilespmem:v8+s25+$0x0], $0xffff;
	[tilespmem:s4+$0x300] =	vst v9;
	(pc) =	sbr.rel @p0 .LBB2_20-.Ltmp8, $4  }
0x297: {  	s7 =	sand.u32 $0x60, s7;
	s28 =	sor.u32 s8, s6;
	v4 =	vld.idx.msk [tilespmem:v8+s26+$0x0], $0xffff;
	[tilespmem:s4+$0x380] =	vst v10  }
0x298: {  	s4 =	sor.u32 s7, s6;
	v6 =	vld.idx.msk [tilespmem:v8+s15+$0x0], $0xffff;
	[tilespmem:s28+$0x380] =	vst v5  }
0x299: {  	v5 =	vld.idx.msk [tilespmem:v0+s3+$0x0], $0xffff;
	[tilespmem:s28+$0x0] =	vst v11  }
0x29a: {  	s17 =	sadd.s32 $0x20, s17;
	v7 =	vld.idx.msk [tilespmem:v0+s22+$0x0], $0xffff;
	[tilespmem:s28+$0x80] =	vst v12  }
0x29b: {  	_ =	sdelay $0x3  }
0x29c: {  	v8 =	vld.idx.msk [tilespmem:v0+s23+$0x0], $0xffff;
	[tilespmem:s28+$0x100] =	vst v1  }
0x29d: {  	v1 =	vld.idx.msk [tilespmem:v0+s24+$0x0], $0xffff;
	[tilespmem:s28+$0x180] =	vst v2  }
0x29e: {  	v2 =	vld.idx.msk [tilespmem:v0+s25+$0x0], $0xffff;
	[tilespmem:s28+$0x200] =	vst v3  }
0x29f: {  	v3 =	vld.idx.msk [tilespmem:v0+s26+$0x0], $0xffff;
	[tilespmem:s28+$0x280] =	vst v4  }
0x2a0: {  	v4 =	vld.idx.msk [tilespmem:v0+s15+$0x0], $0xffff;
	[tilespmem:s28+$0x300] =	vst v6  }
0x2a1: {  	v0 =	vld.idx.msk [tilespmem:v0+s16+$0x0], $0xffff;
	[tilespmem:s4+$0x0] =	vst v5  }
0x2a2: {  	[tilespmem:s4+$0x80] =	vst v7  }
0x2a3: {  	[tilespmem:s4+$0x100] =	vst v8  }
0x2a4: {  	[tilespmem:s4+$0x180] =	vst v1  }
0x2a5: {  	[tilespmem:s4+$0x200] =	vst v2  }
0x2a6: {  	[tilespmem:s4+$0x280] =	vst v3  }
0x2a7: {  	[tilespmem:s4+$0x300] =	vst v4  }
0x2a8: {  	s14 =	sadd.s32 $0x1C00, s19;
	s0 =	simm.s32 $0x0;
	s28 =	simm.s32 $0x8800;
	[tilespmem:s4+$0x380] =	vst v0  }
0x2a9: {  	[hbm4b:s14+s0] =	stream.linear.scatter [tilespmem:s28], [sflag:$0x4], $0x2000, $0x38;
	[tilespmem:$0xF510] =	vst v63  }
0x2aa: {  	_ =	swait.ge [sflag:s18], $0x2000  }
0x2ab: {  	[sflag:s18] =	ssyncset.done $0x0  }
0x2ac: {  	[sflag:s18] =	ssyncadd.s32 $0xFFFFE000  }
0x2ad: {  	v0 =	vld [tilespmem:$0xF400]  }
0x2ae: {  	s17 =	simm.s32 $0x6410;
	v2 =	vld [tilespmem:$0xF438]  }
0x2af: {  	v9 =	vld [tilespmem:s17+$0x0]  }
0x2b0: {  	v10 =	vld [tilespmem:s17+$0xFFFFFFF0]  }
0x2b1: {  	v1 =	vld [tilespmem:$0xF408]  }
0x2b2: {  	v6 =	vld [tilespmem:$0xF428]  }
0x2b3: {  	s5 =	sand.u32 $0x1C00, s0;
	s4 =	simm.s32 $0x10;
	v7 =	vld [tilespmem:$0xF430]  }
0x2b4: {  	s6 =	simm.s32 $0x0;
	s7 =	sadd.s32 $0xA800, s5;
	s31 =	sand.u32 $0x70, s4;
	v3 =	vld [tilespmem:$0xF410];
	v8 =	vperm.xlane v2, v9  }
0x2b5: {  	s6 =	sand.u32 $0x60, s6;
	s5 =	sor.u32 s31, s7;
	v4 =	vld [tilespmem:$0xF418];
	v11 =	vperm.xlane v0, v10  }
0x2b6: {  	s6 =	sor.u32 s6, s7;
	v5 =	vld [tilespmem:$0xF420];
	v12 =	vperm.xlane v1, v10;
	[tilespmem:s5+$0x380] =	vst v8  }
0x2b7: {  	v14 =	vperm.xlane v6, v10;
	[tilespmem:s6+$0x0] =	vst v11  }
0x2b8: {  	v15 =	vperm.xlane v7, v10;
	[tilespmem:s6+$0x80] =	vst v12  }
0x2b9: {  	v16 =	vperm.xlane v2, v10;
	[tilespmem:s6+$0x280] =	vst v14  }
0x2ba: {  	v8 =	vperm.xlane v3, v10;
	[tilespmem:s6+$0x300] =	vst v15  }
0x2bb: {  	v11 =	vperm.xlane v4, v10;
	[tilespmem:s6+$0x380] =	vst v16  }
0x2bc: {  	v13 =	vperm.xlane v1, v9;
	v12 =	vperm.xlane v5, v10;
	[tilespmem:s6+$0x100] =	vst v8  }
0x2bd: {  	v14 =	vperm.xlane v4, v9;
	v10 =	vperm.xlane v6, v9;
	[tilespmem:s6+$0x180] =	vst v11  }
0x2be: {  	v8 =	vperm.xlane v0, v9;
	[tilespmem:s6+$0x200] =	vst v12;
	v12 =	vperm.xlane v3, v9  }
0x2bf: {  	s14 =	simm.s32 $0x0;
	s17 =	simm.s32 $0x6430;
	v11 =	vperm.xlane v5, v9;
	v9 =	vperm.xlane v7, v9;
	s1 =	rddreg [dreg:$0xe]  }
.LBB2_22:
0x2c0: {  	v15 =	vld [tilespmem:s17+$0x0];
	s14 =	sadd.s32 $0x2, s14;
	[tilespmem:s5+$0x0] =	vst v8  }
0x2c1: {  	v16 =	vld [tilespmem:s17+$0xFFFFFFF0];
	p0 =	slt.u32 s14, $0x3E;
	[tilespmem:s5+$0x80] =	vst v13  }
0x2c2: {  	[tilespmem:s5+$0x100] =	vst v12  }
0x2c3: {  	s0 =	sadd.s32 $0x100, s0;
	[tilespmem:s5+$0x180] =	vst v14  }
0x2c4: {  	s4 =	sadd.s32 $0x20, s4;
	s6 =	sand.u32 $0x1C00, s0;
	[tilespmem:s5+$0x200] =	vst v11  }
0x2c5: {  	s7 =	sadd.s32 $0xFFFFFFF0, s4;
	s8 =	sand.u32 $0x70, s4;
	s6 =	sadd.s32 $0xA800, s6;
	v8 =	vperm.xlane v0, v15;
	v11 =	vperm.xlane v2, v15;
	[tilespmem:s5+$0x280] =	vst v10  }
0x2c6: {  	s7 =	sand.u32 $0x60, s7;
	v10 =	vperm.xlane v0, v16;
	v12 =	vperm.xlane v1, v16;
	[tilespmem:s5+$0x300] =	vst v9;
	s5 =	sor.u32 s8, s6  }
0x2c7: {  	v9 =	vperm.xlane v3, v16;
	v14 =	vperm.xlane v4, v16;
	s6 =	sor.u32 s7, s6;
	[tilespmem:s5+$0x380] =	vst v11  }
0x2c8: {  	v17 =	vperm.xlane v5, v16;
	v18 =	vperm.xlane v6, v16;
	[tilespmem:s6+$0x0] =	vst v10  }
0x2c9: {  	v19 =	vperm.xlane v7, v16;
	v16 =	vperm.xlane v2, v16;
	[tilespmem:s6+$0x80] =	vst v12  }
0x2ca: {  	v13 =	vperm.xlane v1, v15;
	v12 =	vperm.xlane v3, v15;
	[tilespmem:s6+$0x100] =	vst v9  }
.Ltmp9:
0x2cb: {  	v11 =	vperm.xlane v5, v15;
	[tilespmem:s6+$0x180] =	vst v14;
	v14 =	vperm.xlane v4, v15;
	(pc) =	sbr.rel @p0 .LBB2_22-.Ltmp9, $4  }
0x2cc: {  	v10 =	vperm.xlane v6, v15;
	v9 =	vperm.xlane v7, v15;
	[tilespmem:s6+$0x200] =	vst v17  }
0x2cd: {  	[tilespmem:s6+$0x280] =	vst v18  }
0x2ce: {  	[tilespmem:s6+$0x300] =	vst v19  }
0x2cf: {  	s17 =	sadd.s32 $0x20, s17;
	[tilespmem:s6+$0x380] =	vst v16  }
0x2d0: {  	[tilespmem:s5+$0x0] =	vst v8  }
0x2d1: {  	[tilespmem:s5+$0x80] =	vst v13  }
0x2d2: {  	[tilespmem:s5+$0x100] =	vst v12  }
0x2d3: {  	[tilespmem:s5+$0x180] =	vst v14  }
0x2d4: {  	[tilespmem:s5+$0x200] =	vst v11  }
0x2d5: {  	[tilespmem:s5+$0x280] =	vst v10;
	s4 =	sadd.s32 $0x2000, s19  }
0x2d6: {  	[tilespmem:s5+$0x300] =	vst v9;
	s0 =	simm.s32 $0x0;
	s7 =	simm.s32 $0xA800;
	s8 =	simm.s32 $0x3  }
0x2d7: {  	[hbm4b:s4+s0] =	stream.linear.scatter [tilespmem:s7], [sflag:$0x5], $0x2000, $0x38;
	[tilespmem:$0xF510] =	vst v63  }
0x2d8: {  	_ =	swait.ge [sflag:s8], $0x2000  }
0x2d9: {  	[sflag:s8] =	ssyncset.done $0x0  }
0x2da: {  	[sflag:s8] =	ssyncadd.s32 $0xFFFFE000  }
0x2db: {  	v0 =	vld [tilespmem:$0xF440]  }
0x2dc: {  	s14 =	simm.s32 $0x6410;
	v2 =	vld [tilespmem:$0xF478]  }
0x2dd: {  	v9 =	vld [tilespmem:s14+$0x0]  }
0x2de: {  	v10 =	vld [tilespmem:s14+$0xFFFFFFF0]  }
0x2df: {  	v1 =	vld [tilespmem:$0xF448]  }
0x2e0: {  	v6 =	vld [tilespmem:$0xF468]  }
0x2e1: {  	s4 =	simm.s32 $0x10;
	s17 =	sand.u32 $0x1C00, s0;
	v7 =	vld [tilespmem:$0xF470]  }
0x2e2: {  	s6 =	simm.s32 $0x0;
	s7 =	sadd.s32 $0x6800, s17;
	s31 =	sand.u32 $0x70, s4;
	v3 =	vld [tilespmem:$0xF450];
	v8 =	vperm.xlane v2, v9  }
0x2e3: {  	s6 =	sand.u32 $0x60, s6;
	s5 =	sor.u32 s31, s7;
	v4 =	vld [tilespmem:$0xF458];
	v11 =	vperm.xlane v0, v10  }
0x2e4: {  	s6 =	sor.u32 s6, s7;
	v5 =	vld [tilespmem:$0xF460];
	v12 =	vperm.xlane v1, v10;
	[tilespmem:s5+$0x380] =	vst v8  }
0x2e5: {  	v14 =	vperm.xlane v6, v10;
	[tilespmem:s6+$0x0] =	vst v11  }
0x2e6: {  	v15 =	vperm.xlane v7, v10;
	[tilespmem:s6+$0x80] =	vst v12  }
0x2e7: {  	v16 =	vperm.xlane v2, v10;
	[tilespmem:s6+$0x280] =	vst v14  }
0x2e8: {  	v13 =	vperm.xlane v1, v9;
	v8 =	vperm.xlane v3, v10;
	[tilespmem:s6+$0x300] =	vst v15  }
0x2e9: {  	v11 =	vperm.xlane v4, v10;
	v12 =	vperm.xlane v5, v10;
	[tilespmem:s6+$0x380] =	vst v16  }
0x2ea: {  	v14 =	vperm.xlane v4, v9;
	v10 =	vperm.xlane v6, v9;
	[tilespmem:s6+$0x100] =	vst v8  }
0x2eb: {  	v8 =	vperm.xlane v0, v9;
	[tilespmem:s6+$0x200] =	vst v12;
	v12 =	vperm.xlane v3, v9  }
0x2ec: {  	s17 =	simm.s32 $0x6430;
	s14 =	simm.s32 $0x0;
	[tilespmem:s6+$0x180] =	vst v11;
	v11 =	vperm.xlane v5, v9;
	v9 =	vperm.xlane v7, v9  }
.LBB2_24:
0x2ed: {  	v15 =	vld [tilespmem:s17+$0x0];
	s14 =	sadd.s32 $0x2, s14;
	[tilespmem:s5+$0x0] =	vst v8  }
0x2ee: {  	v16 =	vld [tilespmem:s17+$0xFFFFFFF0];
	p0 =	slt.u32 s14, $0x3E;
	[tilespmem:s5+$0x80] =	vst v13  }
0x2ef: {  	[tilespmem:s5+$0x100] =	vst v12  }
0x2f0: {  	s0 =	sadd.s32 $0x100, s0;
	[tilespmem:s5+$0x180] =	vst v14  }
0x2f1: {  	s4 =	sadd.s32 $0x20, s4;
	s6 =	sand.u32 $0x1C00, s0;
	[tilespmem:s5+$0x200] =	vst v11  }
0x2f2: {  	s7 =	sadd.s32 $0xFFFFFFF0, s4;
	s8 =	sand.u32 $0x70, s4;
	s6 =	sadd.s32 $0x6800, s6;
	v8 =	vperm.xlane v0, v15;
	v11 =	vperm.xlane v2, v15;
	[tilespmem:s5+$0x280] =	vst v10  }
0x2f3: {  	s7 =	sand.u32 $0x60, s7;
	v10 =	vperm.xlane v0, v16;
	v12 =	vperm.xlane v1, v16;
	[tilespmem:s5+$0x300] =	vst v9;
	s5 =	sor.u32 s8, s6  }
0x2f4: {  	v9 =	vperm.xlane v3, v16;
	v14 =	vperm.xlane v4, v16;
	s6 =	sor.u32 s7, s6;
	[tilespmem:s5+$0x380] =	vst v11  }
0x2f5: {  	v17 =	vperm.xlane v5, v16;
	v18 =	vperm.xlane v6, v16;
	[tilespmem:s6+$0x0] =	vst v10  }
0x2f6: {  	v19 =	vperm.xlane v7, v16;
	v16 =	vperm.xlane v2, v16;
	[tilespmem:s6+$0x80] =	vst v12  }
0x2f7: {  	v13 =	vperm.xlane v1, v15;
	v12 =	vperm.xlane v3, v15;
	[tilespmem:s6+$0x100] =	vst v9  }
.Ltmp10:
0x2f8: {  	v11 =	vperm.xlane v5, v15;
	[tilespmem:s6+$0x180] =	vst v14;
	v14 =	vperm.xlane v4, v15;
	(pc) =	sbr.rel @p0 .LBB2_24-.Ltmp10, $4  }
0x2f9: {  	v10 =	vperm.xlane v6, v15;
	v9 =	vperm.xlane v7, v15;
	[tilespmem:s6+$0x200] =	vst v17  }
0x2fa: {  	[tilespmem:s6+$0x280] =	vst v18  }
0x2fb: {  	[tilespmem:s6+$0x300] =	vst v19  }
0x2fc: {  	s17 =	sadd.s32 $0x20, s17;
	[tilespmem:s6+$0x380] =	vst v16  }
0x2fd: {  	[tilespmem:s5+$0x0] =	vst v8  }
0x2fe: {  	[tilespmem:s5+$0x80] =	vst v13  }
0x2ff: {  	[tilespmem:s5+$0x100] =	vst v12  }
0x300: {  	[tilespmem:s5+$0x180] =	vst v14  }
0x301: {  	[tilespmem:s5+$0x200] =	vst v11  }
0x302: {  	[tilespmem:s5+$0x280] =	vst v10  }
0x303: {  	[tilespmem:s5+$0x300] =	vst v9;
	s4 =	sadd.s32 $0x2400, s19;
	s0 =	simm.s32 $0x0;
	s14 =	simm.s32 $0x4  }
0x304: {  	[hbm4b:s4+s0] =	stream.linear.scatter [tilespmem:s30], [sflag:$0x3], $0x2000, $0x38;
	[tilespmem:$0xF510] =	vst v63  }
0x305: {  	_ =	swait.ge [sflag:s14], $0x2000  }
0x306: {  	[sflag:s14] =	ssyncset.done $0x0  }
0x307: {  	[sflag:s14] =	ssyncadd.s32 $0xFFFFE000  }
0x308: {  	v0 =	vld [tilespmem:$0xF480]  }
0x309: {  	s17 =	simm.s32 $0x6410;
	v2 =	vld [tilespmem:$0xF4B8]  }
0x30a: {  	v9 =	vld [tilespmem:s17+$0x0]  }
0x30b: {  	v10 =	vld [tilespmem:s17+$0xFFFFFFF0]  }
0x30c: {  	v1 =	vld [tilespmem:$0xF488]  }
0x30d: {  	v6 =	vld [tilespmem:$0xF4A8]  }
0x30e: {  	s4 =	simm.s32 $0x10;
	s30 =	sand.u32 $0x1C00, s0;
	v7 =	vld [tilespmem:$0xF4B0]  }
0x30f: {  	s6 =	simm.s32 $0x0;
	s7 =	sadd.s32 $0x8800, s30;
	s31 =	sand.u32 $0x70, s4;
	v3 =	vld [tilespmem:$0xF490];
	v8 =	vperm.xlane v2, v9  }
0x310: {  	s6 =	sand.u32 $0x60, s6;
	s5 =	sor.u32 s31, s7;
	v4 =	vld [tilespmem:$0xF498];
	v11 =	vperm.xlane v0, v10  }
0x311: {  	s6 =	sor.u32 s6, s7;
	v5 =	vld [tilespmem:$0xF4A0];
	v12 =	vperm.xlane v1, v10;
	[tilespmem:s5+$0x380] =	vst v8  }
0x312: {  	v14 =	vperm.xlane v6, v10;
	[tilespmem:s6+$0x0] =	vst v11  }
0x313: {  	v15 =	vperm.xlane v7, v10;
	[tilespmem:s6+$0x80] =	vst v12  }
0x314: {  	v16 =	vperm.xlane v2, v10;
	[tilespmem:s6+$0x280] =	vst v14  }
0x315: {  	v13 =	vperm.xlane v1, v9;
	v8 =	vperm.xlane v3, v10;
	[tilespmem:s6+$0x300] =	vst v15  }
0x316: {  	v11 =	vperm.xlane v4, v10;
	v12 =	vperm.xlane v5, v10;
	[tilespmem:s6+$0x380] =	vst v16  }
0x317: {  	v14 =	vperm.xlane v4, v9;
	v10 =	vperm.xlane v6, v9;
	[tilespmem:s6+$0x100] =	vst v8  }
0x318: {  	v8 =	vperm.xlane v0, v9;
	[tilespmem:s6+$0x200] =	vst v12;
	v12 =	vperm.xlane v3, v9  }
0x319: {  	s14 =	simm.s32 $0x0;
	s17 =	simm.s32 $0x6430;
	[tilespmem:s6+$0x180] =	vst v11;
	v11 =	vperm.xlane v5, v9;
	v9 =	vperm.xlane v7, v9  }
.LBB2_26:
0x31a: {  	v15 =	vld [tilespmem:s17+$0x0];
	s14 =	sadd.s32 $0x2, s14;
	[tilespmem:s5+$0x0] =	vst v8  }
0x31b: {  	v16 =	vld [tilespmem:s17+$0xFFFFFFF0];
	p0 =	slt.u32 s14, $0x3E;
	[tilespmem:s5+$0x80] =	vst v13  }
0x31c: {  	[tilespmem:s5+$0x100] =	vst v12  }
0x31d: {  	s0 =	sadd.s32 $0x100, s0;
	[tilespmem:s5+$0x180] =	vst v14  }
0x31e: {  	s4 =	sadd.s32 $0x20, s4;
	s6 =	sand.u32 $0x1C00, s0;
	[tilespmem:s5+$0x200] =	vst v11  }
0x31f: {  	s7 =	sadd.s32 $0xFFFFFFF0, s4;
	s8 =	sand.u32 $0x70, s4;
	s6 =	sadd.s32 $0x8800, s6;
	v8 =	vperm.xlane v0, v15;
	v11 =	vperm.xlane v2, v15;
	[tilespmem:s5+$0x280] =	vst v10  }
0x320: {  	s7 =	sand.u32 $0x60, s7;
	v10 =	vperm.xlane v0, v16;
	v12 =	vperm.xlane v1, v16;
	[tilespmem:s5+$0x300] =	vst v9;
	s5 =	sor.u32 s8, s6  }
0x321: {  	v9 =	vperm.xlane v3, v16;
	v14 =	vperm.xlane v4, v16;
	s6 =	sor.u32 s7, s6;
	[tilespmem:s5+$0x380] =	vst v11  }
0x322: {  	v17 =	vperm.xlane v5, v16;
	v18 =	vperm.xlane v6, v16;
	[tilespmem:s6+$0x0] =	vst v10  }
0x323: {  	v19 =	vperm.xlane v7, v16;
	v16 =	vperm.xlane v2, v16;
	[tilespmem:s6+$0x80] =	vst v12  }
0x324: {  	v13 =	vperm.xlane v1, v15;
	v12 =	vperm.xlane v3, v15;
	[tilespmem:s6+$0x100] =	vst v9  }
.Ltmp11:
0x325: {  	v11 =	vperm.xlane v5, v15;
	[tilespmem:s6+$0x180] =	vst v14;
	v14 =	vperm.xlane v4, v15;
	(pc) =	sbr.rel @p0 .LBB2_26-.Ltmp11, $4  }
0x326: {  	v10 =	vperm.xlane v6, v15;
	v9 =	vperm.xlane v7, v15;
	[tilespmem:s6+$0x200] =	vst v17  }
0x327: {  	[tilespmem:s6+$0x280] =	vst v18  }
0x328: {  	[tilespmem:s6+$0x300] =	vst v19  }
0x329: {  	s17 =	sadd.s32 $0x20, s17;
	[tilespmem:s6+$0x380] =	vst v16  }
0x32a: {  	[tilespmem:s5+$0x0] =	vst v8  }
0x32b: {  	[tilespmem:s5+$0x80] =	vst v13  }
0x32c: {  	[tilespmem:s5+$0x100] =	vst v12  }
0x32d: {  	[tilespmem:s5+$0x180] =	vst v14  }
0x32e: {  	[tilespmem:s5+$0x200] =	vst v11  }
0x32f: {  	[tilespmem:s5+$0x280] =	vst v10  }
0x330: {  	[tilespmem:s5+$0x300] =	vst v9;
	s4 =	sadd.s32 $0x2800, s19;
	s0 =	simm.s32 $0x0  }
0x331: {  	[hbm4b:s4+s0] =	stream.linear.scatter [tilespmem:s28], [sflag:$0x4], $0x2000, $0x38;
	[tilespmem:$0xF510] =	vst v63  }
0x332: {  	_ =	swait.ge [sflag:s18], $0x2000  }
0x333: {  	[sflag:s18] =	ssyncset.done $0x0  }
0x334: {  	[sflag:s18] =	ssyncadd.s32 $0xFFFFE000  }
0x335: {  	v0 =	vld [tilespmem:$0xF4C0]  }
0x336: {  	s28 =	simm.s32 $0x6410;
	v2 =	vld [tilespmem:$0xF4F8]  }
0x337: {  	v9 =	vld [tilespmem:s28+$0x0]  }
0x338: {  	v10 =	vld [tilespmem:s28+$0xFFFFFFF0]  }
0x339: {  	v1 =	vld [tilespmem:$0xF4C8]  }
0x33a: {  	v6 =	vld [tilespmem:$0xF4E8]  }
0x33b: {  	s4 =	simm.s32 $0x10;
	s30 =	sand.u32 $0x1C00, s0;
	v7 =	vld [tilespmem:$0xF4F0]  }
0x33c: {  	s6 =	simm.s32 $0x0;
	s7 =	sadd.s32 $0xA800, s30;
	s31 =	sand.u32 $0x70, s4;
	v3 =	vld [tilespmem:$0xF4D0];
	v8 =	vperm.xlane v2, v9  }
0x33d: {  	s6 =	sand.u32 $0x60, s6;
	s5 =	sor.u32 s31, s7;
	v4 =	vld [tilespmem:$0xF4D8];
	v11 =	vperm.xlane v0, v10  }
0x33e: {  	s6 =	sor.u32 s6, s7;
	v5 =	vld [tilespmem:$0xF4E0];
	v12 =	vperm.xlane v1, v10;
	[tilespmem:s5+$0x380] =	vst v8  }
0x33f: {  	v14 =	vperm.xlane v6, v10;
	[tilespmem:s6+$0x0] =	vst v11  }
0x340: {  	v15 =	vperm.xlane v7, v10;
	[tilespmem:s6+$0x80] =	vst v12  }
0x341: {  	v16 =	vperm.xlane v2, v10;
	[tilespmem:s6+$0x280] =	vst v14  }
0x342: {  	v13 =	vperm.xlane v1, v9;
	v8 =	vperm.xlane v3, v10;
	[tilespmem:s6+$0x300] =	vst v15  }
0x343: {  	v11 =	vperm.xlane v4, v10;
	v12 =	vperm.xlane v5, v10;
	[tilespmem:s6+$0x380] =	vst v16  }
0x344: {  	v14 =	vperm.xlane v4, v9;
	v10 =	vperm.xlane v6, v9;
	[tilespmem:s6+$0x100] =	vst v8  }
0x345: {  	v8 =	vperm.xlane v0, v9;
	[tilespmem:s6+$0x200] =	vst v12;
	v12 =	vperm.xlane v3, v9  }
0x346: {  	s14 =	simm.s32 $0x0;
	s17 =	simm.s32 $0x6430;
	[tilespmem:s6+$0x180] =	vst v11;
	v11 =	vperm.xlane v5, v9;
	v9 =	vperm.xlane v7, v9  }
.LBB2_28:
0x347: {  	v15 =	vld [tilespmem:s17+$0x0];
	s14 =	sadd.s32 $0x2, s14;
	[tilespmem:s5+$0x0] =	vst v8  }
0x348: {  	v16 =	vld [tilespmem:s17+$0xFFFFFFF0];
	p0 =	slt.u32 s14, $0x3E;
	[tilespmem:s5+$0x80] =	vst v13  }
0x349: {  	[tilespmem:s5+$0x100] =	vst v12  }
0x34a: {  	s0 =	sadd.s32 $0x100, s0;
	[tilespmem:s5+$0x180] =	vst v14  }
0x34b: {  	s4 =	sadd.s32 $0x20, s4;
	s6 =	sand.u32 $0x1C00, s0;
	[tilespmem:s5+$0x200] =	vst v11  }
0x34c: {  	s7 =	sadd.s32 $0xFFFFFFF0, s4;
	s8 =	sand.u32 $0x70, s4;
	s6 =	sadd.s32 $0xA800, s6;
	v8 =	vperm.xlane v0, v15;
	v11 =	vperm.xlane v2, v15;
	[tilespmem:s5+$0x280] =	vst v10  }
0x34d: {  	s7 =	sand.u32 $0x60, s7;
	v10 =	vperm.xlane v0, v16;
	v12 =	vperm.xlane v1, v16;
	[tilespmem:s5+$0x300] =	vst v9;
	s5 =	sor.u32 s8, s6  }
0x34e: {  	v9 =	vperm.xlane v3, v16;
	v14 =	vperm.xlane v4, v16;
	s6 =	sor.u32 s7, s6;
	[tilespmem:s5+$0x380] =	vst v11  }
0x34f: {  	v17 =	vperm.xlane v5, v16;
	v18 =	vperm.xlane v6, v16;
	[tilespmem:s6+$0x0] =	vst v10  }
0x350: {  	v19 =	vperm.xlane v7, v16;
	v16 =	vperm.xlane v2, v16;
	[tilespmem:s6+$0x80] =	vst v12  }
0x351: {  	v13 =	vperm.xlane v1, v15;
	v12 =	vperm.xlane v3, v15;
	[tilespmem:s6+$0x100] =	vst v9  }
.Ltmp12:
0x352: {  	v11 =	vperm.xlane v5, v15;
	[tilespmem:s6+$0x180] =	vst v14;
	v14 =	vperm.xlane v4, v15;
	(pc) =	sbr.rel @p0 .LBB2_28-.Ltmp12, $4  }
0x353: {  	v10 =	vperm.xlane v6, v15;
	v9 =	vperm.xlane v7, v15;
	[tilespmem:s6+$0x200] =	vst v17  }
0x354: {  	[tilespmem:s6+$0x280] =	vst v18  }
0x355: {  	[tilespmem:s6+$0x300] =	vst v19  }
0x356: {  	s17 =	sadd.s32 $0x20, s17;
	[tilespmem:s6+$0x380] =	vst v16  }
0x357: {  	[tilespmem:s5+$0x0] =	vst v8  }
0x358: {  	[tilespmem:s5+$0x80] =	vst v13;
	s13 =	sadd.s32 $0x1, s13  }
0x359: {  	[tilespmem:s5+$0x100] =	vst v12;
	p0 =	sne.s32 s13, $0x8  }
.Ltmp13:
0x35a: {  	[tilespmem:s5+$0x180] =	vst v14;
	(pc) =	sbr.rel @p0 .LBB2_3-.Ltmp13, $4  }
0x35b: {  	[tilespmem:s5+$0x200] =	vst v11  }
0x35c: {  	[tilespmem:s5+$0x280] =	vst v10  }
0x35d: {  	[tilespmem:s5+$0x300] =	vst v9;
	s0 =	sadd.s32 $0x2C00, s19;
	s4 =	simm.s32 $0x0;
	s31 =	simm.s32 $0xA800  }
0x35e: {  	[hbm4b:s0+s4] =	stream.linear.scatter [tilespmem:s31], [sflag:$0x5], $0x2000, $0x38;
	[tilespmem:$0xF510] =	vst v63  }
0x35f: {  	s1 =	sadd.s32 $0x1, s1  }
0x360: {  	p0 =	sne.s32 s1, $0x3  }
.Ltmp14:
0x361: {  	_ = 	snop;
	(pc) =	sbr.rel @p0 .LBB2_2-.Ltmp14, $1  }
0x362: {  	_ =	sdelay $0x3  }
0x363: {  	s0 =	simm.s32 $0x3  }
0x364: {  	_ =	swait.ge [sflag:s0], $0x2000  }
0x365: {  	[sflag:s0] =	ssyncset.done $0x0  }
0x366: {  	s30 =	simm.s32 $0x4;
	[sflag:s0] =	ssyncadd.s32 $0xFFFFE000  }
0x367: {  	_ =	swait.ge [sflag:s30], $0x2000  }
0x368: {  	[sflag:s30] =	ssyncset.done $0x0  }
0x369: {  	[sflag:s30] =	ssyncadd.s32 $0xFFFFE000  }
0x36a: {  	_ =	swait.ge [sflag:s18], $0x2000  }
0x36b: {  	s1 =	rddreg [dreg:$0xd]  }
0x36c: {  	s31 =	rddreg [dreg:$0xc];
	s1 =	sadd.s32 $0x1, s1  }
0x36d: {  	p0 =	sne.s32 s1, s31  }
.Ltmp15:
0x36e: {  	_ = 	snop;
	(pc) =	sbr.rel @p0 .LBB2_1-.Ltmp15, $3  }
0x36f: {  	_ =	sdelay $0x1  }
0x370: {  	[sflag:s18] =	ssyncset.done $0x0  }
0x371: {  	[sflag:s18] =	ssyncadd.s32 $0xFFFFE000  }
0x372: {  	_ =	sfence.sel $0x180000  }
0x373: {  	[bflag:$0x0] =	sbarrier.arrive $0xFFFF  }
0x374: {  	_ =	strace $0x90000047  }
0x375: {  	s0 =	stileid.u32;
	[bflag:$0x2] =	sbarrier.arrive $0xFFFF  }
0x376: {  	p0 =	sne.s32 s0, $0x0;
	s0 =	rddreg [dreg:$0x3]  }
0x377: {  	s0 =	sadd.s32 @!p0 $0x100000, s0  }
0x378: {  	[sflag:s0] =	ssyncadd.tile.s32 @!p0 $0x1;
	_ =	shalt  }
.Lfunc_end2:
_tile_overlayer_lowered:
.L_overlay_start_2:
0x379: {  	(tag) =	ssettag $0x2  }
0x37a: {  	s0 =	rddreg [dreg:$0x0];
	s2 =	stileid.u32  }
0x37b: {  	s1 =	rddreg [dreg:$0x1];
	p0 =	sne.s32 s2, $0x0  }
0x37c: {  	s3 =	rddreg [dreg:$0x2];
	[bflag:$0x3] =	sbarrier.arrive $0xFFFF;
	s2 =	simm.s32 @!p0 $0x1C06  }
0x37d: {  	[timem:s3], [sflag:s2] =	dma.local @!p0 [hbm:s0], s1  }
0x37e: {  	s0 =	simm.s32 @!p0 $0x6  }
0x37f: {  	_ =	swait.ge @!p0 [sflag:s0], s1  }
0x380: {  	s1 =	ssub.s32 @!p0 $0x0, s1;
	[sflag:s0] =	ssyncset.done @!p0 $0x0  }
0x381: {  	[sflag:s0] =	ssyncadd.s32 @!p0 s1  }
0x382: {  	[bflag:$0x3] =	sbarrier.arrive $0xFFFF  }
0x383: {  	_ =	shalt  }

</sc_bundles>
